<compile_context>
chip_gen: v7x
topology: tpu7x:2x2x1
jax: 0.10.2.dev20260603
libtpu: 0.0.44.dev20260713+nightly
codegen_flags: <defaults>
</compile_context>

<pallas_src>
import functools

import jax
import jax.numpy as jnp
from jax import lax
from jax.experimental import pallas as pl
from jax.experimental.pallas import tpu as pltpu
from jax.experimental.pallas import tpu_sc as plsc

_NC = 2
_NS = 16
_NW = _NC * _NS

_PARTS = 1



def _node_tables_body(x_ref, ws_ref, bs_ref, wd_ref, bd_ref, wu_ref, wv_ref,
                      a_ref, b_ref):
    xb = x_ref[...]
    sf = jnp.dot(xb, ws_ref[...], preferred_element_type=jnp.float32) + bs_ref[...]
    df = jnp.dot(xb, wd_ref[...], preferred_element_type=jnp.float32) + bd_ref[...]
    a_ref[...] = jnp.dot(sf, wu_ref[...], preferred_element_type=jnp.float32)
    b_ref[...] = jnp.dot(df, wv_ref[...], preferred_element_type=jnp.float32)


def _node_tables(x, W_src, b_src, W_dst, b_dst, W1u, W1v, blk=1000):
    n, d_in = x.shape
    h = W_src.shape[1]
    rep = lambda i: (0, 0)
    return pl.pallas_call(
        _node_tables_body,
        grid=(n // blk,),
        in_specs=[
            pl.BlockSpec((blk, d_in), lambda i: (i, 0)),
            pl.BlockSpec((d_in, h), rep),
            pl.BlockSpec((1, h), rep),
            pl.BlockSpec((d_in, h), rep),
            pl.BlockSpec((1, h), rep),
            pl.BlockSpec((h, h), rep),
            pl.BlockSpec((h, h), rep),
        ],
        out_specs=[pl.BlockSpec((blk, h), lambda i: (i, 0))] * 2,
        out_shape=[jax.ShapeDtypeStruct((n, h), jnp.float32)] * 2,
    )(x, W_src, b_src.reshape(1, h), W_dst, b_dst.reshape(1, h), W1u, W1v)



def _make_gather(n, e, h, chunk=80, nbuf=5):
    per_w = e // _NW
    n_chunks = per_w // chunk
    n_groups = n_chunks // nbuf
    assert n_chunks % nbuf == 0 and per_w % chunk == 0 and chunk % 8 == 0
    mesh = plsc.VectorSubcoreMesh(core_axis_name="c", subcore_axis_name="s")

    scratch = [pltpu.VMEM((nbuf, chunk), jnp.int32),
               pltpu.VMEM((nbuf, chunk), jnp.int32)]
    scratch += [pltpu.VMEM((chunk, h), jnp.float32)] * (2 * nbuf)
    scratch += [pltpu.SemaphoreType.DMA] * (4 * nbuf)

    @functools.partial(
        pl.kernel,
        out_type=jax.ShapeDtypeStruct((e, h), jnp.float32),
        mesh=mesh,
        scratch_types=scratch,
    )
    def gather_k(a_hbm, b_hbm, src_hbm, dst_hbm, g_hbm, si, di, *rest):
        ra = rest[:nbuf]
        rb = rest[nbuf:2 * nbuf]
        semi = rest[2 * nbuf:3 * nbuf]
        sema = rest[3 * nbuf:4 * nbuf]
        semb = rest[4 * nbuf:5 * nbuf]
        semw = rest[5 * nbuf:6 * nbuf]
        wid = lax.axis_index("s") * _NC + lax.axis_index("c")
        base = wid * per_w

        def idx_start(i, j):
            off = base + i * chunk
            pltpu.async_copy(src_hbm.at[pl.ds(off, chunk)], si.at[j], semi[j])
            pltpu.async_copy(dst_hbm.at[pl.ds(off, chunk)], di.at[j], semi[j])

        def idx_wait(j):
            pltpu.make_async_copy(src_hbm.at[pl.ds(base, chunk)], si.at[j],
                                  semi[j]).wait()
            pltpu.make_async_copy(dst_hbm.at[pl.ds(base, chunk)], di.at[j],
                                  semi[j]).wait()

        def w_wait(j):
            pltpu.make_async_copy(ra[j], g_hbm.at[pl.ds(base, chunk)],
                                  semw[j]).wait()

        def retire(i, j):
            pltpu.make_async_copy(a_hbm.at[si.at[j]], ra[j], sema[j]).wait()
            pltpu.make_async_copy(b_hbm.at[di.at[j]], rb[j], semb[j]).wait()

            def addrow(r, carry):
                for q in range(h // 16):
                    sl = pl.ds(q * 16, 16)
                    ra[j][r, sl] = ra[j][r, sl] + rb[j][r, sl]
                return carry

            lax.fori_loop(0, chunk, addrow, 0)
            off = base + i * chunk
            pltpu.async_copy(ra[j], g_hbm.at[pl.ds(off, chunk)], semw[j])

        for j in range(nbuf):
            idx_start(j, j)

        def body(g, carry):
            for j in range(nbuf):
                i = g * nbuf + j
                jp = (j - 1) % nbuf

                @pl.when(g > 0)
                def _free_slot():
                    w_wait(j)

                idx_wait(j)
                pltpu.async_copy(a_hbm.at[si.at[j]], ra[j], sema[j])
                pltpu.async_copy(b_hbm.at[di.at[j]], rb[j], semb[j])

                @pl.when(i > 0)
                def _retire_prev():
                    retire(i - 1, jp)

                    @pl.when(i - 1 + nbuf < n_chunks)
                    def _refill_idx():
                        idx_start(i - 1 + nbuf, jp)

            return carry

        lax.fori_loop(0, n_groups, body, 0)
        retire(n_chunks - 1, (n_chunks - 1) % nbuf)
        for j in range(nbuf):
            w_wait(j)

    return gather_k



def _edge_mlp_body(g_in_ref, ea_ref, w1e_ref, b1_ref, w2_ref, b2_ref,
                   w3_ref, b3_ref, g_ref, bb_ref, h_ref):
    blk, h = h_ref.shape
    ea_term = jnp.dot(ea_ref[...], w1e_ref[...],
                      preferred_element_type=jnp.float32).reshape(blk, h)
    pre = g_in_ref[...] + ea_term + b1_ref[...]
    h1 = jax.nn.gelu(pre)
    h2 = jax.nn.gelu(jnp.dot(h1, w2_ref[...], preferred_element_type=jnp.float32)
                     + b2_ref[...])
    h3 = jnp.dot(h2, w3_ref[...], preferred_element_type=jnp.float32) + b3_ref[...]
    mu = jnp.mean(h3, axis=-1, keepdims=True)
    var = jnp.mean((h3 - mu) ** 2, axis=-1, keepdims=True)
    h_ref[...] = (h3 - mu) * lax.rsqrt(var + 1e-5) * g_ref[...] + bb_ref[...]


def _edge_mlp_part(h_carry, Gp, ea8, W1e_big, b_e1, W_e2, b_e2, W_e3, b_e3,
                   ln_g, ln_b, part, e_total, blk=6400):
    ep, h = Gp.shape
    d8 = ea8.shape[1]
    nblk = ep // blk
    off = part * nblk
    rep = lambda i: (0, 0)
    body = _edge_mlp_body
    in_specs = [
        pl.BlockSpec((blk, h), lambda i: (i, 0)),
        pl.BlockSpec((blk // 8, d8), lambda i: (off + i, 0)),
        pl.BlockSpec((d8, 8 * h), rep),
        pl.BlockSpec((1, h), rep),
        pl.BlockSpec((h, h), rep),
        pl.BlockSpec((1, h), rep),
        pl.BlockSpec((h, h), rep),
        pl.BlockSpec((1, h), rep),
        pl.BlockSpec((1, h), rep),
        pl.BlockSpec((1, h), rep),
    ]
    args = [Gp, ea8, W1e_big, b_e1.reshape(1, h), W_e2, b_e2.reshape(1, h),
            W_e3, b_e3.reshape(1, h), ln_g.reshape(1, h), ln_b.reshape(1, h)]
    kwargs = {}
    if h_carry is not None:
        body = lambda hc_ref, *refs: _edge_mlp_body(*refs)
        in_specs = [pl.BlockSpec(memory_space=pl.ANY)] + in_specs
        args = [h_carry] + args
        kwargs = dict(input_output_aliases={0: 0})
    return pl.pallas_call(
        body,
        grid=(nblk,),
        in_specs=in_specs,
        out_specs=pl.BlockSpec((blk, h), lambda i: (off + i, 0)),
        out_shape=jax.ShapeDtypeStruct((e_total, h), jnp.float32),
        **kwargs,
    )(*args)



def _make_scatter(n, e, h, chunk=40, nbuf=5):
    per_w = e // _NW
    n_chunks = per_w // chunk
    n_groups = n_chunks // nbuf
    assert n_chunks % nbuf == 0 and per_w % chunk == 0 and chunk % 8 == 0
    rpt = (n // _NS) // 8 * 8
    tail = n - rpt * _NS
    mesh = plsc.VectorSubcoreMesh(core_axis_name="c", subcore_axis_name="s")

    scratch = [pltpu.VMEM((nbuf, chunk), jnp.int32)]
    scratch += [pltpu.VMEM((chunk, h), jnp.float32)] * nbuf
    scratch += [pltpu.VMEM_SHARED((n, h), jnp.float32)]
    scratch += [pltpu.SemaphoreType.DMA] * (2 * nbuf)

    @functools.partial(
        pl.kernel,
        out_type=jax.ShapeDtypeStruct((_NC, n, h), jnp.float32),
        mesh=mesh,
        scratch_types=scratch,
    )
    def scatter_k(h_hbm, dst_hbm, zero_hbm, out_hbm, di, *rest):
        hb = rest[:nbuf]
        acc = rest[nbuf]
        seml = rest[nbuf + 1:2 * nbuf + 1]
        sems = rest[2 * nbuf + 1:3 * nbuf + 1]
        c = lax.axis_index("c")
        s = lax.axis_index("s")
        wid = s * _NC + c
        base = wid * per_w
        r0 = s * rpt

        def load_start(i, j):
            off = base + i * chunk
            pltpu.async_copy(dst_hbm.at[pl.ds(off, chunk)], di.at[j], seml[j])
            pltpu.async_copy(h_hbm.at[pl.ds(off, chunk)], hb[j], seml[j])

        def load_wait(j):
            pltpu.make_async_copy(dst_hbm.at[pl.ds(base, chunk)], di.at[j],
                                  seml[j]).wait()
            pltpu.make_async_copy(h_hbm.at[pl.ds(base, chunk)], hb[j],
                                  seml[j]).wait()

        def scat_wait(j):
            pltpu.make_async_copy(hb[j], acc.at[di.at[j]], sems[j]).wait()

        pltpu.sync_copy(zero_hbm.at[pl.ds(r0, rpt)], acc.at[pl.ds(r0, rpt)])
        if tail:
            @pl.when(s == 0)
            def _zero_tail():
                pltpu.sync_copy(zero_hbm.at[pl.ds(n - tail, tail)],
                                acc.at[pl.ds(n - tail, tail)])
        for j in range(nbuf):
            load_start(j, j)
        plsc.subcore_barrier()

        def body(g, carry):
            for j in range(nbuf):
                i = g * nbuf + j
                jp = (j - 1) % nbuf
                load_wait(j)
                pltpu.async_copy(hb[j], acc.at[di.at[j]], sems[j], add=True)

                @pl.when(i > 0)
                def _retire_prev():
                    scat_wait(jp)

                    @pl.when(i - 1 + nbuf < n_chunks)
                    def _refill():
                        load_start(i - 1 + nbuf, jp)

            return carry

        lax.fori_loop(0, n_groups, body, 0)
        scat_wait((n_chunks - 1) % nbuf)
        plsc.subcore_barrier()
        pltpu.sync_copy(acc.at[pl.ds(r0, rpt)], out_hbm.at[c, pl.ds(r0, rpt)])
        if tail:
            @pl.when(s == 0)
            def _write_tail():
                pltpu.sync_copy(acc.at[pl.ds(n - tail, tail)],
                                out_hbm.at[c, pl.ds(n - tail, tail)])

    return scatter_k



def _out_body(p_ref, wo_ref, bo_ref, o_ref):
    s = p_ref[0] + p_ref[1]
    o_ref[...] = jnp.dot(s, wo_ref[...], preferred_element_type=jnp.float32) + bo_ref[...]


def _out_proj(partials, W_out, b_out, blk=1000):
    _, n, h = partials.shape
    d_out = W_out.shape[1]
    return pl.pallas_call(
        _out_body,
        grid=(n // blk,),
        in_specs=[
            pl.BlockSpec((_NC, blk, h), lambda i: (0, i, 0)),
            pl.BlockSpec((h, d_out), lambda i: (0, 0)),
            pl.BlockSpec((1, d_out), lambda i: (0, 0)),
        ],
        out_specs=pl.BlockSpec((blk, d_out), lambda i: (i, 0)),
        out_shape=jax.ShapeDtypeStruct((n, d_out), jnp.float32),
    )(partials, W_out, b_out.reshape(1, d_out))


def kernel(x, edge_attr, W_src, b_src, W_dst, b_dst, W_e1, b_e1, W_e2, b_e2,
           W_e3, b_e3, ln_g, ln_b, W_out, b_out, edge_index):
    n, _ = x.shape
    e, _ = edge_attr.shape
    h = W_src.shape[1]
    src = edge_index[0]
    dst = edge_index[1]
    W1u = W_e1[:h]
    W1v = W_e1[h:2 * h]
    W1e = W_e1[2 * h:]

    A, B = _node_tables(x, W_src, b_src, W_dst, b_dst, W1u, W1v)

    d_edge = edge_attr.shape[1]
    ea8 = edge_attr.reshape(e // 8, 8 * d_edge)
    W1e_big = jnp.zeros((8 * d_edge, 8 * h), jnp.float32)
    for k in range(8):
        W1e_big = W1e_big.at[k * d_edge:(k + 1) * d_edge,
                             k * h:(k + 1) * h].set(W1e)

    ep = e // _PARTS
    gather = _make_gather(n, ep, h)
    Gs = [gather(A, B, src[p * ep:(p + 1) * ep], dst[p * ep:(p + 1) * ep])
          for p in range(_PARTS)]
    hmsg = None
    for p in range(_PARTS):
        hmsg = _edge_mlp_part(hmsg, Gs[p], ea8, W1e_big, b_e1, W_e2, b_e2,
                              W_e3, b_e3, ln_g, ln_b, p, e)

    zeros = jnp.zeros((n, h), jnp.float32)
    partials = _make_scatter(n, e, h)(hmsg, dst, zeros)
    return _out_proj(partials, W_out, b_out)

# --- scband reference (transcript-rebuilt; emitter-appended) ---
"""Pipeline reference for scband-message-passing-layer-22445499089015 (READ-ONLY COPY).

The authoritative reference and input builder live on the scoring server;
editing this copy changes nothing except your own understanding.
"""

import jax, jax.numpy as jnp
import numpy as np

N = 10000
E = 320000
D_IN = 128
H = 128
D_EDGE = 16
D_OUT = 128


def setup_inputs(seed: int = 0) -> dict:
    key = jax.random.key(seed)
    ks = jax.random.split(key, 20)
    s = 0.02
    inp = {
        "x": jax.random.normal(ks[0], (N, D_IN), dtype=jnp.float32),
        "edge_attr": jax.random.normal(ks[1], (E, D_EDGE), dtype=jnp.float32),
        "W_src": jax.random.normal(ks[2], (D_IN, H), dtype=jnp.float32) * s,
        "b_src": jnp.zeros((H,), dtype=jnp.float32),
        "W_dst": jax.random.normal(ks[3], (D_IN, H), dtype=jnp.float32) * s,
        "b_dst": jnp.zeros((H,), dtype=jnp.float32),
        "W_e1": jax.random.normal(ks[4], (2 * H + D_EDGE, H), dtype=jnp.float32) * s,
        "b_e1": jnp.zeros((H,), dtype=jnp.float32),
        "W_e2": jax.random.normal(ks[5], (H, H), dtype=jnp.float32) * s,
        "b_e2": jnp.zeros((H,), dtype=jnp.float32),
        "W_e3": jax.random.normal(ks[6], (H, H), dtype=jnp.float32) * s,
        "b_e3": jnp.zeros((H,), dtype=jnp.float32),
        "ln_g": jnp.ones((H,), dtype=jnp.float32),
        "ln_b": jnp.zeros((H,), dtype=jnp.float32),
        "W_out": jax.random.normal(ks[7], (H, D_OUT), dtype=jnp.float32) * s,
        "b_out": jnp.zeros((D_OUT,), dtype=jnp.float32),
        "edge_index": jax.random.randint(ks[8], (2, E), 0, N, dtype=jnp.int32),
    }
    return inp


def reference(x, edge_attr, W_src, b_src, W_dst, b_dst, W_e1, b_e1, W_e2, b_e2, W_e3, b_e3, ln_g, ln_b, W_out, b_out, edge_index):
    src = edge_index[0]
    dst = edge_index[1]
    # per-node linear transforms, gathered onto edges
    src_feat = x @ W_src + b_src
    dst_feat = x @ W_dst + b_dst
    u = jnp.take(src_feat, src, axis=0)
    v = jnp.take(dst_feat, dst, axis=0)
    # edge MLP on concat([src, dst, edge_attr])  (dropout=0 -> identity)
    h = jnp.concatenate([u, v, edge_attr], axis=1)
    h = jax.nn.gelu(h @ W_e1 + b_e1)
    h = jax.nn.gelu(h @ W_e2 + b_e2)
    h = h @ W_e3 + b_e3
    mu = jnp.mean(h, axis=-1, keepdims=True)
    var = jnp.var(h, axis=-1, keepdims=True)
    h = (h - mu) / jnp.sqrt(var + 1e-5) * ln_g + ln_b
    # sum-reduce messages onto destination nodes
    agg = jax.ops.segment_sum(h, dst, num_segments=N)
    out = agg @ W_out + b_out
    return out

if __name__ == "__main__":
    import jax
    _d = setup_inputs()
    print(jax.jit(kernel)(*tuple(_d.values())))

</pallas_src>

<mosaic_0001>
#map = affine_map<(d0, d1) -> (0, 0)>
#map1 = affine_map<(d0, d1) -> (0)>
#map2 = affine_map<(d0, d1) -> (0, 0, 0)>
module attributes {stable_mosaic.version = 14 : i64} {
  func.func @scatter_k(%arg0: i32, %arg1: i32, %arg2: memref<320000x128xf32, #tpu.memory_space<hbm>>, %arg3: memref<320000xi32, #tpu.memory_space<hbm>>, %arg4: memref<10000x128xf32, #tpu.memory_space<hbm>>, %arg5: memref<2x10000x128xf32, #tpu.memory_space<hbm>>, %arg6: memref<5x40xi32, #tpu.memory_space<vmem>>, %arg7: memref<40x128xf32, #tpu.memory_space<vmem>>, %arg8: memref<40x128xf32, #tpu.memory_space<vmem>>, %arg9: memref<40x128xf32, #tpu.memory_space<vmem>>, %arg10: memref<40x128xf32, #tpu.memory_space<vmem>>, %arg11: memref<40x128xf32, #tpu.memory_space<vmem>>, %arg12: memref<10000x128xf32, #tpu.memory_space<vmem_shared>>, %arg13: memref<!tpu.dma_semaphore, #tpu.memory_space<semaphore_mem>>, %arg14: memref<!tpu.dma_semaphore, #tpu.memory_space<semaphore_mem>>, %arg15: memref<!tpu.dma_semaphore, #tpu.memory_space<semaphore_mem>>, %arg16: memref<!tpu.dma_semaphore, #tpu.memory_space<semaphore_mem>>, %arg17: memref<!tpu.dma_semaphore, #tpu.memory_space<semaphore_mem>>, %arg18: memref<!tpu.dma_semaphore, #tpu.memory_space<semaphore_mem>>, %arg19: memref<!tpu.dma_semaphore, #tpu.memory_space<semaphore_mem>>, %arg20: memref<!tpu.dma_semaphore, #tpu.memory_space<semaphore_mem>>, %arg21: memref<!tpu.dma_semaphore, #tpu.memory_space<semaphore_mem>>, %arg22: memref<!tpu.dma_semaphore, #tpu.memory_space<semaphore_mem>>) attributes {dimension_semantics = [#tpu.dimension_semantics<core_parallel>, #tpu.dimension_semantics<subcore_parallel>], iteration_bounds = array<i64: 2, 16>, scalar_prefetch = 0 : i64, scratch_operands = 17 : i64, tpu.core_type = #tpu.core_type<sc_vector_subcore>, window_params = [{transform_indices = #map}, {transform_indices = #map1}, {transform_indices = #map}, {transform_indices = #map2}]} {
    %mul3A = arith.constant 2 : i32
    %mul3A_0 = arith.muli %arg1, %mul3A : i32
    %add3A = arith.addi %mul3A_0, %arg0 : i32
    %mul3A_1 = arith.constant 10000 : i32
    %mul3A_2 = arith.muli %add3A, %mul3A_1 : i32
    %mul3A_3 = arith.constant 624 : i32
    %mul3A_4 = arith.muli %arg1, %mul3A_3 : i32
    "tpu.region"() ({
      %run_scoped3A = tpu.sem_alloc : memref<!tpu.dma_semaphore, #tpu.memory_space<semaphore_mem>>
      %dma_start3A_98 = arith.constant 0 : i32
      %dma_start3A_99 = tpu.memref_slice %arg12[%mul3A_4, %dma_start3A_98] : memref<10000x128xf32, #tpu.memory_space<vmem_shared>> -> memref<624x128xf32, #tpu.memory_space<vmem_shared>>
      %dma_start3A_100 = arith.constant 0 : i32
      %dma_start3A_101 = tpu.memref_slice %arg4[%mul3A_4, %dma_start3A_100] : memref<10000x128xf32, #tpu.memory_space<hbm>> -> memref<624x128xf32, #tpu.memory_space<hbm>>
      tpu.enqueue_dma source(%dma_start3A_101 : memref<624x128xf32, #tpu.memory_space<hbm>>) target(%dma_start3A_99 : memref<624x128xf32, #tpu.memory_space<vmem_shared>>) target_semaphore(%run_scoped3A : memref<!tpu.dma_semaphore, #tpu.memory_space<semaphore_mem>>)
      %dma_wait3A_102 = arith.constant 0 : i32
      %dma_wait3A_103 = tpu.memref_slice %arg12[%mul3A_4, %dma_wait3A_102] : memref<10000x128xf32, #tpu.memory_space<vmem_shared>> -> memref<624x128xf32, #tpu.memory_space<vmem_shared>>
      %dma_wait3A_104 = arith.constant 0 : i32
      %dma_wait3A_105 = tpu.memref_slice %arg4[%mul3A_4, %dma_wait3A_104] : memref<10000x128xf32, #tpu.memory_space<hbm>> -> memref<624x128xf32, #tpu.memory_space<hbm>>
      tpu.wait_dma2 semaphore(%run_scoped3A : memref<!tpu.dma_semaphore, #tpu.memory_space<semaphore_mem>>) src(%dma_wait3A_105 : memref<624x128xf32, #tpu.memory_space<hbm>>) dst(%dma_wait3A_103 : memref<624x128xf32, #tpu.memory_space<vmem_shared>>)
      tpu.yield
    }) : () -> ()
    %eq3A = arith.constant 0 : i32
    %eq3A_5 = arith.cmpi eq, %arg1, %eq3A : i32
    %convert_element_type3A = arith.extui %eq3A_5 : i1 to i32
    %cond3A = arith.constant 0 : i32
    %cond3A_6 = arith.cmpi ne, %convert_element_type3A, %cond3A : i32
    scf.if %cond3A_6 {
      "tpu.region"() ({
        %run_scoped3A = tpu.sem_alloc : memref<!tpu.dma_semaphore, #tpu.memory_space<semaphore_mem>>
        %dma_start3A_98 = arith.constant 9984 : i32
        %dma_start3A_99 = arith.constant 0 : i32
        %dma_start3A_100 = tpu.memref_slice %arg12[%dma_start3A_98, %dma_start3A_99] : memref<10000x128xf32, #tpu.memory_space<vmem_shared>> -> memref<16x128xf32, #tpu.memory_space<vmem_shared>>
        %dma_start3A_101 = arith.constant 9984 : i32
        %dma_start3A_102 = arith.constant 0 : i32
        %dma_start3A_103 = tpu.memref_slice %arg4[%dma_start3A_101, %dma_start3A_102] : memref<10000x128xf32, #tpu.memory_space<hbm>> -> memref<16x128xf32, #tpu.memory_space<hbm>>
        tpu.enqueue_dma source(%dma_start3A_103 : memref<16x128xf32, #tpu.memory_space<hbm>>) target(%dma_start3A_100 : memref<16x128xf32, #tpu.memory_space<vmem_shared>>) target_semaphore(%run_scoped3A : memref<!tpu.dma_semaphore, #tpu.memory_space<semaphore_mem>>)
        %dma_wait3A_104 = arith.constant 9984 : i32
        %dma_wait3A_105 = arith.constant 0 : i32
        %dma_wait3A_106 = tpu.memref_slice %arg12[%dma_wait3A_104, %dma_wait3A_105] : memref<10000x128xf32, #tpu.memory_space<vmem_shared>> -> memref<16x128xf32, #tpu.memory_space<vmem_shared>>
        %dma_wait3A_107 = arith.constant 9984 : i32
        %dma_wait3A_108 = arith.constant 0 : i32
        %dma_wait3A_109 = tpu.memref_slice %arg4[%dma_wait3A_107, %dma_wait3A_108] : memref<10000x128xf32, #tpu.memory_space<hbm>> -> memref<16x128xf32, #tpu.memory_space<hbm>>
        tpu.wait_dma2 semaphore(%run_scoped3A : memref<!tpu.dma_semaphore, #tpu.memory_space<semaphore_mem>>) src(%dma_wait3A_109 : memref<16x128xf32, #tpu.memory_space<hbm>>) dst(%dma_wait3A_106 : memref<16x128xf32, #tpu.memory_space<vmem_shared>>)
        tpu.yield
      }) : () -> ()
    } else {
    }
    %add3A_7 = arith.constant 0 : i32
    %add3A_8 = arith.addi %mul3A_2, %add3A_7 : i32
    %dma_start3A = arith.constant 0 : i32
    %dma_start3A_9 = arith.constant 0 : i32
    %dma_start3A_10 = tpu.memref_slice %arg6[%dma_start3A, %dma_start3A_9] : memref<5x40xi32, #tpu.memory_space<vmem>> -> memref<1x40xi32, #tpu.memory_space<vmem>>
    %dma_start3A_11 = tpu.memref_squeeze %dma_start3A_10 : memref<1x40xi32, #tpu.memory_space<vmem>> -> memref<40xi32, #tpu.memory_space<vmem>>
    %dma_start3A_12 = tpu.memref_slice %arg3[%add3A_8] : memref<320000xi32, #tpu.memory_space<hbm>> -> memref<40xi32, #tpu.memory_space<hbm>>
    %dma_start3A_13 = arith.constant 0 : i32
    %dma_start3A_14 = tpu.memref_slice %arg6[%dma_start3A, %dma_start3A_13] : memref<5x40xi32, #tpu.memory_space<vmem>> -> memref<1x40xi32, #tpu.memory_space<vmem>>
    %dma_start3A_15 = tpu.memref_squeeze %dma_start3A_14 : memref<1x40xi32, #tpu.memory_space<vmem>> -> memref<40xi32, #tpu.memory_space<vmem>>
    %dma_start3A_16 = tpu.memref_slice %arg3[%add3A_8] : memref<320000xi32, #tpu.memory_space<hbm>> -> memref<40xi32, #tpu.memory_space<hbm>>
    tpu.enqueue_dma source(%dma_start3A_16 : memref<40xi32, #tpu.memory_space<hbm>>) target(%dma_start3A_15 : memref<40xi32, #tpu.memory_space<vmem>>) target_semaphore(%arg13 : memref<!tpu.dma_semaphore, #tpu.memory_space<semaphore_mem>>)
    %dma_start3A_17 = arith.constant 0 : i32
    %dma_start3A_18 = tpu.memref_slice %arg2[%add3A_8, %dma_start3A_17] : memref<320000x128xf32, #tpu.memory_space<hbm>> -> memref<40x128xf32, #tpu.memory_space<hbm>>
    %dma_start3A_19 = arith.constant 0 : i32
    %dma_start3A_20 = tpu.memref_slice %arg2[%add3A_8, %dma_start3A_19] : memref<320000x128xf32, #tpu.memory_space<hbm>> -> memref<40x128xf32, #tpu.memory_space<hbm>>
    tpu.enqueue_dma source(%dma_start3A_20 : memref<40x128xf32, #tpu.memory_space<hbm>>) target(%arg7 : memref<40x128xf32, #tpu.memory_space<vmem>>) target_semaphore(%arg13 : memref<!tpu.dma_semaphore, #tpu.memory_space<semaphore_mem>>)
    %add3A_21 = arith.constant 40 : i32
    %add3A_22 = arith.addi %mul3A_2, %add3A_21 : i32
    %dma_start3A_23 = arith.constant 1 : i32
    %dma_start3A_24 = arith.constant 0 : i32
    %dma_start3A_25 = tpu.memref_slice %arg6[%dma_start3A_23, %dma_start3A_24] : memref<5x40xi32, #tpu.memory_space<vmem>> -> memref<1x40xi32, #tpu.memory_space<vmem>>
    %dma_start3A_26 = tpu.memref_squeeze %dma_start3A_25 : memref<1x40xi32, #tpu.memory_space<vmem>> -> memref<40xi32, #tpu.memory_space<vmem>>
    %dma_start3A_27 = tpu.memref_slice %arg3[%add3A_22] : memref<320000xi32, #tpu.memory_space<hbm>> -> memref<40xi32, #tpu.memory_space<hbm>>
    %dma_start3A_28 = arith.constant 0 : i32
    %dma_start3A_29 = tpu.memref_slice %arg6[%dma_start3A_23, %dma_start3A_28] : memref<5x40xi32, #tpu.memory_space<vmem>> -> memref<1x40xi32, #tpu.memory_space<vmem>>
    %dma_start3A_30 = tpu.memref_squeeze %dma_start3A_29 : memref<1x40xi32, #tpu.memory_space<vmem>> -> memref<40xi32, #tpu.memory_space<vmem>>
    %dma_start3A_31 = tpu.memref_slice %arg3[%add3A_22] : memref<320000xi32, #tpu.memory_space<hbm>> -> memref<40xi32, #tpu.memory_space<hbm>>
    tpu.enqueue_dma source(%dma_start3A_31 : memref<40xi32, #tpu.memory_space<hbm>>) target(%dma_start3A_30 : memref<40xi32, #tpu.memory_space<vmem>>) target_semaphore(%arg14 : memref<!tpu.dma_semaphore, #tpu.memory_space<semaphore_mem>>)
    %dma_start3A_32 = arith.constant 0 : i32
    %dma_start3A_33 = tpu.memref_slice %arg2[%add3A_22, %dma_start3A_32] : memref<320000x128xf32, #tpu.memory_space<hbm>> -> memref<40x128xf32, #tpu.memory_space<hbm>>
    %dma_start3A_34 = arith.constant 0 : i32
    %dma_start3A_35 = tpu.memref_slice %arg2[%add3A_22, %dma_start3A_34] : memref<320000x128xf32, #tpu.memory_space<hbm>> -> memref<40x128xf32, #tpu.memory_space<hbm>>
    tpu.enqueue_dma source(%dma_start3A_35 : memref<40x128xf32, #tpu.memory_space<hbm>>) target(%arg8 : memref<40x128xf32, #tpu.memory_space<vmem>>) target_semaphore(%arg14 : memref<!tpu.dma_semaphore, #tpu.memory_space<semaphore_mem>>)
    %add3A_36 = arith.constant 80 : i32
    %add3A_37 = arith.addi %mul3A_2, %add3A_36 : i32
    %dma_start3A_38 = arith.constant 2 : i32
    %dma_start3A_39 = arith.constant 0 : i32
    %dma_start3A_40 = tpu.memref_slice %arg6[%dma_start3A_38, %dma_start3A_39] : memref<5x40xi32, #tpu.memory_space<vmem>> -> memref<1x40xi32, #tpu.memory_space<vmem>>
    %dma_start3A_41 = tpu.memref_squeeze %dma_start3A_40 : memref<1x40xi32, #tpu.memory_space<vmem>> -> memref<40xi32, #tpu.memory_space<vmem>>
    %dma_start3A_42 = tpu.memref_slice %arg3[%add3A_37] : memref<320000xi32, #tpu.memory_space<hbm>> -> memref<40xi32, #tpu.memory_space<hbm>>
    %dma_start3A_43 = arith.constant 0 : i32
    %dma_start3A_44 = tpu.memref_slice %arg6[%dma_start3A_38, %dma_start3A_43] : memref<5x40xi32, #tpu.memory_space<vmem>> -> memref<1x40xi32, #tpu.memory_space<vmem>>
    %dma_start3A_45 = tpu.memref_squeeze %dma_start3A_44 : memref<1x40xi32, #tpu.memory_space<vmem>> -> memref<40xi32, #tpu.memory_space<vmem>>
    %dma_start3A_46 = tpu.memref_slice %arg3[%add3A_37] : memref<320000xi32, #tpu.memory_space<hbm>> -> memref<40xi32, #tpu.memory_space<hbm>>
    tpu.enqueue_dma source(%dma_start3A_46 : memref<40xi32, #tpu.memory_space<hbm>>) target(%dma_start3A_45 : memref<40xi32, #tpu.memory_space<vmem>>) target_semaphore(%arg15 : memref<!tpu.dma_semaphore, #tpu.memory_space<semaphore_mem>>)
    %dma_start3A_47 = arith.constant 0 : i32
    %dma_start3A_48 = tpu.memref_slice %arg2[%add3A_37, %dma_start3A_47] : memref<320000x128xf32, #tpu.memory_space<hbm>> -> memref<40x128xf32, #tpu.memory_space<hbm>>
    %dma_start3A_49 = arith.constant 0 : i32
    %dma_start3A_50 = tpu.memref_slice %arg2[%add3A_37, %dma_start3A_49] : memref<320000x128xf32, #tpu.memory_space<hbm>> -> memref<40x128xf32, #tpu.memory_space<hbm>>
    tpu.enqueue_dma source(%dma_start3A_50 : memref<40x128xf32, #tpu.memory_space<hbm>>) target(%arg9 : memref<40x128xf32, #tpu.memory_space<vmem>>) target_semaphore(%arg15 : memref<!tpu.dma_semaphore, #tpu.memory_space<semaphore_mem>>)
    %add3A_51 = arith.constant 120 : i32
    %add3A_52 = arith.addi %mul3A_2, %add3A_51 : i32
    %dma_start3A_53 = arith.constant 3 : i32
    %dma_start3A_54 = arith.constant 0 : i32
    %dma_start3A_55 = tpu.memref_slice %arg6[%dma_start3A_53, %dma_start3A_54] : memref<5x40xi32, #tpu.memory_space<vmem>> -> memref<1x40xi32, #tpu.memory_space<vmem>>
    %dma_start3A_56 = tpu.memref_squeeze %dma_start3A_55 : memref<1x40xi32, #tpu.memory_space<vmem>> -> memref<40xi32, #tpu.memory_space<vmem>>
    %dma_start3A_57 = tpu.memref_slice %arg3[%add3A_52] : memref<320000xi32, #tpu.memory_space<hbm>> -> memref<40xi32, #tpu.memory_space<hbm>>
    %dma_start3A_58 = arith.constant 0 : i32
    %dma_start3A_59 = tpu.memref_slice %arg6[%dma_start3A_53, %dma_start3A_58] : memref<5x40xi32, #tpu.memory_space<vmem>> -> memref<1x40xi32, #tpu.memory_space<vmem>>
    %dma_start3A_60 = tpu.memref_squeeze %dma_start3A_59 : memref<1x40xi32, #tpu.memory_space<vmem>> -> memref<40xi32, #tpu.memory_space<vmem>>
    %dma_start3A_61 = tpu.memref_slice %arg3[%add3A_52] : memref<320000xi32, #tpu.memory_space<hbm>> -> memref<40xi32, #tpu.memory_space<hbm>>
    tpu.enqueue_dma source(%dma_start3A_61 : memref<40xi32, #tpu.memory_space<hbm>>) target(%dma_start3A_60 : memref<40xi32, #tpu.memory_space<vmem>>) target_semaphore(%arg16 : memref<!tpu.dma_semaphore, #tpu.memory_space<semaphore_mem>>)
    %dma_start3A_62 = arith.constant 0 : i32
    %dma_start3A_63 = tpu.memref_slice %arg2[%add3A_52, %dma_start3A_62] : memref<320000x128xf32, #tpu.memory_space<hbm>> -> memref<40x128xf32, #tpu.memory_space<hbm>>
    %dma_start3A_64 = arith.constant 0 : i32
    %dma_start3A_65 = tpu.memref_slice %arg2[%add3A_52, %dma_start3A_64] : memref<320000x128xf32, #tpu.memory_space<hbm>> -> memref<40x128xf32, #tpu.memory_space<hbm>>
    tpu.enqueue_dma source(%dma_start3A_65 : memref<40x128xf32, #tpu.memory_space<hbm>>) target(%arg10 : memref<40x128xf32, #tpu.memory_space<vmem>>) target_semaphore(%arg16 : memref<!tpu.dma_semaphore, #tpu.memory_space<semaphore_mem>>)
    %add3A_66 = arith.constant 160 : i32
    %add3A_67 = arith.addi %mul3A_2, %add3A_66 : i32
    %dma_start3A_68 = arith.constant 4 : i32
    %dma_start3A_69 = arith.constant 0 : i32
    %dma_start3A_70 = tpu.memref_slice %arg6[%dma_start3A_68, %dma_start3A_69] : memref<5x40xi32, #tpu.memory_space<vmem>> -> memref<1x40xi32, #tpu.memory_space<vmem>>
    %dma_start3A_71 = tpu.memref_squeeze %dma_start3A_70 : memref<1x40xi32, #tpu.memory_space<vmem>> -> memref<40xi32, #tpu.memory_space<vmem>>
    %dma_start3A_72 = tpu.memref_slice %arg3[%add3A_67] : memref<320000xi32, #tpu.memory_space<hbm>> -> memref<40xi32, #tpu.memory_space<hbm>>
    %dma_start3A_73 = arith.constant 0 : i32
    %dma_start3A_74 = tpu.memref_slice %arg6[%dma_start3A_68, %dma_start3A_73] : memref<5x40xi32, #tpu.memory_space<vmem>> -> memref<1x40xi32, #tpu.memory_space<vmem>>
    %dma_start3A_75 = tpu.memref_squeeze %dma_start3A_74 : memref<1x40xi32, #tpu.memory_space<vmem>> -> memref<40xi32, #tpu.memory_space<vmem>>
    %dma_start3A_76 = tpu.memref_slice %arg3[%add3A_67] : memref<320000xi32, #tpu.memory_space<hbm>> -> memref<40xi32, #tpu.memory_space<hbm>>
    tpu.enqueue_dma source(%dma_start3A_76 : memref<40xi32, #tpu.memory_space<hbm>>) target(%dma_start3A_75 : memref<40xi32, #tpu.memory_space<vmem>>) target_semaphore(%arg17 : memref<!tpu.dma_semaphore, #tpu.memory_space<semaphore_mem>>)
    %dma_start3A_77 = arith.constant 0 : i32
    %dma_start3A_78 = tpu.memref_slice %arg2[%add3A_67, %dma_start3A_77] : memref<320000x128xf32, #tpu.memory_space<hbm>> -> memref<40x128xf32, #tpu.memory_space<hbm>>
    %dma_start3A_79 = arith.constant 0 : i32
    %dma_start3A_80 = tpu.memref_slice %arg2[%add3A_67, %dma_start3A_79] : memref<320000x128xf32, #tpu.memory_space<hbm>> -> memref<40x128xf32, #tpu.memory_space<hbm>>
    tpu.enqueue_dma source(%dma_start3A_80 : memref<40x128xf32, #tpu.memory_space<hbm>>) target(%arg11 : memref<40x128xf32, #tpu.memory_space<vmem>>) target_semaphore(%arg17 : memref<!tpu.dma_semaphore, #tpu.memory_space<semaphore_mem>>)
    %barrier3A = arith.constant 0 : index
    tpu.barrier barrier_id(%barrier3A)
    %scan3A = arith.constant 0 : i32
    %scan3A_81 = arith.constant 0 : i32
    %scan3A_82 = arith.constant 50 : i32
    %scan3A_83 = arith.addi %scan3A_81, %scan3A_82 : i32
    %scan3A_84 = arith.constant 1 : i32
    scf.for %scan3A_98 = %scan3A_81 to %scan3A_83 step %scan3A_84  : i32 {
      %mul3A_99 = arith.constant 5 : i32
      %mul3A_100 = arith.muli %scan3A_98, %mul3A_99 : i32
      %add3A_101 = arith.constant 0 : i32
      %add3A_102 = arith.addi %mul3A_100, %add3A_101 : i32
      %dma_wait3A_103 = arith.constant 0 : i32
      %dma_wait3A_104 = arith.constant 0 : i32
      %dma_wait3A_105 = tpu.memref_slice %arg6[%dma_wait3A_103, %dma_wait3A_104] : memref<5x40xi32, #tpu.memory_space<vmem>> -> memref<1x40xi32, #tpu.memory_space<vmem>>
      %dma_wait3A_106 = tpu.memref_squeeze %dma_wait3A_105 : memref<1x40xi32, #tpu.memory_space<vmem>> -> memref<40xi32, #tpu.memory_space<vmem>>
      %dma_wait3A_107 = tpu.memref_slice %arg3[%mul3A_2] : memref<320000xi32, #tpu.memory_space<hbm>> -> memref<40xi32, #tpu.memory_space<hbm>>
      %dma_wait3A_108 = arith.constant 0 : i32
      %dma_wait3A_109 = tpu.memref_slice %arg6[%dma_wait3A_103, %dma_wait3A_108] : memref<5x40xi32, #tpu.memory_space<vmem>> -> memref<1x40xi32, #tpu.memory_space<vmem>>
      %dma_wait3A_110 = tpu.memref_squeeze %dma_wait3A_109 : memref<1x40xi32, #tpu.memory_space<vmem>> -> memref<40xi32, #tpu.memory_space<vmem>>
      %dma_wait3A_111 = tpu.memref_slice %arg3[%mul3A_2] : memref<320000xi32, #tpu.memory_space<hbm>> -> memref<40xi32, #tpu.memory_space<hbm>>
      tpu.wait_dma2 semaphore(%arg13 : memref<!tpu.dma_semaphore, #tpu.memory_space<semaphore_mem>>) src(%dma_wait3A_111 : memref<40xi32, #tpu.memory_space<hbm>>) dst(%dma_wait3A_110 : memref<40xi32, #tpu.memory_space<vmem>>)
      %dma_wait3A_112 = arith.constant 0 : i32
      %dma_wait3A_113 = tpu.memref_slice %arg2[%mul3A_2, %dma_wait3A_112] : memref<320000x128xf32, #tpu.memory_space<hbm>> -> memref<40x128xf32, #tpu.memory_space<hbm>>
      %dma_wait3A_114 = arith.constant 0 : i32
      %dma_wait3A_115 = tpu.memref_slice %arg2[%mul3A_2, %dma_wait3A_114] : memref<320000x128xf32, #tpu.memory_space<hbm>> -> memref<40x128xf32, #tpu.memory_space<hbm>>
      tpu.wait_dma2 semaphore(%arg13 : memref<!tpu.dma_semaphore, #tpu.memory_space<semaphore_mem>>) src(%dma_wait3A_115 : memref<40x128xf32, #tpu.memory_space<hbm>>) dst(%arg7 : memref<40x128xf32, #tpu.memory_space<vmem>>)
      %dma_start3A_116 = arith.constant 0 : i32
      %dma_start3A_117 = arith.constant 0 : i32
      %dma_start3A_118 = tpu.memref_slice %arg6[%dma_start3A_116, %dma_start3A_117] : memref<5x40xi32, #tpu.memory_space<vmem>> -> memref<1x40xi32, #tpu.memory_space<vmem>>
      %dma_start3A_119 = tpu.memref_squeeze %dma_start3A_118 : memref<1x40xi32, #tpu.memory_space<vmem>> -> memref<40xi32, #tpu.memory_space<vmem>>
      %dma_start3A_120 = arith.constant 0 : i32
      %dma_start3A_121 = arith.constant 0 : i32
      %dma_start3A_122 = tpu.memref_slice %arg12[%dma_start3A_120, %dma_start3A_121] : memref<10000x128xf32, #tpu.memory_space<vmem_shared>> -> memref<10000x128xf32, #tpu.memory_space<vmem_shared>>
      tpu.enqueue_indirect_dma source(%arg7 : memref<40x128xf32, #tpu.memory_space<vmem>>) target(%dma_start3A_122 : memref<10000x128xf32, #tpu.memory_space<vmem_shared>>) offsets(%dma_start3A_119 : memref<40xi32, #tpu.memory_space<vmem>>) semaphore(%arg18 : memref<!tpu.dma_semaphore, #tpu.memory_space<semaphore_mem>>) {add = true}
      %gt3A = arith.constant 0 : i32
      %gt3A_123 = arith.cmpi sgt, %add3A_102, %gt3A : i32
      %convert_element_type3A_124 = arith.extui %gt3A_123 : i1 to i32
      %cond3A_125 = arith.constant 0 : i32
      %cond3A_126 = arith.cmpi ne, %convert_element_type3A_124, %cond3A_125 : i32
      scf.if %cond3A_126 {
        %dma_wait3A_243 = arith.constant 4 : i32
        %dma_wait3A_244 = arith.constant 0 : i32
        %dma_wait3A_245 = tpu.memref_slice %arg6[%dma_wait3A_243, %dma_wait3A_244] : memref<5x40xi32, #tpu.memory_space<vmem>> -> memref<1x40xi32, #tpu.memory_space<vmem>>
        %dma_wait3A_246 = tpu.memref_squeeze %dma_wait3A_245 : memref<1x40xi32, #tpu.memory_space<vmem>> -> memref<40xi32, #tpu.memory_space<vmem>>
        %dma_wait3A_247 = arith.constant 0 : i32
        %dma_wait3A_248 = arith.constant 0 : i32
        %dma_wait3A_249 = tpu.memref_slice %arg12[%dma_wait3A_247, %dma_wait3A_248] : memref<10000x128xf32, #tpu.memory_space<vmem_shared>> -> memref<10000x128xf32, #tpu.memory_space<vmem_shared>>
        tpu.wait_indirect_dma semaphore(%arg22 : memref<!tpu.dma_semaphore, #tpu.memory_space<semaphore_mem>>) src(%arg11 : memref<40x128xf32, #tpu.memory_space<vmem>>) dst(%dma_wait3A_249 : memref<10000x128xf32, #tpu.memory_space<vmem_shared>>)
        %sub3A = arith.constant 1 : i32
        %sub3A_250 = arith.subi %add3A_102, %sub3A : i32
        %add3A_251 = arith.constant 5 : i32
        %add3A_252 = arith.addi %sub3A_250, %add3A_251 : i32
        %lt3A = arith.constant 250 : i32
        %lt3A_253 = arith.cmpi slt, %add3A_252, %lt3A : i32
        %convert_element_type3A_254 = arith.extui %lt3A_253 : i1 to i32
        %cond3A_255 = arith.constant 0 : i32
        %cond3A_256 = arith.cmpi ne, %convert_element_type3A_254, %cond3A_255 : i32
        scf.if %cond3A_256 {
          %sub3A_257 = arith.constant 1 : i32
          %sub3A_258 = arith.subi %add3A_102, %sub3A_257 : i32
          %add3A_259 = arith.constant 5 : i32
          %add3A_260 = arith.addi %sub3A_258, %add3A_259 : i32
          %mul3A_261 = arith.constant 40 : i32
          %mul3A_262 = arith.muli %add3A_260, %mul3A_261 : i32
          %add3A_263 = arith.addi %mul3A_2, %mul3A_262 : i32
          %dma_start3A_264 = arith.constant 4 : i32
          %dma_start3A_265 = arith.constant 0 : i32
          %dma_start3A_266 = tpu.memref_slice %arg6[%dma_start3A_264, %dma_start3A_265] : memref<5x40xi32, #tpu.memory_space<vmem>> -> memref<1x40xi32, #tpu.memory_space<vmem>>
          %dma_start3A_267 = tpu.memref_squeeze %dma_start3A_266 : memref<1x40xi32, #tpu.memory_space<vmem>> -> memref<40xi32, #tpu.memory_space<vmem>>
          %dma_start3A_268 = tpu.memref_slice %arg3[%add3A_263] : memref<320000xi32, #tpu.memory_space<hbm>> -> memref<40xi32, #tpu.memory_space<hbm>>
          %dma_start3A_269 = arith.constant 0 : i32
          %dma_start3A_270 = tpu.memref_slice %arg6[%dma_start3A_264, %dma_start3A_269] : memref<5x40xi32, #tpu.memory_space<vmem>> -> memref<1x40xi32, #tpu.memory_space<vmem>>
          %dma_start3A_271 = tpu.memref_squeeze %dma_start3A_270 : memref<1x40xi32, #tpu.memory_space<vmem>> -> memref<40xi32, #tpu.memory_space<vmem>>
          %dma_start3A_272 = tpu.memref_slice %arg3[%add3A_263] : memref<320000xi32, #tpu.memory_space<hbm>> -> memref<40xi32, #tpu.memory_space<hbm>>
          tpu.enqueue_dma source(%dma_start3A_272 : memref<40xi32, #tpu.memory_space<hbm>>) target(%dma_start3A_271 : memref<40xi32, #tpu.memory_space<vmem>>) target_semaphore(%arg17 : memref<!tpu.dma_semaphore, #tpu.memory_space<semaphore_mem>>)
          %dma_start3A_273 = arith.constant 0 : i32
          %dma_start3A_274 = tpu.memref_slice %arg2[%add3A_263, %dma_start3A_273] : memref<320000x128xf32, #tpu.memory_space<hbm>> -> memref<40x128xf32, #tpu.memory_space<hbm>>
          %dma_start3A_275 = arith.constant 0 : i32
          %dma_start3A_276 = tpu.memref_slice %arg2[%add3A_263, %dma_start3A_275] : memref<320000x128xf32, #tpu.memory_space<hbm>> -> memref<40x128xf32, #tpu.memory_space<hbm>>
          tpu.enqueue_dma source(%dma_start3A_276 : memref<40x128xf32, #tpu.memory_space<hbm>>) target(%arg11 : memref<40x128xf32, #tpu.memory_space<vmem>>) target_semaphore(%arg17 : memref<!tpu.dma_semaphore, #tpu.memory_space<semaphore_mem>>)
        } else {
        }
      } else {
      }
      %mul3A_127 = arith.constant 5 : i32
      %mul3A_128 = arith.muli %scan3A_98, %mul3A_127 : i32
      %add3A_129 = arith.constant 1 : i32
      %add3A_130 = arith.addi %mul3A_128, %add3A_129 : i32
      %dma_wait3A_131 = arith.constant 1 : i32
      %dma_wait3A_132 = arith.constant 0 : i32
      %dma_wait3A_133 = tpu.memref_slice %arg6[%dma_wait3A_131, %dma_wait3A_132] : memref<5x40xi32, #tpu.memory_space<vmem>> -> memref<1x40xi32, #tpu.memory_space<vmem>>
      %dma_wait3A_134 = tpu.memref_squeeze %dma_wait3A_133 : memref<1x40xi32, #tpu.memory_space<vmem>> -> memref<40xi32, #tpu.memory_space<vmem>>
      %dma_wait3A_135 = tpu.memref_slice %arg3[%mul3A_2] : memref<320000xi32, #tpu.memory_space<hbm>> -> memref<40xi32, #tpu.memory_space<hbm>>
      %dma_wait3A_136 = arith.constant 0 : i32
      %dma_wait3A_137 = tpu.memref_slice %arg6[%dma_wait3A_131, %dma_wait3A_136] : memref<5x40xi32, #tpu.memory_space<vmem>> -> memref<1x40xi32, #tpu.memory_space<vmem>>
      %dma_wait3A_138 = tpu.memref_squeeze %dma_wait3A_137 : memref<1x40xi32, #tpu.memory_space<vmem>> -> memref<40xi32, #tpu.memory_space<vmem>>
      %dma_wait3A_139 = tpu.memref_slice %arg3[%mul3A_2] : memref<320000xi32, #tpu.memory_space<hbm>> -> memref<40xi32, #tpu.memory_space<hbm>>
      tpu.wait_dma2 semaphore(%arg14 : memref<!tpu.dma_semaphore, #tpu.memory_space<semaphore_mem>>) src(%dma_wait3A_139 : memref<40xi32, #tpu.memory_space<hbm>>) dst(%dma_wait3A_138 : memref<40xi32, #tpu.memory_space<vmem>>)
      %dma_wait3A_140 = arith.constant 0 : i32
      %dma_wait3A_141 = tpu.memref_slice %arg2[%mul3A_2, %dma_wait3A_140] : memref<320000x128xf32, #tpu.memory_space<hbm>> -> memref<40x128xf32, #tpu.memory_space<hbm>>
      %dma_wait3A_142 = arith.constant 0 : i32
      %dma_wait3A_143 = tpu.memref_slice %arg2[%mul3A_2, %dma_wait3A_142] : memref<320000x128xf32, #tpu.memory_space<hbm>> -> memref<40x128xf32, #tpu.memory_space<hbm>>
      tpu.wait_dma2 semaphore(%arg14 : memref<!tpu.dma_semaphore, #tpu.memory_space<semaphore_mem>>) src(%dma_wait3A_143 : memref<40x128xf32, #tpu.memory_space<hbm>>) dst(%arg8 : memref<40x128xf32, #tpu.memory_space<vmem>>)
      %dma_start3A_144 = arith.constant 1 : i32
      %dma_start3A_145 = arith.constant 0 : i32
      %dma_start3A_146 = tpu.memref_slice %arg6[%dma_start3A_144, %dma_start3A_145] : memref<5x40xi32, #tpu.memory_space<vmem>> -> memref<1x40xi32, #tpu.memory_space<vmem>>
      %dma_start3A_147 = tpu.memref_squeeze %dma_start3A_146 : memref<1x40xi32, #tpu.memory_space<vmem>> -> memref<40xi32, #tpu.memory_space<vmem>>
      %dma_start3A_148 = arith.constant 0 : i32
      %dma_start3A_149 = arith.constant 0 : i32
      %dma_start3A_150 = tpu.memref_slice %arg12[%dma_start3A_148, %dma_start3A_149] : memref<10000x128xf32, #tpu.memory_space<vmem_shared>> -> memref<10000x128xf32, #tpu.memory_space<vmem_shared>>
      tpu.enqueue_indirect_dma source(%arg8 : memref<40x128xf32, #tpu.memory_space<vmem>>) target(%dma_start3A_150 : memref<10000x128xf32, #tpu.memory_space<vmem_shared>>) offsets(%dma_start3A_147 : memref<40xi32, #tpu.memory_space<vmem>>) semaphore(%arg19 : memref<!tpu.dma_semaphore, #tpu.memory_space<semaphore_mem>>) {add = true}
      %gt3A_151 = arith.constant 0 : i32
      %gt3A_152 = arith.cmpi sgt, %add3A_130, %gt3A_151 : i32
      %convert_element_type3A_153 = arith.extui %gt3A_152 : i1 to i32
      %cond3A_154 = arith.constant 0 : i32
      %cond3A_155 = arith.cmpi ne, %convert_element_type3A_153, %cond3A_154 : i32
      scf.if %cond3A_155 {
        %dma_wait3A_243 = arith.constant 0 : i32
        %dma_wait3A_244 = arith.constant 0 : i32
        %dma_wait3A_245 = tpu.memref_slice %arg6[%dma_wait3A_243, %dma_wait3A_244] : memref<5x40xi32, #tpu.memory_space<vmem>> -> memref<1x40xi32, #tpu.memory_space<vmem>>
        %dma_wait3A_246 = tpu.memref_squeeze %dma_wait3A_245 : memref<1x40xi32, #tpu.memory_space<vmem>> -> memref<40xi32, #tpu.memory_space<vmem>>
        %dma_wait3A_247 = arith.constant 0 : i32
        %dma_wait3A_248 = arith.constant 0 : i32
        %dma_wait3A_249 = tpu.memref_slice %arg12[%dma_wait3A_247, %dma_wait3A_248] : memref<10000x128xf32, #tpu.memory_space<vmem_shared>> -> memref<10000x128xf32, #tpu.memory_space<vmem_shared>>
        tpu.wait_indirect_dma semaphore(%arg18 : memref<!tpu.dma_semaphore, #tpu.memory_space<semaphore_mem>>) src(%arg7 : memref<40x128xf32, #tpu.memory_space<vmem>>) dst(%dma_wait3A_249 : memref<10000x128xf32, #tpu.memory_space<vmem_shared>>)
        %sub3A = arith.constant 1 : i32
        %sub3A_250 = arith.subi %add3A_130, %sub3A : i32
        %add3A_251 = arith.constant 5 : i32
        %add3A_252 = arith.addi %sub3A_250, %add3A_251 : i32
        %lt3A = arith.constant 250 : i32
        %lt3A_253 = arith.cmpi slt, %add3A_252, %lt3A : i32
        %convert_element_type3A_254 = arith.extui %lt3A_253 : i1 to i32
        %cond3A_255 = arith.constant 0 : i32
        %cond3A_256 = arith.cmpi ne, %convert_element_type3A_254, %cond3A_255 : i32
        scf.if %cond3A_256 {
          %sub3A_257 = arith.constant 1 : i32
          %sub3A_258 = arith.subi %add3A_130, %sub3A_257 : i32
          %add3A_259 = arith.constant 5 : i32
          %add3A_260 = arith.addi %sub3A_258, %add3A_259 : i32
          %mul3A_261 = arith.constant 40 : i32
          %mul3A_262 = arith.muli %add3A_260, %mul3A_261 : i32
          %add3A_263 = arith.addi %mul3A_2, %mul3A_262 : i32
          %dma_start3A_264 = arith.constant 0 : i32
          %dma_start3A_265 = arith.constant 0 : i32
          %dma_start3A_266 = tpu.memref_slice %arg6[%dma_start3A_264, %dma_start3A_265] : memref<5x40xi32, #tpu.memory_space<vmem>> -> memref<1x40xi32, #tpu.memory_space<vmem>>
          %dma_start3A_267 = tpu.memref_squeeze %dma_start3A_266 : memref<1x40xi32, #tpu.memory_space<vmem>> -> memref<40xi32, #tpu.memory_space<vmem>>
          %dma_start3A_268 = tpu.memref_slice %arg3[%add3A_263] : memref<320000xi32, #tpu.memory_space<hbm>> -> memref<40xi32, #tpu.memory_space<hbm>>
          %dma_start3A_269 = arith.constant 0 : i32
          %dma_start3A_270 = tpu.memref_slice %arg6[%dma_start3A_264, %dma_start3A_269] : memref<5x40xi32, #tpu.memory_space<vmem>> -> memref<1x40xi32, #tpu.memory_space<vmem>>
          %dma_start3A_271 = tpu.memref_squeeze %dma_start3A_270 : memref<1x40xi32, #tpu.memory_space<vmem>> -> memref<40xi32, #tpu.memory_space<vmem>>
          %dma_start3A_272 = tpu.memref_slice %arg3[%add3A_263] : memref<320000xi32, #tpu.memory_space<hbm>> -> memref<40xi32, #tpu.memory_space<hbm>>
          tpu.enqueue_dma source(%dma_start3A_272 : memref<40xi32, #tpu.memory_space<hbm>>) target(%dma_start3A_271 : memref<40xi32, #tpu.memory_space<vmem>>) target_semaphore(%arg13 : memref<!tpu.dma_semaphore, #tpu.memory_space<semaphore_mem>>)
          %dma_start3A_273 = arith.constant 0 : i32
          %dma_start3A_274 = tpu.memref_slice %arg2[%add3A_263, %dma_start3A_273] : memref<320000x128xf32, #tpu.memory_space<hbm>> -> memref<40x128xf32, #tpu.memory_space<hbm>>
          %dma_start3A_275 = arith.constant 0 : i32
          %dma_start3A_276 = tpu.memref_slice %arg2[%add3A_263, %dma_start3A_275] : memref<320000x128xf32, #tpu.memory_space<hbm>> -> memref<40x128xf32, #tpu.memory_space<hbm>>
          tpu.enqueue_dma source(%dma_start3A_276 : memref<40x128xf32, #tpu.memory_space<hbm>>) target(%arg7 : memref<40x128xf32, #tpu.memory_space<vmem>>) target_semaphore(%arg13 : memref<!tpu.dma_semaphore, #tpu.memory_space<semaphore_mem>>)
        } else {
        }
      } else {
      }
      %mul3A_156 = arith.constant 5 : i32
      %mul3A_157 = arith.muli %scan3A_98, %mul3A_156 : i32
      %add3A_158 = arith.constant 2 : i32
      %add3A_159 = arith.addi %mul3A_157, %add3A_158 : i32
      %dma_wait3A_160 = arith.constant 2 : i32
      %dma_wait3A_161 = arith.constant 0 : i32
      %dma_wait3A_162 = tpu.memref_slice %arg6[%dma_wait3A_160, %dma_wait3A_161] : memref<5x40xi32, #tpu.memory_space<vmem>> -> memref<1x40xi32, #tpu.memory_space<vmem>>
      %dma_wait3A_163 = tpu.memref_squeeze %dma_wait3A_162 : memref<1x40xi32, #tpu.memory_space<vmem>> -> memref<40xi32, #tpu.memory_space<vmem>>
      %dma_wait3A_164 = tpu.memref_slice %arg3[%mul3A_2] : memref<320000xi32, #tpu.memory_space<hbm>> -> memref<40xi32, #tpu.memory_space<hbm>>
      %dma_wait3A_165 = arith.constant 0 : i32
      %dma_wait3A_166 = tpu.memref_slice %arg6[%dma_wait3A_160, %dma_wait3A_165] : memref<5x40xi32, #tpu.memory_space<vmem>> -> memref<1x40xi32, #tpu.memory_space<vmem>>
      %dma_wait3A_167 = tpu.memref_squeeze %dma_wait3A_166 : memref<1x40xi32, #tpu.memory_space<vmem>> -> memref<40xi32, #tpu.memory_space<vmem>>
      %dma_wait3A_168 = tpu.memref_slice %arg3[%mul3A_2] : memref<320000xi32, #tpu.memory_space<hbm>> -> memref<40xi32, #tpu.memory_space<hbm>>
      tpu.wait_dma2 semaphore(%arg15 : memref<!tpu.dma_semaphore, #tpu.memory_space<semaphore_mem>>) src(%dma_wait3A_168 : memref<40xi32, #tpu.memory_space<hbm>>) dst(%dma_wait3A_167 : memref<40xi32, #tpu.memory_space<vmem>>)
      %dma_wait3A_169 = arith.constant 0 : i32
      %dma_wait3A_170 = tpu.memref_slice %arg2[%mul3A_2, %dma_wait3A_169] : memref<320000x128xf32, #tpu.memory_space<hbm>> -> memref<40x128xf32, #tpu.memory_space<hbm>>
      %dma_wait3A_171 = arith.constant 0 : i32
      %dma_wait3A_172 = tpu.memref_slice %arg2[%mul3A_2, %dma_wait3A_171] : memref<320000x128xf32, #tpu.memory_space<hbm>> -> memref<40x128xf32, #tpu.memory_space<hbm>>
      tpu.wait_dma2 semaphore(%arg15 : memref<!tpu.dma_semaphore, #tpu.memory_space<semaphore_mem>>) src(%dma_wait3A_172 : memref<40x128xf32, #tpu.memory_space<hbm>>) dst(%arg9 : memref<40x128xf32, #tpu.memory_space<vmem>>)
      %dma_start3A_173 = arith.constant 2 : i32
      %dma_start3A_174 = arith.constant 0 : i32
      %dma_start3A_175 = tpu.memref_slice %arg6[%dma_start3A_173, %dma_start3A_174] : memref<5x40xi32, #tpu.memory_space<vmem>> -> memref<1x40xi32, #tpu.memory_space<vmem>>
      %dma_start3A_176 = tpu.memref_squeeze %dma_start3A_175 : memref<1x40xi32, #tpu.memory_space<vmem>> -> memref<40xi32, #tpu.memory_space<vmem>>
      %dma_start3A_177 = arith.constant 0 : i32
      %dma_start3A_178 = arith.constant 0 : i32
      %dma_start3A_179 = tpu.memref_slice %arg12[%dma_start3A_177, %dma_start3A_178] : memref<10000x128xf32, #tpu.memory_space<vmem_shared>> -> memref<10000x128xf32, #tpu.memory_space<vmem_shared>>
      tpu.enqueue_indirect_dma source(%arg9 : memref<40x128xf32, #tpu.memory_space<vmem>>) target(%dma_start3A_179 : memref<10000x128xf32, #tpu.memory_space<vmem_shared>>) offsets(%dma_start3A_176 : memref<40xi32, #tpu.memory_space<vmem>>) semaphore(%arg20 : memref<!tpu.dma_semaphore, #tpu.memory_space<semaphore_mem>>) {add = true}
      %gt3A_180 = arith.constant 0 : i32
      %gt3A_181 = arith.cmpi sgt, %add3A_159, %gt3A_180 : i32
      %convert_element_type3A_182 = arith.extui %gt3A_181 : i1 to i32
      %cond3A_183 = arith.constant 0 : i32
      %cond3A_184 = arith.cmpi ne, %convert_element_type3A_182, %cond3A_183 : i32
      scf.if %cond3A_184 {
        %dma_wait3A_243 = arith.constant 1 : i32
        %dma_wait3A_244 = arith.constant 0 : i32
        %dma_wait3A_245 = tpu.memref_slice %arg6[%dma_wait3A_243, %dma_wait3A_244] : memref<5x40xi32, #tpu.memory_space<vmem>> -> memref<1x40xi32, #tpu.memory_space<vmem>>
        %dma_wait3A_246 = tpu.memref_squeeze %dma_wait3A_245 : memref<1x40xi32, #tpu.memory_space<vmem>> -> memref<40xi32, #tpu.memory_space<vmem>>
        %dma_wait3A_247 = arith.constant 0 : i32
        %dma_wait3A_248 = arith.constant 0 : i32
        %dma_wait3A_249 = tpu.memref_slice %arg12[%dma_wait3A_247, %dma_wait3A_248] : memref<10000x128xf32, #tpu.memory_space<vmem_shared>> -> memref<10000x128xf32, #tpu.memory_space<vmem_shared>>
        tpu.wait_indirect_dma semaphore(%arg19 : memref<!tpu.dma_semaphore, #tpu.memory_space<semaphore_mem>>) src(%arg8 : memref<40x128xf32, #tpu.memory_space<vmem>>) dst(%dma_wait3A_249 : memref<10000x128xf32, #tpu.memory_space<vmem_shared>>)
        %sub3A = arith.constant 1 : i32
        %sub3A_250 = arith.subi %add3A_159, %sub3A : i32
        %add3A_251 = arith.constant 5 : i32
        %add3A_252 = arith.addi %sub3A_250, %add3A_251 : i32
        %lt3A = arith.constant 250 : i32
        %lt3A_253 = arith.cmpi slt, %add3A_252, %lt3A : i32
        %convert_element_type3A_254 = arith.extui %lt3A_253 : i1 to i32
        %cond3A_255 = arith.constant 0 : i32
        %cond3A_256 = arith.cmpi ne, %convert_element_type3A_254, %cond3A_255 : i32
        scf.if %cond3A_256 {
          %sub3A_257 = arith.constant 1 : i32
          %sub3A_258 = arith.subi %add3A_159, %sub3A_257 : i32
          %add3A_259 = arith.constant 5 : i32
          %add3A_260 = arith.addi %sub3A_258, %add3A_259 : i32
          %mul3A_261 = arith.constant 40 : i32
          %mul3A_262 = arith.muli %add3A_260, %mul3A_261 : i32
          %add3A_263 = arith.addi %mul3A_2, %mul3A_262 : i32
          %dma_start3A_264 = arith.constant 1 : i32
          %dma_start3A_265 = arith.constant 0 : i32
          %dma_start3A_266 = tpu.memref_slice %arg6[%dma_start3A_264, %dma_start3A_265] : memref<5x40xi32, #tpu.memory_space<vmem>> -> memref<1x40xi32, #tpu.memory_space<vmem>>
          %dma_start3A_267 = tpu.memref_squeeze %dma_start3A_266 : memref<1x40xi32, #tpu.memory_space<vmem>> -> memref<40xi32, #tpu.memory_space<vmem>>
          %dma_start3A_268 = tpu.memref_slice %arg3[%add3A_263] : memref<320000xi32, #tpu.memory_space<hbm>> -> memref<40xi32, #tpu.memory_space<hbm>>
          %dma_start3A_269 = arith.constant 0 : i32
          %dma_start3A_270 = tpu.memref_slice %arg6[%dma_start3A_264, %dma_start3A_269] : memref<5x40xi32, #tpu.memory_space<vmem>> -> memref<1x40xi32, #tpu.memory_space<vmem>>
          %dma_start3A_271 = tpu.memref_squeeze %dma_start3A_270 : memref<1x40xi32, #tpu.memory_space<vmem>> -> memref<40xi32, #tpu.memory_space<vmem>>
          %dma_start3A_272 = tpu.memref_slice %arg3[%add3A_263] : memref<320000xi32, #tpu.memory_space<hbm>> -> memref<40xi32, #tpu.memory_space<hbm>>
          tpu.enqueue_dma source(%dma_start3A_272 : memref<40xi32, #tpu.memory_space<hbm>>) target(%dma_start3A_271 : memref<40xi32, #tpu.memory_space<vmem>>) target_semaphore(%arg14 : memref<!tpu.dma_semaphore, #tpu.memory_space<semaphore_mem>>)
          %dma_start3A_273 = arith.constant 0 : i32
          %dma_start3A_274 = tpu.memref_slice %arg2[%add3A_263, %dma_start3A_273] : memref<320000x128xf32, #tpu.memory_space<hbm>> -> memref<40x128xf32, #tpu.memory_space<hbm>>
          %dma_start3A_275 = arith.constant 0 : i32
          %dma_start3A_276 = tpu.memref_slice %arg2[%add3A_263, %dma_start3A_275] : memref<320000x128xf32, #tpu.memory_space<hbm>> -> memref<40x128xf32, #tpu.memory_space<hbm>>
          tpu.enqueue_dma source(%dma_start3A_276 : memref<40x128xf32, #tpu.memory_space<hbm>>) target(%arg8 : memref<40x128xf32, #tpu.memory_space<vmem>>) target_semaphore(%arg14 : memref<!tpu.dma_semaphore, #tpu.memory_space<semaphore_mem>>)
        } else {
        }
      } else {
      }
      %mul3A_185 = arith.constant 5 : i32
      %mul3A_186 = arith.muli %scan3A_98, %mul3A_185 : i32
      %add3A_187 = arith.constant 3 : i32
      %add3A_188 = arith.addi %mul3A_186, %add3A_187 : i32
      %dma_wait3A_189 = arith.constant 3 : i32
      %dma_wait3A_190 = arith.constant 0 : i32
      %dma_wait3A_191 = tpu.memref_slice %arg6[%dma_wait3A_189, %dma_wait3A_190] : memref<5x40xi32, #tpu.memory_space<vmem>> -> memref<1x40xi32, #tpu.memory_space<vmem>>
      %dma_wait3A_192 = tpu.memref_squeeze %dma_wait3A_191 : memref<1x40xi32, #tpu.memory_space<vmem>> -> memref<40xi32, #tpu.memory_space<vmem>>
      %dma_wait3A_193 = tpu.memref_slice %arg3[%mul3A_2] : memref<320000xi32, #tpu.memory_space<hbm>> -> memref<40xi32, #tpu.memory_space<hbm>>
      %dma_wait3A_194 = arith.constant 0 : i32
      %dma_wait3A_195 = tpu.memref_slice %arg6[%dma_wait3A_189, %dma_wait3A_194] : memref<5x40xi32, #tpu.memory_space<vmem>> -> memref<1x40xi32, #tpu.memory_space<vmem>>
      %dma_wait3A_196 = tpu.memref_squeeze %dma_wait3A_195 : memref<1x40xi32, #tpu.memory_space<vmem>> -> memref<40xi32, #tpu.memory_space<vmem>>
      %dma_wait3A_197 = tpu.memref_slice %arg3[%mul3A_2] : memref<320000xi32, #tpu.memory_space<hbm>> -> memref<40xi32, #tpu.memory_space<hbm>>
      tpu.wait_dma2 semaphore(%arg16 : memref<!tpu.dma_semaphore, #tpu.memory_space<semaphore_mem>>) src(%dma_wait3A_197 : memref<40xi32, #tpu.memory_space<hbm>>) dst(%dma_wait3A_196 : memref<40xi32, #tpu.memory_space<vmem>>)
      %dma_wait3A_198 = arith.constant 0 : i32
      %dma_wait3A_199 = tpu.memref_slice %arg2[%mul3A_2, %dma_wait3A_198] : memref<320000x128xf32, #tpu.memory_space<hbm>> -> memref<40x128xf32, #tpu.memory_space<hbm>>
      %dma_wait3A_200 = arith.constant 0 : i32
      %dma_wait3A_201 = tpu.memref_slice %arg2[%mul3A_2, %dma_wait3A_200] : memref<320000x128xf32, #tpu.memory_space<hbm>> -> memref<40x128xf32, #tpu.memory_space<hbm>>
      tpu.wait_dma2 semaphore(%arg16 : memref<!tpu.dma_semaphore, #tpu.memory_space<semaphore_mem>>) src(%dma_wait3A_201 : memref<40x128xf32, #tpu.memory_space<hbm>>) dst(%arg10 : memref<40x128xf32, #tpu.memory_space<vmem>>)
      %dma_start3A_202 = arith.constant 3 : i32
      %dma_start3A_203 = arith.constant 0 : i32
      %dma_start3A_204 = tpu.memref_slice %arg6[%dma_start3A_202, %dma_start3A_203] : memref<5x40xi32, #tpu.memory_space<vmem>> -> memref<1x40xi32, #tpu.memory_space<vmem>>
      %dma_start3A_205 = tpu.memref_squeeze %dma_start3A_204 : memref<1x40xi32, #tpu.memory_space<vmem>> -> memref<40xi32, #tpu.memory_space<vmem>>
      %dma_start3A_206 = arith.constant 0 : i32
      %dma_start3A_207 = arith.constant 0 : i32
      %dma_start3A_208 = tpu.memref_slice %arg12[%dma_start3A_206, %dma_start3A_207] : memref<10000x128xf32, #tpu.memory_space<vmem_shared>> -> memref<10000x128xf32, #tpu.memory_space<vmem_shared>>
      tpu.enqueue_indirect_dma source(%arg10 : memref<40x128xf32, #tpu.memory_space<vmem>>) target(%dma_start3A_208 : memref<10000x128xf32, #tpu.memory_space<vmem_shared>>) offsets(%dma_start3A_205 : memref<40xi32, #tpu.memory_space<vmem>>) semaphore(%arg21 : memref<!tpu.dma_semaphore, #tpu.memory_space<semaphore_mem>>) {add = true}
      %gt3A_209 = arith.constant 0 : i32
      %gt3A_210 = arith.cmpi sgt, %add3A_188, %gt3A_209 : i32
      %convert_element_type3A_211 = arith.extui %gt3A_210 : i1 to i32
      %cond3A_212 = arith.constant 0 : i32
      %cond3A_213 = arith.cmpi ne, %convert_element_type3A_211, %cond3A_212 : i32
      scf.if %cond3A_213 {
        %dma_wait3A_243 = arith.constant 2 : i32
        %dma_wait3A_244 = arith.constant 0 : i32
        %dma_wait3A_245 = tpu.memref_slice %arg6[%dma_wait3A_243, %dma_wait3A_244] : memref<5x40xi32, #tpu.memory_space<vmem>> -> memref<1x40xi32, #tpu.memory_space<vmem>>
        %dma_wait3A_246 = tpu.memref_squeeze %dma_wait3A_245 : memref<1x40xi32, #tpu.memory_space<vmem>> -> memref<40xi32, #tpu.memory_space<vmem>>
        %dma_wait3A_247 = arith.constant 0 : i32
        %dma_wait3A_248 = arith.constant 0 : i32
        %dma_wait3A_249 = tpu.memref_slice %arg12[%dma_wait3A_247, %dma_wait3A_248] : memref<10000x128xf32, #tpu.memory_space<vmem_shared>> -> memref<10000x128xf32, #tpu.memory_space<vmem_shared>>
        tpu.wait_indirect_dma semaphore(%arg20 : memref<!tpu.dma_semaphore, #tpu.memory_space<semaphore_mem>>) src(%arg9 : memref<40x128xf32, #tpu.memory_space<vmem>>) dst(%dma_wait3A_249 : memref<10000x128xf32, #tpu.memory_space<vmem_shared>>)
        %sub3A = arith.constant 1 : i32
        %sub3A_250 = arith.subi %add3A_188, %sub3A : i32
        %add3A_251 = arith.constant 5 : i32
        %add3A_252 = arith.addi %sub3A_250, %add3A_251 : i32
        %lt3A = arith.constant 250 : i32
        %lt3A_253 = arith.cmpi slt, %add3A_252, %lt3A : i32
        %convert_element_type3A_254 = arith.extui %lt3A_253 : i1 to i32
        %cond3A_255 = arith.constant 0 : i32
        %cond3A_256 = arith.cmpi ne, %convert_element_type3A_254, %cond3A_255 : i32
        scf.if %cond3A_256 {
          %sub3A_257 = arith.constant 1 : i32
          %sub3A_258 = arith.subi %add3A_188, %sub3A_257 : i32
          %add3A_259 = arith.constant 5 : i32
          %add3A_260 = arith.addi %sub3A_258, %add3A_259 : i32
          %mul3A_261 = arith.constant 40 : i32
          %mul3A_262 = arith.muli %add3A_260, %mul3A_261 : i32
          %add3A_263 = arith.addi %mul3A_2, %mul3A_262 : i32
          %dma_start3A_264 = arith.constant 2 : i32
          %dma_start3A_265 = arith.constant 0 : i32
          %dma_start3A_266 = tpu.memref_slice %arg6[%dma_start3A_264, %dma_start3A_265] : memref<5x40xi32, #tpu.memory_space<vmem>> -> memref<1x40xi32, #tpu.memory_space<vmem>>
          %dma_start3A_267 = tpu.memref_squeeze %dma_start3A_266 : memref<1x40xi32, #tpu.memory_space<vmem>> -> memref<40xi32, #tpu.memory_space<vmem>>
          %dma_start3A_268 = tpu.memref_slice %arg3[%add3A_263] : memref<320000xi32, #tpu.memory_space<hbm>> -> memref<40xi32, #tpu.memory_space<hbm>>
          %dma_start3A_269 = arith.constant 0 : i32
          %dma_start3A_270 = tpu.memref_slice %arg6[%dma_start3A_264, %dma_start3A_269] : memref<5x40xi32, #tpu.memory_space<vmem>> -> memref<1x40xi32, #tpu.memory_space<vmem>>
          %dma_start3A_271 = tpu.memref_squeeze %dma_start3A_270 : memref<1x40xi32, #tpu.memory_space<vmem>> -> memref<40xi32, #tpu.memory_space<vmem>>
          %dma_start3A_272 = tpu.memref_slice %arg3[%add3A_263] : memref<320000xi32, #tpu.memory_space<hbm>> -> memref<40xi32, #tpu.memory_space<hbm>>
          tpu.enqueue_dma source(%dma_start3A_272 : memref<40xi32, #tpu.memory_space<hbm>>) target(%dma_start3A_271 : memref<40xi32, #tpu.memory_space<vmem>>) target_semaphore(%arg15 : memref<!tpu.dma_semaphore, #tpu.memory_space<semaphore_mem>>)
          %dma_start3A_273 = arith.constant 0 : i32
          %dma_start3A_274 = tpu.memref_slice %arg2[%add3A_263, %dma_start3A_273] : memref<320000x128xf32, #tpu.memory_space<hbm>> -> memref<40x128xf32, #tpu.memory_space<hbm>>
          %dma_start3A_275 = arith.constant 0 : i32
          %dma_start3A_276 = tpu.memref_slice %arg2[%add3A_263, %dma_start3A_275] : memref<320000x128xf32, #tpu.memory_space<hbm>> -> memref<40x128xf32, #tpu.memory_space<hbm>>
          tpu.enqueue_dma source(%dma_start3A_276 : memref<40x128xf32, #tpu.memory_space<hbm>>) target(%arg9 : memref<40x128xf32, #tpu.memory_space<vmem>>) target_semaphore(%arg15 : memref<!tpu.dma_semaphore, #tpu.memory_space<semaphore_mem>>)
        } else {
        }
      } else {
      }
      %mul3A_214 = arith.constant 5 : i32
      %mul3A_215 = arith.muli %scan3A_98, %mul3A_214 : i32
      %add3A_216 = arith.constant 4 : i32
      %add3A_217 = arith.addi %mul3A_215, %add3A_216 : i32
      %dma_wait3A_218 = arith.constant 4 : i32
      %dma_wait3A_219 = arith.constant 0 : i32
      %dma_wait3A_220 = tpu.memref_slice %arg6[%dma_wait3A_218, %dma_wait3A_219] : memref<5x40xi32, #tpu.memory_space<vmem>> -> memref<1x40xi32, #tpu.memory_space<vmem>>
      %dma_wait3A_221 = tpu.memref_squeeze %dma_wait3A_220 : memref<1x40xi32, #tpu.memory_space<vmem>> -> memref<40xi32, #tpu.memory_space<vmem>>
      %dma_wait3A_222 = tpu.memref_slice %arg3[%mul3A_2] : memref<320000xi32, #tpu.memory_space<hbm>> -> memref<40xi32, #tpu.memory_space<hbm>>
      %dma_wait3A_223 = arith.constant 0 : i32
      %dma_wait3A_224 = tpu.memref_slice %arg6[%dma_wait3A_218, %dma_wait3A_223] : memref<5x40xi32, #tpu.memory_space<vmem>> -> memref<1x40xi32, #tpu.memory_space<vmem>>
      %dma_wait3A_225 = tpu.memref_squeeze %dma_wait3A_224 : memref<1x40xi32, #tpu.memory_space<vmem>> -> memref<40xi32, #tpu.memory_space<vmem>>
      %dma_wait3A_226 = tpu.memref_slice %arg3[%mul3A_2] : memref<320000xi32, #tpu.memory_space<hbm>> -> memref<40xi32, #tpu.memory_space<hbm>>
      tpu.wait_dma2 semaphore(%arg17 : memref<!tpu.dma_semaphore, #tpu.memory_space<semaphore_mem>>) src(%dma_wait3A_226 : memref<40xi32, #tpu.memory_space<hbm>>) dst(%dma_wait3A_225 : memref<40xi32, #tpu.memory_space<vmem>>)
      %dma_wait3A_227 = arith.constant 0 : i32
      %dma_wait3A_228 = tpu.memref_slice %arg2[%mul3A_2, %dma_wait3A_227] : memref<320000x128xf32, #tpu.memory_space<hbm>> -> memref<40x128xf32, #tpu.memory_space<hbm>>
      %dma_wait3A_229 = arith.constant 0 : i32
      %dma_wait3A_230 = tpu.memref_slice %arg2[%mul3A_2, %dma_wait3A_229] : memref<320000x128xf32, #tpu.memory_space<hbm>> -> memref<40x128xf32, #tpu.memory_space<hbm>>
      tpu.wait_dma2 semaphore(%arg17 : memref<!tpu.dma_semaphore, #tpu.memory_space<semaphore_mem>>) src(%dma_wait3A_230 : memref<40x128xf32, #tpu.memory_space<hbm>>) dst(%arg11 : memref<40x128xf32, #tpu.memory_space<vmem>>)
      %dma_start3A_231 = arith.constant 4 : i32
      %dma_start3A_232 = arith.constant 0 : i32
      %dma_start3A_233 = tpu.memref_slice %arg6[%dma_start3A_231, %dma_start3A_232] : memref<5x40xi32, #tpu.memory_space<vmem>> -> memref<1x40xi32, #tpu.memory_space<vmem>>
      %dma_start3A_234 = tpu.memref_squeeze %dma_start3A_233 : memref<1x40xi32, #tpu.memory_space<vmem>> -> memref<40xi32, #tpu.memory_space<vmem>>
      %dma_start3A_235 = arith.constant 0 : i32
      %dma_start3A_236 = arith.constant 0 : i32
      %dma_start3A_237 = tpu.memref_slice %arg12[%dma_start3A_235, %dma_start3A_236] : memref<10000x128xf32, #tpu.memory_space<vmem_shared>> -> memref<10000x128xf32, #tpu.memory_space<vmem_shared>>
      tpu.enqueue_indirect_dma source(%arg11 : memref<40x128xf32, #tpu.memory_space<vmem>>) target(%dma_start3A_237 : memref<10000x128xf32, #tpu.memory_space<vmem_shared>>) offsets(%dma_start3A_234 : memref<40xi32, #tpu.memory_space<vmem>>) semaphore(%arg22 : memref<!tpu.dma_semaphore, #tpu.memory_space<semaphore_mem>>) {add = true}
      %gt3A_238 = arith.constant 0 : i32
      %gt3A_239 = arith.cmpi sgt, %add3A_217, %gt3A_238 : i32
      %convert_element_type3A_240 = arith.extui %gt3A_239 : i1 to i32
      %cond3A_241 = arith.constant 0 : i32
      %cond3A_242 = arith.cmpi ne, %convert_element_type3A_240, %cond3A_241 : i32
      scf.if %cond3A_242 {
        %dma_wait3A_243 = arith.constant 3 : i32
        %dma_wait3A_244 = arith.constant 0 : i32
        %dma_wait3A_245 = tpu.memref_slice %arg6[%dma_wait3A_243, %dma_wait3A_244] : memref<5x40xi32, #tpu.memory_space<vmem>> -> memref<1x40xi32, #tpu.memory_space<vmem>>
        %dma_wait3A_246 = tpu.memref_squeeze %dma_wait3A_245 : memref<1x40xi32, #tpu.memory_space<vmem>> -> memref<40xi32, #tpu.memory_space<vmem>>
        %dma_wait3A_247 = arith.constant 0 : i32
        %dma_wait3A_248 = arith.constant 0 : i32
        %dma_wait3A_249 = tpu.memref_slice %arg12[%dma_wait3A_247, %dma_wait3A_248] : memref<10000x128xf32, #tpu.memory_space<vmem_shared>> -> memref<10000x128xf32, #tpu.memory_space<vmem_shared>>
        tpu.wait_indirect_dma semaphore(%arg21 : memref<!tpu.dma_semaphore, #tpu.memory_space<semaphore_mem>>) src(%arg10 : memref<40x128xf32, #tpu.memory_space<vmem>>) dst(%dma_wait3A_249 : memref<10000x128xf32, #tpu.memory_space<vmem_shared>>)
        %sub3A = arith.constant 1 : i32
        %sub3A_250 = arith.subi %add3A_217, %sub3A : i32
        %add3A_251 = arith.constant 5 : i32
        %add3A_252 = arith.addi %sub3A_250, %add3A_251 : i32
        %lt3A = arith.constant 250 : i32
        %lt3A_253 = arith.cmpi slt, %add3A_252, %lt3A : i32
        %convert_element_type3A_254 = arith.extui %lt3A_253 : i1 to i32
        %cond3A_255 = arith.constant 0 : i32
        %cond3A_256 = arith.cmpi ne, %convert_element_type3A_254, %cond3A_255 : i32
        scf.if %cond3A_256 {
          %sub3A_257 = arith.constant 1 : i32
          %sub3A_258 = arith.subi %add3A_217, %sub3A_257 : i32
          %add3A_259 = arith.constant 5 : i32
          %add3A_260 = arith.addi %sub3A_258, %add3A_259 : i32
          %mul3A_261 = arith.constant 40 : i32
          %mul3A_262 = arith.muli %add3A_260, %mul3A_261 : i32
          %add3A_263 = arith.addi %mul3A_2, %mul3A_262 : i32
          %dma_start3A_264 = arith.constant 3 : i32
          %dma_start3A_265 = arith.constant 0 : i32
          %dma_start3A_266 = tpu.memref_slice %arg6[%dma_start3A_264, %dma_start3A_265] : memref<5x40xi32, #tpu.memory_space<vmem>> -> memref<1x40xi32, #tpu.memory_space<vmem>>
          %dma_start3A_267 = tpu.memref_squeeze %dma_start3A_266 : memref<1x40xi32, #tpu.memory_space<vmem>> -> memref<40xi32, #tpu.memory_space<vmem>>
          %dma_start3A_268 = tpu.memref_slice %arg3[%add3A_263] : memref<320000xi32, #tpu.memory_space<hbm>> -> memref<40xi32, #tpu.memory_space<hbm>>
          %dma_start3A_269 = arith.constant 0 : i32
          %dma_start3A_270 = tpu.memref_slice %arg6[%dma_start3A_264, %dma_start3A_269] : memref<5x40xi32, #tpu.memory_space<vmem>> -> memref<1x40xi32, #tpu.memory_space<vmem>>
          %dma_start3A_271 = tpu.memref_squeeze %dma_start3A_270 : memref<1x40xi32, #tpu.memory_space<vmem>> -> memref<40xi32, #tpu.memory_space<vmem>>
          %dma_start3A_272 = tpu.memref_slice %arg3[%add3A_263] : memref<320000xi32, #tpu.memory_space<hbm>> -> memref<40xi32, #tpu.memory_space<hbm>>
          tpu.enqueue_dma source(%dma_start3A_272 : memref<40xi32, #tpu.memory_space<hbm>>) target(%dma_start3A_271 : memref<40xi32, #tpu.memory_space<vmem>>) target_semaphore(%arg16 : memref<!tpu.dma_semaphore, #tpu.memory_space<semaphore_mem>>)
          %dma_start3A_273 = arith.constant 0 : i32
          %dma_start3A_274 = tpu.memref_slice %arg2[%add3A_263, %dma_start3A_273] : memref<320000x128xf32, #tpu.memory_space<hbm>> -> memref<40x128xf32, #tpu.memory_space<hbm>>
          %dma_start3A_275 = arith.constant 0 : i32
          %dma_start3A_276 = tpu.memref_slice %arg2[%add3A_263, %dma_start3A_275] : memref<320000x128xf32, #tpu.memory_space<hbm>> -> memref<40x128xf32, #tpu.memory_space<hbm>>
          tpu.enqueue_dma source(%dma_start3A_276 : memref<40x128xf32, #tpu.memory_space<hbm>>) target(%arg10 : memref<40x128xf32, #tpu.memory_space<vmem>>) target_semaphore(%arg16 : memref<!tpu.dma_semaphore, #tpu.memory_space<semaphore_mem>>)
        } else {
        }
      } else {
      }
    }
    %scan3A_85 = arith.constant 50 : i32
    %dma_wait3A = arith.constant 4 : i32
    %dma_wait3A_86 = arith.constant 0 : i32
    %dma_wait3A_87 = tpu.memref_slice %arg6[%dma_wait3A, %dma_wait3A_86] : memref<5x40xi32, #tpu.memory_space<vmem>> -> memref<1x40xi32, #tpu.memory_space<vmem>>
    %dma_wait3A_88 = tpu.memref_squeeze %dma_wait3A_87 : memref<1x40xi32, #tpu.memory_space<vmem>> -> memref<40xi32, #tpu.memory_space<vmem>>
    %dma_wait3A_89 = arith.constant 0 : i32
    %dma_wait3A_90 = arith.constant 0 : i32
    %dma_wait3A_91 = tpu.memref_slice %arg12[%dma_wait3A_89, %dma_wait3A_90] : memref<10000x128xf32, #tpu.memory_space<vmem_shared>> -> memref<10000x128xf32, #tpu.memory_space<vmem_shared>>
    tpu.wait_indirect_dma semaphore(%arg22 : memref<!tpu.dma_semaphore, #tpu.memory_space<semaphore_mem>>) src(%arg11 : memref<40x128xf32, #tpu.memory_space<vmem>>) dst(%dma_wait3A_91 : memref<10000x128xf32, #tpu.memory_space<vmem_shared>>)
    %barrier3A_92 = arith.constant 0 : index
    tpu.barrier barrier_id(%barrier3A_92)
    "tpu.region"() ({
      %run_scoped3A = tpu.sem_alloc : memref<!tpu.dma_semaphore, #tpu.memory_space<semaphore_mem>>
      %dma_start3A_98 = arith.constant 0 : i32
      %dma_start3A_99 = tpu.memref_slice %arg5[%arg0, %mul3A_4, %dma_start3A_98] : memref<2x10000x128xf32, #tpu.memory_space<hbm>> -> memref<1x624x128xf32, #tpu.memory_space<hbm>>
      %dma_start3A_100 = tpu.memref_squeeze %dma_start3A_99 : memref<1x624x128xf32, #tpu.memory_space<hbm>> -> memref<624x128xf32, #tpu.memory_space<hbm>>
      %dma_start3A_101 = arith.constant 0 : i32
      %dma_start3A_102 = tpu.memref_slice %arg12[%mul3A_4, %dma_start3A_101] : memref<10000x128xf32, #tpu.memory_space<vmem_shared>> -> memref<624x128xf32, #tpu.memory_space<vmem_shared>>
      tpu.enqueue_dma source(%dma_start3A_102 : memref<624x128xf32, #tpu.memory_space<vmem_shared>>) target(%dma_start3A_100 : memref<624x128xf32, #tpu.memory_space<hbm>>) target_semaphore(%run_scoped3A : memref<!tpu.dma_semaphore, #tpu.memory_space<semaphore_mem>>)
      %dma_wait3A_103 = arith.constant 0 : i32
      %dma_wait3A_104 = tpu.memref_slice %arg5[%arg0, %mul3A_4, %dma_wait3A_103] : memref<2x10000x128xf32, #tpu.memory_space<hbm>> -> memref<1x624x128xf32, #tpu.memory_space<hbm>>
      %dma_wait3A_105 = tpu.memref_squeeze %dma_wait3A_104 : memref<1x624x128xf32, #tpu.memory_space<hbm>> -> memref<624x128xf32, #tpu.memory_space<hbm>>
      %dma_wait3A_106 = arith.constant 0 : i32
      %dma_wait3A_107 = tpu.memref_slice %arg12[%mul3A_4, %dma_wait3A_106] : memref<10000x128xf32, #tpu.memory_space<vmem_shared>> -> memref<624x128xf32, #tpu.memory_space<vmem_shared>>
      tpu.wait_dma2 semaphore(%run_scoped3A : memref<!tpu.dma_semaphore, #tpu.memory_space<semaphore_mem>>) src(%dma_wait3A_107 : memref<624x128xf32, #tpu.memory_space<vmem_shared>>) dst(%dma_wait3A_105 : memref<624x128xf32, #tpu.memory_space<hbm>>)
      tpu.yield
    }) : () -> ()
    %eq3A_93 = arith.constant 0 : i32
    %eq3A_94 = arith.cmpi eq, %arg1, %eq3A_93 : i32
    %convert_element_type3A_95 = arith.extui %eq3A_94 : i1 to i32
    %cond3A_96 = arith.constant 0 : i32
    %cond3A_97 = arith.cmpi ne, %convert_element_type3A_95, %cond3A_96 : i32
    scf.if %cond3A_97 {
      "tpu.region"() ({
        %run_scoped3A = tpu.sem_alloc : memref<!tpu.dma_semaphore, #tpu.memory_space<semaphore_mem>>
        %dma_start3A_98 = arith.constant 9984 : i32
        %dma_start3A_99 = arith.constant 0 : i32
        %dma_start3A_100 = tpu.memref_slice %arg5[%arg0, %dma_start3A_98, %dma_start3A_99] : memref<2x10000x128xf32, #tpu.memory_space<hbm>> -> memref<1x16x128xf32, #tpu.memory_space<hbm>>
        %dma_start3A_101 = tpu.memref_squeeze %dma_start3A_100 : memref<1x16x128xf32, #tpu.memory_space<hbm>> -> memref<16x128xf32, #tpu.memory_space<hbm>>
        %dma_start3A_102 = arith.constant 9984 : i32
        %dma_start3A_103 = arith.constant 0 : i32
        %dma_start3A_104 = tpu.memref_slice %arg12[%dma_start3A_102, %dma_start3A_103] : memref<10000x128xf32, #tpu.memory_space<vmem_shared>> -> memref<16x128xf32, #tpu.memory_space<vmem_shared>>
        tpu.enqueue_dma source(%dma_start3A_104 : memref<16x128xf32, #tpu.memory_space<vmem_shared>>) target(%dma_start3A_101 : memref<16x128xf32, #tpu.memory_space<hbm>>) target_semaphore(%run_scoped3A : memref<!tpu.dma_semaphore, #tpu.memory_space<semaphore_mem>>)
        %dma_wait3A_105 = arith.constant 9984 : i32
        %dma_wait3A_106 = arith.constant 0 : i32
        %dma_wait3A_107 = tpu.memref_slice %arg5[%arg0, %dma_wait3A_105, %dma_wait3A_106] : memref<2x10000x128xf32, #tpu.memory_space<hbm>> -> memref<1x16x128xf32, #tpu.memory_space<hbm>>
        %dma_wait3A_108 = tpu.memref_squeeze %dma_wait3A_107 : memref<1x16x128xf32, #tpu.memory_space<hbm>> -> memref<16x128xf32, #tpu.memory_space<hbm>>
        %dma_wait3A_109 = arith.constant 9984 : i32
        %dma_wait3A_110 = arith.constant 0 : i32
        %dma_wait3A_111 = tpu.memref_slice %arg12[%dma_wait3A_109, %dma_wait3A_110] : memref<10000x128xf32, #tpu.memory_space<vmem_shared>> -> memref<16x128xf32, #tpu.memory_space<vmem_shared>>
        tpu.wait_dma2 semaphore(%run_scoped3A : memref<!tpu.dma_semaphore, #tpu.memory_space<semaphore_mem>>) src(%dma_wait3A_111 : memref<16x128xf32, #tpu.memory_space<vmem_shared>>) dst(%dma_wait3A_108 : memref<16x128xf32, #tpu.memory_space<hbm>>)
        tpu.yield
      }) : () -> ()
    } else {
    }
    return
  }
}

#map = affine_map<(d0, d1) -> (0, 0)>
#map1 = affine_map<(d0, d1) -> (0)>
module attributes {stable_mosaic.version = 14 : i64} {
  func.func @gather_k(%arg0: i32, %arg1: i32, %arg2: memref<10000x128xf32, #tpu.memory_space<hbm>>, %arg3: memref<10000x128xf32, #tpu.memory_space<hbm>>, %arg4: memref<320000xi32, #tpu.memory_space<hbm>>, %arg5: memref<320000xi32, #tpu.memory_space<hbm>>, %arg6: memref<320000x128xf32, #tpu.memory_space<hbm>>, %arg7: memref<5x80xi32, #tpu.memory_space<vmem>>, %arg8: memref<5x80xi32, #tpu.memory_space<vmem>>, %arg9: memref<80x128xf32, #tpu.memory_space<vmem>>, %arg10: memref<80x128xf32, #tpu.memory_space<vmem>>, %arg11: memref<80x128xf32, #tpu.memory_space<vmem>>, %arg12: memref<80x128xf32, #tpu.memory_space<vmem>>, %arg13: memref<80x128xf32, #tpu.memory_space<vmem>>, %arg14: memref<80x128xf32, #tpu.memory_space<vmem>>, %arg15: memref<80x128xf32, #tpu.memory_space<vmem>>, %arg16: memref<80x128xf32, #tpu.memory_space<vmem>>, %arg17: memref<80x128xf32, #tpu.memory_space<vmem>>, %arg18: memref<80x128xf32, #tpu.memory_space<vmem>>, %arg19: memref<!tpu.dma_semaphore, #tpu.memory_space<semaphore_mem>>, %arg20: memref<!tpu.dma_semaphore, #tpu.memory_space<semaphore_mem>>, %arg21: memref<!tpu.dma_semaphore, #tpu.memory_space<semaphore_mem>>, %arg22: memref<!tpu.dma_semaphore, #tpu.memory_space<semaphore_mem>>, %arg23: memref<!tpu.dma_semaphore, #tpu.memory_space<semaphore_mem>>, %arg24: memref<!tpu.dma_semaphore, #tpu.memory_space<semaphore_mem>>, %arg25: memref<!tpu.dma_semaphore, #tpu.memory_space<semaphore_mem>>, %arg26: memref<!tpu.dma_semaphore, #tpu.memory_space<semaphore_mem>>, %arg27: memref<!tpu.dma_semaphore, #tpu.memory_space<semaphore_mem>>, %arg28: memref<!tpu.dma_semaphore, #tpu.memory_space<semaphore_mem>>, %arg29: memref<!tpu.dma_semaphore, #tpu.memory_space<semaphore_mem>>, %arg30: memref<!tpu.dma_semaphore, #tpu.memory_space<semaphore_mem>>, %arg31: memref<!tpu.dma_semaphore, #tpu.memory_space<semaphore_mem>>, %arg32: memref<!tpu.dma_semaphore, #tpu.memory_space<semaphore_mem>>, %arg33: memref<!tpu.dma_semaphore, #tpu.memory_space<semaphore_mem>>, %arg34: memref<!tpu.dma_semaphore, #tpu.memory_space<semaphore_mem>>, %arg35: memref<!tpu.dma_semaphore, #tpu.memory_space<semaphore_mem>>, %arg36: memref<!tpu.dma_semaphore, #tpu.memory_space<semaphore_mem>>, %arg37: memref<!tpu.dma_semaphore, #tpu.memory_space<semaphore_mem>>, %arg38: memref<!tpu.dma_semaphore, #tpu.memory_space<semaphore_mem>>) attributes {dimension_semantics = [#tpu.dimension_semantics<core_parallel>, #tpu.dimension_semantics<subcore_parallel>], iteration_bounds = array<i64: 2, 16>, scalar_prefetch = 0 : i64, scratch_operands = 32 : i64, tpu.core_type = #tpu.core_type<sc_vector_subcore>, window_params = [{transform_indices = #map}, {transform_indices = #map}, {transform_indices = #map1}, {transform_indices = #map1}, {transform_indices = #map}]} {
    %mul3A = arith.constant 2 : i32
    %mul3A_0 = arith.muli %arg1, %mul3A : i32
    %add3A = arith.addi %mul3A_0, %arg0 : i32
    %mul3A_1 = arith.constant 10000 : i32
    %mul3A_2 = arith.muli %add3A, %mul3A_1 : i32
    %add3A_3 = arith.constant 0 : i32
    %add3A_4 = arith.addi %mul3A_2, %add3A_3 : i32
    %dma_start3A = arith.constant 0 : i32
    %dma_start3A_5 = arith.constant 0 : i32
    %dma_start3A_6 = tpu.memref_slice %arg7[%dma_start3A, %dma_start3A_5] : memref<5x80xi32, #tpu.memory_space<vmem>> -> memref<1x80xi32, #tpu.memory_space<vmem>>
    %dma_start3A_7 = tpu.memref_squeeze %dma_start3A_6 : memref<1x80xi32, #tpu.memory_space<vmem>> -> memref<80xi32, #tpu.memory_space<vmem>>
    %dma_start3A_8 = tpu.memref_slice %arg4[%add3A_4] : memref<320000xi32, #tpu.memory_space<hbm>> -> memref<80xi32, #tpu.memory_space<hbm>>
    %dma_start3A_9 = arith.constant 0 : i32
    %dma_start3A_10 = tpu.memref_slice %arg7[%dma_start3A, %dma_start3A_9] : memref<5x80xi32, #tpu.memory_space<vmem>> -> memref<1x80xi32, #tpu.memory_space<vmem>>
    %dma_start3A_11 = tpu.memref_squeeze %dma_start3A_10 : memref<1x80xi32, #tpu.memory_space<vmem>> -> memref<80xi32, #tpu.memory_space<vmem>>
    %dma_start3A_12 = tpu.memref_slice %arg4[%add3A_4] : memref<320000xi32, #tpu.memory_space<hbm>> -> memref<80xi32, #tpu.memory_space<hbm>>
    tpu.enqueue_dma source(%dma_start3A_12 : memref<80xi32, #tpu.memory_space<hbm>>) target(%dma_start3A_11 : memref<80xi32, #tpu.memory_space<vmem>>) target_semaphore(%arg19 : memref<!tpu.dma_semaphore, #tpu.memory_space<semaphore_mem>>)
    %dma_start3A_13 = arith.constant 0 : i32
    %dma_start3A_14 = arith.constant 0 : i32
    %dma_start3A_15 = tpu.memref_slice %arg8[%dma_start3A_13, %dma_start3A_14] : memref<5x80xi32, #tpu.memory_space<vmem>> -> memref<1x80xi32, #tpu.memory_space<vmem>>
    %dma_start3A_16 = tpu.memref_squeeze %dma_start3A_15 : memref<1x80xi32, #tpu.memory_space<vmem>> -> memref<80xi32, #tpu.memory_space<vmem>>
    %dma_start3A_17 = tpu.memref_slice %arg5[%add3A_4] : memref<320000xi32, #tpu.memory_space<hbm>> -> memref<80xi32, #tpu.memory_space<hbm>>
    %dma_start3A_18 = arith.constant 0 : i32
    %dma_start3A_19 = tpu.memref_slice %arg8[%dma_start3A_13, %dma_start3A_18] : memref<5x80xi32, #tpu.memory_space<vmem>> -> memref<1x80xi32, #tpu.memory_space<vmem>>
    %dma_start3A_20 = tpu.memref_squeeze %dma_start3A_19 : memref<1x80xi32, #tpu.memory_space<vmem>> -> memref<80xi32, #tpu.memory_space<vmem>>
    %dma_start3A_21 = tpu.memref_slice %arg5[%add3A_4] : memref<320000xi32, #tpu.memory_space<hbm>> -> memref<80xi32, #tpu.memory_space<hbm>>
    tpu.enqueue_dma source(%dma_start3A_21 : memref<80xi32, #tpu.memory_space<hbm>>) target(%dma_start3A_20 : memref<80xi32, #tpu.memory_space<vmem>>) target_semaphore(%arg19 : memref<!tpu.dma_semaphore, #tpu.memory_space<semaphore_mem>>)
    %add3A_22 = arith.constant 80 : i32
    %add3A_23 = arith.addi %mul3A_2, %add3A_22 : i32
    %dma_start3A_24 = arith.constant 1 : i32
    %dma_start3A_25 = arith.constant 0 : i32
    %dma_start3A_26 = tpu.memref_slice %arg7[%dma_start3A_24, %dma_start3A_25] : memref<5x80xi32, #tpu.memory_space<vmem>> -> memref<1x80xi32, #tpu.memory_space<vmem>>
    %dma_start3A_27 = tpu.memref_squeeze %dma_start3A_26 : memref<1x80xi32, #tpu.memory_space<vmem>> -> memref<80xi32, #tpu.memory_space<vmem>>
    %dma_start3A_28 = tpu.memref_slice %arg4[%add3A_23] : memref<320000xi32, #tpu.memory_space<hbm>> -> memref<80xi32, #tpu.memory_space<hbm>>
    %dma_start3A_29 = arith.constant 0 : i32
    %dma_start3A_30 = tpu.memref_slice %arg7[%dma_start3A_24, %dma_start3A_29] : memref<5x80xi32, #tpu.memory_space<vmem>> -> memref<1x80xi32, #tpu.memory_space<vmem>>
    %dma_start3A_31 = tpu.memref_squeeze %dma_start3A_30 : memref<1x80xi32, #tpu.memory_space<vmem>> -> memref<80xi32, #tpu.memory_space<vmem>>
    %dma_start3A_32 = tpu.memref_slice %arg4[%add3A_23] : memref<320000xi32, #tpu.memory_space<hbm>> -> memref<80xi32, #tpu.memory_space<hbm>>
    tpu.enqueue_dma source(%dma_start3A_32 : memref<80xi32, #tpu.memory_space<hbm>>) target(%dma_start3A_31 : memref<80xi32, #tpu.memory_space<vmem>>) target_semaphore(%arg20 : memref<!tpu.dma_semaphore, #tpu.memory_space<semaphore_mem>>)
    %dma_start3A_33 = arith.constant 1 : i32
    %dma_start3A_34 = arith.constant 0 : i32
    %dma_start3A_35 = tpu.memref_slice %arg8[%dma_start3A_33, %dma_start3A_34] : memref<5x80xi32, #tpu.memory_space<vmem>> -> memref<1x80xi32, #tpu.memory_space<vmem>>
    %dma_start3A_36 = tpu.memref_squeeze %dma_start3A_35 : memref<1x80xi32, #tpu.memory_space<vmem>> -> memref<80xi32, #tpu.memory_space<vmem>>
    %dma_start3A_37 = tpu.memref_slice %arg5[%add3A_23] : memref<320000xi32, #tpu.memory_space<hbm>> -> memref<80xi32, #tpu.memory_space<hbm>>
    %dma_start3A_38 = arith.constant 0 : i32
    %dma_start3A_39 = tpu.memref_slice %arg8[%dma_start3A_33, %dma_start3A_38] : memref<5x80xi32, #tpu.memory_space<vmem>> -> memref<1x80xi32, #tpu.memory_space<vmem>>
    %dma_start3A_40 = tpu.memref_squeeze %dma_start3A_39 : memref<1x80xi32, #tpu.memory_space<vmem>> -> memref<80xi32, #tpu.memory_space<vmem>>
    %dma_start3A_41 = tpu.memref_slice %arg5[%add3A_23] : memref<320000xi32, #tpu.memory_space<hbm>> -> memref<80xi32, #tpu.memory_space<hbm>>
    tpu.enqueue_dma source(%dma_start3A_41 : memref<80xi32, #tpu.memory_space<hbm>>) target(%dma_start3A_40 : memref<80xi32, #tpu.memory_space<vmem>>) target_semaphore(%arg20 : memref<!tpu.dma_semaphore, #tpu.memory_space<semaphore_mem>>)
    %add3A_42 = arith.constant 160 : i32
    %add3A_43 = arith.addi %mul3A_2, %add3A_42 : i32
    %dma_start3A_44 = arith.constant 2 : i32
    %dma_start3A_45 = arith.constant 0 : i32
    %dma_start3A_46 = tpu.memref_slice %arg7[%dma_start3A_44, %dma_start3A_45] : memref<5x80xi32, #tpu.memory_space<vmem>> -> memref<1x80xi32, #tpu.memory_space<vmem>>
    %dma_start3A_47 = tpu.memref_squeeze %dma_start3A_46 : memref<1x80xi32, #tpu.memory_space<vmem>> -> memref<80xi32, #tpu.memory_space<vmem>>
    %dma_start3A_48 = tpu.memref_slice %arg4[%add3A_43] : memref<320000xi32, #tpu.memory_space<hbm>> -> memref<80xi32, #tpu.memory_space<hbm>>
    %dma_start3A_49 = arith.constant 0 : i32
    %dma_start3A_50 = tpu.memref_slice %arg7[%dma_start3A_44, %dma_start3A_49] : memref<5x80xi32, #tpu.memory_space<vmem>> -> memref<1x80xi32, #tpu.memory_space<vmem>>
    %dma_start3A_51 = tpu.memref_squeeze %dma_start3A_50 : memref<1x80xi32, #tpu.memory_space<vmem>> -> memref<80xi32, #tpu.memory_space<vmem>>
    %dma_start3A_52 = tpu.memref_slice %arg4[%add3A_43] : memref<320000xi32, #tpu.memory_space<hbm>> -> memref<80xi32, #tpu.memory_space<hbm>>
    tpu.enqueue_dma source(%dma_start3A_52 : memref<80xi32, #tpu.memory_space<hbm>>) target(%dma_start3A_51 : memref<80xi32, #tpu.memory_space<vmem>>) target_semaphore(%arg21 : memref<!tpu.dma_semaphore, #tpu.memory_space<semaphore_mem>>)
    %dma_start3A_53 = arith.constant 2 : i32
    %dma_start3A_54 = arith.constant 0 : i32
    %dma_start3A_55 = tpu.memref_slice %arg8[%dma_start3A_53, %dma_start3A_54] : memref<5x80xi32, #tpu.memory_space<vmem>> -> memref<1x80xi32, #tpu.memory_space<vmem>>
    %dma_start3A_56 = tpu.memref_squeeze %dma_start3A_55 : memref<1x80xi32, #tpu.memory_space<vmem>> -> memref<80xi32, #tpu.memory_space<vmem>>
    %dma_start3A_57 = tpu.memref_slice %arg5[%add3A_43] : memref<320000xi32, #tpu.memory_space<hbm>> -> memref<80xi32, #tpu.memory_space<hbm>>
    %dma_start3A_58 = arith.constant 0 : i32
    %dma_start3A_59 = tpu.memref_slice %arg8[%dma_start3A_53, %dma_start3A_58] : memref<5x80xi32, #tpu.memory_space<vmem>> -> memref<1x80xi32, #tpu.memory_space<vmem>>
    %dma_start3A_60 = tpu.memref_squeeze %dma_start3A_59 : memref<1x80xi32, #tpu.memory_space<vmem>> -> memref<80xi32, #tpu.memory_space<vmem>>
    %dma_start3A_61 = tpu.memref_slice %arg5[%add3A_43] : memref<320000xi32, #tpu.memory_space<hbm>> -> memref<80xi32, #tpu.memory_space<hbm>>
    tpu.enqueue_dma source(%dma_start3A_61 : memref<80xi32, #tpu.memory_space<hbm>>) target(%dma_start3A_60 : memref<80xi32, #tpu.memory_space<vmem>>) target_semaphore(%arg21 : memref<!tpu.dma_semaphore, #tpu.memory_space<semaphore_mem>>)
    %add3A_62 = arith.constant 240 : i32
    %add3A_63 = arith.addi %mul3A_2, %add3A_62 : i32
    %dma_start3A_64 = arith.constant 3 : i32
    %dma_start3A_65 = arith.constant 0 : i32
    %dma_start3A_66 = tpu.memref_slice %arg7[%dma_start3A_64, %dma_start3A_65] : memref<5x80xi32, #tpu.memory_space<vmem>> -> memref<1x80xi32, #tpu.memory_space<vmem>>
    %dma_start3A_67 = tpu.memref_squeeze %dma_start3A_66 : memref<1x80xi32, #tpu.memory_space<vmem>> -> memref<80xi32, #tpu.memory_space<vmem>>
    %dma_start3A_68 = tpu.memref_slice %arg4[%add3A_63] : memref<320000xi32, #tpu.memory_space<hbm>> -> memref<80xi32, #tpu.memory_space<hbm>>
    %dma_start3A_69 = arith.constant 0 : i32
    %dma_start3A_70 = tpu.memref_slice %arg7[%dma_start3A_64, %dma_start3A_69] : memref<5x80xi32, #tpu.memory_space<vmem>> -> memref<1x80xi32, #tpu.memory_space<vmem>>
    %dma_start3A_71 = tpu.memref_squeeze %dma_start3A_70 : memref<1x80xi32, #tpu.memory_space<vmem>> -> memref<80xi32, #tpu.memory_space<vmem>>
    %dma_start3A_72 = tpu.memref_slice %arg4[%add3A_63] : memref<320000xi32, #tpu.memory_space<hbm>> -> memref<80xi32, #tpu.memory_space<hbm>>
    tpu.enqueue_dma source(%dma_start3A_72 : memref<80xi32, #tpu.memory_space<hbm>>) target(%dma_start3A_71 : memref<80xi32, #tpu.memory_space<vmem>>) target_semaphore(%arg22 : memref<!tpu.dma_semaphore, #tpu.memory_space<semaphore_mem>>)
    %dma_start3A_73 = arith.constant 3 : i32
    %dma_start3A_74 = arith.constant 0 : i32
    %dma_start3A_75 = tpu.memref_slice %arg8[%dma_start3A_73, %dma_start3A_74] : memref<5x80xi32, #tpu.memory_space<vmem>> -> memref<1x80xi32, #tpu.memory_space<vmem>>
    %dma_start3A_76 = tpu.memref_squeeze %dma_start3A_75 : memref<1x80xi32, #tpu.memory_space<vmem>> -> memref<80xi32, #tpu.memory_space<vmem>>
    %dma_start3A_77 = tpu.memref_slice %arg5[%add3A_63] : memref<320000xi32, #tpu.memory_space<hbm>> -> memref<80xi32, #tpu.memory_space<hbm>>
    %dma_start3A_78 = arith.constant 0 : i32
    %dma_start3A_79 = tpu.memref_slice %arg8[%dma_start3A_73, %dma_start3A_78] : memref<5x80xi32, #tpu.memory_space<vmem>> -> memref<1x80xi32, #tpu.memory_space<vmem>>
    %dma_start3A_80 = tpu.memref_squeeze %dma_start3A_79 : memref<1x80xi32, #tpu.memory_space<vmem>> -> memref<80xi32, #tpu.memory_space<vmem>>
    %dma_start3A_81 = tpu.memref_slice %arg5[%add3A_63] : memref<320000xi32, #tpu.memory_space<hbm>> -> memref<80xi32, #tpu.memory_space<hbm>>
    tpu.enqueue_dma source(%dma_start3A_81 : memref<80xi32, #tpu.memory_space<hbm>>) target(%dma_start3A_80 : memref<80xi32, #tpu.memory_space<vmem>>) target_semaphore(%arg22 : memref<!tpu.dma_semaphore, #tpu.memory_space<semaphore_mem>>)
    %add3A_82 = arith.constant 320 : i32
    %add3A_83 = arith.addi %mul3A_2, %add3A_82 : i32
    %dma_start3A_84 = arith.constant 4 : i32
    %dma_start3A_85 = arith.constant 0 : i32
    %dma_start3A_86 = tpu.memref_slice %arg7[%dma_start3A_84, %dma_start3A_85] : memref<5x80xi32, #tpu.memory_space<vmem>> -> memref<1x80xi32, #tpu.memory_space<vmem>>
    %dma_start3A_87 = tpu.memref_squeeze %dma_start3A_86 : memref<1x80xi32, #tpu.memory_space<vmem>> -> memref<80xi32, #tpu.memory_space<vmem>>
    %dma_start3A_88 = tpu.memref_slice %arg4[%add3A_83] : memref<320000xi32, #tpu.memory_space<hbm>> -> memref<80xi32, #tpu.memory_space<hbm>>
    %dma_start3A_89 = arith.constant 0 : i32
    %dma_start3A_90 = tpu.memref_slice %arg7[%dma_start3A_84, %dma_start3A_89] : memref<5x80xi32, #tpu.memory_space<vmem>> -> memref<1x80xi32, #tpu.memory_space<vmem>>
    %dma_start3A_91 = tpu.memref_squeeze %dma_start3A_90 : memref<1x80xi32, #tpu.memory_space<vmem>> -> memref<80xi32, #tpu.memory_space<vmem>>
    %dma_start3A_92 = tpu.memref_slice %arg4[%add3A_83] : memref<320000xi32, #tpu.memory_space<hbm>> -> memref<80xi32, #tpu.memory_space<hbm>>
    tpu.enqueue_dma source(%dma_start3A_92 : memref<80xi32, #tpu.memory_space<hbm>>) target(%dma_start3A_91 : memref<80xi32, #tpu.memory_space<vmem>>) target_semaphore(%arg23 : memref<!tpu.dma_semaphore, #tpu.memory_space<semaphore_mem>>)
    %dma_start3A_93 = arith.constant 4 : i32
    %dma_start3A_94 = arith.constant 0 : i32
    %dma_start3A_95 = tpu.memref_slice %arg8[%dma_start3A_93, %dma_start3A_94] : memref<5x80xi32, #tpu.memory_space<vmem>> -> memref<1x80xi32, #tpu.memory_space<vmem>>
    %dma_start3A_96 = tpu.memref_squeeze %dma_start3A_95 : memref<1x80xi32, #tpu.memory_space<vmem>> -> memref<80xi32, #tpu.memory_space<vmem>>
    %dma_start3A_97 = tpu.memref_slice %arg5[%add3A_83] : memref<320000xi32, #tpu.memory_space<hbm>> -> memref<80xi32, #tpu.memory_space<hbm>>
    %dma_start3A_98 = arith.constant 0 : i32
    %dma_start3A_99 = tpu.memref_slice %arg8[%dma_start3A_93, %dma_start3A_98] : memref<5x80xi32, #tpu.memory_space<vmem>> -> memref<1x80xi32, #tpu.memory_space<vmem>>
    %dma_start3A_100 = tpu.memref_squeeze %dma_start3A_99 : memref<1x80xi32, #tpu.memory_space<vmem>> -> memref<80xi32, #tpu.memory_space<vmem>>
    %dma_start3A_101 = tpu.memref_slice %arg5[%add3A_83] : memref<320000xi32, #tpu.memory_space<hbm>> -> memref<80xi32, #tpu.memory_space<hbm>>
    tpu.enqueue_dma source(%dma_start3A_101 : memref<80xi32, #tpu.memory_space<hbm>>) target(%dma_start3A_100 : memref<80xi32, #tpu.memory_space<vmem>>) target_semaphore(%arg23 : memref<!tpu.dma_semaphore, #tpu.memory_space<semaphore_mem>>)
    %scan3A = arith.constant 0 : i32
    %scan3A_102 = arith.constant 0 : i32
    %scan3A_103 = arith.constant 25 : i32
    %scan3A_104 = arith.addi %scan3A_102, %scan3A_103 : i32
    %scan3A_105 = arith.constant 1 : i32
    scf.for %scan3A_152 = %scan3A_102 to %scan3A_104 step %scan3A_105  : i32 {
      %mul3A_153 = arith.constant 5 : i32
      %mul3A_154 = arith.muli %scan3A_152, %mul3A_153 : i32
      %add3A_155 = arith.constant 0 : i32
      %add3A_156 = arith.addi %mul3A_154, %add3A_155 : i32
      %gt3A = arith.constant 0 : i32
      %gt3A_157 = arith.cmpi sgt, %scan3A_152, %gt3A : i32
      %convert_element_type3A = arith.extui %gt3A_157 : i1 to i32
      %cond3A = arith.constant 0 : i32
      %cond3A_158 = arith.cmpi ne, %convert_element_type3A, %cond3A : i32
      scf.if %cond3A_158 {
        %dma_wait3A_380 = arith.constant 0 : i32
        %dma_wait3A_381 = tpu.memref_slice %arg6[%mul3A_2, %dma_wait3A_380] : memref<320000x128xf32, #tpu.memory_space<hbm>> -> memref<80x128xf32, #tpu.memory_space<hbm>>
        %dma_wait3A_382 = arith.constant 0 : i32
        %dma_wait3A_383 = tpu.memref_slice %arg6[%mul3A_2, %dma_wait3A_382] : memref<320000x128xf32, #tpu.memory_space<hbm>> -> memref<80x128xf32, #tpu.memory_space<hbm>>
        tpu.wait_dma2 semaphore(%arg34 : memref<!tpu.dma_semaphore, #tpu.memory_space<semaphore_mem>>) src(%arg9 : memref<80x128xf32, #tpu.memory_space<vmem>>) dst(%dma_wait3A_383 : memref<80x128xf32, #tpu.memory_space<hbm>>)
      } else {
      }
      %dma_wait3A_159 = arith.constant 0 : i32
      %dma_wait3A_160 = arith.constant 0 : i32
      %dma_wait3A_161 = tpu.memref_slice %arg7[%dma_wait3A_159, %dma_wait3A_160] : memref<5x80xi32, #tpu.memory_space<vmem>> -> memref<1x80xi32, #tpu.memory_space<vmem>>
      %dma_wait3A_162 = tpu.memref_squeeze %dma_wait3A_161 : memref<1x80xi32, #tpu.memory_space<vmem>> -> memref<80xi32, #tpu.memory_space<vmem>>
      %dma_wait3A_163 = tpu.memref_slice %arg4[%mul3A_2] : memref<320000xi32, #tpu.memory_space<hbm>> -> memref<80xi32, #tpu.memory_space<hbm>>
      %dma_wait3A_164 = arith.constant 0 : i32
      %dma_wait3A_165 = tpu.memref_slice %arg7[%dma_wait3A_159, %dma_wait3A_164] : memref<5x80xi32, #tpu.memory_space<vmem>> -> memref<1x80xi32, #tpu.memory_space<vmem>>
      %dma_wait3A_166 = tpu.memref_squeeze %dma_wait3A_165 : memref<1x80xi32, #tpu.memory_space<vmem>> -> memref<80xi32, #tpu.memory_space<vmem>>
      %dma_wait3A_167 = tpu.memref_slice %arg4[%mul3A_2] : memref<320000xi32, #tpu.memory_space<hbm>> -> memref<80xi32, #tpu.memory_space<hbm>>
      tpu.wait_dma2 semaphore(%arg19 : memref<!tpu.dma_semaphore, #tpu.memory_space<semaphore_mem>>) src(%dma_wait3A_167 : memref<80xi32, #tpu.memory_space<hbm>>) dst(%dma_wait3A_166 : memref<80xi32, #tpu.memory_space<vmem>>)
      %dma_wait3A_168 = arith.constant 0 : i32
      %dma_wait3A_169 = arith.constant 0 : i32
      %dma_wait3A_170 = tpu.memref_slice %arg8[%dma_wait3A_168, %dma_wait3A_169] : memref<5x80xi32, #tpu.memory_space<vmem>> -> memref<1x80xi32, #tpu.memory_space<vmem>>
      %dma_wait3A_171 = tpu.memref_squeeze %dma_wait3A_170 : memref<1x80xi32, #tpu.memory_space<vmem>> -> memref<80xi32, #tpu.memory_space<vmem>>
      %dma_wait3A_172 = tpu.memref_slice %arg5[%mul3A_2] : memref<320000xi32, #tpu.memory_space<hbm>> -> memref<80xi32, #tpu.memory_space<hbm>>
      %dma_wait3A_173 = arith.constant 0 : i32
      %dma_wait3A_174 = tpu.memref_slice %arg8[%dma_wait3A_168, %dma_wait3A_173] : memref<5x80xi32, #tpu.memory_space<vmem>> -> memref<1x80xi32, #tpu.memory_space<vmem>>
      %dma_wait3A_175 = tpu.memref_squeeze %dma_wait3A_174 : memref<1x80xi32, #tpu.memory_space<vmem>> -> memref<80xi32, #tpu.memory_space<vmem>>
      %dma_wait3A_176 = tpu.memref_slice %arg5[%mul3A_2] : memref<320000xi32, #tpu.memory_space<hbm>> -> memref<80xi32, #tpu.memory_space<hbm>>
      tpu.wait_dma2 semaphore(%arg19 : memref<!tpu.dma_semaphore, #tpu.memory_space<semaphore_mem>>) src(%dma_wait3A_176 : memref<80xi32, #tpu.memory_space<hbm>>) dst(%dma_wait3A_175 : memref<80xi32, #tpu.memory_space<vmem>>)
      %dma_start3A_177 = arith.constant 0 : i32
      %dma_start3A_178 = arith.constant 0 : i32
      %dma_start3A_179 = tpu.memref_slice %arg7[%dma_start3A_177, %dma_start3A_178] : memref<5x80xi32, #tpu.memory_space<vmem>> -> memref<1x80xi32, #tpu.memory_space<vmem>>
      %dma_start3A_180 = tpu.memref_squeeze %dma_start3A_179 : memref<1x80xi32, #tpu.memory_space<vmem>> -> memref<80xi32, #tpu.memory_space<vmem>>
      %dma_start3A_181 = arith.constant 0 : i32
      %dma_start3A_182 = arith.constant 0 : i32
      %dma_start3A_183 = tpu.memref_slice %arg2[%dma_start3A_181, %dma_start3A_182] : memref<10000x128xf32, #tpu.memory_space<hbm>> -> memref<10000x128xf32, #tpu.memory_space<hbm>>
      tpu.enqueue_indirect_dma source(%dma_start3A_183 : memref<10000x128xf32, #tpu.memory_space<hbm>>) target(%arg9 : memref<80x128xf32, #tpu.memory_space<vmem>>) offsets(%dma_start3A_180 : memref<80xi32, #tpu.memory_space<vmem>>) semaphore(%arg24 : memref<!tpu.dma_semaphore, #tpu.memory_space<semaphore_mem>>)
      %dma_start3A_184 = arith.constant 0 : i32
      %dma_start3A_185 = arith.constant 0 : i32
      %dma_start3A_186 = tpu.memref_slice %arg8[%dma_start3A_184, %dma_start3A_185] : memref<5x80xi32, #tpu.memory_space<vmem>> -> memref<1x80xi32, #tpu.memory_space<vmem>>
      %dma_start3A_187 = tpu.memref_squeeze %dma_start3A_186 : memref<1x80xi32, #tpu.memory_space<vmem>> -> memref<80xi32, #tpu.memory_space<vmem>>
      %dma_start3A_188 = arith.constant 0 : i32
      %dma_start3A_189 = arith.constant 0 : i32
      %dma_start3A_190 = tpu.memref_slice %arg3[%dma_start3A_188, %dma_start3A_189] : memref<10000x128xf32, #tpu.memory_space<hbm>> -> memref<10000x128xf32, #tpu.memory_space<hbm>>
      tpu.enqueue_indirect_dma source(%dma_start3A_190 : memref<10000x128xf32, #tpu.memory_space<hbm>>) target(%arg14 : memref<80x128xf32, #tpu.memory_space<vmem>>) offsets(%dma_start3A_187 : memref<80xi32, #tpu.memory_space<vmem>>) semaphore(%arg29 : memref<!tpu.dma_semaphore, #tpu.memory_space<semaphore_mem>>)
      %gt3A_191 = arith.constant 0 : i32
      %gt3A_192 = arith.cmpi sgt, %add3A_156, %gt3A_191 : i32
      %convert_element_type3A_193 = arith.extui %gt3A_192 : i1 to i32
      %cond3A_194 = arith.constant 0 : i32
      %cond3A_195 = arith.cmpi ne, %convert_element_type3A_193, %cond3A_194 : i32
      scf.if %cond3A_195 {
        %sub3A = arith.constant 1 : i32
        %sub3A_380 = arith.subi %add3A_156, %sub3A : i32
        %dma_wait3A_381 = arith.constant 4 : i32
        %dma_wait3A_382 = arith.constant 0 : i32
        %dma_wait3A_383 = tpu.memref_slice %arg7[%dma_wait3A_381, %dma_wait3A_382] : memref<5x80xi32, #tpu.memory_space<vmem>> -> memref<1x80xi32, #tpu.memory_space<vmem>>
        %dma_wait3A_384 = tpu.memref_squeeze %dma_wait3A_383 : memref<1x80xi32, #tpu.memory_space<vmem>> -> memref<80xi32, #tpu.memory_space<vmem>>
        %dma_wait3A_385 = arith.constant 0 : i32
        %dma_wait3A_386 = arith.constant 0 : i32
        %dma_wait3A_387 = tpu.memref_slice %arg2[%dma_wait3A_385, %dma_wait3A_386] : memref<10000x128xf32, #tpu.memory_space<hbm>> -> memref<10000x128xf32, #tpu.memory_space<hbm>>
        tpu.wait_indirect_dma semaphore(%arg28 : memref<!tpu.dma_semaphore, #tpu.memory_space<semaphore_mem>>) src(%dma_wait3A_387 : memref<10000x128xf32, #tpu.memory_space<hbm>>) dst(%arg13 : memref<80x128xf32, #tpu.memory_space<vmem>>)
        %dma_wait3A_388 = arith.constant 4 : i32
        %dma_wait3A_389 = arith.constant 0 : i32
        %dma_wait3A_390 = tpu.memref_slice %arg8[%dma_wait3A_388, %dma_wait3A_389] : memref<5x80xi32, #tpu.memory_space<vmem>> -> memref<1x80xi32, #tpu.memory_space<vmem>>
        %dma_wait3A_391 = tpu.memref_squeeze %dma_wait3A_390 : memref<1x80xi32, #tpu.memory_space<vmem>> -> memref<80xi32, #tpu.memory_space<vmem>>
        %dma_wait3A_392 = arith.constant 0 : i32
        %dma_wait3A_393 = arith.constant 0 : i32
        %dma_wait3A_394 = tpu.memref_slice %arg3[%dma_wait3A_392, %dma_wait3A_393] : memref<10000x128xf32, #tpu.memory_space<hbm>> -> memref<10000x128xf32, #tpu.memory_space<hbm>>
        tpu.wait_indirect_dma semaphore(%arg33 : memref<!tpu.dma_semaphore, #tpu.memory_space<semaphore_mem>>) src(%dma_wait3A_394 : memref<10000x128xf32, #tpu.memory_space<hbm>>) dst(%arg18 : memref<80x128xf32, #tpu.memory_space<vmem>>)
        %scan3A_395 = arith.constant 0 : i32
        %scan3A_396 = arith.constant 0 : i32
        %scan3A_397 = arith.constant 80 : i32
        %scan3A_398 = arith.addi %scan3A_396, %scan3A_397 : i32
        %scan3A_399 = arith.constant 1 : i32
        scf.for %scan3A_416 = %scan3A_396 to %scan3A_398 step %scan3A_399  : i32 {
          %get3A = arith.index_cast %scan3A_416 : i32 to index
          %get3A_417 = arith.constant 0 : index
          %get3A_418 = tpu.vector_load %arg13[%get3A, %get3A_417] {strides = array<i32>} : memref<80x128xf32, #tpu.memory_space<vmem>>, vector<1x16xf32>,
          %get3A_419 = vector.shape_cast %get3A_418 : vector<1x16xf32> to vector<16xf32>
          %get3A_420 = arith.index_cast %scan3A_416 : i32 to index
          %get3A_421 = arith.constant 0 : index
          %get3A_422 = tpu.vector_load %arg18[%get3A_420, %get3A_421] {strides = array<i32>} : memref<80x128xf32, #tpu.memory_space<vmem>>, vector<1x16xf32>,
          %get3A_423 = vector.shape_cast %get3A_422 : vector<1x16xf32> to vector<16xf32>
          %add3A_424 = arith.addf %get3A_419, %get3A_423 : vector<16xf32>
          %swap3A = arith.index_cast %scan3A_416 : i32 to index
          %swap3A_425 = arith.constant 0 : index
          %swap3A_426 = tpu.vector_load %arg13[%swap3A, %swap3A_425] {strides = array<i32>} : memref<80x128xf32, #tpu.memory_space<vmem>>, vector<1x16xf32>,
          %swap3A_427 = vector.shape_cast %swap3A_426 : vector<1x16xf32> to vector<16xf32>
          %swap3A_428 = vector.shape_cast %add3A_424 : vector<16xf32> to vector<1x16xf32>
          tpu.vector_store %arg13[%swap3A, %swap3A_425], %swap3A_428 {strides = array<i32>} : memref<80x128xf32, #tpu.memory_space<vmem>>, vector<1x16xf32>,
          %get3A_429 = arith.index_cast %scan3A_416 : i32 to index
          %get3A_430 = arith.constant 16 : index
          %get3A_431 = tpu.vector_load %arg13[%get3A_429, %get3A_430] {strides = array<i32>} : memref<80x128xf32, #tpu.memory_space<vmem>>, vector<1x16xf32>,
          %get3A_432 = vector.shape_cast %get3A_431 : vector<1x16xf32> to vector<16xf32>
          %get3A_433 = arith.index_cast %scan3A_416 : i32 to index
          %get3A_434 = arith.constant 16 : index
          %get3A_435 = tpu.vector_load %arg18[%get3A_433, %get3A_434] {strides = array<i32>} : memref<80x128xf32, #tpu.memory_space<vmem>>, vector<1x16xf32>,
          %get3A_436 = vector.shape_cast %get3A_435 : vector<1x16xf32> to vector<16xf32>
          %add3A_437 = arith.addf %get3A_432, %get3A_436 : vector<16xf32>
          %swap3A_438 = arith.index_cast %scan3A_416 : i32 to index
          %swap3A_439 = arith.constant 16 : index
          %swap3A_440 = tpu.vector_load %arg13[%swap3A_438, %swap3A_439] {strides = array<i32>} : memref<80x128xf32, #tpu.memory_space<vmem>>, vector<1x16xf32>,
          %swap3A_441 = vector.shape_cast %swap3A_440 : vector<1x16xf32> to vector<16xf32>
          %swap3A_442 = vector.shape_cast %add3A_437 : vector<16xf32> to vector<1x16xf32>
          tpu.vector_store %arg13[%swap3A_438, %swap3A_439], %swap3A_442 {strides = array<i32>} : memref<80x128xf32, #tpu.memory_space<vmem>>, vector<1x16xf32>,
          %get3A_443 = arith.index_cast %scan3A_416 : i32 to index
          %get3A_444 = arith.constant 32 : index
          %get3A_445 = tpu.vector_load %arg13[%get3A_443, %get3A_444] {strides = array<i32>} : memref<80x128xf32, #tpu.memory_space<vmem>>, vector<1x16xf32>,
          %get3A_446 = vector.shape_cast %get3A_445 : vector<1x16xf32> to vector<16xf32>
          %get3A_447 = arith.index_cast %scan3A_416 : i32 to index
          %get3A_448 = arith.constant 32 : index
          %get3A_449 = tpu.vector_load %arg18[%get3A_447, %get3A_448] {strides = array<i32>} : memref<80x128xf32, #tpu.memory_space<vmem>>, vector<1x16xf32>,
          %get3A_450 = vector.shape_cast %get3A_449 : vector<1x16xf32> to vector<16xf32>
          %add3A_451 = arith.addf %get3A_446, %get3A_450 : vector<16xf32>
          %swap3A_452 = arith.index_cast %scan3A_416 : i32 to index
          %swap3A_453 = arith.constant 32 : index
          %swap3A_454 = tpu.vector_load %arg13[%swap3A_452, %swap3A_453] {strides = array<i32>} : memref<80x128xf32, #tpu.memory_space<vmem>>, vector<1x16xf32>,
          %swap3A_455 = vector.shape_cast %swap3A_454 : vector<1x16xf32> to vector<16xf32>
          %swap3A_456 = vector.shape_cast %add3A_451 : vector<16xf32> to vector<1x16xf32>
          tpu.vector_store %arg13[%swap3A_452, %swap3A_453], %swap3A_456 {strides = array<i32>} : memref<80x128xf32, #tpu.memory_space<vmem>>, vector<1x16xf32>,
          %get3A_457 = arith.index_cast %scan3A_416 : i32 to index
          %get3A_458 = arith.constant 48 : index
          %get3A_459 = tpu.vector_load %arg13[%get3A_457, %get3A_458] {strides = array<i32>} : memref<80x128xf32, #tpu.memory_space<vmem>>, vector<1x16xf32>,
          %get3A_460 = vector.shape_cast %get3A_459 : vector<1x16xf32> to vector<16xf32>
          %get3A_461 = arith.index_cast %scan3A_416 : i32 to index
          %get3A_462 = arith.constant 48 : index
          %get3A_463 = tpu.vector_load %arg18[%get3A_461, %get3A_462] {strides = array<i32>} : memref<80x128xf32, #tpu.memory_space<vmem>>, vector<1x16xf32>,
          %get3A_464 = vector.shape_cast %get3A_463 : vector<1x16xf32> to vector<16xf32>
          %add3A_465 = arith.addf %get3A_460, %get3A_464 : vector<16xf32>
          %swap3A_466 = arith.index_cast %scan3A_416 : i32 to index
          %swap3A_467 = arith.constant 48 : index
          %swap3A_468 = tpu.vector_load %arg13[%swap3A_466, %swap3A_467] {strides = array<i32>} : memref<80x128xf32, #tpu.memory_space<vmem>>, vector<1x16xf32>,
          %swap3A_469 = vector.shape_cast %swap3A_468 : vector<1x16xf32> to vector<16xf32>
          %swap3A_470 = vector.shape_cast %add3A_465 : vector<16xf32> to vector<1x16xf32>
          tpu.vector_store %arg13[%swap3A_466, %swap3A_467], %swap3A_470 {strides = array<i32>} : memref<80x128xf32, #tpu.memory_space<vmem>>, vector<1x16xf32>,
          %get3A_471 = arith.index_cast %scan3A_416 : i32 to index
          %get3A_472 = arith.constant 64 : index
          %get3A_473 = tpu.vector_load %arg13[%get3A_471, %get3A_472] {strides = array<i32>} : memref<80x128xf32, #tpu.memory_space<vmem>>, vector<1x16xf32>,
          %get3A_474 = vector.shape_cast %get3A_473 : vector<1x16xf32> to vector<16xf32>
          %get3A_475 = arith.index_cast %scan3A_416 : i32 to index
          %get3A_476 = arith.constant 64 : index
          %get3A_477 = tpu.vector_load %arg18[%get3A_475, %get3A_476] {strides = array<i32>} : memref<80x128xf32, #tpu.memory_space<vmem>>, vector<1x16xf32>,
          %get3A_478 = vector.shape_cast %get3A_477 : vector<1x16xf32> to vector<16xf32>
          %add3A_479 = arith.addf %get3A_474, %get3A_478 : vector<16xf32>
          %swap3A_480 = arith.index_cast %scan3A_416 : i32 to index
          %swap3A_481 = arith.constant 64 : index
          %swap3A_482 = tpu.vector_load %arg13[%swap3A_480, %swap3A_481] {strides = array<i32>} : memref<80x128xf32, #tpu.memory_space<vmem>>, vector<1x16xf32>,
          %swap3A_483 = vector.shape_cast %swap3A_482 : vector<1x16xf32> to vector<16xf32>
          %swap3A_484 = vector.shape_cast %add3A_479 : vector<16xf32> to vector<1x16xf32>
          tpu.vector_store %arg13[%swap3A_480, %swap3A_481], %swap3A_484 {strides = array<i32>} : memref<80x128xf32, #tpu.memory_space<vmem>>, vector<1x16xf32>,
          %get3A_485 = arith.index_cast %scan3A_416 : i32 to index
          %get3A_486 = arith.constant 80 : index
          %get3A_487 = tpu.vector_load %arg13[%get3A_485, %get3A_486] {strides = array<i32>} : memref<80x128xf32, #tpu.memory_space<vmem>>, vector<1x16xf32>,
          %get3A_488 = vector.shape_cast %get3A_487 : vector<1x16xf32> to vector<16xf32>
          %get3A_489 = arith.index_cast %scan3A_416 : i32 to index
          %get3A_490 = arith.constant 80 : index
          %get3A_491 = tpu.vector_load %arg18[%get3A_489, %get3A_490] {strides = array<i32>} : memref<80x128xf32, #tpu.memory_space<vmem>>, vector<1x16xf32>,
          %get3A_492 = vector.shape_cast %get3A_491 : vector<1x16xf32> to vector<16xf32>
          %add3A_493 = arith.addf %get3A_488, %get3A_492 : vector<16xf32>
          %swap3A_494 = arith.index_cast %scan3A_416 : i32 to index
          %swap3A_495 = arith.constant 80 : index
          %swap3A_496 = tpu.vector_load %arg13[%swap3A_494, %swap3A_495] {strides = array<i32>} : memref<80x128xf32, #tpu.memory_space<vmem>>, vector<1x16xf32>,
          %swap3A_497 = vector.shape_cast %swap3A_496 : vector<1x16xf32> to vector<16xf32>
          %swap3A_498 = vector.shape_cast %add3A_493 : vector<16xf32> to vector<1x16xf32>
          tpu.vector_store %arg13[%swap3A_494, %swap3A_495], %swap3A_498 {strides = array<i32>} : memref<80x128xf32, #tpu.memory_space<vmem>>, vector<1x16xf32>,
          %get3A_499 = arith.index_cast %scan3A_416 : i32 to index
          %get3A_500 = arith.constant 96 : index
          %get3A_501 = tpu.vector_load %arg13[%get3A_499, %get3A_500] {strides = array<i32>} : memref<80x128xf32, #tpu.memory_space<vmem>>, vector<1x16xf32>,
          %get3A_502 = vector.shape_cast %get3A_501 : vector<1x16xf32> to vector<16xf32>
          %get3A_503 = arith.index_cast %scan3A_416 : i32 to index
          %get3A_504 = arith.constant 96 : index
          %get3A_505 = tpu.vector_load %arg18[%get3A_503, %get3A_504] {strides = array<i32>} : memref<80x128xf32, #tpu.memory_space<vmem>>, vector<1x16xf32>,
          %get3A_506 = vector.shape_cast %get3A_505 : vector<1x16xf32> to vector<16xf32>
          %add3A_507 = arith.addf %get3A_502, %get3A_506 : vector<16xf32>
          %swap3A_508 = arith.index_cast %scan3A_416 : i32 to index
          %swap3A_509 = arith.constant 96 : index
          %swap3A_510 = tpu.vector_load %arg13[%swap3A_508, %swap3A_509] {strides = array<i32>} : memref<80x128xf32, #tpu.memory_space<vmem>>, vector<1x16xf32>,
          %swap3A_511 = vector.shape_cast %swap3A_510 : vector<1x16xf32> to vector<16xf32>
          %swap3A_512 = vector.shape_cast %add3A_507 : vector<16xf32> to vector<1x16xf32>
          tpu.vector_store %arg13[%swap3A_508, %swap3A_509], %swap3A_512 {strides = array<i32>} : memref<80x128xf32, #tpu.memory_space<vmem>>, vector<1x16xf32>,
          %get3A_513 = arith.index_cast %scan3A_416 : i32 to index
          %get3A_514 = arith.constant 112 : index
          %get3A_515 = tpu.vector_load %arg13[%get3A_513, %get3A_514] {strides = array<i32>} : memref<80x128xf32, #tpu.memory_space<vmem>>, vector<1x16xf32>,
          %get3A_516 = vector.shape_cast %get3A_515 : vector<1x16xf32> to vector<16xf32>
          %get3A_517 = arith.index_cast %scan3A_416 : i32 to index
          %get3A_518 = arith.constant 112 : index
          %get3A_519 = tpu.vector_load %arg18[%get3A_517, %get3A_518] {strides = array<i32>} : memref<80x128xf32, #tpu.memory_space<vmem>>, vector<1x16xf32>,
          %get3A_520 = vector.shape_cast %get3A_519 : vector<1x16xf32> to vector<16xf32>
          %add3A_521 = arith.addf %get3A_516, %get3A_520 : vector<16xf32>
          %swap3A_522 = arith.index_cast %scan3A_416 : i32 to index
          %swap3A_523 = arith.constant 112 : index
          %swap3A_524 = tpu.vector_load %arg13[%swap3A_522, %swap3A_523] {strides = array<i32>} : memref<80x128xf32, #tpu.memory_space<vmem>>, vector<1x16xf32>,
          %swap3A_525 = vector.shape_cast %swap3A_524 : vector<1x16xf32> to vector<16xf32>
          %swap3A_526 = vector.shape_cast %add3A_521 : vector<16xf32> to vector<1x16xf32>
          tpu.vector_store %arg13[%swap3A_522, %swap3A_523], %swap3A_526 {strides = array<i32>} : memref<80x128xf32, #tpu.memory_space<vmem>>, vector<1x16xf32>,
        }
        %scan3A_400 = arith.constant 80 : i32
        %mul3A_401 = arith.constant 80 : i32
        %mul3A_402 = arith.muli %sub3A_380, %mul3A_401 : i32
        %add3A_403 = arith.addi %mul3A_2, %mul3A_402 : i32
        %dma_start3A_404 = arith.constant 0 : i32
        %dma_start3A_405 = tpu.memref_slice %arg6[%add3A_403, %dma_start3A_404] : memref<320000x128xf32, #tpu.memory_space<hbm>> -> memref<80x128xf32, #tpu.memory_space<hbm>>
        %dma_start3A_406 = arith.constant 0 : i32
        %dma_start3A_407 = tpu.memref_slice %arg6[%add3A_403, %dma_start3A_406] : memref<320000x128xf32, #tpu.memory_space<hbm>> -> memref<80x128xf32, #tpu.memory_space<hbm>>
        tpu.enqueue_dma source(%arg13 : memref<80x128xf32, #tpu.memory_space<vmem>>) target(%dma_start3A_407 : memref<80x128xf32, #tpu.memory_space<hbm>>) target_semaphore(%arg38 : memref<!tpu.dma_semaphore, #tpu.memory_space<semaphore_mem>>)
        %sub3A_408 = arith.constant 1 : i32
        %sub3A_409 = arith.subi %add3A_156, %sub3A_408 : i32
        %add3A_410 = arith.constant 5 : i32
        %add3A_411 = arith.addi %sub3A_409, %add3A_410 : i32
        %lt3A = arith.constant 125 : i32
        %lt3A_412 = arith.cmpi slt, %add3A_411, %lt3A : i32
        %convert_element_type3A_413 = arith.extui %lt3A_412 : i1 to i32
        %cond3A_414 = arith.constant 0 : i32
        %cond3A_415 = arith.cmpi ne, %convert_element_type3A_413, %cond3A_414 : i32
        scf.if %cond3A_415 {
          %sub3A_416 = arith.constant 1 : i32
          %sub3A_417 = arith.subi %add3A_156, %sub3A_416 : i32
          %add3A_418 = arith.constant 5 : i32
          %add3A_419 = arith.addi %sub3A_417, %add3A_418 : i32
          %mul3A_420 = arith.constant 80 : i32
          %mul3A_421 = arith.muli %add3A_419, %mul3A_420 : i32
          %add3A_422 = arith.addi %mul3A_2, %mul3A_421 : i32
          %dma_start3A_423 = arith.constant 4 : i32
          %dma_start3A_424 = arith.constant 0 : i32
          %dma_start3A_425 = tpu.memref_slice %arg7[%dma_start3A_423, %dma_start3A_424] : memref<5x80xi32, #tpu.memory_space<vmem>> -> memref<1x80xi32, #tpu.memory_space<vmem>>
          %dma_start3A_426 = tpu.memref_squeeze %dma_start3A_425 : memref<1x80xi32, #tpu.memory_space<vmem>> -> memref<80xi32, #tpu.memory_space<vmem>>
          %dma_start3A_427 = tpu.memref_slice %arg4[%add3A_422] : memref<320000xi32, #tpu.memory_space<hbm>> -> memref<80xi32, #tpu.memory_space<hbm>>
          %dma_start3A_428 = arith.constant 0 : i32
          %dma_start3A_429 = tpu.memref_slice %arg7[%dma_start3A_423, %dma_start3A_428] : memref<5x80xi32, #tpu.memory_space<vmem>> -> memref<1x80xi32, #tpu.memory_space<vmem>>
          %dma_start3A_430 = tpu.memref_squeeze %dma_start3A_429 : memref<1x80xi32, #tpu.memory_space<vmem>> -> memref<80xi32, #tpu.memory_space<vmem>>
          %dma_start3A_431 = tpu.memref_slice %arg4[%add3A_422] : memref<320000xi32, #tpu.memory_space<hbm>> -> memref<80xi32, #tpu.memory_space<hbm>>
          tpu.enqueue_dma source(%dma_start3A_431 : memref<80xi32, #tpu.memory_space<hbm>>) target(%dma_start3A_430 : memref<80xi32, #tpu.memory_space<vmem>>) target_semaphore(%arg23 : memref<!tpu.dma_semaphore, #tpu.memory_space<semaphore_mem>>)
          %dma_start3A_432 = arith.constant 4 : i32
          %dma_start3A_433 = arith.constant 0 : i32
          %dma_start3A_434 = tpu.memref_slice %arg8[%dma_start3A_432, %dma_start3A_433] : memref<5x80xi32, #tpu.memory_space<vmem>> -> memref<1x80xi32, #tpu.memory_space<vmem>>
          %dma_start3A_435 = tpu.memref_squeeze %dma_start3A_434 : memref<1x80xi32, #tpu.memory_space<vmem>> -> memref<80xi32, #tpu.memory_space<vmem>>
          %dma_start3A_436 = tpu.memref_slice %arg5[%add3A_422] : memref<320000xi32, #tpu.memory_space<hbm>> -> memref<80xi32, #tpu.memory_space<hbm>>
          %dma_start3A_437 = arith.constant 0 : i32
          %dma_start3A_438 = tpu.memref_slice %arg8[%dma_start3A_432, %dma_start3A_437] : memref<5x80xi32, #tpu.memory_space<vmem>> -> memref<1x80xi32, #tpu.memory_space<vmem>>
          %dma_start3A_439 = tpu.memref_squeeze %dma_start3A_438 : memref<1x80xi32, #tpu.memory_space<vmem>> -> memref<80xi32, #tpu.memory_space<vmem>>
          %dma_start3A_440 = tpu.memref_slice %arg5[%add3A_422] : memref<320000xi32, #tpu.memory_space<hbm>> -> memref<80xi32, #tpu.memory_space<hbm>>
          tpu.enqueue_dma source(%dma_start3A_440 : memref<80xi32, #tpu.memory_space<hbm>>) target(%dma_start3A_439 : memref<80xi32, #tpu.memory_space<vmem>>) target_semaphore(%arg23 : memref<!tpu.dma_semaphore, #tpu.memory_space<semaphore_mem>>)
        } else {
        }
      } else {
      }
      %mul3A_196 = arith.constant 5 : i32
      %mul3A_197 = arith.muli %scan3A_152, %mul3A_196 : i32
      %add3A_198 = arith.constant 1 : i32
      %add3A_199 = arith.addi %mul3A_197, %add3A_198 : i32
      %gt3A_200 = arith.constant 0 : i32
      %gt3A_201 = arith.cmpi sgt, %scan3A_152, %gt3A_200 : i32
      %convert_element_type3A_202 = arith.extui %gt3A_201 : i1 to i32
      %cond3A_203 = arith.constant 0 : i32
      %cond3A_204 = arith.cmpi ne, %convert_element_type3A_202, %cond3A_203 : i32
      scf.if %cond3A_204 {
        %dma_wait3A_380 = arith.constant 0 : i32
        %dma_wait3A_381 = tpu.memref_slice %arg6[%mul3A_2, %dma_wait3A_380] : memref<320000x128xf32, #tpu.memory_space<hbm>> -> memref<80x128xf32, #tpu.memory_space<hbm>>
        %dma_wait3A_382 = arith.constant 0 : i32
        %dma_wait3A_383 = tpu.memref_slice %arg6[%mul3A_2, %dma_wait3A_382] : memref<320000x128xf32, #tpu.memory_space<hbm>> -> memref<80x128xf32, #tpu.memory_space<hbm>>
        tpu.wait_dma2 semaphore(%arg35 : memref<!tpu.dma_semaphore, #tpu.memory_space<semaphore_mem>>) src(%arg10 : memref<80x128xf32, #tpu.memory_space<vmem>>) dst(%dma_wait3A_383 : memref<80x128xf32, #tpu.memory_space<hbm>>)
      } else {
      }
      %dma_wait3A_205 = arith.constant 1 : i32
      %dma_wait3A_206 = arith.constant 0 : i32
      %dma_wait3A_207 = tpu.memref_slice %arg7[%dma_wait3A_205, %dma_wait3A_206] : memref<5x80xi32, #tpu.memory_space<vmem>> -> memref<1x80xi32, #tpu.memory_space<vmem>>
      %dma_wait3A_208 = tpu.memref_squeeze %dma_wait3A_207 : memref<1x80xi32, #tpu.memory_space<vmem>> -> memref<80xi32, #tpu.memory_space<vmem>>
      %dma_wait3A_209 = tpu.memref_slice %arg4[%mul3A_2] : memref<320000xi32, #tpu.memory_space<hbm>> -> memref<80xi32, #tpu.memory_space<hbm>>
      %dma_wait3A_210 = arith.constant 0 : i32
      %dma_wait3A_211 = tpu.memref_slice %arg7[%dma_wait3A_205, %dma_wait3A_210] : memref<5x80xi32, #tpu.memory_space<vmem>> -> memref<1x80xi32, #tpu.memory_space<vmem>>
      %dma_wait3A_212 = tpu.memref_squeeze %dma_wait3A_211 : memref<1x80xi32, #tpu.memory_space<vmem>> -> memref<80xi32, #tpu.memory_space<vmem>>
      %dma_wait3A_213 = tpu.memref_slice %arg4[%mul3A_2] : memref<320000xi32, #tpu.memory_space<hbm>> -> memref<80xi32, #tpu.memory_space<hbm>>
      tpu.wait_dma2 semaphore(%arg20 : memref<!tpu.dma_semaphore, #tpu.memory_space<semaphore_mem>>) src(%dma_wait3A_213 : memref<80xi32, #tpu.memory_space<hbm>>) dst(%dma_wait3A_212 : memref<80xi32, #tpu.memory_space<vmem>>)
      %dma_wait3A_214 = arith.constant 1 : i32
      %dma_wait3A_215 = arith.constant 0 : i32
      %dma_wait3A_216 = tpu.memref_slice %arg8[%dma_wait3A_214, %dma_wait3A_215] : memref<5x80xi32, #tpu.memory_space<vmem>> -> memref<1x80xi32, #tpu.memory_space<vmem>>
      %dma_wait3A_217 = tpu.memref_squeeze %dma_wait3A_216 : memref<1x80xi32, #tpu.memory_space<vmem>> -> memref<80xi32, #tpu.memory_space<vmem>>
      %dma_wait3A_218 = tpu.memref_slice %arg5[%mul3A_2] : memref<320000xi32, #tpu.memory_space<hbm>> -> memref<80xi32, #tpu.memory_space<hbm>>
      %dma_wait3A_219 = arith.constant 0 : i32
      %dma_wait3A_220 = tpu.memref_slice %arg8[%dma_wait3A_214, %dma_wait3A_219] : memref<5x80xi32, #tpu.memory_space<vmem>> -> memref<1x80xi32, #tpu.memory_space<vmem>>
      %dma_wait3A_221 = tpu.memref_squeeze %dma_wait3A_220 : memref<1x80xi32, #tpu.memory_space<vmem>> -> memref<80xi32, #tpu.memory_space<vmem>>
      %dma_wait3A_222 = tpu.memref_slice %arg5[%mul3A_2] : memref<320000xi32, #tpu.memory_space<hbm>> -> memref<80xi32, #tpu.memory_space<hbm>>
      tpu.wait_dma2 semaphore(%arg20 : memref<!tpu.dma_semaphore, #tpu.memory_space<semaphore_mem>>) src(%dma_wait3A_222 : memref<80xi32, #tpu.memory_space<hbm>>) dst(%dma_wait3A_221 : memref<80xi32, #tpu.memory_space<vmem>>)
      %dma_start3A_223 = arith.constant 1 : i32
      %dma_start3A_224 = arith.constant 0 : i32
      %dma_start3A_225 = tpu.memref_slice %arg7[%dma_start3A_223, %dma_start3A_224] : memref<5x80xi32, #tpu.memory_space<vmem>> -> memref<1x80xi32, #tpu.memory_space<vmem>>
      %dma_start3A_226 = tpu.memref_squeeze %dma_start3A_225 : memref<1x80xi32, #tpu.memory_space<vmem>> -> memref<80xi32, #tpu.memory_space<vmem>>
      %dma_start3A_227 = arith.constant 0 : i32
      %dma_start3A_228 = arith.constant 0 : i32
      %dma_start3A_229 = tpu.memref_slice %arg2[%dma_start3A_227, %dma_start3A_228] : memref<10000x128xf32, #tpu.memory_space<hbm>> -> memref<10000x128xf32, #tpu.memory_space<hbm>>
      tpu.enqueue_indirect_dma source(%dma_start3A_229 : memref<10000x128xf32, #tpu.memory_space<hbm>>) target(%arg10 : memref<80x128xf32, #tpu.memory_space<vmem>>) offsets(%dma_start3A_226 : memref<80xi32, #tpu.memory_space<vmem>>) semaphore(%arg25 : memref<!tpu.dma_semaphore, #tpu.memory_space<semaphore_mem>>)
      %dma_start3A_230 = arith.constant 1 : i32
      %dma_start3A_231 = arith.constant 0 : i32
      %dma_start3A_232 = tpu.memref_slice %arg8[%dma_start3A_230, %dma_start3A_231] : memref<5x80xi32, #tpu.memory_space<vmem>> -> memref<1x80xi32, #tpu.memory_space<vmem>>
      %dma_start3A_233 = tpu.memref_squeeze %dma_start3A_232 : memref<1x80xi32, #tpu.memory_space<vmem>> -> memref<80xi32, #tpu.memory_space<vmem>>
      %dma_start3A_234 = arith.constant 0 : i32
      %dma_start3A_235 = arith.constant 0 : i32
      %dma_start3A_236 = tpu.memref_slice %arg3[%dma_start3A_234, %dma_start3A_235] : memref<10000x128xf32, #tpu.memory_space<hbm>> -> memref<10000x128xf32, #tpu.memory_space<hbm>>
      tpu.enqueue_indirect_dma source(%dma_start3A_236 : memref<10000x128xf32, #tpu.memory_space<hbm>>) target(%arg15 : memref<80x128xf32, #tpu.memory_space<vmem>>) offsets(%dma_start3A_233 : memref<80xi32, #tpu.memory_space<vmem>>) semaphore(%arg30 : memref<!tpu.dma_semaphore, #tpu.memory_space<semaphore_mem>>)
      %gt3A_237 = arith.constant 0 : i32
      %gt3A_238 = arith.cmpi sgt, %add3A_199, %gt3A_237 : i32
      %convert_element_type3A_239 = arith.extui %gt3A_238 : i1 to i32
      %cond3A_240 = arith.constant 0 : i32
      %cond3A_241 = arith.cmpi ne, %convert_element_type3A_239, %cond3A_240 : i32
      scf.if %cond3A_241 {
        %sub3A = arith.constant 1 : i32
        %sub3A_380 = arith.subi %add3A_199, %sub3A : i32
        %dma_wait3A_381 = arith.constant 0 : i32
        %dma_wait3A_382 = arith.constant 0 : i32
        %dma_wait3A_383 = tpu.memref_slice %arg7[%dma_wait3A_381, %dma_wait3A_382] : memref<5x80xi32, #tpu.memory_space<vmem>> -> memref<1x80xi32, #tpu.memory_space<vmem>>
        %dma_wait3A_384 = tpu.memref_squeeze %dma_wait3A_383 : memref<1x80xi32, #tpu.memory_space<vmem>> -> memref<80xi32, #tpu.memory_space<vmem>>
        %dma_wait3A_385 = arith.constant 0 : i32
        %dma_wait3A_386 = arith.constant 0 : i32
        %dma_wait3A_387 = tpu.memref_slice %arg2[%dma_wait3A_385, %dma_wait3A_386] : memref<10000x128xf32, #tpu.memory_space<hbm>> -> memref<10000x128xf32, #tpu.memory_space<hbm>>
        tpu.wait_indirect_dma semaphore(%arg24 : memref<!tpu.dma_semaphore, #tpu.memory_space<semaphore_mem>>) src(%dma_wait3A_387 : memref<10000x128xf32, #tpu.memory_space<hbm>>) dst(%arg9 : memref<80x128xf32, #tpu.memory_space<vmem>>)
        %dma_wait3A_388 = arith.constant 0 : i32
        %dma_wait3A_389 = arith.constant 0 : i32
        %dma_wait3A_390 = tpu.memref_slice %arg8[%dma_wait3A_388, %dma_wait3A_389] : memref<5x80xi32, #tpu.memory_space<vmem>> -> memref<1x80xi32, #tpu.memory_space<vmem>>
        %dma_wait3A_391 = tpu.memref_squeeze %dma_wait3A_390 : memref<1x80xi32, #tpu.memory_space<vmem>> -> memref<80xi32, #tpu.memory_space<vmem>>
        %dma_wait3A_392 = arith.constant 0 : i32
        %dma_wait3A_393 = arith.constant 0 : i32
        %dma_wait3A_394 = tpu.memref_slice %arg3[%dma_wait3A_392, %dma_wait3A_393] : memref<10000x128xf32, #tpu.memory_space<hbm>> -> memref<10000x128xf32, #tpu.memory_space<hbm>>
        tpu.wait_indirect_dma semaphore(%arg29 : memref<!tpu.dma_semaphore, #tpu.memory_space<semaphore_mem>>) src(%dma_wait3A_394 : memref<10000x128xf32, #tpu.memory_space<hbm>>) dst(%arg14 : memref<80x128xf32, #tpu.memory_space<vmem>>)
        %scan3A_395 = arith.constant 0 : i32
        %scan3A_396 = arith.constant 0 : i32
        %scan3A_397 = arith.constant 80 : i32
        %scan3A_398 = arith.addi %scan3A_396, %scan3A_397 : i32
        %scan3A_399 = arith.constant 1 : i32
        scf.for %scan3A_416 = %scan3A_396 to %scan3A_398 step %scan3A_399  : i32 {
          %get3A = arith.index_cast %scan3A_416 : i32 to index
          %get3A_417 = arith.constant 0 : index
          %get3A_418 = tpu.vector_load %arg9[%get3A, %get3A_417] {strides = array<i32>} : memref<80x128xf32, #tpu.memory_space<vmem>>, vector<1x16xf32>,
          %get3A_419 = vector.shape_cast %get3A_418 : vector<1x16xf32> to vector<16xf32>
          %get3A_420 = arith.index_cast %scan3A_416 : i32 to index
          %get3A_421 = arith.constant 0 : index
          %get3A_422 = tpu.vector_load %arg14[%get3A_420, %get3A_421] {strides = array<i32>} : memref<80x128xf32, #tpu.memory_space<vmem>>, vector<1x16xf32>,
          %get3A_423 = vector.shape_cast %get3A_422 : vector<1x16xf32> to vector<16xf32>
          %add3A_424 = arith.addf %get3A_419, %get3A_423 : vector<16xf32>
          %swap3A = arith.index_cast %scan3A_416 : i32 to index
          %swap3A_425 = arith.constant 0 : index
          %swap3A_426 = tpu.vector_load %arg9[%swap3A, %swap3A_425] {strides = array<i32>} : memref<80x128xf32, #tpu.memory_space<vmem>>, vector<1x16xf32>,
          %swap3A_427 = vector.shape_cast %swap3A_426 : vector<1x16xf32> to vector<16xf32>
          %swap3A_428 = vector.shape_cast %add3A_424 : vector<16xf32> to vector<1x16xf32>
          tpu.vector_store %arg9[%swap3A, %swap3A_425], %swap3A_428 {strides = array<i32>} : memref<80x128xf32, #tpu.memory_space<vmem>>, vector<1x16xf32>,
          %get3A_429 = arith.index_cast %scan3A_416 : i32 to index
          %get3A_430 = arith.constant 16 : index
          %get3A_431 = tpu.vector_load %arg9[%get3A_429, %get3A_430] {strides = array<i32>} : memref<80x128xf32, #tpu.memory_space<vmem>>, vector<1x16xf32>,
          %get3A_432 = vector.shape_cast %get3A_431 : vector<1x16xf32> to vector<16xf32>
          %get3A_433 = arith.index_cast %scan3A_416 : i32 to index
          %get3A_434 = arith.constant 16 : index
          %get3A_435 = tpu.vector_load %arg14[%get3A_433, %get3A_434] {strides = array<i32>} : memref<80x128xf32, #tpu.memory_space<vmem>>, vector<1x16xf32>,
          %get3A_436 = vector.shape_cast %get3A_435 : vector<1x16xf32> to vector<16xf32>
          %add3A_437 = arith.addf %get3A_432, %get3A_436 : vector<16xf32>
          %swap3A_438 = arith.index_cast %scan3A_416 : i32 to index
          %swap3A_439 = arith.constant 16 : index
          %swap3A_440 = tpu.vector_load %arg9[%swap3A_438, %swap3A_439] {strides = array<i32>} : memref<80x128xf32, #tpu.memory_space<vmem>>, vector<1x16xf32>,
          %swap3A_441 = vector.shape_cast %swap3A_440 : vector<1x16xf32> to vector<16xf32>
          %swap3A_442 = vector.shape_cast %add3A_437 : vector<16xf32> to vector<1x16xf32>
          tpu.vector_store %arg9[%swap3A_438, %swap3A_439], %swap3A_442 {strides = array<i32>} : memref<80x128xf32, #tpu.memory_space<vmem>>, vector<1x16xf32>,
          %get3A_443 = arith.index_cast %scan3A_416 : i32 to index
          %get3A_444 = arith.constant 32 : index
          %get3A_445 = tpu.vector_load %arg9[%get3A_443, %get3A_444] {strides = array<i32>} : memref<80x128xf32, #tpu.memory_space<vmem>>, vector<1x16xf32>,
          %get3A_446 = vector.shape_cast %get3A_445 : vector<1x16xf32> to vector<16xf32>
          %get3A_447 = arith.index_cast %scan3A_416 : i32 to index
          %get3A_448 = arith.constant 32 : index
          %get3A_449 = tpu.vector_load %arg14[%get3A_447, %get3A_448] {strides = array<i32>} : memref<80x128xf32, #tpu.memory_space<vmem>>, vector<1x16xf32>,
          %get3A_450 = vector.shape_cast %get3A_449 : vector<1x16xf32> to vector<16xf32>
          %add3A_451 = arith.addf %get3A_446, %get3A_450 : vector<16xf32>
          %swap3A_452 = arith.index_cast %scan3A_416 : i32 to index
          %swap3A_453 = arith.constant 32 : index
          %swap3A_454 = tpu.vector_load %arg9[%swap3A_452, %swap3A_453] {strides = array<i32>} : memref<80x128xf32, #tpu.memory_space<vmem>>, vector<1x16xf32>,
          %swap3A_455 = vector.shape_cast %swap3A_454 : vector<1x16xf32> to vector<16xf32>
          %swap3A_456 = vector.shape_cast %add3A_451 : vector<16xf32> to vector<1x16xf32>
          tpu.vector_store %arg9[%swap3A_452, %swap3A_453], %swap3A_456 {strides = array<i32>} : memref<80x128xf32, #tpu.memory_space<vmem>>, vector<1x16xf32>,
          %get3A_457 = arith.index_cast %scan3A_416 : i32 to index
          %get3A_458 = arith.constant 48 : index
          %get3A_459 = tpu.vector_load %arg9[%get3A_457, %get3A_458] {strides = array<i32>} : memref<80x128xf32, #tpu.memory_space<vmem>>, vector<1x16xf32>,
          %get3A_460 = vector.shape_cast %get3A_459 : vector<1x16xf32> to vector<16xf32>
          %get3A_461 = arith.index_cast %scan3A_416 : i32 to index
          %get3A_462 = arith.constant 48 : index
          %get3A_463 = tpu.vector_load %arg14[%get3A_461, %get3A_462] {strides = array<i32>} : memref<80x128xf32, #tpu.memory_space<vmem>>, vector<1x16xf32>,
          %get3A_464 = vector.shape_cast %get3A_463 : vector<1x16xf32> to vector<16xf32>
          %add3A_465 = arith.addf %get3A_460, %get3A_464 : vector<16xf32>
          %swap3A_466 = arith.index_cast %scan3A_416 : i32 to index
          %swap3A_467 = arith.constant 48 : index
          %swap3A_468 = tpu.vector_load %arg9[%swap3A_466, %swap3A_467] {strides = array<i32>} : memref<80x128xf32, #tpu.memory_space<vmem>>, vector<1x16xf32>,
          %swap3A_469 = vector.shape_cast %swap3A_468 : vector<1x16xf32> to vector<16xf32>
          %swap3A_470 = vector.shape_cast %add3A_465 : vector<16xf32> to vector<1x16xf32>
          tpu.vector_store %arg9[%swap3A_466, %swap3A_467], %swap3A_470 {strides = array<i32>} : memref<80x128xf32, #tpu.memory_space<vmem>>, vector<1x16xf32>,
          %get3A_471 = arith.index_cast %scan3A_416 : i32 to index
          %get3A_472 = arith.constant 64 : index
          %get3A_473 = tpu.vector_load %arg9[%get3A_471, %get3A_472] {strides = array<i32>} : memref<80x128xf32, #tpu.memory_space<vmem>>, vector<1x16xf32>,
          %get3A_474 = vector.shape_cast %get3A_473 : vector<1x16xf32> to vector<16xf32>
          %get3A_475 = arith.index_cast %scan3A_416 : i32 to index
          %get3A_476 = arith.constant 64 : index
          %get3A_477 = tpu.vector_load %arg14[%get3A_475, %get3A_476] {strides = array<i32>} : memref<80x128xf32, #tpu.memory_space<vmem>>, vector<1x16xf32>,
          %get3A_478 = vector.shape_cast %get3A_477 : vector<1x16xf32> to vector<16xf32>
          %add3A_479 = arith.addf %get3A_474, %get3A_478 : vector<16xf32>
          %swap3A_480 = arith.index_cast %scan3A_416 : i32 to index
          %swap3A_481 = arith.constant 64 : index
          %swap3A_482 = tpu.vector_load %arg9[%swap3A_480, %swap3A_481] {strides = array<i32>} : memref<80x128xf32, #tpu.memory_space<vmem>>, vector<1x16xf32>,
          %swap3A_483 = vector.shape_cast %swap3A_482 : vector<1x16xf32> to vector<16xf32>
          %swap3A_484 = vector.shape_cast %add3A_479 : vector<16xf32> to vector<1x16xf32>
          tpu.vector_store %arg9[%swap3A_480, %swap3A_481], %swap3A_484 {strides = array<i32>} : memref<80x128xf32, #tpu.memory_space<vmem>>, vector<1x16xf32>,
          %get3A_485 = arith.index_cast %scan3A_416 : i32 to index
          %get3A_486 = arith.constant 80 : index
          %get3A_487 = tpu.vector_load %arg9[%get3A_485, %get3A_486] {strides = array<i32>} : memref<80x128xf32, #tpu.memory_space<vmem>>, vector<1x16xf32>,
          %get3A_488 = vector.shape_cast %get3A_487 : vector<1x16xf32> to vector<16xf32>
          %get3A_489 = arith.index_cast %scan3A_416 : i32 to index
          %get3A_490 = arith.constant 80 : index
          %get3A_491 = tpu.vector_load %arg14[%get3A_489, %get3A_490] {strides = array<i32>} : memref<80x128xf32, #tpu.memory_space<vmem>>, vector<1x16xf32>,
          %get3A_492 = vector.shape_cast %get3A_491 : vector<1x16xf32> to vector<16xf32>
          %add3A_493 = arith.addf %get3A_488, %get3A_492 : vector<16xf32>
          %swap3A_494 = arith.index_cast %scan3A_416 : i32 to index
          %swap3A_495 = arith.constant 80 : index
          %swap3A_496 = tpu.vector_load %arg9[%swap3A_494, %swap3A_495] {strides = array<i32>} : memref<80x128xf32, #tpu.memory_space<vmem>>, vector<1x16xf32>,
          %swap3A_497 = vector.shape_cast %swap3A_496 : vector<1x16xf32> to vector<16xf32>
          %swap3A_498 = vector.shape_cast %add3A_493 : vector<16xf32> to vector<1x16xf32>
          tpu.vector_store %arg9[%swap3A_494, %swap3A_495], %swap3A_498 {strides = array<i32>} : memref<80x128xf32, #tpu.memory_space<vmem>>, vector<1x16xf32>,
          %get3A_499 = arith.index_cast %scan3A_416 : i32 to index
          %get3A_500 = arith.constant 96 : index
          %get3A_501 = tpu.vector_load %arg9[%get3A_499, %get3A_500] {strides = array<i32>} : memref<80x128xf32, #tpu.memory_space<vmem>>, vector<1x16xf32>,
          %get3A_502 = vector.shape_cast %get3A_501 : vector<1x16xf32> to vector<16xf32>
          %get3A_503 = arith.index_cast %scan3A_416 : i32 to index
          %get3A_504 = arith.constant 96 : index
          %get3A_505 = tpu.vector_load %arg14[%get3A_503, %get3A_504] {strides = array<i32>} : memref<80x128xf32, #tpu.memory_space<vmem>>, vector<1x16xf32>,
          %get3A_506 = vector.shape_cast %get3A_505 : vector<1x16xf32> to vector<16xf32>
          %add3A_507 = arith.addf %get3A_502, %get3A_506 : vector<16xf32>
          %swap3A_508 = arith.index_cast %scan3A_416 : i32 to index
          %swap3A_509 = arith.constant 96 : index
          %swap3A_510 = tpu.vector_load %arg9[%swap3A_508, %swap3A_509] {strides = array<i32>} : memref<80x128xf32, #tpu.memory_space<vmem>>, vector<1x16xf32>,
          %swap3A_511 = vector.shape_cast %swap3A_510 : vector<1x16xf32> to vector<16xf32>
          %swap3A_512 = vector.shape_cast %add3A_507 : vector<16xf32> to vector<1x16xf32>
          tpu.vector_store %arg9[%swap3A_508, %swap3A_509], %swap3A_512 {strides = array<i32>} : memref<80x128xf32, #tpu.memory_space<vmem>>, vector<1x16xf32>,
          %get3A_513 = arith.index_cast %scan3A_416 : i32 to index
          %get3A_514 = arith.constant 112 : index
          %get3A_515 = tpu.vector_load %arg9[%get3A_513, %get3A_514] {strides = array<i32>} : memref<80x128xf32, #tpu.memory_space<vmem>>, vector<1x16xf32>,
          %get3A_516 = vector.shape_cast %get3A_515 : vector<1x16xf32> to vector<16xf32>
          %get3A_517 = arith.index_cast %scan3A_416 : i32 to index
          %get3A_518 = arith.constant 112 : index
          %get3A_519 = tpu.vector_load %arg14[%get3A_517, %get3A_518] {strides = array<i32>} : memref<80x128xf32, #tpu.memory_space<vmem>>, vector<1x16xf32>,
          %get3A_520 = vector.shape_cast %get3A_519 : vector<1x16xf32> to vector<16xf32>
          %add3A_521 = arith.addf %get3A_516, %get3A_520 : vector<16xf32>
          %swap3A_522 = arith.index_cast %scan3A_416 : i32 to index
          %swap3A_523 = arith.constant 112 : index
          %swap3A_524 = tpu.vector_load %arg9[%swap3A_522, %swap3A_523] {strides = array<i32>} : memref<80x128xf32, #tpu.memory_space<vmem>>, vector<1x16xf32>,
          %swap3A_525 = vector.shape_cast %swap3A_524 : vector<1x16xf32> to vector<16xf32>
          %swap3A_526 = vector.shape_cast %add3A_521 : vector<16xf32> to vector<1x16xf32>
          tpu.vector_store %arg9[%swap3A_522, %swap3A_523], %swap3A_526 {strides = array<i32>} : memref<80x128xf32, #tpu.memory_space<vmem>>, vector<1x16xf32>,
        }
        %scan3A_400 = arith.constant 80 : i32
        %mul3A_401 = arith.constant 80 : i32
        %mul3A_402 = arith.muli %sub3A_380, %mul3A_401 : i32
        %add3A_403 = arith.addi %mul3A_2, %mul3A_402 : i32
        %dma_start3A_404 = arith.constant 0 : i32
        %dma_start3A_405 = tpu.memref_slice %arg6[%add3A_403, %dma_start3A_404] : memref<320000x128xf32, #tpu.memory_space<hbm>> -> memref<80x128xf32, #tpu.memory_space<hbm>>
        %dma_start3A_406 = arith.constant 0 : i32
        %dma_start3A_407 = tpu.memref_slice %arg6[%add3A_403, %dma_start3A_406] : memref<320000x128xf32, #tpu.memory_space<hbm>> -> memref<80x128xf32, #tpu.memory_space<hbm>>
        tpu.enqueue_dma source(%arg9 : memref<80x128xf32, #tpu.memory_space<vmem>>) target(%dma_start3A_407 : memref<80x128xf32, #tpu.memory_space<hbm>>) target_semaphore(%arg34 : memref<!tpu.dma_semaphore, #tpu.memory_space<semaphore_mem>>)
        %sub3A_408 = arith.constant 1 : i32
        %sub3A_409 = arith.subi %add3A_199, %sub3A_408 : i32
        %add3A_410 = arith.constant 5 : i32
        %add3A_411 = arith.addi %sub3A_409, %add3A_410 : i32
        %lt3A = arith.constant 125 : i32
        %lt3A_412 = arith.cmpi slt, %add3A_411, %lt3A : i32
        %convert_element_type3A_413 = arith.extui %lt3A_412 : i1 to i32
        %cond3A_414 = arith.constant 0 : i32
        %cond3A_415 = arith.cmpi ne, %convert_element_type3A_413, %cond3A_414 : i32
        scf.if %cond3A_415 {
          %sub3A_416 = arith.constant 1 : i32
          %sub3A_417 = arith.subi %add3A_199, %sub3A_416 : i32
          %add3A_418 = arith.constant 5 : i32
          %add3A_419 = arith.addi %sub3A_417, %add3A_418 : i32
          %mul3A_420 = arith.constant 80 : i32
          %mul3A_421 = arith.muli %add3A_419, %mul3A_420 : i32
          %add3A_422 = arith.addi %mul3A_2, %mul3A_421 : i32
          %dma_start3A_423 = arith.constant 0 : i32
          %dma_start3A_424 = arith.constant 0 : i32
          %dma_start3A_425 = tpu.memref_slice %arg7[%dma_start3A_423, %dma_start3A_424] : memref<5x80xi32, #tpu.memory_space<vmem>> -> memref<1x80xi32, #tpu.memory_space<vmem>>
          %dma_start3A_426 = tpu.memref_squeeze %dma_start3A_425 : memref<1x80xi32, #tpu.memory_space<vmem>> -> memref<80xi32, #tpu.memory_space<vmem>>
          %dma_start3A_427 = tpu.memref_slice %arg4[%add3A_422] : memref<320000xi32, #tpu.memory_space<hbm>> -> memref<80xi32, #tpu.memory_space<hbm>>
          %dma_start3A_428 = arith.constant 0 : i32
          %dma_start3A_429 = tpu.memref_slice %arg7[%dma_start3A_423, %dma_start3A_428] : memref<5x80xi32, #tpu.memory_space<vmem>> -> memref<1x80xi32, #tpu.memory_space<vmem>>
          %dma_start3A_430 = tpu.memref_squeeze %dma_start3A_429 : memref<1x80xi32, #tpu.memory_space<vmem>> -> memref<80xi32, #tpu.memory_space<vmem>>
          %dma_start3A_431 = tpu.memref_slice %arg4[%add3A_422] : memref<320000xi32, #tpu.memory_space<hbm>> -> memref<80xi32, #tpu.memory_space<hbm>>
          tpu.enqueue_dma source(%dma_start3A_431 : memref<80xi32, #tpu.memory_space<hbm>>) target(%dma_start3A_430 : memref<80xi32, #tpu.memory_space<vmem>>) target_semaphore(%arg19 : memref<!tpu.dma_semaphore, #tpu.memory_space<semaphore_mem>>)
          %dma_start3A_432 = arith.constant 0 : i32
          %dma_start3A_433 = arith.constant 0 : i32
          %dma_start3A_434 = tpu.memref_slice %arg8[%dma_start3A_432, %dma_start3A_433] : memref<5x80xi32, #tpu.memory_space<vmem>> -> memref<1x80xi32, #tpu.memory_space<vmem>>
          %dma_start3A_435 = tpu.memref_squeeze %dma_start3A_434 : memref<1x80xi32, #tpu.memory_space<vmem>> -> memref<80xi32, #tpu.memory_space<vmem>>
          %dma_start3A_436 = tpu.memref_slice %arg5[%add3A_422] : memref<320000xi32, #tpu.memory_space<hbm>> -> memref<80xi32, #tpu.memory_space<hbm>>
          %dma_start3A_437 = arith.constant 0 : i32
          %dma_start3A_438 = tpu.memref_slice %arg8[%dma_start3A_432, %dma_start3A_437] : memref<5x80xi32, #tpu.memory_space<vmem>> -> memref<1x80xi32, #tpu.memory_space<vmem>>
          %dma_start3A_439 = tpu.memref_squeeze %dma_start3A_438 : memref<1x80xi32, #tpu.memory_space<vmem>> -> memref<80xi32, #tpu.memory_space<vmem>>
          %dma_start3A_440 = tpu.memref_slice %arg5[%add3A_422] : memref<320000xi32, #tpu.memory_space<hbm>> -> memref<80xi32, #tpu.memory_space<hbm>>
          tpu.enqueue_dma source(%dma_start3A_440 : memref<80xi32, #tpu.memory_space<hbm>>) target(%dma_start3A_439 : memref<80xi32, #tpu.memory_space<vmem>>) target_semaphore(%arg19 : memref<!tpu.dma_semaphore, #tpu.memory_space<semaphore_mem>>)
        } else {
        }
      } else {
      }
      %mul3A_242 = arith.constant 5 : i32
      %mul3A_243 = arith.muli %scan3A_152, %mul3A_242 : i32
      %add3A_244 = arith.constant 2 : i32
      %add3A_245 = arith.addi %mul3A_243, %add3A_244 : i32
      %gt3A_246 = arith.constant 0 : i32
      %gt3A_247 = arith.cmpi sgt, %scan3A_152, %gt3A_246 : i32
      %convert_element_type3A_248 = arith.extui %gt3A_247 : i1 to i32
      %cond3A_249 = arith.constant 0 : i32
      %cond3A_250 = arith.cmpi ne, %convert_element_type3A_248, %cond3A_249 : i32
      scf.if %cond3A_250 {
        %dma_wait3A_380 = arith.constant 0 : i32
        %dma_wait3A_381 = tpu.memref_slice %arg6[%mul3A_2, %dma_wait3A_380] : memref<320000x128xf32, #tpu.memory_space<hbm>> -> memref<80x128xf32, #tpu.memory_space<hbm>>
        %dma_wait3A_382 = arith.constant 0 : i32
        %dma_wait3A_383 = tpu.memref_slice %arg6[%mul3A_2, %dma_wait3A_382] : memref<320000x128xf32, #tpu.memory_space<hbm>> -> memref<80x128xf32, #tpu.memory_space<hbm>>
        tpu.wait_dma2 semaphore(%arg36 : memref<!tpu.dma_semaphore, #tpu.memory_space<semaphore_mem>>) src(%arg11 : memref<80x128xf32, #tpu.memory_space<vmem>>) dst(%dma_wait3A_383 : memref<80x128xf32, #tpu.memory_space<hbm>>)
      } else {
      }
      %dma_wait3A_251 = arith.constant 2 : i32
      %dma_wait3A_252 = arith.constant 0 : i32
      %dma_wait3A_253 = tpu.memref_slice %arg7[%dma_wait3A_251, %dma_wait3A_252] : memref<5x80xi32, #tpu.memory_space<vmem>> -> memref<1x80xi32, #tpu.memory_space<vmem>>
      %dma_wait3A_254 = tpu.memref_squeeze %dma_wait3A_253 : memref<1x80xi32, #tpu.memory_space<vmem>> -> memref<80xi32, #tpu.memory_space<vmem>>
      %dma_wait3A_255 = tpu.memref_slice %arg4[%mul3A_2] : memref<320000xi32, #tpu.memory_space<hbm>> -> memref<80xi32, #tpu.memory_space<hbm>>
      %dma_wait3A_256 = arith.constant 0 : i32
      %dma_wait3A_257 = tpu.memref_slice %arg7[%dma_wait3A_251, %dma_wait3A_256] : memref<5x80xi32, #tpu.memory_space<vmem>> -> memref<1x80xi32, #tpu.memory_space<vmem>>
      %dma_wait3A_258 = tpu.memref_squeeze %dma_wait3A_257 : memref<1x80xi32, #tpu.memory_space<vmem>> -> memref<80xi32, #tpu.memory_space<vmem>>
      %dma_wait3A_259 = tpu.memref_slice %arg4[%mul3A_2] : memref<320000xi32, #tpu.memory_space<hbm>> -> memref<80xi32, #tpu.memory_space<hbm>>
      tpu.wait_dma2 semaphore(%arg21 : memref<!tpu.dma_semaphore, #tpu.memory_space<semaphore_mem>>) src(%dma_wait3A_259 : memref<80xi32, #tpu.memory_space<hbm>>) dst(%dma_wait3A_258 : memref<80xi32, #tpu.memory_space<vmem>>)
      %dma_wait3A_260 = arith.constant 2 : i32
      %dma_wait3A_261 = arith.constant 0 : i32
      %dma_wait3A_262 = tpu.memref_slice %arg8[%dma_wait3A_260, %dma_wait3A_261] : memref<5x80xi32, #tpu.memory_space<vmem>> -> memref<1x80xi32, #tpu.memory_space<vmem>>
      %dma_wait3A_263 = tpu.memref_squeeze %dma_wait3A_262 : memref<1x80xi32, #tpu.memory_space<vmem>> -> memref<80xi32, #tpu.memory_space<vmem>>
      %dma_wait3A_264 = tpu.memref_slice %arg5[%mul3A_2] : memref<320000xi32, #tpu.memory_space<hbm>> -> memref<80xi32, #tpu.memory_space<hbm>>
      %dma_wait3A_265 = arith.constant 0 : i32
      %dma_wait3A_266 = tpu.memref_slice %arg8[%dma_wait3A_260, %dma_wait3A_265] : memref<5x80xi32, #tpu.memory_space<vmem>> -> memref<1x80xi32, #tpu.memory_space<vmem>>
      %dma_wait3A_267 = tpu.memref_squeeze %dma_wait3A_266 : memref<1x80xi32, #tpu.memory_space<vmem>> -> memref<80xi32, #tpu.memory_space<vmem>>
      %dma_wait3A_268 = tpu.memref_slice %arg5[%mul3A_2] : memref<320000xi32, #tpu.memory_space<hbm>> -> memref<80xi32, #tpu.memory_space<hbm>>
      tpu.wait_dma2 semaphore(%arg21 : memref<!tpu.dma_semaphore, #tpu.memory_space<semaphore_mem>>) src(%dma_wait3A_268 : memref<80xi32, #tpu.memory_space<hbm>>) dst(%dma_wait3A_267 : memref<80xi32, #tpu.memory_space<vmem>>)
      %dma_start3A_269 = arith.constant 2 : i32
      %dma_start3A_270 = arith.constant 0 : i32
      %dma_start3A_271 = tpu.memref_slice %arg7[%dma_start3A_269, %dma_start3A_270] : memref<5x80xi32, #tpu.memory_space<vmem>> -> memref<1x80xi32, #tpu.memory_space<vmem>>
      %dma_start3A_272 = tpu.memref_squeeze %dma_start3A_271 : memref<1x80xi32, #tpu.memory_space<vmem>> -> memref<80xi32, #tpu.memory_space<vmem>>
      %dma_start3A_273 = arith.constant 0 : i32
      %dma_start3A_274 = arith.constant 0 : i32
      %dma_start3A_275 = tpu.memref_slice %arg2[%dma_start3A_273, %dma_start3A_274] : memref<10000x128xf32, #tpu.memory_space<hbm>> -> memref<10000x128xf32, #tpu.memory_space<hbm>>
      tpu.enqueue_indirect_dma source(%dma_start3A_275 : memref<10000x128xf32, #tpu.memory_space<hbm>>) target(%arg11 : memref<80x128xf32, #tpu.memory_space<vmem>>) offsets(%dma_start3A_272 : memref<80xi32, #tpu.memory_space<vmem>>) semaphore(%arg26 : memref<!tpu.dma_semaphore, #tpu.memory_space<semaphore_mem>>)
      %dma_start3A_276 = arith.constant 2 : i32
      %dma_start3A_277 = arith.constant 0 : i32
      %dma_start3A_278 = tpu.memref_slice %arg8[%dma_start3A_276, %dma_start3A_277] : memref<5x80xi32, #tpu.memory_space<vmem>> -> memref<1x80xi32, #tpu.memory_space<vmem>>
      %dma_start3A_279 = tpu.memref_squeeze %dma_start3A_278 : memref<1x80xi32, #tpu.memory_space<vmem>> -> memref<80xi32, #tpu.memory_space<vmem>>
      %dma_start3A_280 = arith.constant 0 : i32
      %dma_start3A_281 = arith.constant 0 : i32
      %dma_start3A_282 = tpu.memref_slice %arg3[%dma_start3A_280, %dma_start3A_281] : memref<10000x128xf32, #tpu.memory_space<hbm>> -> memref<10000x128xf32, #tpu.memory_space<hbm>>
      tpu.enqueue_indirect_dma source(%dma_start3A_282 : memref<10000x128xf32, #tpu.memory_space<hbm>>) target(%arg16 : memref<80x128xf32, #tpu.memory_space<vmem>>) offsets(%dma_start3A_279 : memref<80xi32, #tpu.memory_space<vmem>>) semaphore(%arg31 : memref<!tpu.dma_semaphore, #tpu.memory_space<semaphore_mem>>)
      %gt3A_283 = arith.constant 0 : i32
      %gt3A_284 = arith.cmpi sgt, %add3A_245, %gt3A_283 : i32
      %convert_element_type3A_285 = arith.extui %gt3A_284 : i1 to i32
      %cond3A_286 = arith.constant 0 : i32
      %cond3A_287 = arith.cmpi ne, %convert_element_type3A_285, %cond3A_286 : i32
      scf.if %cond3A_287 {
        %sub3A = arith.constant 1 : i32
        %sub3A_380 = arith.subi %add3A_245, %sub3A : i32
        %dma_wait3A_381 = arith.constant 1 : i32
        %dma_wait3A_382 = arith.constant 0 : i32
        %dma_wait3A_383 = tpu.memref_slice %arg7[%dma_wait3A_381, %dma_wait3A_382] : memref<5x80xi32, #tpu.memory_space<vmem>> -> memref<1x80xi32, #tpu.memory_space<vmem>>
        %dma_wait3A_384 = tpu.memref_squeeze %dma_wait3A_383 : memref<1x80xi32, #tpu.memory_space<vmem>> -> memref<80xi32, #tpu.memory_space<vmem>>
        %dma_wait3A_385 = arith.constant 0 : i32
        %dma_wait3A_386 = arith.constant 0 : i32
        %dma_wait3A_387 = tpu.memref_slice %arg2[%dma_wait3A_385, %dma_wait3A_386] : memref<10000x128xf32, #tpu.memory_space<hbm>> -> memref<10000x128xf32, #tpu.memory_space<hbm>>
        tpu.wait_indirect_dma semaphore(%arg25 : memref<!tpu.dma_semaphore, #tpu.memory_space<semaphore_mem>>) src(%dma_wait3A_387 : memref<10000x128xf32, #tpu.memory_space<hbm>>) dst(%arg10 : memref<80x128xf32, #tpu.memory_space<vmem>>)
        %dma_wait3A_388 = arith.constant 1 : i32
        %dma_wait3A_389 = arith.constant 0 : i32
        %dma_wait3A_390 = tpu.memref_slice %arg8[%dma_wait3A_388, %dma_wait3A_389] : memref<5x80xi32, #tpu.memory_space<vmem>> -> memref<1x80xi32, #tpu.memory_space<vmem>>
        %dma_wait3A_391 = tpu.memref_squeeze %dma_wait3A_390 : memref<1x80xi32, #tpu.memory_space<vmem>> -> memref<80xi32, #tpu.memory_space<vmem>>
        %dma_wait3A_392 = arith.constant 0 : i32
        %dma_wait3A_393 = arith.constant 0 : i32
        %dma_wait3A_394 = tpu.memref_slice %arg3[%dma_wait3A_392, %dma_wait3A_393] : memref<10000x128xf32, #tpu.memory_space<hbm>> -> memref<10000x128xf32, #tpu.memory_space<hbm>>
        tpu.wait_indirect_dma semaphore(%arg30 : memref<!tpu.dma_semaphore, #tpu.memory_space<semaphore_mem>>) src(%dma_wait3A_394 : memref<10000x128xf32, #tpu.memory_space<hbm>>) dst(%arg15 : memref<80x128xf32, #tpu.memory_space<vmem>>)
        %scan3A_395 = arith.constant 0 : i32
        %scan3A_396 = arith.constant 0 : i32
        %scan3A_397 = arith.constant 80 : i32
        %scan3A_398 = arith.addi %scan3A_396, %scan3A_397 : i32
        %scan3A_399 = arith.constant 1 : i32
        scf.for %scan3A_416 = %scan3A_396 to %scan3A_398 step %scan3A_399  : i32 {
          %get3A = arith.index_cast %scan3A_416 : i32 to index
          %get3A_417 = arith.constant 0 : index
          %get3A_418 = tpu.vector_load %arg10[%get3A, %get3A_417] {strides = array<i32>} : memref<80x128xf32, #tpu.memory_space<vmem>>, vector<1x16xf32>,
          %get3A_419 = vector.shape_cast %get3A_418 : vector<1x16xf32> to vector<16xf32>
          %get3A_420 = arith.index_cast %scan3A_416 : i32 to index
          %get3A_421 = arith.constant 0 : index
          %get3A_422 = tpu.vector_load %arg15[%get3A_420, %get3A_421] {strides = array<i32>} : memref<80x128xf32, #tpu.memory_space<vmem>>, vector<1x16xf32>,
          %get3A_423 = vector.shape_cast %get3A_422 : vector<1x16xf32> to vector<16xf32>
          %add3A_424 = arith.addf %get3A_419, %get3A_423 : vector<16xf32>
          %swap3A = arith.index_cast %scan3A_416 : i32 to index
          %swap3A_425 = arith.constant 0 : index
          %swap3A_426 = tpu.vector_load %arg10[%swap3A, %swap3A_425] {strides = array<i32>} : memref<80x128xf32, #tpu.memory_space<vmem>>, vector<1x16xf32>,
          %swap3A_427 = vector.shape_cast %swap3A_426 : vector<1x16xf32> to vector<16xf32>
          %swap3A_428 = vector.shape_cast %add3A_424 : vector<16xf32> to vector<1x16xf32>
          tpu.vector_store %arg10[%swap3A, %swap3A_425], %swap3A_428 {strides = array<i32>} : memref<80x128xf32, #tpu.memory_space<vmem>>, vector<1x16xf32>,
          %get3A_429 = arith.index_cast %scan3A_416 : i32 to index
          %get3A_430 = arith.constant 16 : index
          %get3A_431 = tpu.vector_load %arg10[%get3A_429, %get3A_430] {strides = array<i32>} : memref<80x128xf32, #tpu.memory_space<vmem>>, vector<1x16xf32>,
          %get3A_432 = vector.shape_cast %get3A_431 : vector<1x16xf32> to vector<16xf32>
          %get3A_433 = arith.index_cast %scan3A_416 : i32 to index
          %get3A_434 = arith.constant 16 : index
          %get3A_435 = tpu.vector_load %arg15[%get3A_433, %get3A_434] {strides = array<i32>} : memref<80x128xf32, #tpu.memory_space<vmem>>, vector<1x16xf32>,
          %get3A_436 = vector.shape_cast %get3A_435 : vector<1x16xf32> to vector<16xf32>
          %add3A_437 = arith.addf %get3A_432, %get3A_436 : vector<16xf32>
          %swap3A_438 = arith.index_cast %scan3A_416 : i32 to index
          %swap3A_439 = arith.constant 16 : index
          %swap3A_440 = tpu.vector_load %arg10[%swap3A_438, %swap3A_439] {strides = array<i32>} : memref<80x128xf32, #tpu.memory_space<vmem>>, vector<1x16xf32>,
          %swap3A_441 = vector.shape_cast %swap3A_440 : vector<1x16xf32> to vector<16xf32>
          %swap3A_442 = vector.shape_cast %add3A_437 : vector<16xf32> to vector<1x16xf32>
          tpu.vector_store %arg10[%swap3A_438, %swap3A_439], %swap3A_442 {strides = array<i32>} : memref<80x128xf32, #tpu.memory_space<vmem>>, vector<1x16xf32>,
          %get3A_443 = arith.index_cast %scan3A_416 : i32 to index
          %get3A_444 = arith.constant 32 : index
          %get3A_445 = tpu.vector_load %arg10[%get3A_443, %get3A_444] {strides = array<i32>} : memref<80x128xf32, #tpu.memory_space<vmem>>, vector<1x16xf32>,
          %get3A_446 = vector.shape_cast %get3A_445 : vector<1x16xf32> to vector<16xf32>
          %get3A_447 = arith.index_cast %scan3A_416 : i32 to index
          %get3A_448 = arith.constant 32 : index
          %get3A_449 = tpu.vector_load %arg15[%get3A_447, %get3A_448] {strides = array<i32>} : memref<80x128xf32, #tpu.memory_space<vmem>>, vector<1x16xf32>,
          %get3A_450 = vector.shape_cast %get3A_449 : vector<1x16xf32> to vector<16xf32>
          %add3A_451 = arith.addf %get3A_446, %get3A_450 : vector<16xf32>
          %swap3A_452 = arith.index_cast %scan3A_416 : i32 to index
          %swap3A_453 = arith.constant 32 : index
          %swap3A_454 = tpu.vector_load %arg10[%swap3A_452, %swap3A_453] {strides = array<i32>} : memref<80x128xf32, #tpu.memory_space<vmem>>, vector<1x16xf32>,
          %swap3A_455 = vector.shape_cast %swap3A_454 : vector<1x16xf32> to vector<16xf32>
          %swap3A_456 = vector.shape_cast %add3A_451 : vector<16xf32> to vector<1x16xf32>
          tpu.vector_store %arg10[%swap3A_452, %swap3A_453], %swap3A_456 {strides = array<i32>} : memref<80x128xf32, #tpu.memory_space<vmem>>, vector<1x16xf32>,
          %get3A_457 = arith.index_cast %scan3A_416 : i32 to index
          %get3A_458 = arith.constant 48 : index
          %get3A_459 = tpu.vector_load %arg10[%get3A_457, %get3A_458] {strides = array<i32>} : memref<80x128xf32, #tpu.memory_space<vmem>>, vector<1x16xf32>,
          %get3A_460 = vector.shape_cast %get3A_459 : vector<1x16xf32> to vector<16xf32>
          %get3A_461 = arith.index_cast %scan3A_416 : i32 to index
          %get3A_462 = arith.constant 48 : index
          %get3A_463 = tpu.vector_load %arg15[%get3A_461, %get3A_462] {strides = array<i32>} : memref<80x128xf32, #tpu.memory_space<vmem>>, vector<1x16xf32>,
          %get3A_464 = vector.shape_cast %get3A_463 : vector<1x16xf32> to vector<16xf32>
          %add3A_465 = arith.addf %get3A_460, %get3A_464 : vector<16xf32>
          %swap3A_466 = arith.index_cast %scan3A_416 : i32 to index
          %swap3A_467 = arith.constant 48 : index
          %swap3A_468 = tpu.vector_load %arg10[%swap3A_466, %swap3A_467] {strides = array<i32>} : memref<80x128xf32, #tpu.memory_space<vmem>>, vector<1x16xf32>,
          %swap3A_469 = vector.shape_cast %swap3A_468 : vector<1x16xf32> to vector<16xf32>
          %swap3A_470 = vector.shape_cast %add3A_465 : vector<16xf32> to vector<1x16xf32>
          tpu.vector_store %arg10[%swap3A_466, %swap3A_467], %swap3A_470 {strides = array<i32>} : memref<80x128xf32, #tpu.memory_space<vmem>>, vector<1x16xf32>,
          %get3A_471 = arith.index_cast %scan3A_416 : i32 to index
          %get3A_472 = arith.constant 64 : index
          %get3A_473 = tpu.vector_load %arg10[%get3A_471, %get3A_472] {strides = array<i32>} : memref<80x128xf32, #tpu.memory_space<vmem>>, vector<1x16xf32>,
          %get3A_474 = vector.shape_cast %get3A_473 : vector<1x16xf32> to vector<16xf32>
          %get3A_475 = arith.index_cast %scan3A_416 : i32 to index
          %get3A_476 = arith.constant 64 : index
          %get3A_477 = tpu.vector_load %arg15[%get3A_475, %get3A_476] {strides = array<i32>} : memref<80x128xf32, #tpu.memory_space<vmem>>, vector<1x16xf32>,
          %get3A_478 = vector.shape_cast %get3A_477 : vector<1x16xf32> to vector<16xf32>
          %add3A_479 = arith.addf %get3A_474, %get3A_478 : vector<16xf32>
          %swap3A_480 = arith.index_cast %scan3A_416 : i32 to index
          %swap3A_481 = arith.constant 64 : index
          %swap3A_482 = tpu.vector_load %arg10[%swap3A_480, %swap3A_481] {strides = array<i32>} : memref<80x128xf32, #tpu.memory_space<vmem>>, vector<1x16xf32>,
          %swap3A_483 = vector.shape_cast %swap3A_482 : vector<1x16xf32> to vector<16xf32>
          %swap3A_484 = vector.shape_cast %add3A_479 : vector<16xf32> to vector<1x16xf32>
          tpu.vector_store %arg10[%swap3A_480, %swap3A_481], %swap3A_484 {strides = array<i32>} : memref<80x128xf32, #tpu.memory_space<vmem>>, vector<1x16xf32>,
          %get3A_485 = arith.index_cast %scan3A_416 : i32 to index
          %get3A_486 = arith.constant 80 : index
          %get3A_487 = tpu.vector_load %arg10[%get3A_485, %get3A_486] {strides = array<i32>} : memref<80x128xf32, #tpu.memory_space<vmem>>, vector<1x16xf32>,
          %get3A_488 = vector.shape_cast %get3A_487 : vector<1x16xf32> to vector<16xf32>
          %get3A_489 = arith.index_cast %scan3A_416 : i32 to index
          %get3A_490 = arith.constant 80 : index
          %get3A_491 = tpu.vector_load %arg15[%get3A_489, %get3A_490] {strides = array<i32>} : memref<80x128xf32, #tpu.memory_space<vmem>>, vector<1x16xf32>,
          %get3A_492 = vector.shape_cast %get3A_491 : vector<1x16xf32> to vector<16xf32>
          %add3A_493 = arith.addf %get3A_488, %get3A_492 : vector<16xf32>
          %swap3A_494 = arith.index_cast %scan3A_416 : i32 to index
          %swap3A_495 = arith.constant 80 : index
          %swap3A_496 = tpu.vector_load %arg10[%swap3A_494, %swap3A_495] {strides = array<i32>} : memref<80x128xf32, #tpu.memory_space<vmem>>, vector<1x16xf32>,
          %swap3A_497 = vector.shape_cast %swap3A_496 : vector<1x16xf32> to vector<16xf32>
          %swap3A_498 = vector.shape_cast %add3A_493 : vector<16xf32> to vector<1x16xf32>
          tpu.vector_store %arg10[%swap3A_494, %swap3A_495], %swap3A_498 {strides = array<i32>} : memref<80x128xf32, #tpu.memory_space<vmem>>, vector<1x16xf32>,
          %get3A_499 = arith.index_cast %scan3A_416 : i32 to index
          %get3A_500 = arith.constant 96 : index
          %get3A_501 = tpu.vector_load %arg10[%get3A_499, %get3A_500] {strides = array<i32>} : memref<80x128xf32, #tpu.memory_space<vmem>>, vector<1x16xf32>,
          %get3A_502 = vector.shape_cast %get3A_501 : vector<1x16xf32> to vector<16xf32>
          %get3A_503 = arith.index_cast %scan3A_416 : i32 to index
          %get3A_504 = arith.constant 96 : index
          %get3A_505 = tpu.vector_load %arg15[%get3A_503, %get3A_504] {strides = array<i32>} : memref<80x128xf32, #tpu.memory_space<vmem>>, vector<1x16xf32>,
          %get3A_506 = vector.shape_cast %get3A_505 : vector<1x16xf32> to vector<16xf32>
          %add3A_507 = arith.addf %get3A_502, %get3A_506 : vector<16xf32>
          %swap3A_508 = arith.index_cast %scan3A_416 : i32 to index
          %swap3A_509 = arith.constant 96 : index
          %swap3A_510 = tpu.vector_load %arg10[%swap3A_508, %swap3A_509] {strides = array<i32>} : memref<80x128xf32, #tpu.memory_space<vmem>>, vector<1x16xf32>,
          %swap3A_511 = vector.shape_cast %swap3A_510 : vector<1x16xf32> to vector<16xf32>
          %swap3A_512 = vector.shape_cast %add3A_507 : vector<16xf32> to vector<1x16xf32>
          tpu.vector_store %arg10[%swap3A_508, %swap3A_509], %swap3A_512 {strides = array<i32>} : memref<80x128xf32, #tpu.memory_space<vmem>>, vector<1x16xf32>,
          %get3A_513 = arith.index_cast %scan3A_416 : i32 to index
          %get3A_514 = arith.constant 112 : index
          %get3A_515 = tpu.vector_load %arg10[%get3A_513, %get3A_514] {strides = array<i32>} : memref<80x128xf32, #tpu.memory_space<vmem>>, vector<1x16xf32>,
          %get3A_516 = vector.shape_cast %get3A_515 : vector<1x16xf32> to vector<16xf32>
          %get3A_517 = arith.index_cast %scan3A_416 : i32 to index
          %get3A_518 = arith.constant 112 : index
          %get3A_519 = tpu.vector_load %arg15[%get3A_517, %get3A_518] {strides = array<i32>} : memref<80x128xf32, #tpu.memory_space<vmem>>, vector<1x16xf32>,
          %get3A_520 = vector.shape_cast %get3A_519 : vector<1x16xf32> to vector<16xf32>
          %add3A_521 = arith.addf %get3A_516, %get3A_520 : vector<16xf32>
          %swap3A_522 = arith.index_cast %scan3A_416 : i32 to index
          %swap3A_523 = arith.constant 112 : index
          %swap3A_524 = tpu.vector_load %arg10[%swap3A_522, %swap3A_523] {strides = array<i32>} : memref<80x128xf32, #tpu.memory_space<vmem>>, vector<1x16xf32>,
          %swap3A_525 = vector.shape_cast %swap3A_524 : vector<1x16xf32> to vector<16xf32>
          %swap3A_526 = vector.shape_cast %add3A_521 : vector<16xf32> to vector<1x16xf32>
          tpu.vector_store %arg10[%swap3A_522, %swap3A_523], %swap3A_526 {strides = array<i32>} : memref<80x128xf32, #tpu.memory_space<vmem>>, vector<1x16xf32>,
        }
        %scan3A_400 = arith.constant 80 : i32
        %mul3A_401 = arith.constant 80 : i32
        %mul3A_402 = arith.muli %sub3A_380, %mul3A_401 : i32
        %add3A_403 = arith.addi %mul3A_2, %mul3A_402 : i32
        %dma_start3A_404 = arith.constant 0 : i32
        %dma_start3A_405 = tpu.memref_slice %arg6[%add3A_403, %dma_start3A_404] : memref<320000x128xf32, #tpu.memory_space<hbm>> -> memref<80x128xf32, #tpu.memory_space<hbm>>
        %dma_start3A_406 = arith.constant 0 : i32
        %dma_start3A_407 = tpu.memref_slice %arg6[%add3A_403, %dma_start3A_406] : memref<320000x128xf32, #tpu.memory_space<hbm>> -> memref<80x128xf32, #tpu.memory_space<hbm>>
        tpu.enqueue_dma source(%arg10 : memref<80x128xf32, #tpu.memory_space<vmem>>) target(%dma_start3A_407 : memref<80x128xf32, #tpu.memory_space<hbm>>) target_semaphore(%arg35 : memref<!tpu.dma_semaphore, #tpu.memory_space<semaphore_mem>>)
        %sub3A_408 = arith.constant 1 : i32
        %sub3A_409 = arith.subi %add3A_245, %sub3A_408 : i32
        %add3A_410 = arith.constant 5 : i32
        %add3A_411 = arith.addi %sub3A_409, %add3A_410 : i32
        %lt3A = arith.constant 125 : i32
        %lt3A_412 = arith.cmpi slt, %add3A_411, %lt3A : i32
        %convert_element_type3A_413 = arith.extui %lt3A_412 : i1 to i32
        %cond3A_414 = arith.constant 0 : i32
        %cond3A_415 = arith.cmpi ne, %convert_element_type3A_413, %cond3A_414 : i32
        scf.if %cond3A_415 {
          %sub3A_416 = arith.constant 1 : i32
          %sub3A_417 = arith.subi %add3A_245, %sub3A_416 : i32
          %add3A_418 = arith.constant 5 : i32
          %add3A_419 = arith.addi %sub3A_417, %add3A_418 : i32
          %mul3A_420 = arith.constant 80 : i32
          %mul3A_421 = arith.muli %add3A_419, %mul3A_420 : i32
          %add3A_422 = arith.addi %mul3A_2, %mul3A_421 : i32
          %dma_start3A_423 = arith.constant 1 : i32
          %dma_start3A_424 = arith.constant 0 : i32
          %dma_start3A_425 = tpu.memref_slice %arg7[%dma_start3A_423, %dma_start3A_424] : memref<5x80xi32, #tpu.memory_space<vmem>> -> memref<1x80xi32, #tpu.memory_space<vmem>>
          %dma_start3A_426 = tpu.memref_squeeze %dma_start3A_425 : memref<1x80xi32, #tpu.memory_space<vmem>> -> memref<80xi32, #tpu.memory_space<vmem>>
          %dma_start3A_427 = tpu.memref_slice %arg4[%add3A_422] : memref<320000xi32, #tpu.memory_space<hbm>> -> memref<80xi32, #tpu.memory_space<hbm>>
          %dma_start3A_428 = arith.constant 0 : i32
          %dma_start3A_429 = tpu.memref_slice %arg7[%dma_start3A_423, %dma_start3A_428] : memref<5x80xi32, #tpu.memory_space<vmem>> -> memref<1x80xi32, #tpu.memory_space<vmem>>
          %dma_start3A_430 = tpu.memref_squeeze %dma_start3A_429 : memref<1x80xi32, #tpu.memory_space<vmem>> -> memref<80xi32, #tpu.memory_space<vmem>>
          %dma_start3A_431 = tpu.memref_slice %arg4[%add3A_422] : memref<320000xi32, #tpu.memory_space<hbm>> -> memref<80xi32, #tpu.memory_space<hbm>>
          tpu.enqueue_dma source(%dma_start3A_431 : memref<80xi32, #tpu.memory_space<hbm>>) target(%dma_start3A_430 : memref<80xi32, #tpu.memory_space<vmem>>) target_semaphore(%arg20 : memref<!tpu.dma_semaphore, #tpu.memory_space<semaphore_mem>>)
          %dma_start3A_432 = arith.constant 1 : i32
          %dma_start3A_433 = arith.constant 0 : i32
          %dma_start3A_434 = tpu.memref_slice %arg8[%dma_start3A_432, %dma_start3A_433] : memref<5x80xi32, #tpu.memory_space<vmem>> -> memref<1x80xi32, #tpu.memory_space<vmem>>
          %dma_start3A_435 = tpu.memref_squeeze %dma_start3A_434 : memref<1x80xi32, #tpu.memory_space<vmem>> -> memref<80xi32, #tpu.memory_space<vmem>>
          %dma_start3A_436 = tpu.memref_slice %arg5[%add3A_422] : memref<320000xi32, #tpu.memory_space<hbm>> -> memref<80xi32, #tpu.memory_space<hbm>>
          %dma_start3A_437 = arith.constant 0 : i32
          %dma_start3A_438 = tpu.memref_slice %arg8[%dma_start3A_432, %dma_start3A_437] : memref<5x80xi32, #tpu.memory_space<vmem>> -> memref<1x80xi32, #tpu.memory_space<vmem>>
          %dma_start3A_439 = tpu.memref_squeeze %dma_start3A_438 : memref<1x80xi32, #tpu.memory_space<vmem>> -> memref<80xi32, #tpu.memory_space<vmem>>
          %dma_start3A_440 = tpu.memref_slice %arg5[%add3A_422] : memref<320000xi32, #tpu.memory_space<hbm>> -> memref<80xi32, #tpu.memory_space<hbm>>
          tpu.enqueue_dma source(%dma_start3A_440 : memref<80xi32, #tpu.memory_space<hbm>>) target(%dma_start3A_439 : memref<80xi32, #tpu.memory_space<vmem>>) target_semaphore(%arg20 : memref<!tpu.dma_semaphore, #tpu.memory_space<semaphore_mem>>)
        } else {
        }
      } else {
      }
      %mul3A_288 = arith.constant 5 : i32
      %mul3A_289 = arith.muli %scan3A_152, %mul3A_288 : i32
      %add3A_290 = arith.constant 3 : i32
      %add3A_291 = arith.addi %mul3A_289, %add3A_290 : i32
      %gt3A_292 = arith.constant 0 : i32
      %gt3A_293 = arith.cmpi sgt, %scan3A_152, %gt3A_292 : i32
      %convert_element_type3A_294 = arith.extui %gt3A_293 : i1 to i32
      %cond3A_295 = arith.constant 0 : i32
      %cond3A_296 = arith.cmpi ne, %convert_element_type3A_294, %cond3A_295 : i32
      scf.if %cond3A_296 {
        %dma_wait3A_380 = arith.constant 0 : i32
        %dma_wait3A_381 = tpu.memref_slice %arg6[%mul3A_2, %dma_wait3A_380] : memref<320000x128xf32, #tpu.memory_space<hbm>> -> memref<80x128xf32, #tpu.memory_space<hbm>>
        %dma_wait3A_382 = arith.constant 0 : i32
        %dma_wait3A_383 = tpu.memref_slice %arg6[%mul3A_2, %dma_wait3A_382] : memref<320000x128xf32, #tpu.memory_space<hbm>> -> memref<80x128xf32, #tpu.memory_space<hbm>>
        tpu.wait_dma2 semaphore(%arg37 : memref<!tpu.dma_semaphore, #tpu.memory_space<semaphore_mem>>) src(%arg12 : memref<80x128xf32, #tpu.memory_space<vmem>>) dst(%dma_wait3A_383 : memref<80x128xf32, #tpu.memory_space<hbm>>)
      } else {
      }
      %dma_wait3A_297 = arith.constant 3 : i32
      %dma_wait3A_298 = arith.constant 0 : i32
      %dma_wait3A_299 = tpu.memref_slice %arg7[%dma_wait3A_297, %dma_wait3A_298] : memref<5x80xi32, #tpu.memory_space<vmem>> -> memref<1x80xi32, #tpu.memory_space<vmem>>
      %dma_wait3A_300 = tpu.memref_squeeze %dma_wait3A_299 : memref<1x80xi32, #tpu.memory_space<vmem>> -> memref<80xi32, #tpu.memory_space<vmem>>
      %dma_wait3A_301 = tpu.memref_slice %arg4[%mul3A_2] : memref<320000xi32, #tpu.memory_space<hbm>> -> memref<80xi32, #tpu.memory_space<hbm>>
      %dma_wait3A_302 = arith.constant 0 : i32
      %dma_wait3A_303 = tpu.memref_slice %arg7[%dma_wait3A_297, %dma_wait3A_302] : memref<5x80xi32, #tpu.memory_space<vmem>> -> memref<1x80xi32, #tpu.memory_space<vmem>>
      %dma_wait3A_304 = tpu.memref_squeeze %dma_wait3A_303 : memref<1x80xi32, #tpu.memory_space<vmem>> -> memref<80xi32, #tpu.memory_space<vmem>>
      %dma_wait3A_305 = tpu.memref_slice %arg4[%mul3A_2] : memref<320000xi32, #tpu.memory_space<hbm>> -> memref<80xi32, #tpu.memory_space<hbm>>
      tpu.wait_dma2 semaphore(%arg22 : memref<!tpu.dma_semaphore, #tpu.memory_space<semaphore_mem>>) src(%dma_wait3A_305 : memref<80xi32, #tpu.memory_space<hbm>>) dst(%dma_wait3A_304 : memref<80xi32, #tpu.memory_space<vmem>>)
      %dma_wait3A_306 = arith.constant 3 : i32
      %dma_wait3A_307 = arith.constant 0 : i32
      %dma_wait3A_308 = tpu.memref_slice %arg8[%dma_wait3A_306, %dma_wait3A_307] : memref<5x80xi32, #tpu.memory_space<vmem>> -> memref<1x80xi32, #tpu.memory_space<vmem>>
      %dma_wait3A_309 = tpu.memref_squeeze %dma_wait3A_308 : memref<1x80xi32, #tpu.memory_space<vmem>> -> memref<80xi32, #tpu.memory_space<vmem>>
      %dma_wait3A_310 = tpu.memref_slice %arg5[%mul3A_2] : memref<320000xi32, #tpu.memory_space<hbm>> -> memref<80xi32, #tpu.memory_space<hbm>>
      %dma_wait3A_311 = arith.constant 0 : i32
      %dma_wait3A_312 = tpu.memref_slice %arg8[%dma_wait3A_306, %dma_wait3A_311] : memref<5x80xi32, #tpu.memory_space<vmem>> -> memref<1x80xi32, #tpu.memory_space<vmem>>
      %dma_wait3A_313 = tpu.memref_squeeze %dma_wait3A_312 : memref<1x80xi32, #tpu.memory_space<vmem>> -> memref<80xi32, #tpu.memory_space<vmem>>
      %dma_wait3A_314 = tpu.memref_slice %arg5[%mul3A_2] : memref<320000xi32, #tpu.memory_space<hbm>> -> memref<80xi32, #tpu.memory_space<hbm>>
      tpu.wait_dma2 semaphore(%arg22 : memref<!tpu.dma_semaphore, #tpu.memory_space<semaphore_mem>>) src(%dma_wait3A_314 : memref<80xi32, #tpu.memory_space<hbm>>) dst(%dma_wait3A_313 : memref<80xi32, #tpu.memory_space<vmem>>)
      %dma_start3A_315 = arith.constant 3 : i32
      %dma_start3A_316 = arith.constant 0 : i32
      %dma_start3A_317 = tpu.memref_slice %arg7[%dma_start3A_315, %dma_start3A_316] : memref<5x80xi32, #tpu.memory_space<vmem>> -> memref<1x80xi32, #tpu.memory_space<vmem>>
      %dma_start3A_318 = tpu.memref_squeeze %dma_start3A_317 : memref<1x80xi32, #tpu.memory_space<vmem>> -> memref<80xi32, #tpu.memory_space<vmem>>
      %dma_start3A_319 = arith.constant 0 : i32
      %dma_start3A_320 = arith.constant 0 : i32
      %dma_start3A_321 = tpu.memref_slice %arg2[%dma_start3A_319, %dma_start3A_320] : memref<10000x128xf32, #tpu.memory_space<hbm>> -> memref<10000x128xf32, #tpu.memory_space<hbm>>
      tpu.enqueue_indirect_dma source(%dma_start3A_321 : memref<10000x128xf32, #tpu.memory_space<hbm>>) target(%arg12 : memref<80x128xf32, #tpu.memory_space<vmem>>) offsets(%dma_start3A_318 : memref<80xi32, #tpu.memory_space<vmem>>) semaphore(%arg27 : memref<!tpu.dma_semaphore, #tpu.memory_space<semaphore_mem>>)
      %dma_start3A_322 = arith.constant 3 : i32
      %dma_start3A_323 = arith.constant 0 : i32
      %dma_start3A_324 = tpu.memref_slice %arg8[%dma_start3A_322, %dma_start3A_323] : memref<5x80xi32, #tpu.memory_space<vmem>> -> memref<1x80xi32, #tpu.memory_space<vmem>>
      %dma_start3A_325 = tpu.memref_squeeze %dma_start3A_324 : memref<1x80xi32, #tpu.memory_space<vmem>> -> memref<80xi32, #tpu.memory_space<vmem>>
      %dma_start3A_326 = arith.constant 0 : i32
      %dma_start3A_327 = arith.constant 0 : i32
      %dma_start3A_328 = tpu.memref_slice %arg3[%dma_start3A_326, %dma_start3A_327] : memref<10000x128xf32, #tpu.memory_space<hbm>> -> memref<10000x128xf32, #tpu.memory_space<hbm>>
      tpu.enqueue_indirect_dma source(%dma_start3A_328 : memref<10000x128xf32, #tpu.memory_space<hbm>>) target(%arg17 : memref<80x128xf32, #tpu.memory_space<vmem>>) offsets(%dma_start3A_325 : memref<80xi32, #tpu.memory_space<vmem>>) semaphore(%arg32 : memref<!tpu.dma_semaphore, #tpu.memory_space<semaphore_mem>>)
      %gt3A_329 = arith.constant 0 : i32
      %gt3A_330 = arith.cmpi sgt, %add3A_291, %gt3A_329 : i32
      %convert_element_type3A_331 = arith.extui %gt3A_330 : i1 to i32
      %cond3A_332 = arith.constant 0 : i32
      %cond3A_333 = arith.cmpi ne, %convert_element_type3A_331, %cond3A_332 : i32
      scf.if %cond3A_333 {
        %sub3A = arith.constant 1 : i32
        %sub3A_380 = arith.subi %add3A_291, %sub3A : i32
        %dma_wait3A_381 = arith.constant 2 : i32
        %dma_wait3A_382 = arith.constant 0 : i32
        %dma_wait3A_383 = tpu.memref_slice %arg7[%dma_wait3A_381, %dma_wait3A_382] : memref<5x80xi32, #tpu.memory_space<vmem>> -> memref<1x80xi32, #tpu.memory_space<vmem>>
        %dma_wait3A_384 = tpu.memref_squeeze %dma_wait3A_383 : memref<1x80xi32, #tpu.memory_space<vmem>> -> memref<80xi32, #tpu.memory_space<vmem>>
        %dma_wait3A_385 = arith.constant 0 : i32
        %dma_wait3A_386 = arith.constant 0 : i32
        %dma_wait3A_387 = tpu.memref_slice %arg2[%dma_wait3A_385, %dma_wait3A_386] : memref<10000x128xf32, #tpu.memory_space<hbm>> -> memref<10000x128xf32, #tpu.memory_space<hbm>>
        tpu.wait_indirect_dma semaphore(%arg26 : memref<!tpu.dma_semaphore, #tpu.memory_space<semaphore_mem>>) src(%dma_wait3A_387 : memref<10000x128xf32, #tpu.memory_space<hbm>>) dst(%arg11 : memref<80x128xf32, #tpu.memory_space<vmem>>)
        %dma_wait3A_388 = arith.constant 2 : i32
        %dma_wait3A_389 = arith.constant 0 : i32
        %dma_wait3A_390 = tpu.memref_slice %arg8[%dma_wait3A_388, %dma_wait3A_389] : memref<5x80xi32, #tpu.memory_space<vmem>> -> memref<1x80xi32, #tpu.memory_space<vmem>>
        %dma_wait3A_391 = tpu.memref_squeeze %dma_wait3A_390 : memref<1x80xi32, #tpu.memory_space<vmem>> -> memref<80xi32, #tpu.memory_space<vmem>>
        %dma_wait3A_392 = arith.constant 0 : i32
        %dma_wait3A_393 = arith.constant 0 : i32
        %dma_wait3A_394 = tpu.memref_slice %arg3[%dma_wait3A_392, %dma_wait3A_393] : memref<10000x128xf32, #tpu.memory_space<hbm>> -> memref<10000x128xf32, #tpu.memory_space<hbm>>
        tpu.wait_indirect_dma semaphore(%arg31 : memref<!tpu.dma_semaphore, #tpu.memory_space<semaphore_mem>>) src(%dma_wait3A_394 : memref<10000x128xf32, #tpu.memory_space<hbm>>) dst(%arg16 : memref<80x128xf32, #tpu.memory_space<vmem>>)
        %scan3A_395 = arith.constant 0 : i32
        %scan3A_396 = arith.constant 0 : i32
        %scan3A_397 = arith.constant 80 : i32
        %scan3A_398 = arith.addi %scan3A_396, %scan3A_397 : i32
        %scan3A_399 = arith.constant 1 : i32
        scf.for %scan3A_416 = %scan3A_396 to %scan3A_398 step %scan3A_399  : i32 {
          %get3A = arith.index_cast %scan3A_416 : i32 to index
          %get3A_417 = arith.constant 0 : index
          %get3A_418 = tpu.vector_load %arg11[%get3A, %get3A_417] {strides = array<i32>} : memref<80x128xf32, #tpu.memory_space<vmem>>, vector<1x16xf32>,
          %get3A_419 = vector.shape_cast %get3A_418 : vector<1x16xf32> to vector<16xf32>
          %get3A_420 = arith.index_cast %scan3A_416 : i32 to index
          %get3A_421 = arith.constant 0 : index
          %get3A_422 = tpu.vector_load %arg16[%get3A_420, %get3A_421] {strides = array<i32>} : memref<80x128xf32, #tpu.memory_space<vmem>>, vector<1x16xf32>,
          %get3A_423 = vector.shape_cast %get3A_422 : vector<1x16xf32> to vector<16xf32>
          %add3A_424 = arith.addf %get3A_419, %get3A_423 : vector<16xf32>
          %swap3A = arith.index_cast %scan3A_416 : i32 to index
          %swap3A_425 = arith.constant 0 : index
          %swap3A_426 = tpu.vector_load %arg11[%swap3A, %swap3A_425] {strides = array<i32>} : memref<80x128xf32, #tpu.memory_space<vmem>>, vector<1x16xf32>,
          %swap3A_427 = vector.shape_cast %swap3A_426 : vector<1x16xf32> to vector<16xf32>
          %swap3A_428 = vector.shape_cast %add3A_424 : vector<16xf32> to vector<1x16xf32>
          tpu.vector_store %arg11[%swap3A, %swap3A_425], %swap3A_428 {strides = array<i32>} : memref<80x128xf32, #tpu.memory_space<vmem>>, vector<1x16xf32>,
          %get3A_429 = arith.index_cast %scan3A_416 : i32 to index
          %get3A_430 = arith.constant 16 : index
          %get3A_431 = tpu.vector_load %arg11[%get3A_429, %get3A_430] {strides = array<i32>} : memref<80x128xf32, #tpu.memory_space<vmem>>, vector<1x16xf32>,
          %get3A_432 = vector.shape_cast %get3A_431 : vector<1x16xf32> to vector<16xf32>
          %get3A_433 = arith.index_cast %scan3A_416 : i32 to index
          %get3A_434 = arith.constant 16 : index
          %get3A_435 = tpu.vector_load %arg16[%get3A_433, %get3A_434] {strides = array<i32>} : memref<80x128xf32, #tpu.memory_space<vmem>>, vector<1x16xf32>,
          %get3A_436 = vector.shape_cast %get3A_435 : vector<1x16xf32> to vector<16xf32>
          %add3A_437 = arith.addf %get3A_432, %get3A_436 : vector<16xf32>
          %swap3A_438 = arith.index_cast %scan3A_416 : i32 to index
          %swap3A_439 = arith.constant 16 : index
          %swap3A_440 = tpu.vector_load %arg11[%swap3A_438, %swap3A_439] {strides = array<i32>} : memref<80x128xf32, #tpu.memory_space<vmem>>, vector<1x16xf32>,
          %swap3A_441 = vector.shape_cast %swap3A_440 : vector<1x16xf32> to vector<16xf32>
          %swap3A_442 = vector.shape_cast %add3A_437 : vector<16xf32> to vector<1x16xf32>
          tpu.vector_store %arg11[%swap3A_438, %swap3A_439], %swap3A_442 {strides = array<i32>} : memref<80x128xf32, #tpu.memory_space<vmem>>, vector<1x16xf32>,
          %get3A_443 = arith.index_cast %scan3A_416 : i32 to index
          %get3A_444 = arith.constant 32 : index
          %get3A_445 = tpu.vector_load %arg11[%get3A_443, %get3A_444] {strides = array<i32>} : memref<80x128xf32, #tpu.memory_space<vmem>>, vector<1x16xf32>,
          %get3A_446 = vector.shape_cast %get3A_445 : vector<1x16xf32> to vector<16xf32>
          %get3A_447 = arith.index_cast %scan3A_416 : i32 to index
          %get3A_448 = arith.constant 32 : index
          %get3A_449 = tpu.vector_load %arg16[%get3A_447, %get3A_448] {strides = array<i32>} : memref<80x128xf32, #tpu.memory_space<vmem>>, vector<1x16xf32>,
          %get3A_450 = vector.shape_cast %get3A_449 : vector<1x16xf32> to vector<16xf32>
          %add3A_451 = arith.addf %get3A_446, %get3A_450 : vector<16xf32>
          %swap3A_452 = arith.index_cast %scan3A_416 : i32 to index
          %swap3A_453 = arith.constant 32 : index
          %swap3A_454 = tpu.vector_load %arg11[%swap3A_452, %swap3A_453] {strides = array<i32>} : memref<80x128xf32, #tpu.memory_space<vmem>>, vector<1x16xf32>,
          %swap3A_455 = vector.shape_cast %swap3A_454 : vector<1x16xf32> to vector<16xf32>
          %swap3A_456 = vector.shape_cast %add3A_451 : vector<16xf32> to vector<1x16xf32>
          tpu.vector_store %arg11[%swap3A_452, %swap3A_453], %swap3A_456 {strides = array<i32>} : memref<80x128xf32, #tpu.memory_space<vmem>>, vector<1x16xf32>,
          %get3A_457 = arith.index_cast %scan3A_416 : i32 to index
          %get3A_458 = arith.constant 48 : index
          %get3A_459 = tpu.vector_load %arg11[%get3A_457, %get3A_458] {strides = array<i32>} : memref<80x128xf32, #tpu.memory_space<vmem>>, vector<1x16xf32>,
          %get3A_460 = vector.shape_cast %get3A_459 : vector<1x16xf32> to vector<16xf32>
          %get3A_461 = arith.index_cast %scan3A_416 : i32 to index
          %get3A_462 = arith.constant 48 : index
          %get3A_463 = tpu.vector_load %arg16[%get3A_461, %get3A_462] {strides = array<i32>} : memref<80x128xf32, #tpu.memory_space<vmem>>, vector<1x16xf32>,
          %get3A_464 = vector.shape_cast %get3A_463 : vector<1x16xf32> to vector<16xf32>
          %add3A_465 = arith.addf %get3A_460, %get3A_464 : vector<16xf32>
          %swap3A_466 = arith.index_cast %scan3A_416 : i32 to index
          %swap3A_467 = arith.constant 48 : index
          %swap3A_468 = tpu.vector_load %arg11[%swap3A_466, %swap3A_467] {strides = array<i32>} : memref<80x128xf32, #tpu.memory_space<vmem>>, vector<1x16xf32>,
          %swap3A_469 = vector.shape_cast %swap3A_468 : vector<1x16xf32> to vector<16xf32>
          %swap3A_470 = vector.shape_cast %add3A_465 : vector<16xf32> to vector<1x16xf32>
          tpu.vector_store %arg11[%swap3A_466, %swap3A_467], %swap3A_470 {strides = array<i32>} : memref<80x128xf32, #tpu.memory_space<vmem>>, vector<1x16xf32>,
          %get3A_471 = arith.index_cast %scan3A_416 : i32 to index
          %get3A_472 = arith.constant 64 : index
          %get3A_473 = tpu.vector_load %arg11[%get3A_471, %get3A_472] {strides = array<i32>} : memref<80x128xf32, #tpu.memory_space<vmem>>, vector<1x16xf32>,
          %get3A_474 = vector.shape_cast %get3A_473 : vector<1x16xf32> to vector<16xf32>
          %get3A_475 = arith.index_cast %scan3A_416 : i32 to index
          %get3A_476 = arith.constant 64 : index
          %get3A_477 = tpu.vector_load %arg16[%get3A_475, %get3A_476] {strides = array<i32>} : memref<80x128xf32, #tpu.memory_space<vmem>>, vector<1x16xf32>,
          %get3A_478 = vector.shape_cast %get3A_477 : vector<1x16xf32> to vector<16xf32>
          %add3A_479 = arith.addf %get3A_474, %get3A_478 : vector<16xf32>
          %swap3A_480 = arith.index_cast %scan3A_416 : i32 to index
          %swap3A_481 = arith.constant 64 : index
          %swap3A_482 = tpu.vector_load %arg11[%swap3A_480, %swap3A_481] {strides = array<i32>} : memref<80x128xf32, #tpu.memory_space<vmem>>, vector<1x16xf32>,
          %swap3A_483 = vector.shape_cast %swap3A_482 : vector<1x16xf32> to vector<16xf32>
          %swap3A_484 = vector.shape_cast %add3A_479 : vector<16xf32> to vector<1x16xf32>
          tpu.vector_store %arg11[%swap3A_480, %swap3A_481], %swap3A_484 {strides = array<i32>} : memref<80x128xf32, #tpu.memory_space<vmem>>, vector<1x16xf32>,
          %get3A_485 = arith.index_cast %scan3A_416 : i32 to index
          %get3A_486 = arith.constant 80 : index
          %get3A_487 = tpu.vector_load %arg11[%get3A_485, %get3A_486] {strides = array<i32>} : memref<80x128xf32, #tpu.memory_space<vmem>>, vector<1x16xf32>,
          %get3A_488 = vector.shape_cast %get3A_487 : vector<1x16xf32> to vector<16xf32>
          %get3A_489 = arith.index_cast %scan3A_416 : i32 to index
          %get3A_490 = arith.constant 80 : index
          %get3A_491 = tpu.vector_load %arg16[%get3A_489, %get3A_490] {strides = array<i32>} : memref<80x128xf32, #tpu.memory_space<vmem>>, vector<1x16xf32>,
          %get3A_492 = vector.shape_cast %get3A_491 : vector<1x16xf32> to vector<16xf32>
          %add3A_493 = arith.addf %get3A_488, %get3A_492 : vector<16xf32>
          %swap3A_494 = arith.index_cast %scan3A_416 : i32 to index
          %swap3A_495 = arith.constant 80 : index
          %swap3A_496 = tpu.vector_load %arg11[%swap3A_494, %swap3A_495] {strides = array<i32>} : memref<80x128xf32, #tpu.memory_space<vmem>>, vector<1x16xf32>,
          %swap3A_497 = vector.shape_cast %swap3A_496 : vector<1x16xf32> to vector<16xf32>
          %swap3A_498 = vector.shape_cast %add3A_493 : vector<16xf32> to vector<1x16xf32>
          tpu.vector_store %arg11[%swap3A_494, %swap3A_495], %swap3A_498 {strides = array<i32>} : memref<80x128xf32, #tpu.memory_space<vmem>>, vector<1x16xf32>,
          %get3A_499 = arith.index_cast %scan3A_416 : i32 to index
          %get3A_500 = arith.constant 96 : index
          %get3A_501 = tpu.vector_load %arg11[%get3A_499, %get3A_500] {strides = array<i32>} : memref<80x128xf32, #tpu.memory_space<vmem>>, vector<1x16xf32>,
          %get3A_502 = vector.shape_cast %get3A_501 : vector<1x16xf32> to vector<16xf32>
          %get3A_503 = arith.index_cast %scan3A_416 : i32 to index
          %get3A_504 = arith.constant 96 : index
          %get3A_505 = tpu.vector_load %arg16[%get3A_503, %get3A_504] {strides = array<i32>} : memref<80x128xf32, #tpu.memory_space<vmem>>, vector<1x16xf32>,
          %get3A_506 = vector.shape_cast %get3A_505 : vector<1x16xf32> to vector<16xf32>
          %add3A_507 = arith.addf %get3A_502, %get3A_506 : vector<16xf32>
          %swap3A_508 = arith.index_cast %scan3A_416 : i32 to index
          %swap3A_509 = arith.constant 96 : index
          %swap3A_510 = tpu.vector_load %arg11[%swap3A_508, %swap3A_509] {strides = array<i32>} : memref<80x128xf32, #tpu.memory_space<vmem>>, vector<1x16xf32>,
          %swap3A_511 = vector.shape_cast %swap3A_510 : vector<1x16xf32> to vector<16xf32>
          %swap3A_512 = vector.shape_cast %add3A_507 : vector<16xf32> to vector<1x16xf32>
          tpu.vector_store %arg11[%swap3A_508, %swap3A_509], %swap3A_512 {strides = array<i32>} : memref<80x128xf32, #tpu.memory_space<vmem>>, vector<1x16xf32>,
          %get3A_513 = arith.index_cast %scan3A_416 : i32 to index
          %get3A_514 = arith.constant 112 : index
          %get3A_515 = tpu.vector_load %arg11[%get3A_513, %get3A_514] {strides = array<i32>} : memref<80x128xf32, #tpu.memory_space<vmem>>, vector<1x16xf32>,
          %get3A_516 = vector.shape_cast %get3A_515 : vector<1x16xf32> to vector<16xf32>
          %get3A_517 = arith.index_cast %scan3A_416 : i32 to index
          %get3A_518 = arith.constant 112 : index
          %get3A_519 = tpu.vector_load %arg16[%get3A_517, %get3A_518] {strides = array<i32>} : memref<80x128xf32, #tpu.memory_space<vmem>>, vector<1x16xf32>,
          %get3A_520 = vector.shape_cast %get3A_519 : vector<1x16xf32> to vector<16xf32>
          %add3A_521 = arith.addf %get3A_516, %get3A_520 : vector<16xf32>
          %swap3A_522 = arith.index_cast %scan3A_416 : i32 to index
          %swap3A_523 = arith.constant 112 : index
          %swap3A_524 = tpu.vector_load %arg11[%swap3A_522, %swap3A_523] {strides = array<i32>} : memref<80x128xf32, #tpu.memory_space<vmem>>, vector<1x16xf32>,
          %swap3A_525 = vector.shape_cast %swap3A_524 : vector<1x16xf32> to vector<16xf32>
          %swap3A_526 = vector.shape_cast %add3A_521 : vector<16xf32> to vector<1x16xf32>
          tpu.vector_store %arg11[%swap3A_522, %swap3A_523], %swap3A_526 {strides = array<i32>} : memref<80x128xf32, #tpu.memory_space<vmem>>, vector<1x16xf32>,
        }
        %scan3A_400 = arith.constant 80 : i32
        %mul3A_401 = arith.constant 80 : i32
        %mul3A_402 = arith.muli %sub3A_380, %mul3A_401 : i32
        %add3A_403 = arith.addi %mul3A_2, %mul3A_402 : i32
        %dma_start3A_404 = arith.constant 0 : i32
        %dma_start3A_405 = tpu.memref_slice %arg6[%add3A_403, %dma_start3A_404] : memref<320000x128xf32, #tpu.memory_space<hbm>> -> memref<80x128xf32, #tpu.memory_space<hbm>>
        %dma_start3A_406 = arith.constant 0 : i32
        %dma_start3A_407 = tpu.memref_slice %arg6[%add3A_403, %dma_start3A_406] : memref<320000x128xf32, #tpu.memory_space<hbm>> -> memref<80x128xf32, #tpu.memory_space<hbm>>
        tpu.enqueue_dma source(%arg11 : memref<80x128xf32, #tpu.memory_space<vmem>>) target(%dma_start3A_407 : memref<80x128xf32, #tpu.memory_space<hbm>>) target_semaphore(%arg36 : memref<!tpu.dma_semaphore, #tpu.memory_space<semaphore_mem>>)
        %sub3A_408 = arith.constant 1 : i32
        %sub3A_409 = arith.subi %add3A_291, %sub3A_408 : i32
        %add3A_410 = arith.constant 5 : i32
        %add3A_411 = arith.addi %sub3A_409, %add3A_410 : i32
        %lt3A = arith.constant 125 : i32
        %lt3A_412 = arith.cmpi slt, %add3A_411, %lt3A : i32
        %convert_element_type3A_413 = arith.extui %lt3A_412 : i1 to i32
        %cond3A_414 = arith.constant 0 : i32
        %cond3A_415 = arith.cmpi ne, %convert_element_type3A_413, %cond3A_414 : i32
        scf.if %cond3A_415 {
          %sub3A_416 = arith.constant 1 : i32
          %sub3A_417 = arith.subi %add3A_291, %sub3A_416 : i32
          %add3A_418 = arith.constant 5 : i32
          %add3A_419 = arith.addi %sub3A_417, %add3A_418 : i32
          %mul3A_420 = arith.constant 80 : i32
          %mul3A_421 = arith.muli %add3A_419, %mul3A_420 : i32
          %add3A_422 = arith.addi %mul3A_2, %mul3A_421 : i32
          %dma_start3A_423 = arith.constant 2 : i32
          %dma_start3A_424 = arith.constant 0 : i32
          %dma_start3A_425 = tpu.memref_slice %arg7[%dma_start3A_423, %dma_start3A_424] : memref<5x80xi32, #tpu.memory_space<vmem>> -> memref<1x80xi32, #tpu.memory_space<vmem>>
          %dma_start3A_426 = tpu.memref_squeeze %dma_start3A_425 : memref<1x80xi32, #tpu.memory_space<vmem>> -> memref<80xi32, #tpu.memory_space<vmem>>
          %dma_start3A_427 = tpu.memref_slice %arg4[%add3A_422] : memref<320000xi32, #tpu.memory_space<hbm>> -> memref<80xi32, #tpu.memory_space<hbm>>
          %dma_start3A_428 = arith.constant 0 : i32
          %dma_start3A_429 = tpu.memref_slice %arg7[%dma_start3A_423, %dma_start3A_428] : memref<5x80xi32, #tpu.memory_space<vmem>> -> memref<1x80xi32, #tpu.memory_space<vmem>>
          %dma_start3A_430 = tpu.memref_squeeze %dma_start3A_429 : memref<1x80xi32, #tpu.memory_space<vmem>> -> memref<80xi32, #tpu.memory_space<vmem>>
          %dma_start3A_431 = tpu.memref_slice %arg4[%add3A_422] : memref<320000xi32, #tpu.memory_space<hbm>> -> memref<80xi32, #tpu.memory_space<hbm>>
          tpu.enqueue_dma source(%dma_start3A_431 : memref<80xi32, #tpu.memory_space<hbm>>) target(%dma_start3A_430 : memref<80xi32, #tpu.memory_space<vmem>>) target_semaphore(%arg21 : memref<!tpu.dma_semaphore, #tpu.memory_space<semaphore_mem>>)
          %dma_start3A_432 = arith.constant 2 : i32
          %dma_start3A_433 = arith.constant 0 : i32
          %dma_start3A_434 = tpu.memref_slice %arg8[%dma_start3A_432, %dma_start3A_433] : memref<5x80xi32, #tpu.memory_space<vmem>> -> memref<1x80xi32, #tpu.memory_space<vmem>>
          %dma_start3A_435 = tpu.memref_squeeze %dma_start3A_434 : memref<1x80xi32, #tpu.memory_space<vmem>> -> memref<80xi32, #tpu.memory_space<vmem>>
          %dma_start3A_436 = tpu.memref_slice %arg5[%add3A_422] : memref<320000xi32, #tpu.memory_space<hbm>> -> memref<80xi32, #tpu.memory_space<hbm>>
          %dma_start3A_437 = arith.constant 0 : i32
          %dma_start3A_438 = tpu.memref_slice %arg8[%dma_start3A_432, %dma_start3A_437] : memref<5x80xi32, #tpu.memory_space<vmem>> -> memref<1x80xi32, #tpu.memory_space<vmem>>
          %dma_start3A_439 = tpu.memref_squeeze %dma_start3A_438 : memref<1x80xi32, #tpu.memory_space<vmem>> -> memref<80xi32, #tpu.memory_space<vmem>>
          %dma_start3A_440 = tpu.memref_slice %arg5[%add3A_422] : memref<320000xi32, #tpu.memory_space<hbm>> -> memref<80xi32, #tpu.memory_space<hbm>>
          tpu.enqueue_dma source(%dma_start3A_440 : memref<80xi32, #tpu.memory_space<hbm>>) target(%dma_start3A_439 : memref<80xi32, #tpu.memory_space<vmem>>) target_semaphore(%arg21 : memref<!tpu.dma_semaphore, #tpu.memory_space<semaphore_mem>>)
        } else {
        }
      } else {
      }
      %mul3A_334 = arith.constant 5 : i32
      %mul3A_335 = arith.muli %scan3A_152, %mul3A_334 : i32
      %add3A_336 = arith.constant 4 : i32
      %add3A_337 = arith.addi %mul3A_335, %add3A_336 : i32
      %gt3A_338 = arith.constant 0 : i32
      %gt3A_339 = arith.cmpi sgt, %scan3A_152, %gt3A_338 : i32
      %convert_element_type3A_340 = arith.extui %gt3A_339 : i1 to i32
      %cond3A_341 = arith.constant 0 : i32
      %cond3A_342 = arith.cmpi ne, %convert_element_type3A_340, %cond3A_341 : i32
      scf.if %cond3A_342 {
        %dma_wait3A_380 = arith.constant 0 : i32
        %dma_wait3A_381 = tpu.memref_slice %arg6[%mul3A_2, %dma_wait3A_380] : memref<320000x128xf32, #tpu.memory_space<hbm>> -> memref<80x128xf32, #tpu.memory_space<hbm>>
        %dma_wait3A_382 = arith.constant 0 : i32
        %dma_wait3A_383 = tpu.memref_slice %arg6[%mul3A_2, %dma_wait3A_382] : memref<320000x128xf32, #tpu.memory_space<hbm>> -> memref<80x128xf32, #tpu.memory_space<hbm>>
        tpu.wait_dma2 semaphore(%arg38 : memref<!tpu.dma_semaphore, #tpu.memory_space<semaphore_mem>>) src(%arg13 : memref<80x128xf32, #tpu.memory_space<vmem>>) dst(%dma_wait3A_383 : memref<80x128xf32, #tpu.memory_space<hbm>>)
      } else {
      }
      %dma_wait3A_343 = arith.constant 4 : i32
      %dma_wait3A_344 = arith.constant 0 : i32
      %dma_wait3A_345 = tpu.memref_slice %arg7[%dma_wait3A_343, %dma_wait3A_344] : memref<5x80xi32, #tpu.memory_space<vmem>> -> memref<1x80xi32, #tpu.memory_space<vmem>>
      %dma_wait3A_346 = tpu.memref_squeeze %dma_wait3A_345 : memref<1x80xi32, #tpu.memory_space<vmem>> -> memref<80xi32, #tpu.memory_space<vmem>>
      %dma_wait3A_347 = tpu.memref_slice %arg4[%mul3A_2] : memref<320000xi32, #tpu.memory_space<hbm>> -> memref<80xi32, #tpu.memory_space<hbm>>
      %dma_wait3A_348 = arith.constant 0 : i32
      %dma_wait3A_349 = tpu.memref_slice %arg7[%dma_wait3A_343, %dma_wait3A_348] : memref<5x80xi32, #tpu.memory_space<vmem>> -> memref<1x80xi32, #tpu.memory_space<vmem>>
      %dma_wait3A_350 = tpu.memref_squeeze %dma_wait3A_349 : memref<1x80xi32, #tpu.memory_space<vmem>> -> memref<80xi32, #tpu.memory_space<vmem>>
      %dma_wait3A_351 = tpu.memref_slice %arg4[%mul3A_2] : memref<320000xi32, #tpu.memory_space<hbm>> -> memref<80xi32, #tpu.memory_space<hbm>>
      tpu.wait_dma2 semaphore(%arg23 : memref<!tpu.dma_semaphore, #tpu.memory_space<semaphore_mem>>) src(%dma_wait3A_351 : memref<80xi32, #tpu.memory_space<hbm>>) dst(%dma_wait3A_350 : memref<80xi32, #tpu.memory_space<vmem>>)
      %dma_wait3A_352 = arith.constant 4 : i32
      %dma_wait3A_353 = arith.constant 0 : i32
      %dma_wait3A_354 = tpu.memref_slice %arg8[%dma_wait3A_352, %dma_wait3A_353] : memref<5x80xi32, #tpu.memory_space<vmem>> -> memref<1x80xi32, #tpu.memory_space<vmem>>
      %dma_wait3A_355 = tpu.memref_squeeze %dma_wait3A_354 : memref<1x80xi32, #tpu.memory_space<vmem>> -> memref<80xi32, #tpu.memory_space<vmem>>
      %dma_wait3A_356 = tpu.memref_slice %arg5[%mul3A_2] : memref<320000xi32, #tpu.memory_space<hbm>> -> memref<80xi32, #tpu.memory_space<hbm>>
      %dma_wait3A_357 = arith.constant 0 : i32
      %dma_wait3A_358 = tpu.memref_slice %arg8[%dma_wait3A_352, %dma_wait3A_357] : memref<5x80xi32, #tpu.memory_space<vmem>> -> memref<1x80xi32, #tpu.memory_space<vmem>>
      %dma_wait3A_359 = tpu.memref_squeeze %dma_wait3A_358 : memref<1x80xi32, #tpu.memory_space<vmem>> -> memref<80xi32, #tpu.memory_space<vmem>>
      %dma_wait3A_360 = tpu.memref_slice %arg5[%mul3A_2] : memref<320000xi32, #tpu.memory_space<hbm>> -> memref<80xi32, #tpu.memory_space<hbm>>
      tpu.wait_dma2 semaphore(%arg23 : memref<!tpu.dma_semaphore, #tpu.memory_space<semaphore_mem>>) src(%dma_wait3A_360 : memref<80xi32, #tpu.memory_space<hbm>>) dst(%dma_wait3A_359 : memref<80xi32, #tpu.memory_space<vmem>>)
      %dma_start3A_361 = arith.constant 4 : i32
      %dma_start3A_362 = arith.constant 0 : i32
      %dma_start3A_363 = tpu.memref_slice %arg7[%dma_start3A_361, %dma_start3A_362] : memref<5x80xi32, #tpu.memory_space<vmem>> -> memref<1x80xi32, #tpu.memory_space<vmem>>
      %dma_start3A_364 = tpu.memref_squeeze %dma_start3A_363 : memref<1x80xi32, #tpu.memory_space<vmem>> -> memref<80xi32, #tpu.memory_space<vmem>>
      %dma_start3A_365 = arith.constant 0 : i32
      %dma_start3A_366 = arith.constant 0 : i32
      %dma_start3A_367 = tpu.memref_slice %arg2[%dma_start3A_365, %dma_start3A_366] : memref<10000x128xf32, #tpu.memory_space<hbm>> -> memref<10000x128xf32, #tpu.memory_space<hbm>>
      tpu.enqueue_indirect_dma source(%dma_start3A_367 : memref<10000x128xf32, #tpu.memory_space<hbm>>) target(%arg13 : memref<80x128xf32, #tpu.memory_space<vmem>>) offsets(%dma_start3A_364 : memref<80xi32, #tpu.memory_space<vmem>>) semaphore(%arg28 : memref<!tpu.dma_semaphore, #tpu.memory_space<semaphore_mem>>)
      %dma_start3A_368 = arith.constant 4 : i32
      %dma_start3A_369 = arith.constant 0 : i32
      %dma_start3A_370 = tpu.memref_slice %arg8[%dma_start3A_368, %dma_start3A_369] : memref<5x80xi32, #tpu.memory_space<vmem>> -> memref<1x80xi32, #tpu.memory_space<vmem>>
      %dma_start3A_371 = tpu.memref_squeeze %dma_start3A_370 : memref<1x80xi32, #tpu.memory_space<vmem>> -> memref<80xi32, #tpu.memory_space<vmem>>
      %dma_start3A_372 = arith.constant 0 : i32
      %dma_start3A_373 = arith.constant 0 : i32
      %dma_start3A_374 = tpu.memref_slice %arg3[%dma_start3A_372, %dma_start3A_373] : memref<10000x128xf32, #tpu.memory_space<hbm>> -> memref<10000x128xf32, #tpu.memory_space<hbm>>
      tpu.enqueue_indirect_dma source(%dma_start3A_374 : memref<10000x128xf32, #tpu.memory_space<hbm>>) target(%arg18 : memref<80x128xf32, #tpu.memory_space<vmem>>) offsets(%dma_start3A_371 : memref<80xi32, #tpu.memory_space<vmem>>) semaphore(%arg33 : memref<!tpu.dma_semaphore, #tpu.memory_space<semaphore_mem>>)
      %gt3A_375 = arith.constant 0 : i32
      %gt3A_376 = arith.cmpi sgt, %add3A_337, %gt3A_375 : i32
      %convert_element_type3A_377 = arith.extui %gt3A_376 : i1 to i32
      %cond3A_378 = arith.constant 0 : i32
      %cond3A_379 = arith.cmpi ne, %convert_element_type3A_377, %cond3A_378 : i32
      scf.if %cond3A_379 {
        %sub3A = arith.constant 1 : i32
        %sub3A_380 = arith.subi %add3A_337, %sub3A : i32
        %dma_wait3A_381 = arith.constant 3 : i32
        %dma_wait3A_382 = arith.constant 0 : i32
        %dma_wait3A_383 = tpu.memref_slice %arg7[%dma_wait3A_381, %dma_wait3A_382] : memref<5x80xi32, #tpu.memory_space<vmem>> -> memref<1x80xi32, #tpu.memory_space<vmem>>
        %dma_wait3A_384 = tpu.memref_squeeze %dma_wait3A_383 : memref<1x80xi32, #tpu.memory_space<vmem>> -> memref<80xi32, #tpu.memory_space<vmem>>
        %dma_wait3A_385 = arith.constant 0 : i32
        %dma_wait3A_386 = arith.constant 0 : i32
        %dma_wait3A_387 = tpu.memref_slice %arg2[%dma_wait3A_385, %dma_wait3A_386] : memref<10000x128xf32, #tpu.memory_space<hbm>> -> memref<10000x128xf32, #tpu.memory_space<hbm>>
        tpu.wait_indirect_dma semaphore(%arg27 : memref<!tpu.dma_semaphore, #tpu.memory_space<semaphore_mem>>) src(%dma_wait3A_387 : memref<10000x128xf32, #tpu.memory_space<hbm>>) dst(%arg12 : memref<80x128xf32, #tpu.memory_space<vmem>>)
        %dma_wait3A_388 = arith.constant 3 : i32
        %dma_wait3A_389 = arith.constant 0 : i32
        %dma_wait3A_390 = tpu.memref_slice %arg8[%dma_wait3A_388, %dma_wait3A_389] : memref<5x80xi32, #tpu.memory_space<vmem>> -> memref<1x80xi32, #tpu.memory_space<vmem>>
        %dma_wait3A_391 = tpu.memref_squeeze %dma_wait3A_390 : memref<1x80xi32, #tpu.memory_space<vmem>> -> memref<80xi32, #tpu.memory_space<vmem>>
        %dma_wait3A_392 = arith.constant 0 : i32
        %dma_wait3A_393 = arith.constant 0 : i32
        %dma_wait3A_394 = tpu.memref_slice %arg3[%dma_wait3A_392, %dma_wait3A_393] : memref<10000x128xf32, #tpu.memory_space<hbm>> -> memref<10000x128xf32, #tpu.memory_space<hbm>>
        tpu.wait_indirect_dma semaphore(%arg32 : memref<!tpu.dma_semaphore, #tpu.memory_space<semaphore_mem>>) src(%dma_wait3A_394 : memref<10000x128xf32, #tpu.memory_space<hbm>>) dst(%arg17 : memref<80x128xf32, #tpu.memory_space<vmem>>)
        %scan3A_395 = arith.constant 0 : i32
        %scan3A_396 = arith.constant 0 : i32
        %scan3A_397 = arith.constant 80 : i32
        %scan3A_398 = arith.addi %scan3A_396, %scan3A_397 : i32
        %scan3A_399 = arith.constant 1 : i32
        scf.for %scan3A_416 = %scan3A_396 to %scan3A_398 step %scan3A_399  : i32 {
          %get3A = arith.index_cast %scan3A_416 : i32 to index
          %get3A_417 = arith.constant 0 : index
          %get3A_418 = tpu.vector_load %arg12[%get3A, %get3A_417] {strides = array<i32>} : memref<80x128xf32, #tpu.memory_space<vmem>>, vector<1x16xf32>,
          %get3A_419 = vector.shape_cast %get3A_418 : vector<1x16xf32> to vector<16xf32>
          %get3A_420 = arith.index_cast %scan3A_416 : i32 to index
          %get3A_421 = arith.constant 0 : index
          %get3A_422 = tpu.vector_load %arg17[%get3A_420, %get3A_421] {strides = array<i32>} : memref<80x128xf32, #tpu.memory_space<vmem>>, vector<1x16xf32>,
          %get3A_423 = vector.shape_cast %get3A_422 : vector<1x16xf32> to vector<16xf32>
          %add3A_424 = arith.addf %get3A_419, %get3A_423 : vector<16xf32>
          %swap3A = arith.index_cast %scan3A_416 : i32 to index
          %swap3A_425 = arith.constant 0 : index
          %swap3A_426 = tpu.vector_load %arg12[%swap3A, %swap3A_425] {strides = array<i32>} : memref<80x128xf32, #tpu.memory_space<vmem>>, vector<1x16xf32>,
          %swap3A_427 = vector.shape_cast %swap3A_426 : vector<1x16xf32> to vector<16xf32>
          %swap3A_428 = vector.shape_cast %add3A_424 : vector<16xf32> to vector<1x16xf32>
          tpu.vector_store %arg12[%swap3A, %swap3A_425], %swap3A_428 {strides = array<i32>} : memref<80x128xf32, #tpu.memory_space<vmem>>, vector<1x16xf32>,
          %get3A_429 = arith.index_cast %scan3A_416 : i32 to index
          %get3A_430 = arith.constant 16 : index
          %get3A_431 = tpu.vector_load %arg12[%get3A_429, %get3A_430] {strides = array<i32>} : memref<80x128xf32, #tpu.memory_space<vmem>>, vector<1x16xf32>,
          %get3A_432 = vector.shape_cast %get3A_431 : vector<1x16xf32> to vector<16xf32>
          %get3A_433 = arith.index_cast %scan3A_416 : i32 to index
          %get3A_434 = arith.constant 16 : index
          %get3A_435 = tpu.vector_load %arg17[%get3A_433, %get3A_434] {strides = array<i32>} : memref<80x128xf32, #tpu.memory_space<vmem>>, vector<1x16xf32>,
          %get3A_436 = vector.shape_cast %get3A_435 : vector<1x16xf32> to vector<16xf32>
          %add3A_437 = arith.addf %get3A_432, %get3A_436 : vector<16xf32>
          %swap3A_438 = arith.index_cast %scan3A_416 : i32 to index
          %swap3A_439 = arith.constant 16 : index
          %swap3A_440 = tpu.vector_load %arg12[%swap3A_438, %swap3A_439] {strides = array<i32>} : memref<80x128xf32, #tpu.memory_space<vmem>>, vector<1x16xf32>,
          %swap3A_441 = vector.shape_cast %swap3A_440 : vector<1x16xf32> to vector<16xf32>
          %swap3A_442 = vector.shape_cast %add3A_437 : vector<16xf32> to vector<1x16xf32>
          tpu.vector_store %arg12[%swap3A_438, %swap3A_439], %swap3A_442 {strides = array<i32>} : memref<80x128xf32, #tpu.memory_space<vmem>>, vector<1x16xf32>,
          %get3A_443 = arith.index_cast %scan3A_416 : i32 to index
          %get3A_444 = arith.constant 32 : index
          %get3A_445 = tpu.vector_load %arg12[%get3A_443, %get3A_444] {strides = array<i32>} : memref<80x128xf32, #tpu.memory_space<vmem>>, vector<1x16xf32>,
          %get3A_446 = vector.shape_cast %get3A_445 : vector<1x16xf32> to vector<16xf32>
          %get3A_447 = arith.index_cast %scan3A_416 : i32 to index
          %get3A_448 = arith.constant 32 : index
          %get3A_449 = tpu.vector_load %arg17[%get3A_447, %get3A_448] {strides = array<i32>} : memref<80x128xf32, #tpu.memory_space<vmem>>, vector<1x16xf32>,
          %get3A_450 = vector.shape_cast %get3A_449 : vector<1x16xf32> to vector<16xf32>
          %add3A_451 = arith.addf %get3A_446, %get3A_450 : vector<16xf32>
          %swap3A_452 = arith.index_cast %scan3A_416 : i32 to index
          %swap3A_453 = arith.constant 32 : index
          %swap3A_454 = tpu.vector_load %arg12[%swap3A_452, %swap3A_453] {strides = array<i32>} : memref<80x128xf32, #tpu.memory_space<vmem>>, vector<1x16xf32>,
          %swap3A_455 = vector.shape_cast %swap3A_454 : vector<1x16xf32> to vector<16xf32>
          %swap3A_456 = vector.shape_cast %add3A_451 : vector<16xf32> to vector<1x16xf32>
          tpu.vector_store %arg12[%swap3A_452, %swap3A_453], %swap3A_456 {strides = array<i32>} : memref<80x128xf32, #tpu.memory_space<vmem>>, vector<1x16xf32>,
          %get3A_457 = arith.index_cast %scan3A_416 : i32 to index
          %get3A_458 = arith.constant 48 : index
          %get3A_459 = tpu.vector_load %arg12[%get3A_457, %get3A_458] {strides = array<i32>} : memref<80x128xf32, #tpu.memory_space<vmem>>, vector<1x16xf32>,
          %get3A_460 = vector.shape_cast %get3A_459 : vector<1x16xf32> to vector<16xf32>
          %get3A_461 = arith.index_cast %scan3A_416 : i32 to index
          %get3A_462 = arith.constant 48 : index
          %get3A_463 = tpu.vector_load %arg17[%get3A_461, %get3A_462] {strides = array<i32>} : memref<80x128xf32, #tpu.memory_space<vmem>>, vector<1x16xf32>,
          %get3A_464 = vector.shape_cast %get3A_463 : vector<1x16xf32> to vector<16xf32>
          %add3A_465 = arith.addf %get3A_460, %get3A_464 : vector<16xf32>
          %swap3A_466 = arith.index_cast %scan3A_416 : i32 to index
          %swap3A_467 = arith.constant 48 : index
          %swap3A_468 = tpu.vector_load %arg12[%swap3A_466, %swap3A_467] {strides = array<i32>} : memref<80x128xf32, #tpu.memory_space<vmem>>, vector<1x16xf32>,
          %swap3A_469 = vector.shape_cast %swap3A_468 : vector<1x16xf32> to vector<16xf32>
          %swap3A_470 = vector.shape_cast %add3A_465 : vector<16xf32> to vector<1x16xf32>
          tpu.vector_store %arg12[%swap3A_466, %swap3A_467], %swap3A_470 {strides = array<i32>} : memref<80x128xf32, #tpu.memory_space<vmem>>, vector<1x16xf32>,
          %get3A_471 = arith.index_cast %scan3A_416 : i32 to index
          %get3A_472 = arith.constant 64 : index
          %get3A_473 = tpu.vector_load %arg12[%get3A_471, %get3A_472] {strides = array<i32>} : memref<80x128xf32, #tpu.memory_space<vmem>>, vector<1x16xf32>,
          %get3A_474 = vector.shape_cast %get3A_473 : vector<1x16xf32> to vector<16xf32>
          %get3A_475 = arith.index_cast %scan3A_416 : i32 to index
          %get3A_476 = arith.constant 64 : index
          %get3A_477 = tpu.vector_load %arg17[%get3A_475, %get3A_476] {strides = array<i32>} : memref<80x128xf32, #tpu.memory_space<vmem>>, vector<1x16xf32>,
          %get3A_478 = vector.shape_cast %get3A_477 : vector<1x16xf32> to vector<16xf32>
          %add3A_479 = arith.addf %get3A_474, %get3A_478 : vector<16xf32>
          %swap3A_480 = arith.index_cast %scan3A_416 : i32 to index
          %swap3A_481 = arith.constant 64 : index
          %swap3A_482 = tpu.vector_load %arg12[%swap3A_480, %swap3A_481] {strides = array<i32>} : memref<80x128xf32, #tpu.memory_space<vmem>>, vector<1x16xf32>,
          %swap3A_483 = vector.shape_cast %swap3A_482 : vector<1x16xf32> to vector<16xf32>
          %swap3A_484 = vector.shape_cast %add3A_479 : vector<16xf32> to vector<1x16xf32>
          tpu.vector_store %arg12[%swap3A_480, %swap3A_481], %swap3A_484 {strides = array<i32>} : memref<80x128xf32, #tpu.memory_space<vmem>>, vector<1x16xf32>,
          %get3A_485 = arith.index_cast %scan3A_416 : i32 to index
          %get3A_486 = arith.constant 80 : index
          %get3A_487 = tpu.vector_load %arg12[%get3A_485, %get3A_486] {strides = array<i32>} : memref<80x128xf32, #tpu.memory_space<vmem>>, vector<1x16xf32>,
          %get3A_488 = vector.shape_cast %get3A_487 : vector<1x16xf32> to vector<16xf32>
          %get3A_489 = arith.index_cast %scan3A_416 : i32 to index
          %get3A_490 = arith.constant 80 : index
          %get3A_491 = tpu.vector_load %arg17[%get3A_489, %get3A_490] {strides = array<i32>} : memref<80x128xf32, #tpu.memory_space<vmem>>, vector<1x16xf32>,
          %get3A_492 = vector.shape_cast %get3A_491 : vector<1x16xf32> to vector<16xf32>
          %add3A_493 = arith.addf %get3A_488, %get3A_492 : vector<16xf32>
          %swap3A_494 = arith.index_cast %scan3A_416 : i32 to index
          %swap3A_495 = arith.constant 80 : index
          %swap3A_496 = tpu.vector_load %arg12[%swap3A_494, %swap3A_495] {strides = array<i32>} : memref<80x128xf32, #tpu.memory_space<vmem>>, vector<1x16xf32>,
          %swap3A_497 = vector.shape_cast %swap3A_496 : vector<1x16xf32> to vector<16xf32>
          %swap3A_498 = vector.shape_cast %add3A_493 : vector<16xf32> to vector<1x16xf32>
          tpu.vector_store %arg12[%swap3A_494, %swap3A_495], %swap3A_498 {strides = array<i32>} : memref<80x128xf32, #tpu.memory_space<vmem>>, vector<1x16xf32>,
          %get3A_499 = arith.index_cast %scan3A_416 : i32 to index
          %get3A_500 = arith.constant 96 : index
          %get3A_501 = tpu.vector_load %arg12[%get3A_499, %get3A_500] {strides = array<i32>} : memref<80x128xf32, #tpu.memory_space<vmem>>, vector<1x16xf32>,
          %get3A_502 = vector.shape_cast %get3A_501 : vector<1x16xf32> to vector<16xf32>
          %get3A_503 = arith.index_cast %scan3A_416 : i32 to index
          %get3A_504 = arith.constant 96 : index
          %get3A_505 = tpu.vector_load %arg17[%get3A_503, %get3A_504] {strides = array<i32>} : memref<80x128xf32, #tpu.memory_space<vmem>>, vector<1x16xf32>,
          %get3A_506 = vector.shape_cast %get3A_505 : vector<1x16xf32> to vector<16xf32>
          %add3A_507 = arith.addf %get3A_502, %get3A_506 : vector<16xf32>
          %swap3A_508 = arith.index_cast %scan3A_416 : i32 to index
          %swap3A_509 = arith.constant 96 : index
          %swap3A_510 = tpu.vector_load %arg12[%swap3A_508, %swap3A_509] {strides = array<i32>} : memref<80x128xf32, #tpu.memory_space<vmem>>, vector<1x16xf32>,
          %swap3A_511 = vector.shape_cast %swap3A_510 : vector<1x16xf32> to vector<16xf32>
          %swap3A_512 = vector.shape_cast %add3A_507 : vector<16xf32> to vector<1x16xf32>
          tpu.vector_store %arg12[%swap3A_508, %swap3A_509], %swap3A_512 {strides = array<i32>} : memref<80x128xf32, #tpu.memory_space<vmem>>, vector<1x16xf32>,
          %get3A_513 = arith.index_cast %scan3A_416 : i32 to index
          %get3A_514 = arith.constant 112 : index
          %get3A_515 = tpu.vector_load %arg12[%get3A_513, %get3A_514] {strides = array<i32>} : memref<80x128xf32, #tpu.memory_space<vmem>>, vector<1x16xf32>,
          %get3A_516 = vector.shape_cast %get3A_515 : vector<1x16xf32> to vector<16xf32>
          %get3A_517 = arith.index_cast %scan3A_416 : i32 to index
          %get3A_518 = arith.constant 112 : index
          %get3A_519 = tpu.vector_load %arg17[%get3A_517, %get3A_518] {strides = array<i32>} : memref<80x128xf32, #tpu.memory_space<vmem>>, vector<1x16xf32>,
          %get3A_520 = vector.shape_cast %get3A_519 : vector<1x16xf32> to vector<16xf32>
          %add3A_521 = arith.addf %get3A_516, %get3A_520 : vector<16xf32>
          %swap3A_522 = arith.index_cast %scan3A_416 : i32 to index
          %swap3A_523 = arith.constant 112 : index
          %swap3A_524 = tpu.vector_load %arg12[%swap3A_522, %swap3A_523] {strides = array<i32>} : memref<80x128xf32, #tpu.memory_space<vmem>>, vector<1x16xf32>,
          %swap3A_525 = vector.shape_cast %swap3A_524 : vector<1x16xf32> to vector<16xf32>
          %swap3A_526 = vector.shape_cast %add3A_521 : vector<16xf32> to vector<1x16xf32>
          tpu.vector_store %arg12[%swap3A_522, %swap3A_523], %swap3A_526 {strides = array<i32>} : memref<80x128xf32, #tpu.memory_space<vmem>>, vector<1x16xf32>,
        }
        %scan3A_400 = arith.constant 80 : i32
        %mul3A_401 = arith.constant 80 : i32
        %mul3A_402 = arith.muli %sub3A_380, %mul3A_401 : i32
        %add3A_403 = arith.addi %mul3A_2, %mul3A_402 : i32
        %dma_start3A_404 = arith.constant 0 : i32
        %dma_start3A_405 = tpu.memref_slice %arg6[%add3A_403, %dma_start3A_404] : memref<320000x128xf32, #tpu.memory_space<hbm>> -> memref<80x128xf32, #tpu.memory_space<hbm>>
        %dma_start3A_406 = arith.constant 0 : i32
        %dma_start3A_407 = tpu.memref_slice %arg6[%add3A_403, %dma_start3A_406] : memref<320000x128xf32, #tpu.memory_space<hbm>> -> memref<80x128xf32, #tpu.memory_space<hbm>>
        tpu.enqueue_dma source(%arg12 : memref<80x128xf32, #tpu.memory_space<vmem>>) target(%dma_start3A_407 : memref<80x128xf32, #tpu.memory_space<hbm>>) target_semaphore(%arg37 : memref<!tpu.dma_semaphore, #tpu.memory_space<semaphore_mem>>)
        %sub3A_408 = arith.constant 1 : i32
        %sub3A_409 = arith.subi %add3A_337, %sub3A_408 : i32
        %add3A_410 = arith.constant 5 : i32
        %add3A_411 = arith.addi %sub3A_409, %add3A_410 : i32
        %lt3A = arith.constant 125 : i32
        %lt3A_412 = arith.cmpi slt, %add3A_411, %lt3A : i32
        %convert_element_type3A_413 = arith.extui %lt3A_412 : i1 to i32
        %cond3A_414 = arith.constant 0 : i32
        %cond3A_415 = arith.cmpi ne, %convert_element_type3A_413, %cond3A_414 : i32
        scf.if %cond3A_415 {
          %sub3A_416 = arith.constant 1 : i32
          %sub3A_417 = arith.subi %add3A_337, %sub3A_416 : i32
          %add3A_418 = arith.constant 5 : i32
          %add3A_419 = arith.addi %sub3A_417, %add3A_418 : i32
          %mul3A_420 = arith.constant 80 : i32
          %mul3A_421 = arith.muli %add3A_419, %mul3A_420 : i32
          %add3A_422 = arith.addi %mul3A_2, %mul3A_421 : i32
          %dma_start3A_423 = arith.constant 3 : i32
          %dma_start3A_424 = arith.constant 0 : i32
          %dma_start3A_425 = tpu.memref_slice %arg7[%dma_start3A_423, %dma_start3A_424] : memref<5x80xi32, #tpu.memory_space<vmem>> -> memref<1x80xi32, #tpu.memory_space<vmem>>
          %dma_start3A_426 = tpu.memref_squeeze %dma_start3A_425 : memref<1x80xi32, #tpu.memory_space<vmem>> -> memref<80xi32, #tpu.memory_space<vmem>>
          %dma_start3A_427 = tpu.memref_slice %arg4[%add3A_422] : memref<320000xi32, #tpu.memory_space<hbm>> -> memref<80xi32, #tpu.memory_space<hbm>>
          %dma_start3A_428 = arith.constant 0 : i32
          %dma_start3A_429 = tpu.memref_slice %arg7[%dma_start3A_423, %dma_start3A_428] : memref<5x80xi32, #tpu.memory_space<vmem>> -> memref<1x80xi32, #tpu.memory_space<vmem>>
          %dma_start3A_430 = tpu.memref_squeeze %dma_start3A_429 : memref<1x80xi32, #tpu.memory_space<vmem>> -> memref<80xi32, #tpu.memory_space<vmem>>
          %dma_start3A_431 = tpu.memref_slice %arg4[%add3A_422] : memref<320000xi32, #tpu.memory_space<hbm>> -> memref<80xi32, #tpu.memory_space<hbm>>
          tpu.enqueue_dma source(%dma_start3A_431 : memref<80xi32, #tpu.memory_space<hbm>>) target(%dma_start3A_430 : memref<80xi32, #tpu.memory_space<vmem>>) target_semaphore(%arg22 : memref<!tpu.dma_semaphore, #tpu.memory_space<semaphore_mem>>)
          %dma_start3A_432 = arith.constant 3 : i32
          %dma_start3A_433 = arith.constant 0 : i32
          %dma_start3A_434 = tpu.memref_slice %arg8[%dma_start3A_432, %dma_start3A_433] : memref<5x80xi32, #tpu.memory_space<vmem>> -> memref<1x80xi32, #tpu.memory_space<vmem>>
          %dma_start3A_435 = tpu.memref_squeeze %dma_start3A_434 : memref<1x80xi32, #tpu.memory_space<vmem>> -> memref<80xi32, #tpu.memory_space<vmem>>
          %dma_start3A_436 = tpu.memref_slice %arg5[%add3A_422] : memref<320000xi32, #tpu.memory_space<hbm>> -> memref<80xi32, #tpu.memory_space<hbm>>
          %dma_start3A_437 = arith.constant 0 : i32
          %dma_start3A_438 = tpu.memref_slice %arg8[%dma_start3A_432, %dma_start3A_437] : memref<5x80xi32, #tpu.memory_space<vmem>> -> memref<1x80xi32, #tpu.memory_space<vmem>>
          %dma_start3A_439 = tpu.memref_squeeze %dma_start3A_438 : memref<1x80xi32, #tpu.memory_space<vmem>> -> memref<80xi32, #tpu.memory_space<vmem>>
          %dma_start3A_440 = tpu.memref_slice %arg5[%add3A_422] : memref<320000xi32, #tpu.memory_space<hbm>> -> memref<80xi32, #tpu.memory_space<hbm>>
          tpu.enqueue_dma source(%dma_start3A_440 : memref<80xi32, #tpu.memory_space<hbm>>) target(%dma_start3A_439 : memref<80xi32, #tpu.memory_space<vmem>>) target_semaphore(%arg22 : memref<!tpu.dma_semaphore, #tpu.memory_space<semaphore_mem>>)
        } else {
        }
      } else {
      }
    }
    %scan3A_106 = arith.constant 25 : i32
    %dma_wait3A = arith.constant 4 : i32
    %dma_wait3A_107 = arith.constant 0 : i32
    %dma_wait3A_108 = tpu.memref_slice %arg7[%dma_wait3A, %dma_wait3A_107] : memref<5x80xi32, #tpu.memory_space<vmem>> -> memref<1x80xi32, #tpu.memory_space<vmem>>
    %dma_wait3A_109 = tpu.memref_squeeze %dma_wait3A_108 : memref<1x80xi32, #tpu.memory_space<vmem>> -> memref<80xi32, #tpu.memory_space<vmem>>
    %dma_wait3A_110 = arith.constant 0 : i32
    %dma_wait3A_111 = arith.constant 0 : i32
    %dma_wait3A_112 = tpu.memref_slice %arg2[%dma_wait3A_110, %dma_wait3A_111] : memref<10000x128xf32, #tpu.memory_space<hbm>> -> memref<10000x128xf32, #tpu.memory_space<hbm>>
    tpu.wait_indirect_dma semaphore(%arg28 : memref<!tpu.dma_semaphore, #tpu.memory_space<semaphore_mem>>) src(%dma_wait3A_112 : memref<10000x128xf32, #tpu.memory_space<hbm>>) dst(%arg13 : memref<80x128xf32, #tpu.memory_space<vmem>>)
    %dma_wait3A_113 = arith.constant 4 : i32
    %dma_wait3A_114 = arith.constant 0 : i32
    %dma_wait3A_115 = tpu.memref_slice %arg8[%dma_wait3A_113, %dma_wait3A_114] : memref<5x80xi32, #tpu.memory_space<vmem>> -> memref<1x80xi32, #tpu.memory_space<vmem>>
    %dma_wait3A_116 = tpu.memref_squeeze %dma_wait3A_115 : memref<1x80xi32, #tpu.memory_space<vmem>> -> memref<80xi32, #tpu.memory_space<vmem>>
    %dma_wait3A_117 = arith.constant 0 : i32
    %dma_wait3A_118 = arith.constant 0 : i32
    %dma_wait3A_119 = tpu.memref_slice %arg3[%dma_wait3A_117, %dma_wait3A_118] : memref<10000x128xf32, #tpu.memory_space<hbm>> -> memref<10000x128xf32, #tpu.memory_space<hbm>>
    tpu.wait_indirect_dma semaphore(%arg33 : memref<!tpu.dma_semaphore, #tpu.memory_space<semaphore_mem>>) src(%dma_wait3A_119 : memref<10000x128xf32, #tpu.memory_space<hbm>>) dst(%arg18 : memref<80x128xf32, #tpu.memory_space<vmem>>)
    %scan3A_120 = arith.constant 0 : i32
    %scan3A_121 = arith.constant 0 : i32
    %scan3A_122 = arith.constant 80 : i32
    %scan3A_123 = arith.addi %scan3A_121, %scan3A_122 : i32
    %scan3A_124 = arith.constant 1 : i32
    scf.for %scan3A_152 = %scan3A_121 to %scan3A_123 step %scan3A_124  : i32 {
      %get3A = arith.index_cast %scan3A_152 : i32 to index
      %get3A_153 = arith.constant 0 : index
      %get3A_154 = tpu.vector_load %arg13[%get3A, %get3A_153] {strides = array<i32>} : memref<80x128xf32, #tpu.memory_space<vmem>>, vector<1x16xf32>,
      %get3A_155 = vector.shape_cast %get3A_154 : vector<1x16xf32> to vector<16xf32>
      %get3A_156 = arith.index_cast %scan3A_152 : i32 to index
      %get3A_157 = arith.constant 0 : index
      %get3A_158 = tpu.vector_load %arg18[%get3A_156, %get3A_157] {strides = array<i32>} : memref<80x128xf32, #tpu.memory_space<vmem>>, vector<1x16xf32>,
      %get3A_159 = vector.shape_cast %get3A_158 : vector<1x16xf32> to vector<16xf32>
      %add3A_160 = arith.addf %get3A_155, %get3A_159 : vector<16xf32>
      %swap3A = arith.index_cast %scan3A_152 : i32 to index
      %swap3A_161 = arith.constant 0 : index
      %swap3A_162 = tpu.vector_load %arg13[%swap3A, %swap3A_161] {strides = array<i32>} : memref<80x128xf32, #tpu.memory_space<vmem>>, vector<1x16xf32>,
      %swap3A_163 = vector.shape_cast %swap3A_162 : vector<1x16xf32> to vector<16xf32>
      %swap3A_164 = vector.shape_cast %add3A_160 : vector<16xf32> to vector<1x16xf32>
      tpu.vector_store %arg13[%swap3A, %swap3A_161], %swap3A_164 {strides = array<i32>} : memref<80x128xf32, #tpu.memory_space<vmem>>, vector<1x16xf32>,
      %get3A_165 = arith.index_cast %scan3A_152 : i32 to index
      %get3A_166 = arith.constant 16 : index
      %get3A_167 = tpu.vector_load %arg13[%get3A_165, %get3A_166] {strides = array<i32>} : memref<80x128xf32, #tpu.memory_space<vmem>>, vector<1x16xf32>,
      %get3A_168 = vector.shape_cast %get3A_167 : vector<1x16xf32> to vector<16xf32>
      %get3A_169 = arith.index_cast %scan3A_152 : i32 to index
      %get3A_170 = arith.constant 16 : index
      %get3A_171 = tpu.vector_load %arg18[%get3A_169, %get3A_170] {strides = array<i32>} : memref<80x128xf32, #tpu.memory_space<vmem>>, vector<1x16xf32>,
      %get3A_172 = vector.shape_cast %get3A_171 : vector<1x16xf32> to vector<16xf32>
      %add3A_173 = arith.addf %get3A_168, %get3A_172 : vector<16xf32>
      %swap3A_174 = arith.index_cast %scan3A_152 : i32 to index
      %swap3A_175 = arith.constant 16 : index
      %swap3A_176 = tpu.vector_load %arg13[%swap3A_174, %swap3A_175] {strides = array<i32>} : memref<80x128xf32, #tpu.memory_space<vmem>>, vector<1x16xf32>,
      %swap3A_177 = vector.shape_cast %swap3A_176 : vector<1x16xf32> to vector<16xf32>
      %swap3A_178 = vector.shape_cast %add3A_173 : vector<16xf32> to vector<1x16xf32>
      tpu.vector_store %arg13[%swap3A_174, %swap3A_175], %swap3A_178 {strides = array<i32>} : memref<80x128xf32, #tpu.memory_space<vmem>>, vector<1x16xf32>,
      %get3A_179 = arith.index_cast %scan3A_152 : i32 to index
      %get3A_180 = arith.constant 32 : index
      %get3A_181 = tpu.vector_load %arg13[%get3A_179, %get3A_180] {strides = array<i32>} : memref<80x128xf32, #tpu.memory_space<vmem>>, vector<1x16xf32>,
      %get3A_182 = vector.shape_cast %get3A_181 : vector<1x16xf32> to vector<16xf32>
      %get3A_183 = arith.index_cast %scan3A_152 : i32 to index
      %get3A_184 = arith.constant 32 : index
      %get3A_185 = tpu.vector_load %arg18[%get3A_183, %get3A_184] {strides = array<i32>} : memref<80x128xf32, #tpu.memory_space<vmem>>, vector<1x16xf32>,
      %get3A_186 = vector.shape_cast %get3A_185 : vector<1x16xf32> to vector<16xf32>
      %add3A_187 = arith.addf %get3A_182, %get3A_186 : vector<16xf32>
      %swap3A_188 = arith.index_cast %scan3A_152 : i32 to index
      %swap3A_189 = arith.constant 32 : index
      %swap3A_190 = tpu.vector_load %arg13[%swap3A_188, %swap3A_189] {strides = array<i32>} : memref<80x128xf32, #tpu.memory_space<vmem>>, vector<1x16xf32>,
      %swap3A_191 = vector.shape_cast %swap3A_190 : vector<1x16xf32> to vector<16xf32>
      %swap3A_192 = vector.shape_cast %add3A_187 : vector<16xf32> to vector<1x16xf32>
      tpu.vector_store %arg13[%swap3A_188, %swap3A_189], %swap3A_192 {strides = array<i32>} : memref<80x128xf32, #tpu.memory_space<vmem>>, vector<1x16xf32>,
      %get3A_193 = arith.index_cast %scan3A_152 : i32 to index
      %get3A_194 = arith.constant 48 : index
      %get3A_195 = tpu.vector_load %arg13[%get3A_193, %get3A_194] {strides = array<i32>} : memref<80x128xf32, #tpu.memory_space<vmem>>, vector<1x16xf32>,
      %get3A_196 = vector.shape_cast %get3A_195 : vector<1x16xf32> to vector<16xf32>
      %get3A_197 = arith.index_cast %scan3A_152 : i32 to index
      %get3A_198 = arith.constant 48 : index
      %get3A_199 = tpu.vector_load %arg18[%get3A_197, %get3A_198] {strides = array<i32>} : memref<80x128xf32, #tpu.memory_space<vmem>>, vector<1x16xf32>,
      %get3A_200 = vector.shape_cast %get3A_199 : vector<1x16xf32> to vector<16xf32>
      %add3A_201 = arith.addf %get3A_196, %get3A_200 : vector<16xf32>
      %swap3A_202 = arith.index_cast %scan3A_152 : i32 to index
      %swap3A_203 = arith.constant 48 : index
      %swap3A_204 = tpu.vector_load %arg13[%swap3A_202, %swap3A_203] {strides = array<i32>} : memref<80x128xf32, #tpu.memory_space<vmem>>, vector<1x16xf32>,
      %swap3A_205 = vector.shape_cast %swap3A_204 : vector<1x16xf32> to vector<16xf32>
      %swap3A_206 = vector.shape_cast %add3A_201 : vector<16xf32> to vector<1x16xf32>
      tpu.vector_store %arg13[%swap3A_202, %swap3A_203], %swap3A_206 {strides = array<i32>} : memref<80x128xf32, #tpu.memory_space<vmem>>, vector<1x16xf32>,
      %get3A_207 = arith.index_cast %scan3A_152 : i32 to index
      %get3A_208 = arith.constant 64 : index
      %get3A_209 = tpu.vector_load %arg13[%get3A_207, %get3A_208] {strides = array<i32>} : memref<80x128xf32, #tpu.memory_space<vmem>>, vector<1x16xf32>,
      %get3A_210 = vector.shape_cast %get3A_209 : vector<1x16xf32> to vector<16xf32>
      %get3A_211 = arith.index_cast %scan3A_152 : i32 to index
      %get3A_212 = arith.constant 64 : index
      %get3A_213 = tpu.vector_load %arg18[%get3A_211, %get3A_212] {strides = array<i32>} : memref<80x128xf32, #tpu.memory_space<vmem>>, vector<1x16xf32>,
      %get3A_214 = vector.shape_cast %get3A_213 : vector<1x16xf32> to vector<16xf32>
      %add3A_215 = arith.addf %get3A_210, %get3A_214 : vector<16xf32>
      %swap3A_216 = arith.index_cast %scan3A_152 : i32 to index
      %swap3A_217 = arith.constant 64 : index
      %swap3A_218 = tpu.vector_load %arg13[%swap3A_216, %swap3A_217] {strides = array<i32>} : memref<80x128xf32, #tpu.memory_space<vmem>>, vector<1x16xf32>,
      %swap3A_219 = vector.shape_cast %swap3A_218 : vector<1x16xf32> to vector<16xf32>
      %swap3A_220 = vector.shape_cast %add3A_215 : vector<16xf32> to vector<1x16xf32>
      tpu.vector_store %arg13[%swap3A_216, %swap3A_217], %swap3A_220 {strides = array<i32>} : memref<80x128xf32, #tpu.memory_space<vmem>>, vector<1x16xf32>,
      %get3A_221 = arith.index_cast %scan3A_152 : i32 to index
      %get3A_222 = arith.constant 80 : index
      %get3A_223 = tpu.vector_load %arg13[%get3A_221, %get3A_222] {strides = array<i32>} : memref<80x128xf32, #tpu.memory_space<vmem>>, vector<1x16xf32>,
      %get3A_224 = vector.shape_cast %get3A_223 : vector<1x16xf32> to vector<16xf32>
      %get3A_225 = arith.index_cast %scan3A_152 : i32 to index
      %get3A_226 = arith.constant 80 : index
      %get3A_227 = tpu.vector_load %arg18[%get3A_225, %get3A_226] {strides = array<i32>} : memref<80x128xf32, #tpu.memory_space<vmem>>, vector<1x16xf32>,
      %get3A_228 = vector.shape_cast %get3A_227 : vector<1x16xf32> to vector<16xf32>
      %add3A_229 = arith.addf %get3A_224, %get3A_228 : vector<16xf32>
      %swap3A_230 = arith.index_cast %scan3A_152 : i32 to index
      %swap3A_231 = arith.constant 80 : index
      %swap3A_232 = tpu.vector_load %arg13[%swap3A_230, %swap3A_231] {strides = array<i32>} : memref<80x128xf32, #tpu.memory_space<vmem>>, vector<1x16xf32>,
      %swap3A_233 = vector.shape_cast %swap3A_232 : vector<1x16xf32> to vector<16xf32>
      %swap3A_234 = vector.shape_cast %add3A_229 : vector<16xf32> to vector<1x16xf32>
      tpu.vector_store %arg13[%swap3A_230, %swap3A_231], %swap3A_234 {strides = array<i32>} : memref<80x128xf32, #tpu.memory_space<vmem>>, vector<1x16xf32>,
      %get3A_235 = arith.index_cast %scan3A_152 : i32 to index
      %get3A_236 = arith.constant 96 : index
      %get3A_237 = tpu.vector_load %arg13[%get3A_235, %get3A_236] {strides = array<i32>} : memref<80x128xf32, #tpu.memory_space<vmem>>, vector<1x16xf32>,
      %get3A_238 = vector.shape_cast %get3A_237 : vector<1x16xf32> to vector<16xf32>
      %get3A_239 = arith.index_cast %scan3A_152 : i32 to index
      %get3A_240 = arith.constant 96 : index
      %get3A_241 = tpu.vector_load %arg18[%get3A_239, %get3A_240] {strides = array<i32>} : memref<80x128xf32, #tpu.memory_space<vmem>>, vector<1x16xf32>,
      %get3A_242 = vector.shape_cast %get3A_241 : vector<1x16xf32> to vector<16xf32>
      %add3A_243 = arith.addf %get3A_238, %get3A_242 : vector<16xf32>
      %swap3A_244 = arith.index_cast %scan3A_152 : i32 to index
      %swap3A_245 = arith.constant 96 : index
      %swap3A_246 = tpu.vector_load %arg13[%swap3A_244, %swap3A_245] {strides = array<i32>} : memref<80x128xf32, #tpu.memory_space<vmem>>, vector<1x16xf32>,
      %swap3A_247 = vector.shape_cast %swap3A_246 : vector<1x16xf32> to vector<16xf32>
      %swap3A_248 = vector.shape_cast %add3A_243 : vector<16xf32> to vector<1x16xf32>
      tpu.vector_store %arg13[%swap3A_244, %swap3A_245], %swap3A_248 {strides = array<i32>} : memref<80x128xf32, #tpu.memory_space<vmem>>, vector<1x16xf32>,
      %get3A_249 = arith.index_cast %scan3A_152 : i32 to index
      %get3A_250 = arith.constant 112 : index
      %get3A_251 = tpu.vector_load %arg13[%get3A_249, %get3A_250] {strides = array<i32>} : memref<80x128xf32, #tpu.memory_space<vmem>>, vector<1x16xf32>,
      %get3A_252 = vector.shape_cast %get3A_251 : vector<1x16xf32> to vector<16xf32>
      %get3A_253 = arith.index_cast %scan3A_152 : i32 to index
      %get3A_254 = arith.constant 112 : index
      %get3A_255 = tpu.vector_load %arg18[%get3A_253, %get3A_254] {strides = array<i32>} : memref<80x128xf32, #tpu.memory_space<vmem>>, vector<1x16xf32>,
      %get3A_256 = vector.shape_cast %get3A_255 : vector<1x16xf32> to vector<16xf32>
      %add3A_257 = arith.addf %get3A_252, %get3A_256 : vector<16xf32>
      %swap3A_258 = arith.index_cast %scan3A_152 : i32 to index
      %swap3A_259 = arith.constant 112 : index
      %swap3A_260 = tpu.vector_load %arg13[%swap3A_258, %swap3A_259] {strides = array<i32>} : memref<80x128xf32, #tpu.memory_space<vmem>>, vector<1x16xf32>,
      %swap3A_261 = vector.shape_cast %swap3A_260 : vector<1x16xf32> to vector<16xf32>
      %swap3A_262 = vector.shape_cast %add3A_257 : vector<16xf32> to vector<1x16xf32>
      tpu.vector_store %arg13[%swap3A_258, %swap3A_259], %swap3A_262 {strides = array<i32>} : memref<80x128xf32, #tpu.memory_space<vmem>>, vector<1x16xf32>,
    }
    %scan3A_125 = arith.constant 80 : i32
    %add3A_126 = arith.constant 9920 : i32
    %add3A_127 = arith.addi %mul3A_2, %add3A_126 : i32
    %dma_start3A_128 = arith.constant 0 : i32
    %dma_start3A_129 = tpu.memref_slice %arg6[%add3A_127, %dma_start3A_128] : memref<320000x128xf32, #tpu.memory_space<hbm>> -> memref<80x128xf32, #tpu.memory_space<hbm>>
    %dma_start3A_130 = arith.constant 0 : i32
    %dma_start3A_131 = tpu.memref_slice %arg6[%add3A_127, %dma_start3A_130] : memref<320000x128xf32, #tpu.memory_space<hbm>> -> memref<80x128xf32, #tpu.memory_space<hbm>>
    tpu.enqueue_dma source(%arg13 : memref<80x128xf32, #tpu.memory_space<vmem>>) target(%dma_start3A_131 : memref<80x128xf32, #tpu.memory_space<hbm>>) target_semaphore(%arg38 : memref<!tpu.dma_semaphore, #tpu.memory_space<semaphore_mem>>)
    %dma_wait3A_132 = arith.constant 0 : i32
    %dma_wait3A_133 = tpu.memref_slice %arg6[%mul3A_2, %dma_wait3A_132] : memref<320000x128xf32, #tpu.memory_space<hbm>> -> memref<80x128xf32, #tpu.memory_space<hbm>>
    %dma_wait3A_134 = arith.constant 0 : i32
    %dma_wait3A_135 = tpu.memref_slice %arg6[%mul3A_2, %dma_wait3A_134] : memref<320000x128xf32, #tpu.memory_space<hbm>> -> memref<80x128xf32, #tpu.memory_space<hbm>>
    tpu.wait_dma2 semaphore(%arg34 : memref<!tpu.dma_semaphore, #tpu.memory_space<semaphore_mem>>) src(%arg9 : memref<80x128xf32, #tpu.memory_space<vmem>>) dst(%dma_wait3A_135 : memref<80x128xf32, #tpu.memory_space<hbm>>)
    %dma_wait3A_136 = arith.constant 0 : i32
    %dma_wait3A_137 = tpu.memref_slice %arg6[%mul3A_2, %dma_wait3A_136] : memref<320000x128xf32, #tpu.memory_space<hbm>> -> memref<80x128xf32, #tpu.memory_space<hbm>>
    %dma_wait3A_138 = arith.constant 0 : i32
    %dma_wait3A_139 = tpu.memref_slice %arg6[%mul3A_2, %dma_wait3A_138] : memref<320000x128xf32, #tpu.memory_space<hbm>> -> memref<80x128xf32, #tpu.memory_space<hbm>>
    tpu.wait_dma2 semaphore(%arg35 : memref<!tpu.dma_semaphore, #tpu.memory_space<semaphore_mem>>) src(%arg10 : memref<80x128xf32, #tpu.memory_space<vmem>>) dst(%dma_wait3A_139 : memref<80x128xf32, #tpu.memory_space<hbm>>)
    %dma_wait3A_140 = arith.constant 0 : i32
    %dma_wait3A_141 = tpu.memref_slice %arg6[%mul3A_2, %dma_wait3A_140] : memref<320000x128xf32, #tpu.memory_space<hbm>> -> memref<80x128xf32, #tpu.memory_space<hbm>>
    %dma_wait3A_142 = arith.constant 0 : i32
    %dma_wait3A_143 = tpu.memref_slice %arg6[%mul3A_2, %dma_wait3A_142] : memref<320000x128xf32, #tpu.memory_space<hbm>> -> memref<80x128xf32, #tpu.memory_space<hbm>>
    tpu.wait_dma2 semaphore(%arg36 : memref<!tpu.dma_semaphore, #tpu.memory_space<semaphore_mem>>) src(%arg11 : memref<80x128xf32, #tpu.memory_space<vmem>>) dst(%dma_wait3A_143 : memref<80x128xf32, #tpu.memory_space<hbm>>)
    %dma_wait3A_144 = arith.constant 0 : i32
    %dma_wait3A_145 = tpu.memref_slice %arg6[%mul3A_2, %dma_wait3A_144] : memref<320000x128xf32, #tpu.memory_space<hbm>> -> memref<80x128xf32, #tpu.memory_space<hbm>>
    %dma_wait3A_146 = arith.constant 0 : i32
    %dma_wait3A_147 = tpu.memref_slice %arg6[%mul3A_2, %dma_wait3A_146] : memref<320000x128xf32, #tpu.memory_space<hbm>> -> memref<80x128xf32, #tpu.memory_space<hbm>>
    tpu.wait_dma2 semaphore(%arg37 : memref<!tpu.dma_semaphore, #tpu.memory_space<semaphore_mem>>) src(%arg12 : memref<80x128xf32, #tpu.memory_space<vmem>>) dst(%dma_wait3A_147 : memref<80x128xf32, #tpu.memory_space<hbm>>)
    %dma_wait3A_148 = arith.constant 0 : i32
    %dma_wait3A_149 = tpu.memref_slice %arg6[%mul3A_2, %dma_wait3A_148] : memref<320000x128xf32, #tpu.memory_space<hbm>> -> memref<80x128xf32, #tpu.memory_space<hbm>>
    %dma_wait3A_150 = arith.constant 0 : i32
    %dma_wait3A_151 = tpu.memref_slice %arg6[%mul3A_2, %dma_wait3A_150] : memref<320000x128xf32, #tpu.memory_space<hbm>> -> memref<80x128xf32, #tpu.memory_space<hbm>>
    tpu.wait_dma2 semaphore(%arg38 : memref<!tpu.dma_semaphore, #tpu.memory_space<semaphore_mem>>) src(%arg13 : memref<80x128xf32, #tpu.memory_space<vmem>>) dst(%dma_wait3A_151 : memref<80x128xf32, #tpu.memory_space<hbm>>)
    return
  }
}

module attributes {stable_mosaic.version = 14 : i64} {
  func.func @_node_tables_body(%arg0: i32, %arg1: memref<1000x128xf32, #tpu.memory_space<vmem>>, %arg2: memref<128x128xf32, #tpu.memory_space<vmem>>, %arg3: memref<1x128xf32, #tpu.memory_space<vmem>>, %arg4: memref<128x128xf32, #tpu.memory_space<vmem>>, %arg5: memref<1x128xf32, #tpu.memory_space<vmem>>, %arg6: memref<128x128xf32, #tpu.memory_space<vmem>>, %arg7: memref<128x128xf32, #tpu.memory_space<vmem>>, %arg8: memref<1000x128xf32, #tpu.memory_space<vmem>>, %arg9: memref<1000x128xf32, #tpu.memory_space<vmem>>) attributes {dimension_semantics = [#tpu.dimension_semantics<arbitrary>], iteration_bounds = array<i64: 10>, scalar_prefetch = 0 : i64, scratch_operands = 0 : i64, tpu.core_type = #tpu.core_type<tc>, window_params = [{transform_indices = @transform_0, window_bounds = array<i64: 1000, 128>}, {pipeline_mode = #tpu.pipeline_mode<synchronous>, transform_indices = @transform_1, window_bounds = array<i64: 128, 128>}, {pipeline_mode = #tpu.pipeline_mode<synchronous>, transform_indices = @transform_2, window_bounds = array<i64: 1, 128>}, {pipeline_mode = #tpu.pipeline_mode<synchronous>, transform_indices = @transform_3, window_bounds = array<i64: 128, 128>}, {pipeline_mode = #tpu.pipeline_mode<synchronous>, transform_indices = @transform_4, window_bounds = array<i64: 1, 128>}, {pipeline_mode = #tpu.pipeline_mode<synchronous>, transform_indices = @transform_5, window_bounds = array<i64: 128, 128>}, {pipeline_mode = #tpu.pipeline_mode<synchronous>, transform_indices = @transform_6, window_bounds = array<i64: 128, 128>}, {transform_indices = @transform_7, window_bounds = array<i64: 1000, 128>}, {transform_indices = @transform_8, window_bounds = array<i64: 1000, 128>}]} {
    %get3A = arith.constant 0 : index
    %get3A_0 = arith.constant 0 : index
    %get3A_1 = vector.load %arg1[%get3A, %get3A_0] : memref<1000x128xf32, #tpu.memory_space<vmem>>, vector<1000x128xf32>
    %get3A_2 = arith.constant 0 : index
    %get3A_3 = arith.constant 0 : index
    %get3A_4 = vector.load %arg2[%get3A_2, %get3A_3] : memref<128x128xf32, #tpu.memory_space<vmem>>, vector<128x128xf32>
    %dot_general3A = arith.constant dense<0.000000e+00> : vector<1000x128xf32>
    %dot_general3A_5 = tpu.matmul %get3A_1, %get3A_4, %dot_general3A {dimension_numbers = #tpu.dot_dimension_numbers<[1], [0], [0], [1], [0, 0, 1, 1], [], []>, transpose_lhs_hint = false} : vector<1000x128xf32>, vector<128x128xf32>, vector<1000x128xf32> -> vector<1000x128xf32>
    %get3A_6 = arith.constant 0 : index
    %get3A_7 = arith.constant 0 : index
    %get3A_8 = vector.load %arg3[%get3A_6, %get3A_7] : memref<1x128xf32, #tpu.memory_space<vmem>>, vector<1x128xf32>
    %add3A = vector.broadcast %get3A_8 : vector<1x128xf32> to vector<1000x128xf32>
    %add3A_9 = arith.addf %dot_general3A_5, %add3A : vector<1000x128xf32>
    %get3A_10 = arith.constant 0 : index
    %get3A_11 = arith.constant 0 : index
    %get3A_12 = vector.load %arg4[%get3A_10, %get3A_11] : memref<128x128xf32, #tpu.memory_space<vmem>>, vector<128x128xf32>
    %dot_general3A_13 = arith.constant dense<0.000000e+00> : vector<1000x128xf32>
    %dot_general3A_14 = tpu.matmul %get3A_1, %get3A_12, %dot_general3A_13 {dimension_numbers = #tpu.dot_dimension_numbers<[1], [0], [0], [1], [0, 0, 1, 1], [], []>, transpose_lhs_hint = false} : vector<1000x128xf32>, vector<128x128xf32>, vector<1000x128xf32> -> vector<1000x128xf32>
    %get3A_15 = arith.constant 0 : index
    %get3A_16 = arith.constant 0 : index
    %get3A_17 = vector.load %arg5[%get3A_15, %get3A_16] : memref<1x128xf32, #tpu.memory_space<vmem>>, vector<1x128xf32>
    %add3A_18 = vector.broadcast %get3A_17 : vector<1x128xf32> to vector<1000x128xf32>
    %add3A_19 = arith.addf %dot_general3A_14, %add3A_18 : vector<1000x128xf32>
    %get3A_20 = arith.constant 0 : index
    %get3A_21 = arith.constant 0 : index
    %get3A_22 = vector.load %arg6[%get3A_20, %get3A_21] : memref<128x128xf32, #tpu.memory_space<vmem>>, vector<128x128xf32>
    %dot_general3A_23 = arith.constant dense<0.000000e+00> : vector<1000x128xf32>
    %dot_general3A_24 = tpu.matmul %add3A_9, %get3A_22, %dot_general3A_23 {dimension_numbers = #tpu.dot_dimension_numbers<[1], [0], [0], [1], [0, 0, 1, 1], [], []>, transpose_lhs_hint = false} : vector<1000x128xf32>, vector<128x128xf32>, vector<1000x128xf32> -> vector<1000x128xf32>
    %swap3A = arith.constant 0 : index
    %swap3A_25 = arith.constant 0 : index
    %swap3A_26 = vector.load %arg8[%swap3A, %swap3A_25] : memref<1000x128xf32, #tpu.memory_space<vmem>>, vector<1000x128xf32>
    tpu.vector_store %arg8[%swap3A, %swap3A_25], %dot_general3A_24 {strides = array<i32>} : memref<1000x128xf32, #tpu.memory_space<vmem>>, vector<1000x128xf32>,
    %get3A_27 = arith.constant 0 : index
    %get3A_28 = arith.constant 0 : index
    %get3A_29 = vector.load %arg7[%get3A_27, %get3A_28] : memref<128x128xf32, #tpu.memory_space<vmem>>, vector<128x128xf32>
    %dot_general3A_30 = arith.constant dense<0.000000e+00> : vector<1000x128xf32>
    %dot_general3A_31 = tpu.matmul %add3A_19, %get3A_29, %dot_general3A_30 {dimension_numbers = #tpu.dot_dimension_numbers<[1], [0], [0], [1], [0, 0, 1, 1], [], []>, transpose_lhs_hint = false} : vector<1000x128xf32>, vector<128x128xf32>, vector<1000x128xf32> -> vector<1000x128xf32>
    %swap3A_32 = arith.constant 0 : index
    %swap3A_33 = arith.constant 0 : index
    %swap3A_34 = vector.load %arg9[%swap3A_32, %swap3A_33] : memref<1000x128xf32, #tpu.memory_space<vmem>>, vector<1000x128xf32>
    tpu.vector_store %arg9[%swap3A_32, %swap3A_33], %dot_general3A_31 {strides = array<i32>} : memref<1000x128xf32, #tpu.memory_space<vmem>>, vector<1000x128xf32>,
    return
  }
  func.func @transform_0(%arg0: i32) -> (i32, i32) {
    %c0_i32 = arith.constant 0 : i32
    %c0_i32_0 = arith.constant 0 : i32
    return %arg0, %c0_i32 : i32, i32
  }
  func.func @transform_1(%arg0: i32) -> (i32, i32) {
    %c0_i32 = arith.constant 0 : i32
    %c0_i32_0 = arith.constant 0 : i32
    %c0_i32_1 = arith.constant 0 : i32
    return %c0_i32, %c0_i32_0 : i32, i32
  }
  func.func @transform_2(%arg0: i32) -> (i32, i32) {
    %c0_i32 = arith.constant 0 : i32
    %c0_i32_0 = arith.constant 0 : i32
    %c0_i32_1 = arith.constant 0 : i32
    return %c0_i32, %c0_i32_0 : i32, i32
  }
  func.func @transform_3(%arg0: i32) -> (i32, i32) {
    %c0_i32 = arith.constant 0 : i32
    %c0_i32_0 = arith.constant 0 : i32
    %c0_i32_1 = arith.constant 0 : i32
    return %c0_i32, %c0_i32_0 : i32, i32
  }
  func.func @transform_4(%arg0: i32) -> (i32, i32) {
    %c0_i32 = arith.constant 0 : i32
    %c0_i32_0 = arith.constant 0 : i32
    %c0_i32_1 = arith.constant 0 : i32
    return %c0_i32, %c0_i32_0 : i32, i32
  }
  func.func @transform_5(%arg0: i32) -> (i32, i32) {
    %c0_i32 = arith.constant 0 : i32
    %c0_i32_0 = arith.constant 0 : i32
    %c0_i32_1 = arith.constant 0 : i32
    return %c0_i32, %c0_i32_0 : i32, i32
  }
  func.func @transform_6(%arg0: i32) -> (i32, i32) {
    %c0_i32 = arith.constant 0 : i32
    %c0_i32_0 = arith.constant 0 : i32
    %c0_i32_1 = arith.constant 0 : i32
    return %c0_i32, %c0_i32_0 : i32, i32
  }
  func.func @transform_7(%arg0: i32) -> (i32, i32) {
    %c0_i32 = arith.constant 0 : i32
    %c0_i32_0 = arith.constant 0 : i32
    return %arg0, %c0_i32 : i32, i32
  }
  func.func @transform_8(%arg0: i32) -> (i32, i32) {
    %c0_i32 = arith.constant 0 : i32
    %c0_i32_0 = arith.constant 0 : i32
    return %arg0, %c0_i32 : i32, i32
  }
}

module attributes {stable_mosaic.version = 14 : i64} {
  func.func @_edge_mlp_body(%arg0: i32, %arg1: memref<6400x128xf32, #tpu.memory_space<vmem>>, %arg2: memref<800x128xf32, #tpu.memory_space<vmem>>, %arg3: memref<128x1024xf32, #tpu.memory_space<vmem>>, %arg4: memref<1x128xf32, #tpu.memory_space<vmem>>, %arg5: memref<128x128xf32, #tpu.memory_space<vmem>>, %arg6: memref<1x128xf32, #tpu.memory_space<vmem>>, %arg7: memref<128x128xf32, #tpu.memory_space<vmem>>, %arg8: memref<1x128xf32, #tpu.memory_space<vmem>>, %arg9: memref<1x128xf32, #tpu.memory_space<vmem>>, %arg10: memref<1x128xf32, #tpu.memory_space<vmem>>, %arg11: memref<6400x128xf32, #tpu.memory_space<vmem>>) attributes {dimension_semantics = [#tpu.dimension_semantics<arbitrary>], iteration_bounds = array<i64: 50>, scalar_prefetch = 0 : i64, scratch_operands = 0 : i64, tpu.core_type = #tpu.core_type<tc>, window_params = [{transform_indices = @transform_0, window_bounds = array<i64: 6400, 128>}, {transform_indices = @transform_1, window_bounds = array<i64: 800, 128>}, {pipeline_mode = #tpu.pipeline_mode<synchronous>, transform_indices = @transform_2, window_bounds = array<i64: 128, 1024>}, {pipeline_mode = #tpu.pipeline_mode<synchronous>, transform_indices = @transform_3, window_bounds = array<i64: 1, 128>}, {pipeline_mode = #tpu.pipeline_mode<synchronous>, transform_indices = @transform_4, window_bounds = array<i64: 128, 128>}, {pipeline_mode = #tpu.pipeline_mode<synchronous>, transform_indices = @transform_5, window_bounds = array<i64: 1, 128>}, {pipeline_mode = #tpu.pipeline_mode<synchronous>, transform_indices = @transform_6, window_bounds = array<i64: 128, 128>}, {pipeline_mode = #tpu.pipeline_mode<synchronous>, transform_indices = @transform_7, window_bounds = array<i64: 1, 128>}, {pipeline_mode = #tpu.pipeline_mode<synchronous>, transform_indices = @transform_8, window_bounds = array<i64: 1, 128>}, {pipeline_mode = #tpu.pipeline_mode<synchronous>, transform_indices = @transform_9, window_bounds = array<i64: 1, 128>}, {transform_indices = @transform_10, window_bounds = array<i64: 6400, 128>}]} {
    %get3A = arith.constant 0 : index
    %get3A_0 = arith.constant 0 : index
    %get3A_1 = vector.load %arg2[%get3A, %get3A_0] : memref<800x128xf32, #tpu.memory_space<vmem>>, vector<800x128xf32>
    %get3A_2 = arith.constant 0 : index
    %get3A_3 = arith.constant 0 : index
    %get3A_4 = vector.load %arg3[%get3A_2, %get3A_3] : memref<128x1024xf32, #tpu.memory_space<vmem>>, vector<128x1024xf32>
    %dot_general3A = arith.constant dense<0.000000e+00> : vector<800x1024xf32>
    %dot_general3A_5 = tpu.matmul %get3A_1, %get3A_4, %dot_general3A {dimension_numbers = #tpu.dot_dimension_numbers<[1], [0], [0], [1], [0, 0, 1, 1], [], []>, transpose_lhs_hint = false} : vector<800x128xf32>, vector<128x1024xf32>, vector<800x1024xf32> -> vector<800x1024xf32>
    %reshape3A = vector.shape_cast %dot_general3A_5 : vector<800x1024xf32> to vector<6400x128xf32>
    %get3A_6 = arith.constant 0 : index
    %get3A_7 = arith.constant 0 : index
    %get3A_8 = vector.load %arg1[%get3A_6, %get3A_7] : memref<6400x128xf32, #tpu.memory_space<vmem>>, vector<6400x128xf32>
    %add3A = arith.addf %get3A_8, %reshape3A : vector<6400x128xf32>
    %get3A_9 = arith.constant 0 : index
    %get3A_10 = arith.constant 0 : index
    %get3A_11 = vector.load %arg4[%get3A_9, %get3A_10] : memref<1x128xf32, #tpu.memory_space<vmem>>, vector<1x128xf32>
    %add3A_12 = vector.broadcast %get3A_11 : vector<1x128xf32> to vector<6400x128xf32>
    %add3A_13 = arith.addf %add3A, %add3A_12 : vector<6400x128xf32>
    %integer_pow3A = arith.mulf %add3A_13, %add3A_13 : vector<6400x128xf32>
    %integer_pow3A_14 = arith.mulf %add3A_13, %integer_pow3A : vector<6400x128xf32>
    %mul3A = arith.constant 4.471500e-02 : f32
    %mul3A_15 = vector.broadcast %mul3A : f32 to vector<6400x128xf32>
    %mul3A_16 = arith.mulf %mul3A_15, %integer_pow3A_14 : vector<6400x128xf32>
    %add3A_17 = arith.addf %add3A_13, %mul3A_16 : vector<6400x128xf32>
    %mul3A_18 = arith.constant 0.797884583 : f32
    %mul3A_19 = vector.broadcast %mul3A_18 : f32 to vector<6400x128xf32>
    %mul3A_20 = arith.mulf %mul3A_19, %add3A_17 : vector<6400x128xf32>
    %tanh3A = math.tanh %mul3A_20 : vector<6400x128xf32>
    %add3A_21 = arith.constant 1.000000e+00 : f32
    %add3A_22 = vector.broadcast %add3A_21 : f32 to vector<6400x128xf32>
    %add3A_23 = arith.addf %add3A_22, %tanh3A : vector<6400x128xf32>
    %mul3A_24 = arith.constant 5.000000e-01 : f32
    %mul3A_25 = vector.broadcast %mul3A_24 : f32 to vector<6400x128xf32>
    %mul3A_26 = arith.mulf %mul3A_25, %add3A_23 : vector<6400x128xf32>
    %mul3A_27 = arith.mulf %add3A_13, %mul3A_26 : vector<6400x128xf32>
    %get3A_28 = arith.constant 0 : index
    %get3A_29 = arith.constant 0 : index
    %get3A_30 = vector.load %arg5[%get3A_28, %get3A_29] : memref<128x128xf32, #tpu.memory_space<vmem>>, vector<128x128xf32>
    %dot_general3A_31 = arith.constant dense<0.000000e+00> : vector<6400x128xf32>
    %dot_general3A_32 = tpu.matmul %mul3A_27, %get3A_30, %dot_general3A_31 {dimension_numbers = #tpu.dot_dimension_numbers<[1], [0], [0], [1], [0, 0, 1, 1], [], []>, transpose_lhs_hint = false} : vector<6400x128xf32>, vector<128x128xf32>, vector<6400x128xf32> -> vector<6400x128xf32>
    %get3A_33 = arith.constant 0 : index
    %get3A_34 = arith.constant 0 : index
    %get3A_35 = vector.load %arg6[%get3A_33, %get3A_34] : memref<1x128xf32, #tpu.memory_space<vmem>>, vector<1x128xf32>
    %add3A_36 = vector.broadcast %get3A_35 : vector<1x128xf32> to vector<6400x128xf32>
    %add3A_37 = arith.addf %dot_general3A_32, %add3A_36 : vector<6400x128xf32>
    %integer_pow3A_38 = arith.mulf %add3A_37, %add3A_37 : vector<6400x128xf32>
    %integer_pow3A_39 = arith.mulf %add3A_37, %integer_pow3A_38 : vector<6400x128xf32>
    %mul3A_40 = arith.constant 4.471500e-02 : f32
    %mul3A_41 = vector.broadcast %mul3A_40 : f32 to vector<6400x128xf32>
    %mul3A_42 = arith.mulf %mul3A_41, %integer_pow3A_39 : vector<6400x128xf32>
    %add3A_43 = arith.addf %add3A_37, %mul3A_42 : vector<6400x128xf32>
    %mul3A_44 = arith.constant 0.797884583 : f32
    %mul3A_45 = vector.broadcast %mul3A_44 : f32 to vector<6400x128xf32>
    %mul3A_46 = arith.mulf %mul3A_45, %add3A_43 : vector<6400x128xf32>
    %tanh3A_47 = math.tanh %mul3A_46 : vector<6400x128xf32>
    %add3A_48 = arith.constant 1.000000e+00 : f32
    %add3A_49 = vector.broadcast %add3A_48 : f32 to vector<6400x128xf32>
    %add3A_50 = arith.addf %add3A_49, %tanh3A_47 : vector<6400x128xf32>
    %mul3A_51 = arith.constant 5.000000e-01 : f32
    %mul3A_52 = vector.broadcast %mul3A_51 : f32 to vector<6400x128xf32>
    %mul3A_53 = arith.mulf %mul3A_52, %add3A_50 : vector<6400x128xf32>
    %mul3A_54 = arith.mulf %add3A_37, %mul3A_53 : vector<6400x128xf32>
    %get3A_55 = arith.constant 0 : index
    %get3A_56 = arith.constant 0 : index
    %get3A_57 = vector.load %arg7[%get3A_55, %get3A_56] : memref<128x128xf32, #tpu.memory_space<vmem>>, vector<128x128xf32>
    %dot_general3A_58 = arith.constant dense<0.000000e+00> : vector<6400x128xf32>
    %dot_general3A_59 = tpu.matmul %mul3A_54, %get3A_57, %dot_general3A_58 {dimension_numbers = #tpu.dot_dimension_numbers<[1], [0], [0], [1], [0, 0, 1, 1], [], []>, transpose_lhs_hint = false} : vector<6400x128xf32>, vector<128x128xf32>, vector<6400x128xf32> -> vector<6400x128xf32>
    %get3A_60 = arith.constant 0 : index
    %get3A_61 = arith.constant 0 : index
    %get3A_62 = vector.load %arg8[%get3A_60, %get3A_61] : memref<1x128xf32, #tpu.memory_space<vmem>>, vector<1x128xf32>
    %add3A_63 = vector.broadcast %get3A_62 : vector<1x128xf32> to vector<6400x128xf32>
    %add3A_64 = arith.addf %dot_general3A_59, %add3A_63 : vector<6400x128xf32>
    %reduce_sum3A = arith.constant dense<0.000000e+00> : vector<6400xf32>
    %reduce_sum3A_65 = vector.multi_reduction <add>, %add3A_64, %reduce_sum3A [1] : vector<6400x128xf32> to vector<6400xf32>
    %broadcast_in_dim3A = vector.shape_cast %reduce_sum3A_65 : vector<6400xf32> to vector<6400x1xf32>
    %div3A = arith.constant 1.280000e+02 : f32
    %div3A_66 = vector.broadcast %div3A : f32 to vector<6400x1xf32>
    %div3A_67 = arith.divf %broadcast_in_dim3A, %div3A_66 : vector<6400x1xf32>
    %sub3A = vector.broadcast %div3A_67 : vector<6400x1xf32> to vector<6400x128xf32>
    %sub3A_68 = arith.subf %add3A_64, %sub3A : vector<6400x128xf32>
    %integer_pow3A_69 = arith.mulf %sub3A_68, %sub3A_68 : vector<6400x128xf32>
    %reduce_sum3A_70 = arith.constant dense<0.000000e+00> : vector<6400xf32>
    %reduce_sum3A_71 = vector.multi_reduction <add>, %integer_pow3A_69, %reduce_sum3A_70 [1] : vector<6400x128xf32> to vector<6400xf32>
    %broadcast_in_dim3A_72 = vector.shape_cast %reduce_sum3A_71 : vector<6400xf32> to vector<6400x1xf32>
    %div3A_73 = arith.constant 1.280000e+02 : f32
    %div3A_74 = vector.broadcast %div3A_73 : f32 to vector<6400x1xf32>
    %div3A_75 = arith.divf %broadcast_in_dim3A_72, %div3A_74 : vector<6400x1xf32>
    %sub3A_76 = vector.broadcast %div3A_67 : vector<6400x1xf32> to vector<6400x128xf32>
    %sub3A_77 = arith.subf %add3A_64, %sub3A_76 : vector<6400x128xf32>
    %add3A_78 = arith.constant 9.99999974E-6 : f32
    %add3A_79 = vector.broadcast %add3A_78 : f32 to vector<6400x1xf32>
    %add3A_80 = arith.addf %div3A_75, %add3A_79 : vector<6400x1xf32>
    %rsqrt3A = math.rsqrt %add3A_80 : vector<6400x1xf32>
    %mul3A_81 = vector.broadcast %rsqrt3A : vector<6400x1xf32> to vector<6400x128xf32>
    %mul3A_82 = arith.mulf %sub3A_77, %mul3A_81 : vector<6400x128xf32>
    %get3A_83 = arith.constant 0 : index
    %get3A_84 = arith.constant 0 : index
    %get3A_85 = vector.load %arg9[%get3A_83, %get3A_84] : memref<1x128xf32, #tpu.memory_space<vmem>>, vector<1x128xf32>
    %mul3A_86 = vector.broadcast %get3A_85 : vector<1x128xf32> to vector<6400x128xf32>
    %mul3A_87 = arith.mulf %mul3A_82, %mul3A_86 : vector<6400x128xf32>
    %get3A_88 = arith.constant 0 : index
    %get3A_89 = arith.constant 0 : index
    %get3A_90 = vector.load %arg10[%get3A_88, %get3A_89] : memref<1x128xf32, #tpu.memory_space<vmem>>, vector<1x128xf32>
    %add3A_91 = vector.broadcast %get3A_90 : vector<1x128xf32> to vector<6400x128xf32>
    %add3A_92 = arith.addf %mul3A_87, %add3A_91 : vector<6400x128xf32>
    %swap3A = arith.constant 0 : index
    %swap3A_93 = arith.constant 0 : index
    %swap3A_94 = vector.load %arg11[%swap3A, %swap3A_93] : memref<6400x128xf32, #tpu.memory_space<vmem>>, vector<6400x128xf32>
    tpu.vector_store %arg11[%swap3A, %swap3A_93], %add3A_92 {strides = array<i32>} : memref<6400x128xf32, #tpu.memory_space<vmem>>, vector<6400x128xf32>,
    return
  }
  func.func @transform_0(%arg0: i32) -> (i32, i32) {
    %c0_i32 = arith.constant 0 : i32
    %c0_i32_0 = arith.constant 0 : i32
    return %arg0, %c0_i32 : i32, i32
  }
  func.func @transform_1(%arg0: i32) -> (i32, i32) {
    %add3A = arith.constant 0 : i32
    %add3A_0 = arith.addi %add3A, %arg0 : i32
    %c0_i32 = arith.constant 0 : i32
    %c0_i32_1 = arith.constant 0 : i32
    return %add3A_0, %c0_i32 : i32, i32
  }
  func.func @transform_2(%arg0: i32) -> (i32, i32) {
    %c0_i32 = arith.constant 0 : i32
    %c0_i32_0 = arith.constant 0 : i32
    %c0_i32_1 = arith.constant 0 : i32
    return %c0_i32, %c0_i32_0 : i32, i32
  }
  func.func @transform_3(%arg0: i32) -> (i32, i32) {
    %c0_i32 = arith.constant 0 : i32
    %c0_i32_0 = arith.constant 0 : i32
    %c0_i32_1 = arith.constant 0 : i32
    return %c0_i32, %c0_i32_0 : i32, i32
  }
  func.func @transform_4(%arg0: i32) -> (i32, i32) {
    %c0_i32 = arith.constant 0 : i32
    %c0_i32_0 = arith.constant 0 : i32
    %c0_i32_1 = arith.constant 0 : i32
    return %c0_i32, %c0_i32_0 : i32, i32
  }
  func.func @transform_5(%arg0: i32) -> (i32, i32) {
    %c0_i32 = arith.constant 0 : i32
    %c0_i32_0 = arith.constant 0 : i32
    %c0_i32_1 = arith.constant 0 : i32
    return %c0_i32, %c0_i32_0 : i32, i32
  }
  func.func @transform_6(%arg0: i32) -> (i32, i32) {
    %c0_i32 = arith.constant 0 : i32
    %c0_i32_0 = arith.constant 0 : i32
    %c0_i32_1 = arith.constant 0 : i32
    return %c0_i32, %c0_i32_0 : i32, i32
  }
  func.func @transform_7(%arg0: i32) -> (i32, i32) {
    %c0_i32 = arith.constant 0 : i32
    %c0_i32_0 = arith.constant 0 : i32
    %c0_i32_1 = arith.constant 0 : i32
    return %c0_i32, %c0_i32_0 : i32, i32
  }
  func.func @transform_8(%arg0: i32) -> (i32, i32) {
    %c0_i32 = arith.constant 0 : i32
    %c0_i32_0 = arith.constant 0 : i32
    %c0_i32_1 = arith.constant 0 : i32
    return %c0_i32, %c0_i32_0 : i32, i32
  }
  func.func @transform_9(%arg0: i32) -> (i32, i32) {
    %c0_i32 = arith.constant 0 : i32
    %c0_i32_0 = arith.constant 0 : i32
    %c0_i32_1 = arith.constant 0 : i32
    return %c0_i32, %c0_i32_0 : i32, i32
  }
  func.func @transform_10(%arg0: i32) -> (i32, i32) {
    %add3A = arith.constant 0 : i32
    %add3A_0 = arith.addi %add3A, %arg0 : i32
    %c0_i32 = arith.constant 0 : i32
    %c0_i32_1 = arith.constant 0 : i32
    return %add3A_0, %c0_i32 : i32, i32
  }
}

module attributes {stable_mosaic.version = 14 : i64} {
  func.func @_out_body(%arg0: i32, %arg1: memref<2x1000x128xf32, #tpu.memory_space<vmem>>, %arg2: memref<128x128xf32, #tpu.memory_space<vmem>>, %arg3: memref<1x128xf32, #tpu.memory_space<vmem>>, %arg4: memref<1000x128xf32, #tpu.memory_space<vmem>>) attributes {dimension_semantics = [#tpu.dimension_semantics<arbitrary>], iteration_bounds = array<i64: 10>, scalar_prefetch = 0 : i64, scratch_operands = 0 : i64, tpu.core_type = #tpu.core_type<tc>, window_params = [{transform_indices = @transform_0, window_bounds = array<i64: 2, 1000, 128>}, {pipeline_mode = #tpu.pipeline_mode<synchronous>, transform_indices = @transform_1, window_bounds = array<i64: 128, 128>}, {pipeline_mode = #tpu.pipeline_mode<synchronous>, transform_indices = @transform_2, window_bounds = array<i64: 1, 128>}, {transform_indices = @transform_3, window_bounds = array<i64: 1000, 128>}]} {
    %get3A = arith.constant 0 : index
    %get3A_0 = arith.constant 0 : index
    %get3A_1 = arith.constant 0 : index
    %get3A_2 = vector.load %arg1[%get3A, %get3A_0, %get3A_1] : memref<2x1000x128xf32, #tpu.memory_space<vmem>>, vector<1x1000x128xf32>
    %get3A_3 = vector.shape_cast %get3A_2 : vector<1x1000x128xf32> to vector<1000x128xf32>
    %get3A_4 = arith.constant 1 : index
    %get3A_5 = arith.constant 0 : index
    %get3A_6 = arith.constant 0 : index
    %get3A_7 = vector.load %arg1[%get3A_4, %get3A_5, %get3A_6] : memref<2x1000x128xf32, #tpu.memory_space<vmem>>, vector<1x1000x128xf32>
    %get3A_8 = vector.shape_cast %get3A_7 : vector<1x1000x128xf32> to vector<1000x128xf32>
    %add3A = arith.addf %get3A_3, %get3A_8 : vector<1000x128xf32>
    %get3A_9 = arith.constant 0 : index
    %get3A_10 = arith.constant 0 : index
    %get3A_11 = vector.load %arg2[%get3A_9, %get3A_10] : memref<128x128xf32, #tpu.memory_space<vmem>>, vector<128x128xf32>
    %dot_general3A = arith.constant dense<0.000000e+00> : vector<1000x128xf32>
    %dot_general3A_12 = tpu.matmul %add3A, %get3A_11, %dot_general3A {dimension_numbers = #tpu.dot_dimension_numbers<[1], [0], [0], [1], [0, 0, 1, 1], [], []>, transpose_lhs_hint = false} : vector<1000x128xf32>, vector<128x128xf32>, vector<1000x128xf32> -> vector<1000x128xf32>
    %get3A_13 = arith.constant 0 : index
    %get3A_14 = arith.constant 0 : index
    %get3A_15 = vector.load %arg3[%get3A_13, %get3A_14] : memref<1x128xf32, #tpu.memory_space<vmem>>, vector<1x128xf32>
    %add3A_16 = vector.broadcast %get3A_15 : vector<1x128xf32> to vector<1000x128xf32>
    %add3A_17 = arith.addf %dot_general3A_12, %add3A_16 : vector<1000x128xf32>
    %swap3A = arith.constant 0 : index
    %swap3A_18 = arith.constant 0 : index
    %swap3A_19 = vector.load %arg4[%swap3A, %swap3A_18] : memref<1000x128xf32, #tpu.memory_space<vmem>>, vector<1000x128xf32>
    tpu.vector_store %arg4[%swap3A, %swap3A_18], %add3A_17 {strides = array<i32>} : memref<1000x128xf32, #tpu.memory_space<vmem>>, vector<1000x128xf32>,
    return
  }
  func.func @transform_0(%arg0: i32) -> (i32, i32, i32) {
    %c0_i32 = arith.constant 0 : i32
    %c0_i32_0 = arith.constant 0 : i32
    %c0_i32_1 = arith.constant 0 : i32
    return %c0_i32, %arg0, %c0_i32_0 : i32, i32, i32
  }
  func.func @transform_1(%arg0: i32) -> (i32, i32) {
    %c0_i32 = arith.constant 0 : i32
    %c0_i32_0 = arith.constant 0 : i32
    %c0_i32_1 = arith.constant 0 : i32
    return %c0_i32, %c0_i32_0 : i32, i32
  }
  func.func @transform_2(%arg0: i32) -> (i32, i32) {
    %c0_i32 = arith.constant 0 : i32
    %c0_i32_0 = arith.constant 0 : i32
    %c0_i32_1 = arith.constant 0 : i32
    return %c0_i32, %c0_i32_0 : i32, i32
  }
  func.func @transform_3(%arg0: i32) -> (i32, i32) {
    %c0_i32 = arith.constant 0 : i32
    %c0_i32_0 = arith.constant 0 : i32
    return %arg0, %c0_i32 : i32, i32
  }
}

</mosaic_0001>

<sc_bundles>
// kernel: kernel.10.cloned.1.call-start
scs
__scs_entry_jumppad:
0x0: {  	(pc) =	sbr.rel $0x88, $3  }
0x1: {  	(tag) =	ssettag $0x0;
	lr =	simm.s32 $0x1  }
0x2: {  	[smem:$0x3F90] =	sst lr;
	_ =	strace $0xD0000000  }
0x3: {  	_ = 	snop  }
0x4: {  	_ = 	snop  }
0x5: {  	_ = 	snop  }
0x6: {  	_ = 	snop  }
0x7: {  	_ = 	snop  }
__scs_overlays_trampoline_lowered:
0x8: {  	[smem:$0x3F9F] =	sst s0  }
0x9: {  	[smem:$0x3FA0] =	sst s1  }
0xa: {  	[smem:$0x3FA1] =	sst s2  }
0xb: {  	[smem:$0x3FA2] =	sst s3  }
0xc: {  	[smem:$0x3FA3] =	sst s4  }
0xd: {  	[smem:$0x3FA4] =	sst s5  }
0xe: {  	[smem:$0x3FA5] =	sst s6  }
0xf: {  	[smem:$0x3FA6] =	sst s7  }
0x10: {  	[smem:$0x3FA7] =	sst s8  }
0x11: {  	[smem:$0x3FA8] =	sst s9;
	s0 =	simm.s32 @!p0 $0x0  }
0x12: {  	s1 =	sld [smem:$0x3F8E];
	s0 =	simm.s32 @p0 $0x1  }
0x13: {  	[smem:$0x3FA9] =	sst s0;
	s0 =	simm.s32 @!p1 $0x0  }
0x14: {  	s2 =	sld [smem:$0x3F8D];
	s0 =	simm.s32 @p1 $0x1  }
0x15: {  	[smem:$0x3FAA] =	sst s0;
	s0 =	simm.s32 @!p2 $0x0  }
0x16: {  	s3 =	sld [smem:$0x3FDB];
	s0 =	simm.s32 @p2 $0x1  }
0x17: {  	s4 =	simm.s32 $0x1BF5;
	[smem:$0x3FAC] =	sst s0  }
0x18: {  	s0 =	sld [smem:$0x3F8F];
	_ =	swait.ge [sflag:s4], $0x0  }
0x19: {  	s7 =	sld [smem:$0x3F90]  }
0x1a: {  	s8 =	sadd.s32 $0xFFFFE003, lr  }
0x1b: {  	s9 =	sadd.s32 $0xFFFFFEF7, lr;
	s5 =	simm.s32 $0xFFFFFFFF;
	p2 =	slt.u32 s8, $0xFFFFF086  }
0x1c: {  	p1 =	slt.u32 s9, $0xF7A;
	s5 =	simm.s32 @!p2 $0x0  }
0x1d: {  	s5 =	simm.s32 @p1 $0x1;
	p0 =	seq.s32 s7, s2  }
0x1e: {  	s7 =	smul.u32 @!p0 $0xF7A, s2;
	p2 =	seq.s32 @!p0 s5, $0x0  }
0x1f: {  	s9 =	smul.u32 $0xF7A, s1;
	s8 =	simm.s32 @!p0 $0x1BF5;
	p2 =	por !p2, p0  }
0x20: {  	[sflag:s8] =	ssyncset.s32 @!p0 $0xFFFFF086;
	s6 =	sadd.s32 @!p0 s3, s7;
	s7 =	simm.s32 @!p0 $0x108  }
0x21: {  	s3 =	sadd.s32 s3, s9;
	s6 =	sadd.s32 @!p0 $0x88, s6;
	s7 =	simm.s32 @p2 $0x1082  }
0x22: {  	[simem:s7], [sflag:s8] =	dma.local @!p0 [hbm:s6], $0xF7A  }
0x23: {  	s9 =	sor.u32 $0xD0000000, s2;
	s6 =	simm.s32 $0x108;
	_ =	swait.ge @!p0 [sflag:s8], $0x0  }
0x24: {  	s3 =	sadd.s32 $0x88, s3;
	s6 =	simm.s32 @!p1 $0x1082;
	[sflag:s4] =	ssyncset.s32 $0xFFFFF086  }
0x25: {  	[simem:s6], [sflag:s4] =	dma.local [hbm:s3], $0xF7A  }
0x26: {  	[smem:$0x3F90] =	sst s1;
	(tag) =	ssettag s2;
	_ =	strace s9  }
0x27: {  	s1 =	sld [smem:$0x3FA0]  }
0x28: {  	s2 =	sld [smem:$0x3FA1]  }
0x29: {  	s4 =	sld [smem:$0x3FA3]  }
0x2a: {  	p0 =	seq.s32 s5, $0x0;
	s5 =	sld [smem:$0x3FA4]  }
0x2b: {  	s6 =	sld [smem:$0x3FA5]  }
0x2c: {  	s7 =	sld [smem:$0x3FA6]  }
0x2d: {  	s3 =	simm.s32 $0x108;
	s8 =	sld [smem:$0x3FA7]  }
0x2e: {  	s3 =	simm.s32 @!p0 $0x1082;
	s9 =	sld [smem:$0x3FA8]  }
0x2f: {  	lr =	sadd.s32 s0, s3;
	s0 =	sld [smem:$0x3F9F]  }
0x30: {  	s3 =	sld [smem:$0x3FA2]  }
0x31: {  	[smem:$0x3FAB] =	sst s10  }
0x32: {  	s10 =	sld [smem:$0x3FA9];
	_ =	sdelay $0x3  }
0x33: {  	p0 =	seq.s32 s10, $0x1;
	s10 =	sld [smem:$0x3FAB];
	_ =	sdelay $0x3  }
0x34: {  	[smem:$0x3FAB] =	sst s10  }
0x35: {  	s10 =	sld [smem:$0x3FAA];
	_ =	sdelay $0x3  }
0x36: {  	p1 =	seq.s32 s10, $0x1;
	s10 =	sld [smem:$0x3FAB];
	_ =	sdelay $0x3  }
0x37: {  	[smem:$0x3FAB] =	sst s10  }
0x38: {  	s10 =	sld [smem:$0x3FAC]  }
0x39: {  	_ = 	snop;
	(pc) =	sbr.ind lr, $3  }
0x3a: {  	_ = 	snop  }
0x3b: {  	_ = 	snop  }
0x3c: {  	p2 =	seq.s32 s10, $0x1;
	s10 =	sld [smem:$0x3FAB]  }
0x3d: {  	_ =	shalt  }
0x3e: {  	_ =	shalt  }
0x3f: {  	_ =	shalt  }
0x40: {  	_ =	shalt  }
0x41: {  	_ =	shalt  }
0x42: {  	_ =	shalt  }
0x43: {  	_ =	shalt  }
0x44: {  	_ =	shalt  }
0x45: {  	_ =	shalt  }
0x46: {  	_ =	shalt  }
0x47: {  	_ =	shalt  }
0x48: {  	_ =	shalt  }
0x49: {  	_ =	shalt  }
0x4a: {  	_ =	shalt  }
0x4b: {  	_ =	shalt  }
0x4c: {  	_ =	shalt  }
0x4d: {  	_ =	shalt  }
0x4e: {  	_ =	shalt  }
0x4f: {  	_ =	shalt  }
0x50: {  	_ =	shalt  }
0x51: {  	_ =	shalt  }
0x52: {  	_ =	shalt  }
0x53: {  	_ =	shalt  }
0x54: {  	_ =	shalt  }
0x55: {  	_ =	shalt  }
0x56: {  	_ =	shalt  }
0x57: {  	_ =	shalt  }
0x58: {  	_ =	shalt  }
0x59: {  	_ =	shalt  }
0x5a: {  	_ =	shalt  }
0x5b: {  	_ =	shalt  }
0x5c: {  	_ =	shalt  }
0x5d: {  	_ =	shalt  }
0x5e: {  	_ =	shalt  }
0x5f: {  	_ =	shalt  }
0x60: {  	_ =	shalt  }
0x61: {  	_ =	shalt  }
0x62: {  	_ =	shalt  }
0x63: {  	_ =	shalt  }
0x64: {  	_ =	shalt  }
0x65: {  	_ =	shalt  }
0x66: {  	_ =	shalt  }
0x67: {  	_ =	shalt  }
0x68: {  	_ =	shalt  }
0x69: {  	_ =	shalt  }
0x6a: {  	_ =	shalt  }
0x6b: {  	_ =	shalt  }
0x6c: {  	_ =	shalt  }
0x6d: {  	_ =	shalt  }
0x6e: {  	_ =	shalt  }
0x6f: {  	_ =	shalt  }
0x70: {  	_ =	shalt  }
0x71: {  	_ =	shalt  }
0x72: {  	_ =	shalt  }
0x73: {  	_ =	shalt  }
0x74: {  	_ =	shalt  }
0x75: {  	_ =	shalt  }
0x76: {  	_ =	shalt  }
0x77: {  	_ =	shalt  }
0x78: {  	_ =	shalt  }
0x79: {  	_ =	shalt  }
0x7a: {  	_ =	shalt  }
0x7b: {  	_ =	shalt  }
0x7c: {  	_ =	shalt  }
0x7d: {  	_ =	shalt  }
0x7e: {  	_ =	shalt  }
0x7f: {  	_ =	shalt  }
0x80: {  	_ =	shalt  }
0x81: {  	_ =	shalt  }
0x82: {  	_ =	shalt  }
0x83: {  	_ =	shalt  }
0x84: {  	_ =	shalt  }
0x85: {  	_ =	shalt  }
0x86: {  	_ =	shalt  }
0x87: {  	_ =	shalt  }
.Lfunc_end0:
.L_simem_size_0:
called_computation.1_lowered:
.L_overlay_start_0:
0x88: {  	s2 =	sld [smem:$0x3FD9]  }
0x89: {  	s3 =	sld [smem:$0x3FFE];
	_ =	sdelay $0x1  }
0x8a: {  	s1 =	srdreg.scid  }
0x8b: {  	s0 =	sand.u32 $0x1, s1  }
0x8c: {  	s17 =	sshll.u32 s0, $0xA;
	s2 =	sadd.s32 s3, s2  }
0x8d: {  	s2 =	sadd.s32 s2, s17  }
0x8e: {  	[smem:$0x3FB7] =	sst s2  }
0x8f: {  	_ = 	snop  }
0x90: {  	s2 =	sld [smem:$0x3FD0];
	(tm) =	ssettm $0x1  }
0x91: {  	s18 =	sld [smem:$0x3FFB];
	_ =	sdelay $0x3  }
0x92: {  	_ =	strace s18  }
0x93: {  	s3 =	sld [smem:$0x3FFC];
	_ =	sdelay $0x3  }
0x94: {  	_ =	strace s3  }
0x95: {  	s3 =	sld [smem:$0x3FFD];
	_ =	sdelay $0x3  }
0x96: {  	_ =	strace s3  }
0x97: {  	_ =	strace $0x8FFFFFFF  }
0x98: {  	s19 =	sld [smem:$0x3FDB];
	_ =	sdelay $0x1  }
0x99: {  	s4 =	simm.s32 $_scs_section_size  }
0x9a: {  	s5 =	simm.s32 $_size__tile_overlayer_lowered;
	s6 =	simm.s32 $_tile_overlayer_lowered  }
0x9b: {  	s22 =	simm.s32 $0x1BFF;
	s21 =	sshll.u32 s6, $0x1;
	s3 =	sadd.s32 s4, s19  }
0x9c: {  	s7 =	simm.s32 $0x0;
	s20 =	sshll.u32 s5, $0x1;
	s5 =	sadd.s32 s21, s3  }
0x9d: {  	[timem:s7], [sflag:s22] =	dma.local [hbm:s5], s20  }
0x9e: {  	_ =	swait.ge [sflag:s22], s20  }
0x9f: {  	s4 =	ssub.s32 $0x0, s20;
	[sflag:s22] =	ssyncset.done $0x0  }
0xa0: {  	[sflag:s22] =	ssyncadd.s32 s4;
	_ =	sdelay $0x1  }
0xa1: {  	s23 =	simm.s32 $0x1B8B  }
0xa2: {  	_ =	swait.ge [sflag:s23], $0x1  }
0xa3: {  	[sflag:s23] =	ssyncset.done $0x0  }
0xa4: {  	s25 =	simm.s32 $0x1B8E;
	s24 =	sld [smem:$0x3FFE];
	[sflag:s23] =	ssyncadd.s32 $0xFFFFFFFF  }
0xa5: {  	s26 =	simm.s32 $execute0_lowered;
	[smem:$0x3FD2] =	sst s25  }
0xa6: {  	s5 =	sshll.u32 s26, $0x1;
	_ =	strace $0x80000049;
	[dreg:$0x1] =	wrdreg $0xFFFFFFFF  }
0xa7: {  	s28 =	simm.s32 $_size_execute0_lowered;
	s3 =	sadd.s32 s3, s5;
	[dreg:$0x0] =	wrdreg $0x0  }
0xa8: {  	s5 =	sshll.u32 s28, $0x1;
	[dreg:$0x2] =	wrdreg s3  }
0xa9: {  	[dreg:$0x3] =	wrdreg s5  }
0xaa: {  	[dreg:$0x4] =	wrdreg $0xC0  }
0xab: {  	_ =	task [dreg:s7], $0x5FFFF  }
0xac: {  	[dreg:$0x1] =	wrdreg $0xFFFFFFFF  }
0xad: {  	[dreg:$0x0] =	wrdreg $0x60  }
0xae: {  	[dreg:$0x2] =	wrdreg s24  }
0xaf: {  	[dreg:$0x3] =	wrdreg s2  }
0xb0: {  	[dreg:$0x4] =	wrdreg $0x68000  }
0xb1: {  	[dreg:$0x5] =	wrdreg $0x9  }
0xb2: {  	_ =	task.clear_ibuf [dreg:s7], $0x6FFFF;
	_ =	strace $0x90000049  }
0xb3: {  	s29 =	simm.s32 $0x9;
	_ =	strace $0x8000004B  }
0xb4: {  	_ =	swait.ge [sflag:s29], $0x1  }
0xb5: {  	[sflag:s29] =	ssyncadd.s32 $0xFFFFFFFF  }
0xb6: {  	_ =	strace $0x9000004B  }
0xb7: {  	_ =	sfence  }
0xb8: {  	s30 =	sld [smem:$0x0];
	_ =	sdelay $0x2  }
0xb9: {  	s31 =	sshll.u32 s1, $0xD;
	s1 =	sshrl.u32 s1, $0x2  }
0xba: {  	s3 =	sand.u32 $0x4000, s31;
	s1 =	sadd.s32 s1, s30  }
0xbb: {  	s0 =	sor.u32 s3, s0;
	s1 =	sshll.u32 s1, $0x11  }
0xbc: {  	s0 =	sor.u32 s1, s0  }
0xbd: {  	s0 =	sadd.s32 $0x8F2B, s0  }
0xbe: {  	[sflag:s0] =	ssyncadd.remote.s32 $0x1  }
0xbf: {  	_ =	sfence.sel $0xFFFF  }
0xc0: {  	[dreg:$0x0] =	wrdreg $0xFFFFFFFF;
	(pc) =	sbr.abs _section_cstart, $3  }
0xc1: {  	[dreg:$0x1] =	wrdreg $0xFFFFFFFF  }
0xc2: {  	_ =	task.clear_ibuf [dreg:s7], $0x2FFFF;
	_ =	strace $0x9FFFFFFF  }
0xc3: {  	(tm) =	ssettm $0x7FFFFFFF  }
tec
execute0_lowered:
.L_overlay_start_1:
0x0: {  	(tag) =	ssettag $0x1  }
0x1: {  	s0 =	rddreg [dreg:$0x0]  }
0x2: {  	s4 =	rddreg [dreg:$0x1]  }
0x3: {  	s1 =	rddreg [dreg:$0x2]  }
0x4: {  	s2 =	simm.s32 $0x0;
	s6 =	srdreg.scid;
	s7 =	stileid.u32  }
0x5: {  	s30 =	simm.s32 $0x400;
	s31 =	simm.s32 $0x80;
	[smem:$0x7FF] =	sst s2  }
0x6: {  	s5 =	sadd.s32 $0x51FA00, s0;
	s3 =	sadd.s32 $0xCA00, s0;
	s8 =	sand.u32 $0x1, s6  }
0x7: {  	s0 =	sadd.s32 $0x16800, s0;
	s9 =	smul.u32 $0x4E000, s7;
	s11 =	sshll.u32 s7, $0x1  }
0x8: {  	s12 =	smul.u32 $0x13800, s7;
	s29 =	sshll.u32 s7, $0x6;
	s26 =	sor.u32 s8, s11  }
0x9: {  	p0 =	sne.s32 s7, $0x0;
	s6 =	ssub.s32 $0x2, s8;
	s11 =	smul.u32 $0x2710, s26  }
0xa: {  	_ =	strace $0x8000004A;
	s10 =	sshrl.u32 s6, $0x1;
	s13 =	smul.u32 $0x27100, s26  }
0xb: {  	s9 =	sshrl.u32 s9, $0x2;
	s28 =	sshrl.u32 s12, $0x3;
	s26 =	smul.u32 $0x4E20, s7  }
0xc: {  	s10 =	ssub.s32 s6, s10;
	s9 =	sadd.s32 s9, s1;
	s6 =	sor.u32 $0x1C0B, s29  }
0xd: {  	s29 =	smul.u32 $0x2710, s8;
	[dreg:$0x4] =	wrdreg s9;
	s9 =	sadd.s32 s4, s28  }
0xe: {  	s4 =	sadd.s32 $0x27000, s4;
	s14 =	sadd.s32 s5, s13;
	s15 =	sadd.s32 $0x28, s11  }
0xf: {  	s17 =	sadd.s32 $0x50, s11;
	s20 =	sadd.s32 $0x78, s11;
	[dreg:$0x6] =	wrdreg s6  }
0x10: {  	s24 =	sadd.s32 $0xA0, s11;
	s13 =	smul.u32 $0x4E200, s7;
	[dreg:$0x5] =	wrdreg s9  }
0x11: {  	s7 =	simm.s32 $0x180;
	[dreg:$0x7] =	wrdreg s4;
	s9 =	sshrl.u32 s11, $0x3  }
0x12: {  	[dreg:$0x9] =	wrdreg s14;
	s16 =	sshrl.u32 s15, $0x3;
	s18 =	sshrl.u32 s17, $0x3  }
0x13: {  	s19 =	sshll.u32 s17, $0x4;
	s21 =	sshrl.u32 s20, $0x3;
	s14 =	smul.u32 $0x138800, s8  }
0x14: {  	s11 =	sadd.s32 s29, s26;
	s29 =	sadd.s32 $0x138000, s1;
	s4 =	sadd.s32 s3, s9  }
0x15: {  	s9 =	sadd.s32 s3, s16;
	s22 =	sadd.s32 s3, s21;
	[dreg:$0x1a] =	wrdreg s29  }
0x16: {  	s16 =	sadd.s32 $0x140, s11;
	s26 =	sadd.s32 $0xC8, s11;
	[dreg:$0x8] =	wrdreg s4  }
0x17: {  	s4 =	sshll.u32 s15, $0x4;
	[dreg:$0xa] =	wrdreg s9;
	s9 =	sshll.u32 s20, $0x4  }
0x18: {  	[dreg:$0xe] =	wrdreg s22;
	s25 =	sadd.s32 s12, s14;
	s28 =	sshrl.u32 s14, $0x3  }
0x19: {  	s12 =	sshrl.u32 s24, $0x3;
	s14 =	smul.u32 $0x27100, s8;
	s15 =	sadd.s32 s13, s5  }
0x1a: {  	s17 =	sshrl.u32 s16, $0x3;
	s22 =	sadd.s32 $0xF0, s11;
	[dreg:$0x18] =	wrdreg s26  }
0x1b: {  	s8 =	simm.s32 $0x4000;
	s13 =	simm.s32 $0x2;
	s4 =	sadd.s32 s5, s4  }
0x1c: {  	s16 =	simm.s32 $0x8;
	s23 =	sadd.s32 s5, s9;
	[dreg:$0xb] =	wrdreg s4  }
0x1d: {  	s9 =	sshrl.u32 s25, $0x3;
	s4 =	sadd.s32 s3, s18;
	[dreg:$0xf] =	wrdreg s23  }
0x1e: {  	s9 =	sadd.s32 s0, s9;
	s0 =	sadd.s32 s0, s28;
	s20 =	sadd.s32 s14, s15  }
0x1f: {  	s18 =	sadd.s32 $0x118, s11;
	s23 =	sadd.s32 $0xA0, s11;
	s11 =	simm.s32 $0x1  }
0x20: {  	s14 =	simm.s32 $0x6;
	s15 =	simm.s32 $0x4;
	[dreg:$0xc] =	wrdreg s4  }
0x21: {  	s4 =	sadd.s32 s5, s19;
	[dreg:$0x10] =	wrdreg s9;
	s9 =	sadd.s32 s3, s12  }
0x22: {  	s0 =	sadd.s32 $0x27000, s0;
	s19 =	smax.u32 s10, $0x1;
	[dreg:$0xd] =	wrdreg s4  }
0x23: {  	s21 =	sshrl.u32 s18, $0x3;
	s25 =	sshrl.u32 s23, $0x3;
	[dreg:$0x11] =	wrdreg s9  }
0x24: {  	s10 =	simm.s32 $0x5400;
	s12 =	simm.s32 $0x28;
	[dreg:$0x13] =	wrdreg s0  }
0x25: {  	s18 =	simm.s32 $0x9;
	s4 =	sshll.u32 s24, $0x4;
	[dreg:$0x14] =	wrdreg s19  }
0x26: {  	s0 =	sadd.s32 s17, s3;
	s24 =	sshrl.u32 s22, $0x3;
	s28 =	sadd.s32 s25, s3  }
.Ltmp0:
0x27: {  	s9 =	simm.s32 $0x200;
	[dreg:$0x15] =	wrdreg s0;
	(pc) =	sbr.rel .LBB2_1-.Ltmp0, $4  }
0x28: {  	s17 =	simm.s32 $0x5;
	s4 =	sadd.s32 s5, s4;
	[dreg:$0x19] =	wrdreg s28  }
0x29: {  	s22 =	simm.s32 $0x0;
	s0 =	sadd.s32 s21, s3;
	[dreg:$0x12] =	wrdreg s4  }
0x2a: {  	s21 =	simm.s32 $0xB;
	[dreg:$0x16] =	wrdreg s0;
	s0 =	sadd.s32 s24, s3  }
0x2b: {  	s5 =	simm.s32 $0x2C00;
	[dreg:$0x17] =	wrdreg s0;
	s0 =	simm.s32 $0x1800  }
.LBB2_4:
0x2c: {  	_ =	swait.ge [sflag:s17], $0x28  }
0x2d: {  	[sflag:s17] =	ssyncset.done $0x0  }
0x2e: {  	[sflag:s17] =	ssyncadd.s32 $0xFFFFFFD8  }
0x2f: {  	_ =	swait.ge [sflag:s17], $0x1400  }
0x30: {  	[sflag:s17] =	ssyncset.done $0x0  }
0x31: {  	[sflag:s17] =	ssyncadd.s32 $0xFFFFEC00  }
0x32: {  	[spmem:s1] =	stream.indirect.scatter.add.f32 [tilespmem:s10], [sflag:$0xA], $0x80, s9, s12, $0xb8;
	[tilespmem:$0x1A080] =	vst v63  }
0x33: {  	_ =	swait.ge [sflag:s18], $0x1400  }
0x34: {  	[sflag:s18] =	ssyncset.done $0x0  }
0x35: {  	s4 =	simm.s32 $0xA;
	[sflag:s18] =	ssyncadd.s32 $0xFFFFEC00  }
0x36: {  	_ =	swait.ge [sflag:s4], $0x1400  }
0x37: {  	[sflag:s4] =	ssyncset.done $0x0  }
0x38: {  	[sflag:s4] =	ssyncadd.s32 $0xFFFFEC00  }
0x39: {  	[bflag:$0x0] =	sbarrier.arrive $0xFFFF  }
0x3a: {  	s6 =	rddreg [dreg:$0x6]  }
0x3b: {  	s28 =	rddreg [dreg:$0x10]  }
0x3c: {  	s21 =	simm.s32 $0xB;
	s19 =	rddreg [dreg:$0x1c]  }
0x3d: {  	[hbm:s28], [sflag:s6] =	dma.local [spmem:s19], $0x2700  }
0x3e: {  	_ =	swait.ge [sflag:s21], $0x2700  }
0x3f: {  	[sflag:s21] =	ssyncset.done $0x0;
	s4 =	rddreg [dreg:$0x13]  }
0x40: {  	s19 =	rddreg [dreg:$0x1d];
	[sflag:s21] =	ssyncadd.s32 $0xFFFFD900  }
0x41: {  	[hbm:s4], [sflag:s6] =	dma.local @!p0 [spmem:s19], $0x100  }
0x42: {  	s4 =	simm.s32 @!p0 $0xB  }
0x43: {  	_ =	swait.ge @!p0 [sflag:s4], $0x100  }
0x44: {  	s22 =	rddreg [dreg:$0x1b]  }
0x45: {  	s29 =	rddreg [dreg:$0x14];
	s22 =	sadd.s32 $0x1, s22  }
0x46: {  	p1 =	sne.s32 s22, s29  }
.Ltmp1:
0x47: {  	_ = 	snop;
	(pc) =	sbr.rel @!p1 .LBB2_5-.Ltmp1, $3  }
0x48: {  	_ =	sdelay $0x1  }
0x49: {  	[sflag:s4] =	ssyncset.done @!p0 $0x0  }
0x4a: {  	[sflag:s4] =	ssyncadd.s32 @!p0 $0xFFFFFF00  }
.LBB2_1:
0x4b: {  	[dreg:$0x1b] =	wrdreg s22  }
0x4c: {  	s4 =	rddreg [dreg:$0x4]  }
0x4d: {  	s23 =	rddreg [dreg:$0x5];
	s19 =	sshrl.u32 s4, $0x3  }
0x4e: {  	[dreg:$0x1c] =	wrdreg s19  }
0x4f: {  	[spmem:s19], [sflag:s6] =	dma.local [hbm:s23], $0x2700  }
0x50: {  	_ =	swait.ge [sflag:s21], $0x2700  }
0x51: {  	s4 =	rddreg [dreg:$0x1a]  }
0x52: {  	[sflag:s21] =	ssyncset.done $0x0;
	s19 =	sshrl.u32 @!p0 s4, $0x3;
	s4 =	rddreg [dreg:$0x7]  }
0x53: {  	[sflag:s21] =	ssyncadd.s32 $0xFFFFD900;
	[dreg:$0x1d] =	wrdreg s19  }
0x54: {  	[spmem:s19], [sflag:s6] =	dma.local @!p0 [hbm:s4], $0x100  }
0x55: {  	s19 =	simm.s32 @!p0 $0xB  }
0x56: {  	_ =	swait.ge @!p0 [sflag:s19], $0x100  }
0x57: {  	[sflag:s19] =	ssyncset.done @!p0 $0x0  }
0x58: {  	s24 =	rddreg [dreg:$0x8];
	[sflag:s19] =	ssyncadd.s32 @!p0 $0xFFFFFF00  }
0x59: {  	[tilespmem:s2], [sflag:$0x1] =	stream.linear.gather [hbm4b:s24+s2], $0x28, $0x38;
	[tilespmem:$0x1A080] =	vst v63  }
0x5a: {  	s25 =	rddreg [dreg:$0x9]  }
0x5b: {  	[tilespmem:s30], [sflag:$0x1] =	stream.linear.gather [hbm4b:s25+s2], $0x1400, $0x38;
	[tilespmem:$0x1A080] =	vst v63  }
0x5c: {  	s26 =	rddreg [dreg:$0xa]  }
0x5d: {  	[tilespmem:s31], [sflag:$0x2] =	stream.linear.gather [hbm4b:s26+s2], $0x28, $0x38;
	[tilespmem:$0x1A080] =	vst v63  }
0x5e: {  	s6 =	rddreg [dreg:$0xb]  }
0x5f: {  	[tilespmem:s0], [sflag:$0x2] =	stream.linear.gather [hbm4b:s6+s2], $0x1400, $0x38;
	[tilespmem:$0x1A080] =	vst v63  }
0x60: {  	s21 =	simm.s32 $0x100;
	s19 =	rddreg [dreg:$0xc]  }
0x61: {  	[tilespmem:s21], [sflag:$0x3] =	stream.linear.gather [hbm4b:s19+s2], $0x28, $0x38;
	[tilespmem:$0x1A080] =	vst v63  }
0x62: {  	s22 =	rddreg [dreg:$0xd]  }
0x63: {  	[tilespmem:s5], [sflag:$0x3] =	stream.linear.gather [hbm4b:s22+s2], $0x1400, $0x38;
	[tilespmem:$0x1A080] =	vst v63  }
0x64: {  	s23 =	rddreg [dreg:$0xe]  }
0x65: {  	[tilespmem:s7], [sflag:$0x4] =	stream.linear.gather [hbm4b:s23+s2], $0x28, $0x38;
	[tilespmem:$0x1A080] =	vst v63  }
0x66: {  	s24 =	rddreg [dreg:$0xf]  }
0x67: {  	[tilespmem:s8], [sflag:$0x4] =	stream.linear.gather [hbm4b:s24+s2], $0x1400, $0x38;
	[tilespmem:$0x1A080] =	vst v63  }
0x68: {  	s25 =	rddreg [dreg:$0x11]  }
0x69: {  	[tilespmem:s9], [sflag:$0x5] =	stream.linear.gather [hbm4b:s25+s2], $0x28, $0x38;
	[tilespmem:$0x1A080] =	vst v63  }
0x6a: {  	s26 =	rddreg [dreg:$0x12]  }
0x6b: {  	[tilespmem:s10], [sflag:$0x5] =	stream.linear.gather [hbm4b:s26+s2], $0x1400, $0x38;
	[tilespmem:$0x1A080] =	vst v63  }
0x6c: {  	[bflag:$0x0] =	sbarrier.arrive $0xFFFF  }
0x6d: {  	s26 =	rddreg [dreg:$0x19]  }
0x6e: {  	s25 =	rddreg [dreg:$0x18]  }
0x6f: {  	s28 =	rddreg [dreg:$0x17]  }
0x70: {  	s24 =	rddreg [dreg:$0x16]  }
0x71: {  	s29 =	simm.s32 $0x0;
	s19 =	rddreg [dreg:$0x15]  }
.LBB2_2:
0x72: {  	_ =	swait.ge [sflag:s11], $0x28  }
0x73: {  	[sflag:s11] =	ssyncset.done $0x0  }
0x74: {  	[sflag:s11] =	ssyncadd.s32 $0xFFFFFFD8  }
0x75: {  	_ =	swait.ge [sflag:s11], $0x1400  }
0x76: {  	p1 =	seq.s32 s29, $0x0;
	[sflag:s11] =	ssyncset.done $0x0  }
0x77: {  	s6 =	simm.s32 @!p1 $0xA;
	[sflag:s11] =	ssyncadd.s32 $0xFFFFEC00  }
0x78: {  	[spmem:s1] =	stream.indirect.scatter.add.f32 [tilespmem:s30], [sflag:$0x6], $0x80, s2, s12, $0xb8;
	[tilespmem:$0x1A080] =	vst v63  }
0x79: {  	_ =	swait.ge @!p1 [sflag:s6], $0x1400  }
0x7a: {  	[sflag:s6] =	ssyncset.done @!p1 $0x0  }
0x7b: {  	s22 =	simm.s32 @!p1 $0x200;
	[sflag:s6] =	ssyncadd.s32 @!p1 $0xFFFFEC00;
	s6 =	simm.s32 @!p1 $0x0  }
0x7c: {  	[tilespmem:s22], [sflag:$0x5] =	stream.linear.gather @!p1 [hbm4b:s26+s6], $0x28, $0x38;
	[tilespmem:$0x1A080] =	vst v63  }
0x7d: {  	s22 =	sadd.s32 @!p1 s29, s20  }
0x7e: {  	s23 =	simm.s32 @!p1 $0x5400;
	s22 =	sadd.s32 @!p1 $0xA00, s22  }
0x7f: {  	[tilespmem:s23], [sflag:$0x5] =	stream.linear.gather @!p1 [hbm4b:s22+s6], $0x1400, $0x38;
	[tilespmem:$0x1A080] =	vst v63  }
0x80: {  	_ =	swait.ge [sflag:s13], $0x28  }
0x81: {  	[sflag:s13] =	ssyncset.done $0x0  }
0x82: {  	[sflag:s13] =	ssyncadd.s32 $0xFFFFFFD8  }
0x83: {  	_ =	swait.ge [sflag:s13], $0x1400  }
0x84: {  	[sflag:s13] =	ssyncset.done $0x0  }
0x85: {  	[sflag:s13] =	ssyncadd.s32 $0xFFFFEC00  }
0x86: {  	[spmem:s1] =	stream.indirect.scatter.add.f32 [tilespmem:s0], [sflag:$0x7], $0x80, s31, s12, $0xb8;
	[tilespmem:$0x1A080] =	vst v63  }
0x87: {  	_ =	swait.ge [sflag:s14], $0x1400  }
0x88: {  	p1 =	seq.s32 s29, $0x26480;
	[sflag:s14] =	ssyncset.done $0x0  }
0x89: {  	s6 =	simm.s32 @p1 $0x3;
	[sflag:s14] =	ssyncadd.s32 $0xFFFFEC00  }
0x8a: {  	_ =	swait.ge @p1 [sflag:s6], $0x28  }
0x8b: {  	[sflag:s6] =	ssyncset.done @p1 $0x0  }
0x8c: {  	[sflag:s6] =	ssyncadd.s32 @p1 $0xFFFFFFD8  }
0x8d: {  	_ =	swait.ge @p1 [sflag:s6], $0x1400  }
0x8e: {  	s22 =	simm.s32 @p1 $0x100;
	[sflag:s6] =	ssyncset.done @p1 $0x0  }
0x8f: {  	s23 =	simm.s32 @p1 $0x2C00;
	[sflag:s6] =	ssyncadd.s32 @p1 $0xFFFFEC00;
	s6 =	simm.s32 @p1 $0x28  }
0x90: {  	[spmem:s1] =	stream.indirect.scatter.add.f32 @p1 [tilespmem:s23], [sflag:$0x8], $0x80, s22, s6, $0xb8;
	[tilespmem:$0x1A080] =	vst v63  }
0x91: {  	s6 =	simm.s32 @p1 $0x7  }
0x92: {  	_ =	swait.ge @p1 [sflag:s6], $0x1400  }
0x93: {  	s22 =	sshrl.u32 @!p1 s25, $0x3;
	[sflag:s6] =	ssyncset.done @p1 $0x0  }
0x94: {  	[sflag:s6] =	ssyncadd.s32 @p1 $0xFFFFEC00;
	s6 =	sadd.s32 @!p1 s3, s22;
	s22 =	simm.s32 @!p1 $0x0  }
0x95: {  	[tilespmem:s22], [sflag:$0x1] =	stream.linear.gather @!p1 [hbm4b:s6+s22], $0x28, $0x38;
	[tilespmem:$0x1A080] =	vst v63  }
0x96: {  	s6 =	sadd.s32 @!p1 s29, s20  }
0x97: {  	s21 =	simm.s32 @!p1 $0x400;
	s23 =	sadd.s32 @!p1 $0xC80, s6  }
0x98: {  	[tilespmem:s21], [sflag:$0x1] =	stream.linear.gather @!p1 [hbm4b:s23+s22], $0x1400, $0x38;
	[tilespmem:$0x1A080] =	vst v63  }
0x99: {  	s21 =	simm.s32 @!p1 $0x3  }
0x9a: {  	_ =	swait.ge @!p1 [sflag:s21], $0x28  }
0x9b: {  	[sflag:s21] =	ssyncset.done @!p1 $0x0  }
0x9c: {  	[sflag:s21] =	ssyncadd.s32 @!p1 $0xFFFFFFD8  }
0x9d: {  	_ =	swait.ge @!p1 [sflag:s21], $0x1400  }
0x9e: {  	s4 =	simm.s32 @!p1 $0x2C00;
	[sflag:s21] =	ssyncset.done @!p1 $0x0  }
0x9f: {  	s23 =	simm.s32 @!p1 $0x100;
	[sflag:s21] =	ssyncadd.s32 @!p1 $0xFFFFEC00;
	s21 =	simm.s32 @!p1 $0x28  }
0xa0: {  	[spmem:s1] =	stream.indirect.scatter.add.f32 @!p1 [tilespmem:s4], [sflag:$0x8], $0x80, s23, s21, $0xb8;
	[tilespmem:$0x1A080] =	vst v63  }
0xa1: {  	s4 =	simm.s32 @!p1 $0x7  }
0xa2: {  	_ =	swait.ge @!p1 [sflag:s4], $0x1400  }
0xa3: {  	[sflag:s4] =	ssyncset.done @!p1 $0x0  }
0xa4: {  	[sflag:s4] =	ssyncadd.s32 @!p1 $0xFFFFEC00;
	s4 =	simm.s32 @!p1 $0x80  }
0xa5: {  	[tilespmem:s4], [sflag:$0x2] =	stream.linear.gather @!p1 [hbm4b:s28+s22], $0x28, $0x38;
	[tilespmem:$0x1A080] =	vst v63  }
0xa6: {  	s4 =	sadd.s32 @!p1 $0xF00, s6;
	s6 =	simm.s32 @!p1 $0x1800  }
0xa7: {  	[tilespmem:s6], [sflag:$0x2] =	stream.linear.gather @!p1 [hbm4b:s4+s22], $0x1400, $0x38;
	[tilespmem:$0x1A080] =	vst v63  }
0xa8: {  	_ =	swait.ge [sflag:s15], $0x28  }
0xa9: {  	[sflag:s15] =	ssyncset.done $0x0  }
0xaa: {  	[sflag:s15] =	ssyncadd.s32 $0xFFFFFFD8  }
0xab: {  	_ =	swait.ge [sflag:s15], $0x1400  }
0xac: {  	[sflag:s15] =	ssyncset.done $0x0  }
.Ltmp2:
0xad: {  	[sflag:s15] =	ssyncadd.s32 $0xFFFFEC00;
	(pc) =	sbr.rel @p1 .LBB2_4-.Ltmp2, $4  }
0xae: {  	[spmem:s1] =	stream.indirect.scatter.add.f32 [tilespmem:s8], [sflag:$0x9], $0x80, s7, s12, $0xb8;
	[tilespmem:$0x1A080] =	vst v63  }
0xaf: {  	_ =	swait.ge [sflag:s16], $0x1400  }
0xb0: {  	[sflag:s16] =	ssyncset.done $0x0  }
0xb1: {  	[sflag:s16] =	ssyncadd.s32 $0xFFFFEC00  }
0xb2: {  	s4 =	simm.s32 $0x100;
	s23 =	sadd.s32 s29, s20  }
0xb3: {  	[tilespmem:s4], [sflag:$0x3] =	stream.linear.gather [hbm4b:s24+s2], $0x28, $0x38;
	[tilespmem:$0x1A080] =	vst v63  }
0xb4: {  	s6 =	sadd.s32 $0x1180, s23  }
0xb5: {  	[tilespmem:s5], [sflag:$0x3] =	stream.linear.gather [hbm4b:s6+s2], $0x1400, $0x38;
	[tilespmem:$0x1A080] =	vst v63  }
0xb6: {  	_ =	swait.ge [sflag:s17], $0x28  }
0xb7: {  	[sflag:s17] =	ssyncset.done $0x0  }
0xb8: {  	[sflag:s17] =	ssyncadd.s32 $0xFFFFFFD8  }
0xb9: {  	_ =	swait.ge [sflag:s17], $0x1400  }
0xba: {  	[sflag:s17] =	ssyncset.done $0x0  }
0xbb: {  	[sflag:s17] =	ssyncadd.s32 $0xFFFFEC00  }
0xbc: {  	[spmem:s1] =	stream.indirect.scatter.add.f32 [tilespmem:s10], [sflag:$0xA], $0x80, s9, s12, $0xb8;
	[tilespmem:$0x1A080] =	vst v63  }
0xbd: {  	s29 =	sadd.s32 $0xC80, s29;
	_ =	swait.ge [sflag:s18], $0x1400  }
.Ltmp3:
0xbe: {  	s28 =	sadd.s32 $0x19, s28;
	[sflag:s18] =	ssyncset.done $0x0;
	(pc) =	sbr.rel .LBB2_2-.Ltmp3, $4  }
0xbf: {  	s25 =	sadd.s32 $0xC8, s25;
	s26 =	sadd.s32 $0x19, s26;
	[sflag:s18] =	ssyncadd.s32 $0xFFFFEC00  }
0xc0: {  	[tilespmem:s7], [sflag:$0x4] =	stream.linear.gather [hbm4b:s19+s2], $0x28, $0x38;
	[tilespmem:$0x1A080] =	vst v63  }
0xc1: {  	s4 =	sadd.s32 $0x1400, s23;
	s24 =	sadd.s32 $0x19, s24;
	s19 =	sadd.s32 $0x19, s19  }
0xc2: {  	[tilespmem:s8], [sflag:$0x4] =	stream.linear.gather [hbm4b:s4+s2], $0x1400, $0x38;
	[tilespmem:$0x1A080] =	vst v63  }
.LBB2_5:
0xc3: {  	_ =	sfence.sel $0x180000  }
0xc4: {  	[bflag:$0x0] =	sbarrier.arrive $0xFFFF  }
0xc5: {  	_ =	strace $0x9000004A  }
0xc6: {  	[bflag:$0x2] =	sbarrier.arrive $0xFFFF  }
0xc7: {  	s0 =	rddreg [dreg:$0x3]  }
0xc8: {  	s0 =	sadd.s32 @!p0 $0x100000, s0  }
0xc9: {  	[sflag:s0] =	ssyncadd.tile.s32 @!p0 $0x1;
	_ =	shalt  }
.Lfunc_end2:
_tile_overlayer_lowered:
.L_overlay_start_2:
0xca: {  	(tag) =	ssettag $0x2  }
0xcb: {  	s0 =	rddreg [dreg:$0x0];
	s2 =	stileid.u32  }
0xcc: {  	s1 =	rddreg [dreg:$0x1];
	p0 =	sne.s32 s2, $0x0  }
0xcd: {  	s3 =	rddreg [dreg:$0x2];
	[bflag:$0x3] =	sbarrier.arrive $0xFFFF;
	s2 =	simm.s32 @!p0 $0x1C0B  }
0xce: {  	[timem:s3], [sflag:s2] =	dma.local @!p0 [hbm:s0], s1  }
0xcf: {  	s0 =	simm.s32 @!p0 $0xB  }
0xd0: {  	_ =	swait.ge @!p0 [sflag:s0], s1  }
0xd1: {  	s1 =	ssub.s32 @!p0 $0x0, s1;
	[sflag:s0] =	ssyncset.done @!p0 $0x0  }
0xd2: {  	[sflag:s0] =	ssyncadd.s32 @!p0 s1  }
0xd3: {  	[bflag:$0x3] =	sbarrier.arrive $0xFFFF  }
0xd4: {  	_ =	shalt  }

// kernel: kernel.7.cloned.1.call-start
scs
__scs_entry_jumppad:
0x0: {  	(pc) =	sbr.rel $0x88, $3  }
0x1: {  	(tag) =	ssettag $0x0;
	lr =	simm.s32 $0x1  }
0x2: {  	[smem:$0x3F90] =	sst lr;
	_ =	strace $0xD0000000  }
0x3: {  	_ = 	snop  }
0x4: {  	_ = 	snop  }
0x5: {  	_ = 	snop  }
0x6: {  	_ = 	snop  }
0x7: {  	_ = 	snop  }
__scs_overlays_trampoline_lowered:
0x8: {  	[smem:$0x3F9F] =	sst s0  }
0x9: {  	[smem:$0x3FA0] =	sst s1  }
0xa: {  	[smem:$0x3FA1] =	sst s2  }
0xb: {  	[smem:$0x3FA2] =	sst s3  }
0xc: {  	[smem:$0x3FA3] =	sst s4  }
0xd: {  	[smem:$0x3FA4] =	sst s5  }
0xe: {  	[smem:$0x3FA5] =	sst s6  }
0xf: {  	[smem:$0x3FA6] =	sst s7  }
0x10: {  	[smem:$0x3FA7] =	sst s8  }
0x11: {  	[smem:$0x3FA8] =	sst s9;
	s0 =	simm.s32 @!p0 $0x0  }
0x12: {  	s1 =	sld [smem:$0x3F8E];
	s0 =	simm.s32 @p0 $0x1  }
0x13: {  	[smem:$0x3FA9] =	sst s0;
	s0 =	simm.s32 @!p1 $0x0  }
0x14: {  	s2 =	sld [smem:$0x3F8D];
	s0 =	simm.s32 @p1 $0x1  }
0x15: {  	[smem:$0x3FAA] =	sst s0;
	s0 =	simm.s32 @!p2 $0x0  }
0x16: {  	s3 =	sld [smem:$0x3FDB];
	s0 =	simm.s32 @p2 $0x1  }
0x17: {  	s4 =	simm.s32 $0x1BF5;
	[smem:$0x3FAC] =	sst s0  }
0x18: {  	s0 =	sld [smem:$0x3F8F];
	_ =	swait.ge [sflag:s4], $0x0  }
0x19: {  	s7 =	sld [smem:$0x3F90]  }
0x1a: {  	s8 =	sadd.s32 $0xFFFFE003, lr  }
0x1b: {  	s9 =	sadd.s32 $0xFFFFFEF7, lr;
	s5 =	simm.s32 $0xFFFFFFFF;
	p2 =	slt.u32 s8, $0xFFFFF086  }
0x1c: {  	p1 =	slt.u32 s9, $0xF7A;
	s5 =	simm.s32 @!p2 $0x0  }
0x1d: {  	s5 =	simm.s32 @p1 $0x1;
	p0 =	seq.s32 s7, s2  }
0x1e: {  	s7 =	smul.u32 @!p0 $0xF7A, s2;
	p2 =	seq.s32 @!p0 s5, $0x0  }
0x1f: {  	s9 =	smul.u32 $0xF7A, s1;
	s8 =	simm.s32 @!p0 $0x1BF5;
	p2 =	por !p2, p0  }
0x20: {  	[sflag:s8] =	ssyncset.s32 @!p0 $0xFFFFF086;
	s6 =	sadd.s32 @!p0 s3, s7;
	s7 =	simm.s32 @!p0 $0x108  }
0x21: {  	s3 =	sadd.s32 s3, s9;
	s6 =	sadd.s32 @!p0 $0x88, s6;
	s7 =	simm.s32 @p2 $0x1082  }
0x22: {  	[simem:s7], [sflag:s8] =	dma.local @!p0 [hbm:s6], $0xF7A  }
0x23: {  	s9 =	sor.u32 $0xD0000000, s2;
	s6 =	simm.s32 $0x108;
	_ =	swait.ge @!p0 [sflag:s8], $0x0  }
0x24: {  	s3 =	sadd.s32 $0x88, s3;
	s6 =	simm.s32 @!p1 $0x1082;
	[sflag:s4] =	ssyncset.s32 $0xFFFFF086  }
0x25: {  	[simem:s6], [sflag:s4] =	dma.local [hbm:s3], $0xF7A  }
0x26: {  	[smem:$0x3F90] =	sst s1;
	(tag) =	ssettag s2;
	_ =	strace s9  }
0x27: {  	s1 =	sld [smem:$0x3FA0]  }
0x28: {  	s2 =	sld [smem:$0x3FA1]  }
0x29: {  	s4 =	sld [smem:$0x3FA3]  }
0x2a: {  	p0 =	seq.s32 s5, $0x0;
	s5 =	sld [smem:$0x3FA4]  }
0x2b: {  	s6 =	sld [smem:$0x3FA5]  }
0x2c: {  	s7 =	sld [smem:$0x3FA6]  }
0x2d: {  	s3 =	simm.s32 $0x108;
	s8 =	sld [smem:$0x3FA7]  }
0x2e: {  	s3 =	simm.s32 @!p0 $0x1082;
	s9 =	sld [smem:$0x3FA8]  }
0x2f: {  	lr =	sadd.s32 s0, s3;
	s0 =	sld [smem:$0x3F9F]  }
0x30: {  	s3 =	sld [smem:$0x3FA2]  }
0x31: {  	[smem:$0x3FAB] =	sst s10  }
0x32: {  	s10 =	sld [smem:$0x3FA9];
	_ =	sdelay $0x3  }
0x33: {  	p0 =	seq.s32 s10, $0x1;
	s10 =	sld [smem:$0x3FAB];
	_ =	sdelay $0x3  }
0x34: {  	[smem:$0x3FAB] =	sst s10  }
0x35: {  	s10 =	sld [smem:$0x3FAA];
	_ =	sdelay $0x3  }
0x36: {  	p1 =	seq.s32 s10, $0x1;
	s10 =	sld [smem:$0x3FAB];
	_ =	sdelay $0x3  }
0x37: {  	[smem:$0x3FAB] =	sst s10  }
0x38: {  	s10 =	sld [smem:$0x3FAC]  }
0x39: {  	_ = 	snop;
	(pc) =	sbr.ind lr, $3  }
0x3a: {  	_ = 	snop  }
0x3b: {  	_ = 	snop  }
0x3c: {  	p2 =	seq.s32 s10, $0x1;
	s10 =	sld [smem:$0x3FAB]  }
0x3d: {  	_ =	shalt  }
0x3e: {  	_ =	shalt  }
0x3f: {  	_ =	shalt  }
0x40: {  	_ =	shalt  }
0x41: {  	_ =	shalt  }
0x42: {  	_ =	shalt  }
0x43: {  	_ =	shalt  }
0x44: {  	_ =	shalt  }
0x45: {  	_ =	shalt  }
0x46: {  	_ =	shalt  }
0x47: {  	_ =	shalt  }
0x48: {  	_ =	shalt  }
0x49: {  	_ =	shalt  }
0x4a: {  	_ =	shalt  }
0x4b: {  	_ =	shalt  }
0x4c: {  	_ =	shalt  }
0x4d: {  	_ =	shalt  }
0x4e: {  	_ =	shalt  }
0x4f: {  	_ =	shalt  }
0x50: {  	_ =	shalt  }
0x51: {  	_ =	shalt  }
0x52: {  	_ =	shalt  }
0x53: {  	_ =	shalt  }
0x54: {  	_ =	shalt  }
0x55: {  	_ =	shalt  }
0x56: {  	_ =	shalt  }
0x57: {  	_ =	shalt  }
0x58: {  	_ =	shalt  }
0x59: {  	_ =	shalt  }
0x5a: {  	_ =	shalt  }
0x5b: {  	_ =	shalt  }
0x5c: {  	_ =	shalt  }
0x5d: {  	_ =	shalt  }
0x5e: {  	_ =	shalt  }
0x5f: {  	_ =	shalt  }
0x60: {  	_ =	shalt  }
0x61: {  	_ =	shalt  }
0x62: {  	_ =	shalt  }
0x63: {  	_ =	shalt  }
0x64: {  	_ =	shalt  }
0x65: {  	_ =	shalt  }
0x66: {  	_ =	shalt  }
0x67: {  	_ =	shalt  }
0x68: {  	_ =	shalt  }
0x69: {  	_ =	shalt  }
0x6a: {  	_ =	shalt  }
0x6b: {  	_ =	shalt  }
0x6c: {  	_ =	shalt  }
0x6d: {  	_ =	shalt  }
0x6e: {  	_ =	shalt  }
0x6f: {  	_ =	shalt  }
0x70: {  	_ =	shalt  }
0x71: {  	_ =	shalt  }
0x72: {  	_ =	shalt  }
0x73: {  	_ =	shalt  }
0x74: {  	_ =	shalt  }
0x75: {  	_ =	shalt  }
0x76: {  	_ =	shalt  }
0x77: {  	_ =	shalt  }
0x78: {  	_ =	shalt  }
0x79: {  	_ =	shalt  }
0x7a: {  	_ =	shalt  }
0x7b: {  	_ =	shalt  }
0x7c: {  	_ =	shalt  }
0x7d: {  	_ =	shalt  }
0x7e: {  	_ =	shalt  }
0x7f: {  	_ =	shalt  }
0x80: {  	_ =	shalt  }
0x81: {  	_ =	shalt  }
0x82: {  	_ =	shalt  }
0x83: {  	_ =	shalt  }
0x84: {  	_ =	shalt  }
0x85: {  	_ =	shalt  }
0x86: {  	_ =	shalt  }
0x87: {  	_ =	shalt  }
.Lfunc_end0:
.L_simem_size_0:
called_computation_lowered:
.L_overlay_start_0:
0x88: {  	s2 =	sld [smem:$0x3FD9]  }
0x89: {  	s3 =	sld [smem:$0x3FFE];
	_ =	sdelay $0x1  }
0x8a: {  	s1 =	srdreg.scid  }
0x8b: {  	s0 =	sand.u32 $0x1, s1  }
0x8c: {  	s17 =	sshll.u32 s0, $0xA;
	s2 =	sadd.s32 s3, s2  }
0x8d: {  	s2 =	sadd.s32 s2, s17  }
0x8e: {  	[smem:$0x3FB7] =	sst s2  }
0x8f: {  	_ = 	snop  }
0x90: {  	s2 =	sld [smem:$0x3FD0];
	(tm) =	ssettm $0x1  }
0x91: {  	s18 =	sld [smem:$0x3FFB];
	_ =	sdelay $0x3  }
0x92: {  	_ =	strace s18  }
0x93: {  	s3 =	sld [smem:$0x3FFC];
	_ =	sdelay $0x3  }
0x94: {  	_ =	strace s3  }
0x95: {  	s3 =	sld [smem:$0x3FFD];
	_ =	sdelay $0x3  }
0x96: {  	_ =	strace s3  }
0x97: {  	_ =	strace $0x8FFFFFFF  }
0x98: {  	s19 =	sld [smem:$0x3FDB];
	_ =	sdelay $0x1  }
0x99: {  	s4 =	simm.s32 $_scs_section_size  }
0x9a: {  	s5 =	simm.s32 $_size__tile_overlayer_lowered;
	s6 =	simm.s32 $_tile_overlayer_lowered  }
0x9b: {  	s22 =	simm.s32 $0x1BFF;
	s21 =	sshll.u32 s6, $0x1;
	s3 =	sadd.s32 s4, s19  }
0x9c: {  	s7 =	simm.s32 $0x0;
	s20 =	sshll.u32 s5, $0x1;
	s5 =	sadd.s32 s21, s3  }
0x9d: {  	[timem:s7], [sflag:s22] =	dma.local [hbm:s5], s20  }
0x9e: {  	_ =	swait.ge [sflag:s22], s20  }
0x9f: {  	s4 =	ssub.s32 $0x0, s20;
	[sflag:s22] =	ssyncset.done $0x0  }
0xa0: {  	[sflag:s22] =	ssyncadd.s32 s4;
	_ =	sdelay $0x1  }
0xa1: {  	s23 =	simm.s32 $0x1B8B  }
0xa2: {  	_ =	swait.ge [sflag:s23], $0x1  }
0xa3: {  	[sflag:s23] =	ssyncset.done $0x0  }
0xa4: {  	s25 =	simm.s32 $0x1B8E;
	s24 =	sld [smem:$0x3FFE];
	[sflag:s23] =	ssyncadd.s32 $0xFFFFFFFF  }
0xa5: {  	s26 =	simm.s32 $execute0_lowered;
	[smem:$0x3FD2] =	sst s25  }
0xa6: {  	s5 =	sshll.u32 s26, $0x1;
	_ =	strace $0x80000046;
	[dreg:$0x1] =	wrdreg $0xFFFFFFFF  }
0xa7: {  	s28 =	simm.s32 $_size_execute0_lowered;
	s3 =	sadd.s32 s3, s5;
	[dreg:$0x0] =	wrdreg $0x0  }
0xa8: {  	s5 =	sshll.u32 s28, $0x1;
	[dreg:$0x2] =	wrdreg s3  }
0xa9: {  	[dreg:$0x3] =	wrdreg s5  }
0xaa: {  	[dreg:$0x4] =	wrdreg $0xC0  }
0xab: {  	_ =	task [dreg:s7], $0x5FFFF  }
0xac: {  	[dreg:$0x1] =	wrdreg $0xFFFFFFFF  }
0xad: {  	[dreg:$0x0] =	wrdreg $0x60  }
0xae: {  	[dreg:$0x2] =	wrdreg s2  }
0xaf: {  	[dreg:$0x3] =	wrdreg s24  }
0xb0: {  	[dreg:$0x4] =	wrdreg $0x9  }
0xb1: {  	_ =	task.clear_ibuf [dreg:s7], $0x5FFFF;
	_ =	strace $0x90000046  }
0xb2: {  	s29 =	simm.s32 $0x9;
	_ =	strace $0x80000048  }
0xb3: {  	_ =	swait.ge [sflag:s29], $0x1  }
0xb4: {  	[sflag:s29] =	ssyncadd.s32 $0xFFFFFFFF  }
0xb5: {  	_ =	strace $0x90000048  }
0xb6: {  	_ =	sfence  }
0xb7: {  	s30 =	sld [smem:$0x0];
	_ =	sdelay $0x2  }
0xb8: {  	s31 =	sshll.u32 s1, $0xD;
	s1 =	sshrl.u32 s1, $0x2  }
0xb9: {  	s3 =	sand.u32 $0x4000, s31;
	s1 =	sadd.s32 s1, s30  }
0xba: {  	s0 =	sor.u32 s3, s0;
	s1 =	sshll.u32 s1, $0x11  }
0xbb: {  	s0 =	sor.u32 s1, s0  }
0xbc: {  	s0 =	sadd.s32 $0x8F2B, s0  }
0xbd: {  	[sflag:s0] =	ssyncadd.remote.s32 $0x1  }
0xbe: {  	_ =	sfence.sel $0xFFFF  }
0xbf: {  	[dreg:$0x0] =	wrdreg $0xFFFFFFFF;
	(pc) =	sbr.abs _section_cstart, $3  }
0xc0: {  	[dreg:$0x1] =	wrdreg $0xFFFFFFFF  }
0xc1: {  	_ =	task.clear_ibuf [dreg:s7], $0x2FFFF;
	_ =	strace $0x9FFFFFFF  }
0xc2: {  	(tm) =	ssettm $0x7FFFFFFF  }
0xc3: {  	_ =	shalt  }
tec
execute0_lowered:
.L_overlay_start_1:
0x0: {  	(tag) =	ssettag $0x1  }
0x1: {  	s1 =	rddreg [dreg:$0x0]  }
0x2: {  	s0 =	rddreg [dreg:$0x1];
	s3 =	simm.s32 $0x0  }
0x3: {  	s2 =	srdreg.scid;
	s4 =	stileid.u32;
	s31 =	simm.s32 $0xB  }
0x4: {  	s30 =	simm.s32 $0x9;
	s28 =	simm.s32 $0x11;
	s29 =	simm.s32 $0x12  }
0x5: {  	[smem:$0x7FF] =	sst s3;
	s2 =	sand.u32 $0x1, s2;
	s4 =	sshll.u32 s4, $0x1  }
0x6: {  	s5 =	sadd.s32 $0x2C00, s0;
	s7 =	sadd.s32 $0xCA00, s0;
	s6 =	sor.u32 s2, s4  }
0x7: {  	s8 =	sadd.s32 $0x3DA00, s0;
	s25 =	ssub.s32 $0x2, s2;
	s10 =	smul.u32 $0x2710, s6  }
0x8: {  	_ =	strace $0x80000047;
	s4 =	sadd.s32 $0x16800, s0;
	s2 =	sshrl.u32 s25, $0x1  }
0x9: {  	s6 =	smul.u32 $0x138800, s6;
	s11 =	sadd.s32 $0x50, s10;
	[dreg:$0x3] =	wrdreg s10  }
0xa: {  	s0 =	ssub.s32 s25, s2;
	s14 =	sadd.s32 $0xA0, s10;
	[dreg:$0x4] =	wrdreg s11  }
0xb: {  	s9 =	sshrl.u32 s10, $0x3;
	s16 =	sadd.s32 $0xF0, s10;
	[dreg:$0x8] =	wrdreg s14  }
0xc: {  	s19 =	sadd.s32 $0x140, s10;
	s6 =	sshrl.u32 s6, $0x3;
	[dreg:$0xa] =	wrdreg s16  }
0xd: {  	s22 =	sadd.s32 $0xFFFFFFB0, s10;
	s0 =	smax.u32 s0, $0x1;
	[dreg:$0xe] =	wrdreg s19  }
0xe: {  	s23 =	sadd.s32 $0x190, s10;
	s24 =	sadd.s32 $0x1E0, s10;
	[dreg:$0x12] =	wrdreg s22  }
0xf: {  	s25 =	sadd.s32 $0x230, s10;
	s26 =	sadd.s32 s5, s9;
	[dreg:$0x14] =	wrdreg s0  }
0x10: {  	s12 =	sshrl.u32 s11, $0x3;
	s9 =	sadd.s32 s7, s9;
	[dreg:$0x15] =	wrdreg s23  }
0x11: {  	s15 =	sshrl.u32 s14, $0x3;
	s21 =	sadd.s32 s8, s6;
	[dreg:$0x16] =	wrdreg s24  }
0x12: {  	[dreg:$0x17] =	wrdreg s25;
	s24 =	simm.s32 $0x2;
	s22 =	simm.s32 $0x6  }
0x13: {  	s0 =	simm.s32 $0x3;
	s11 =	simm.s32 $0xC;
	s23 =	simm.s32 $0x8000  }
0x14: {  	s6 =	simm.s32 $0xE;
	s14 =	simm.s32 $0x14;
	[dreg:$0x5] =	wrdreg s26  }
0x15: {  	[dreg:$0x6] =	wrdreg s9;
	s13 =	sadd.s32 s5, s12;
	s2 =	sadd.s32 s7, s12  }
0x16: {  	s17 =	sadd.s32 s5, s15;
	s9 =	sshrl.u32 s16, $0x3;
	[dreg:$0x7] =	wrdreg s13  }
0x17: {  	s26 =	sadd.s32 $0x280, s10;
	s10 =	simm.s32 $0x7;
	[dreg:$0x9] =	wrdreg s2  }
0x18: {  	s16 =	simm.s32 $0x8;
	s12 =	simm.s32 $0x13;
	[dreg:$0xb] =	wrdreg s17  }
0x19: {  	s2 =	sadd.s32 s7, s15;
	s18 =	sadd.s32 s5, s9;
	[dreg:$0x18] =	wrdreg s26  }
0x1a: {  	s9 =	sadd.s32 s7, s9;
	s26 =	simm.s32 $0x800;
	[dreg:$0xc] =	wrdreg s2  }
0x1b: {  	s17 =	simm.s32 $0xD;
	[dreg:$0xd] =	wrdreg s18;
	s2 =	sshrl.u32 s19, $0x3  }
0x1c: {  	s13 =	simm.s32 $0x0;
	[dreg:$0xf] =	wrdreg s9;
	s20 =	sadd.s32 s5, s2  }
0x1d: {  	s18 =	simm.s32 $0x1;
	s2 =	sadd.s32 s7, s2;
	[dreg:$0x10] =	wrdreg s20  }
0x1e: {  	s19 =	simm.s32 $0x4;
	[dreg:$0x11] =	wrdreg s2;
	s2 =	sadd.s32 $0x26C00, s21  }
0x1f: {  	s9 =	simm.s32 $0x5;
	s20 =	simm.s32 $0x50;
	[dreg:$0x13] =	wrdreg s2  }
.LBB2_1:
0x20: {  	[dreg:$0x19] =	wrdreg s13  }
0x21: {  	s2 =	rddreg [dreg:$0x5]  }
0x22: {  	[tilespmem:s3], [sflag:$0x1] =	stream.linear.gather [hbm4b:s2+s3], $0x50, $0x38;
	[tilespmem:$0x19800] =	vst v63  }
0x23: {  	s21 =	rddreg [dreg:$0x6];
	s25 =	simm.s32 $0x400  }
0x24: {  	[tilespmem:s25], [sflag:$0x1] =	stream.linear.gather [hbm4b:s21+s3], $0x50, $0x38;
	[tilespmem:$0x19800] =	vst v63  }
0x25: {  	s13 =	rddreg [dreg:$0x7];
	s15 =	simm.s32 $0x80  }
0x26: {  	[tilespmem:s15], [sflag:$0x2] =	stream.linear.gather [hbm4b:s13+s3], $0x50, $0x38;
	[tilespmem:$0x19800] =	vst v63  }
0x27: {  	s21 =	rddreg [dreg:$0x9];
	s25 =	simm.s32 $0x480  }
0x28: {  	[tilespmem:s25], [sflag:$0x2] =	stream.linear.gather [hbm4b:s21+s3], $0x50, $0x38;
	[tilespmem:$0x19800] =	vst v63  }
0x29: {  	s13 =	rddreg [dreg:$0xb];
	s15 =	simm.s32 $0x100  }
0x2a: {  	[tilespmem:s15], [sflag:$0x3] =	stream.linear.gather [hbm4b:s13+s3], $0x50, $0x38;
	[tilespmem:$0x19800] =	vst v63  }
0x2b: {  	s21 =	rddreg [dreg:$0xc];
	s25 =	simm.s32 $0x500  }
0x2c: {  	[tilespmem:s25], [sflag:$0x3] =	stream.linear.gather [hbm4b:s21+s3], $0x50, $0x38;
	[tilespmem:$0x19800] =	vst v63  }
0x2d: {  	s13 =	rddreg [dreg:$0xd];
	s15 =	simm.s32 $0x180  }
0x2e: {  	[tilespmem:s15], [sflag:$0x4] =	stream.linear.gather [hbm4b:s13+s3], $0x50, $0x38;
	[tilespmem:$0x19800] =	vst v63  }
0x2f: {  	s21 =	rddreg [dreg:$0xf];
	s25 =	simm.s32 $0x580  }
0x30: {  	[tilespmem:s25], [sflag:$0x4] =	stream.linear.gather [hbm4b:s21+s3], $0x50, $0x38;
	[tilespmem:$0x19800] =	vst v63  }
0x31: {  	s13 =	rddreg [dreg:$0x10];
	s15 =	simm.s32 $0x200  }
0x32: {  	[tilespmem:s15], [sflag:$0x5] =	stream.linear.gather [hbm4b:s13+s3], $0x50, $0x38;
	[tilespmem:$0x19800] =	vst v63  }
0x33: {  	s21 =	rddreg [dreg:$0x11];
	s25 =	simm.s32 $0x600  }
0x34: {  	[tilespmem:s25], [sflag:$0x5] =	stream.linear.gather [hbm4b:s21+s3], $0x50, $0x38;
	[tilespmem:$0x19800] =	vst v63  }
0x35: {  	s21 =	simm.s32 $0x0  }
.LBB2_2:
0x36: {  	p0 =	seq.s32 s21, $0x0  }
.Ltmp0:
0x37: {  	_ = 	snop;
	(pc) =	sbr.rel @p0 .LBB2_6-.Ltmp0, $1  }
0x38: {  	_ =	sdelay $0x3  }
0x39: {  	s2 =	simm.s32 $0x10  }
0x3a: {  	_ =	swait.ge [sflag:s2], $0x2800  }
0x3b: {  	[sflag:s2] =	ssyncset.done $0x0  }
0x3c: {  	[sflag:s2] =	ssyncadd.s32 $0xFFFFD800  }
0x3d: {  	_ =	swait.ge [sflag:s18], $0x50  }
0x3e: {  	[sflag:s18] =	ssyncset.done $0x0  }
0x3f: {  	[sflag:s18] =	ssyncadd.s32 $0xFFFFFFB0  }
0x40: {  	_ =	swait.ge [sflag:s18], $0x50  }
0x41: {  	[sflag:s18] =	ssyncset.done $0x0  }
0x42: {  	s15 =	simm.s32 $0x0;
	[sflag:s18] =	ssyncadd.s32 $0xFFFFFFB0  }
0x43: {  	[tilespmem:s26], [sflag:$0x6] =	stream.indirect.gather [hbm4b:s1+s20], $0x80, s15, s20, $0xb8;
	[tilespmem:$0x19800] =	vst v63  }
0x44: {  	s25 =	simm.s32 $0x400;
	s13 =	simm.s32 $0xD000;
	s15 =	simm.s32 $0xA  }
0x45: {  	[tilespmem:s13], [sflag:$0xB] =	stream.indirect.gather [hbm4b:s4+s20], $0x80, s25, s20, $0xb8;
	[tilespmem:$0x19800] =	vst v63  }
0x46: {  	_ =	swait.ge [sflag:s15], $0x2800  }
0x47: {  	[sflag:s15] =	ssyncset.done $0x0  }
0x48: {  	s25 =	simm.s32 $0xF;
	[sflag:s15] =	ssyncadd.s32 $0xFFFFD800  }
0x49: {  	_ =	swait.ge [sflag:s25], $0x2800  }
0x4a: {  	[sflag:s25] =	ssyncset.done $0x0  }
0x4b: {  	[sflag:s25] =	ssyncadd.s32 $0xFFFFD800;
	s25 =	simm.s32 $0x0  }
0x4c: {  	v6 =	vld [tilespmem:s25+$0x17000]  }
0x4d: {  	v11 =	vld [tilespmem:s25+$0x17010]  }
0x4e: {  	v5 =	vld [tilespmem:s25+$0x17020]  }
0x4f: {  	v4 =	vld [tilespmem:s25+$0x17030]  }
0x50: {  	v3 =	vld [tilespmem:s25+$0x17040]  }
0x51: {  	v2 =	vld [tilespmem:s25+$0x17050]  }
0x52: {  	v1 =	vld [tilespmem:s25+$0x17060]  }
0x53: {  	v0 =	vld [tilespmem:s25+$0x17070]  }
0x54: {  	v12 =	vld [tilespmem:s25+$0xA800]  }
0x55: {  	v13 =	vld [tilespmem:s25+$0xA810]  }
0x56: {  	v10 =	vld [tilespmem:s25+$0xA820]  }
0x57: {  	v9 =	vld [tilespmem:s25+$0xA830]  }
0x58: {  	v8 =	vld [tilespmem:s25+$0xA840]  }
0x59: {  	v7 =	vld [tilespmem:s25+$0xA850];
	v12 =	vadd.f32 v6, v12  }
0x5a: {  	s2 =	simm.s32 $0x200;
	v11 =	vadd.f32 v11, v13;
	v6 =	vld [tilespmem:s25+$0xA860]  }
.LBB2_4:
0x5b: {  	s13 =	sshra.s32 s2, $0x2;
	p0 =	sne.s32 s2, $0x9E00;
	[tilespmem:s25+$0xA800] =	vst v12;
	v5 =	vadd.f32 v5, v10;
	v10 =	vld [tilespmem:s25+$0xA870]  }
0x5c: {  	v12 =	vld [tilespmem:s13+$0x17000];
	[tilespmem:s25+$0xA810] =	vst v11;
	v4 =	vadd.f32 v4, v9  }
0x5d: {  	v11 =	vld [tilespmem:s13+$0x17010];
	[tilespmem:s25+$0xA820] =	vst v5;
	v3 =	vadd.f32 v3, v8  }
0x5e: {  	v5 =	vld [tilespmem:s13+$0x17020];
	[tilespmem:s25+$0xA830] =	vst v4;
	v2 =	vadd.f32 v2, v7  }
0x5f: {  	v4 =	vld [tilespmem:s13+$0x17030];
	[tilespmem:s25+$0xA840] =	vst v3;
	v1 =	vadd.f32 v1, v6  }
0x60: {  	v3 =	vld [tilespmem:s13+$0x17040];
	[tilespmem:s25+$0xA850] =	vst v2;
	v0 =	vadd.f32 v0, v10  }
0x61: {  	v2 =	vld [tilespmem:s13+$0x17050];
	[tilespmem:s25+$0xA860] =	vst v1  }
0x62: {  	v1 =	vld [tilespmem:s13+$0x17060];
	[tilespmem:s25+$0xA870] =	vst v0;
	s25 =	smov.u32 s13  }
0x63: {  	v0 =	vld [tilespmem:s25+$0x17070]  }
0x64: {  	v6 =	vld [tilespmem:s25+$0xA800]  }
0x65: {  	v13 =	vld [tilespmem:s25+$0xA810]  }
.Ltmp1:
0x66: {  	v10 =	vld [tilespmem:s25+$0xA820];
	(pc) =	sbr.rel @p0 .LBB2_4-.Ltmp1, $4  }
0x67: {  	v9 =	vld [tilespmem:s25+$0xA830]  }
0x68: {  	v8 =	vld [tilespmem:s25+$0xA840]  }
0x69: {  	v12 =	vadd.f32 v12, v6;
	v7 =	vld [tilespmem:s25+$0xA850]  }
0x6a: {  	s2 =	sadd.s32 $0x200, s2;
	v11 =	vadd.f32 v11, v13;
	v6 =	vld [tilespmem:s25+$0xA860]  }
0x6b: {  	[tilespmem:s25+$0xA800] =	vst v12;
	v5 =	vadd.f32 v5, v10;
	v63 =	vld [tilespmem:s25+$0xA870]  }
0x6c: {  	[tilespmem:s25+$0xA810] =	vst v11;
	v4 =	vadd.f32 v4, v9  }
0x6d: {  	[tilespmem:s25+$0xA820] =	vst v5;
	v3 =	vadd.f32 v3, v8  }
0x6e: {  	s2 =	smul.u32 $0x190, s21;
	[tilespmem:s25+$0xA830] =	vst v4;
	v2 =	vadd.f32 v2, v7  }
0x6f: {  	s13 =	rddreg [dreg:$0x12];
	[tilespmem:s25+$0xA840] =	vst v3;
	v1 =	vadd.f32 v1, v6  }
0x70: {  	s13 =	sadd.s32 s2, s13;
	[tilespmem:s25+$0xA850] =	vst v2;
	v0 =	vadd.f32 v0, v63  }
0x71: {  	s13 =	sshll.u32 s13, $0x4;
	[tilespmem:s25+$0xA860] =	vst v1  }
0x72: {  	s15 =	simm.s32 $0xA800;
	s13 =	sadd.s32 s8, s13;
	[tilespmem:s25+$0xA870] =	vst v0;
	s25 =	rddreg [dreg:$0xe]  }
0x73: {  	[hbm4b:s13+s3] =	stream.linear.scatter [tilespmem:s15], [sflag:$0x14], $0x2800, $0x38;
	[tilespmem:$0x19800] =	vst v63  }
0x74: {  	s2 =	sadd.s32 s2, s25  }
0x75: {  	s2 =	sshrl.u32 s2, $0x3  }
0x76: {  	s25 =	simm.s32 $0x200;
	s15 =	sadd.s32 s5, s2  }
0x77: {  	[tilespmem:s25], [sflag:$0x5] =	stream.linear.gather [hbm4b:s15+s3], $0x50, $0x38;
	[tilespmem:$0x19800] =	vst v63  }
.Ltmp2:
0x78: {  	s2 =	sadd.s32 s7, s2;
	s25 =	simm.s32 $0x600;
	(pc) =	sbr.rel .LBB2_7-.Ltmp2, $4  }
0x79: {  	[tilespmem:s25], [sflag:$0x5] =	stream.linear.gather [hbm4b:s2+s3], $0x50, $0x38;
	[tilespmem:$0x19800] =	vst v63  }
0x7a: {  	_ =	swait.ge [sflag:s28], $0x2800  }
0x7b: {  	[sflag:s28] =	ssyncset.done $0x0  }
0x7c: {  	[sflag:s28] =	ssyncadd.s32 $0xFFFFD800  }
.LBB2_6:
0x7d: {  	_ =	swait.ge [sflag:s18], $0x50  }
0x7e: {  	[sflag:s18] =	ssyncset.done $0x0  }
0x7f: {  	[sflag:s18] =	ssyncadd.s32 $0xFFFFFFB0  }
0x80: {  	_ =	swait.ge [sflag:s18], $0x50  }
0x81: {  	[sflag:s18] =	ssyncset.done $0x0  }
0x82: {  	[sflag:s18] =	ssyncadd.s32 $0xFFFFFFB0  }
0x83: {  	[tilespmem:s26], [sflag:$0x6] =	stream.indirect.gather [hbm4b:s1+s20], $0x80, s3, s20, $0xb8;
	[tilespmem:$0x19800] =	vst v63  }
0x84: {  	s2 =	simm.s32 $0x400;
	s13 =	simm.s32 $0xD000  }
0x85: {  	[tilespmem:s13], [sflag:$0xB] =	stream.indirect.gather [hbm4b:s4+s20], $0x80, s2, s20, $0xb8;
	[tilespmem:$0x19800] =	vst v63  }
.LBB2_7:
0x86: {  	_ =	swait.ge [sflag:s24], $0x50  }
0x87: {  	[sflag:s24] =	ssyncset.done $0x0  }
0x88: {  	[sflag:s24] =	ssyncadd.s32 $0xFFFFFFB0  }
0x89: {  	_ =	swait.ge [sflag:s24], $0x50  }
0x8a: {  	[sflag:s24] =	ssyncset.done $0x0  }
0x8b: {  	s2 =	simm.s32 $0x80;
	s13 =	simm.s32 $0x3000;
	[sflag:s24] =	ssyncadd.s32 $0xFFFFFFB0  }
0x8c: {  	[tilespmem:s13], [sflag:$0x7] =	stream.indirect.gather [hbm4b:s1+s20], $0x80, s2, s20, $0xb8;
	[tilespmem:$0x19800] =	vst v63  }
0x8d: {  	s15 =	simm.s32 $0x480;
	s25 =	simm.s32 $0xF800  }
0x8e: {  	[tilespmem:s25], [sflag:$0xC] =	stream.indirect.gather [hbm4b:s4+s20], $0x80, s15, s20, $0xb8;
	[tilespmem:$0x19800] =	vst v63  }
0x8f: {  	_ =	swait.ge [sflag:s22], $0x2800  }
0x90: {  	[sflag:s22] =	ssyncset.done $0x0  }
0x91: {  	[sflag:s22] =	ssyncadd.s32 $0xFFFFD800  }
0x92: {  	_ =	swait.ge [sflag:s31], $0x2800  }
0x93: {  	[sflag:s31] =	ssyncset.done $0x0  }
0x94: {  	s2 =	simm.s32 $0x0;
	[sflag:s31] =	ssyncadd.s32 $0xFFFFD800  }
0x95: {  	v6 =	vld [tilespmem:s2+$0xD000]  }
0x96: {  	v11 =	vld [tilespmem:s2+$0xD010]  }
0x97: {  	v5 =	vld [tilespmem:s2+$0xD020]  }
0x98: {  	v4 =	vld [tilespmem:s2+$0xD030]  }
0x99: {  	v3 =	vld [tilespmem:s2+$0xD040]  }
0x9a: {  	v2 =	vld [tilespmem:s2+$0xD050]  }
0x9b: {  	v1 =	vld [tilespmem:s2+$0xD060]  }
0x9c: {  	v0 =	vld [tilespmem:s2+$0xD070]  }
0x9d: {  	v12 =	vld [tilespmem:s2+$0x800]  }
0x9e: {  	v13 =	vld [tilespmem:s2+$0x810]  }
0x9f: {  	v10 =	vld [tilespmem:s2+$0x820]  }
0xa0: {  	v9 =	vld [tilespmem:s2+$0x830]  }
0xa1: {  	v8 =	vld [tilespmem:s2+$0x840]  }
0xa2: {  	v7 =	vld [tilespmem:s2+$0x850];
	v12 =	vadd.f32 v6, v12  }
0xa3: {  	s25 =	simm.s32 $0x200;
	v11 =	vadd.f32 v11, v13;
	v6 =	vld [tilespmem:s2+$0x860]  }
.LBB2_8:
0xa4: {  	s13 =	sshra.s32 s25, $0x2;
	p0 =	sne.s32 s25, $0x9E00;
	[tilespmem:s2+$0x800] =	vst v12;
	v5 =	vadd.f32 v5, v10;
	v10 =	vld [tilespmem:s2+$0x870]  }
0xa5: {  	v12 =	vld [tilespmem:s13+$0xD000];
	[tilespmem:s2+$0x810] =	vst v11;
	v4 =	vadd.f32 v4, v9  }
0xa6: {  	v11 =	vld [tilespmem:s13+$0xD010];
	[tilespmem:s2+$0x820] =	vst v5;
	v3 =	vadd.f32 v3, v8  }
0xa7: {  	v5 =	vld [tilespmem:s13+$0xD020];
	[tilespmem:s2+$0x830] =	vst v4;
	v2 =	vadd.f32 v2, v7  }
0xa8: {  	v4 =	vld [tilespmem:s13+$0xD030];
	[tilespmem:s2+$0x840] =	vst v3;
	v1 =	vadd.f32 v1, v6  }
0xa9: {  	v3 =	vld [tilespmem:s13+$0xD040];
	[tilespmem:s2+$0x850] =	vst v2;
	v0 =	vadd.f32 v0, v10  }
0xaa: {  	v2 =	vld [tilespmem:s13+$0xD050];
	[tilespmem:s2+$0x860] =	vst v1  }
0xab: {  	v1 =	vld [tilespmem:s13+$0xD060];
	[tilespmem:s2+$0x870] =	vst v0;
	s2 =	smov.u32 s13  }
0xac: {  	v0 =	vld [tilespmem:s2+$0xD070]  }
0xad: {  	v6 =	vld [tilespmem:s2+$0x800]  }
0xae: {  	v13 =	vld [tilespmem:s2+$0x810]  }
.Ltmp3:
0xaf: {  	v10 =	vld [tilespmem:s2+$0x820];
	(pc) =	sbr.rel @p0 .LBB2_8-.Ltmp3, $4  }
0xb0: {  	v9 =	vld [tilespmem:s2+$0x830]  }
0xb1: {  	v8 =	vld [tilespmem:s2+$0x840]  }
0xb2: {  	v12 =	vadd.f32 v12, v6;
	v7 =	vld [tilespmem:s2+$0x850]  }
0xb3: {  	s25 =	sadd.s32 $0x200, s25;
	v11 =	vadd.f32 v11, v13;
	v6 =	vld [tilespmem:s2+$0x860]  }
0xb4: {  	[tilespmem:s2+$0x800] =	vst v12;
	v5 =	vadd.f32 v5, v10;
	v10 =	vld [tilespmem:s2+$0x870]  }
0xb5: {  	[tilespmem:s2+$0x810] =	vst v11;
	v4 =	vadd.f32 v4, v9  }
0xb6: {  	[tilespmem:s2+$0x820] =	vst v5;
	v3 =	vadd.f32 v3, v8  }
0xb7: {  	s25 =	smul.u32 $0x190, s21;
	[tilespmem:s2+$0x830] =	vst v4;
	v2 =	vadd.f32 v2, v7  }
0xb8: {  	s13 =	rddreg [dreg:$0x3];
	[tilespmem:s2+$0x840] =	vst v3;
	v1 =	vadd.f32 v1, v6  }
0xb9: {  	s13 =	sadd.s32 s13, s25;
	[tilespmem:s2+$0x850] =	vst v2;
	v0 =	vadd.f32 v0, v10  }
0xba: {  	s13 =	sshll.u32 s13, $0x4;
	[tilespmem:s2+$0x860] =	vst v1  }
0xbb: {  	p0 =	seq.s32 s21, $0x18;
	s13 =	sadd.s32 s8, s13;
	[tilespmem:s2+$0x870] =	vst v0;
	s2 =	rddreg [dreg:$0x15]  }
0xbc: {  	[hbm4b:s13+s3] =	stream.linear.scatter [tilespmem:s26], [sflag:$0x10], $0x2800, $0x38;
	[tilespmem:$0x19800] =	vst v63  }
0xbd: {  	s2 =	sadd.s32 @!p0 s25, s2  }
0xbe: {  	s2 =	sshrl.u32 @!p0 s2, $0x3  }
0xbf: {  	s15 =	simm.s32 @!p0 $0x0;
	p1 =	seq.s32 @!p0 s21, $0x0;
	s13 =	sadd.s32 @!p0 s5, s2  }
0xc0: {  	[tilespmem:s15], [sflag:$0x1] =	stream.linear.gather @!p0 [hbm4b:s13+s15], $0x50, $0x38;
	[tilespmem:$0x19800] =	vst v63  }
0xc1: {  	p1 =	por p0, !p1;
	s2 =	sadd.s32 @!p0 s7, s2;
	s13 =	simm.s32 @!p0 $0x400  }
0xc2: {  	[tilespmem:s13], [sflag:$0x1] =	stream.linear.gather @!p0 [hbm4b:s2+s15], $0x50, $0x38;
	[tilespmem:$0x19800] =	vst v63  }
0xc3: {  	_ =	swait.ge @p1 [sflag:s29], $0x2800  }
0xc4: {  	[sflag:s29] =	ssyncset.done @p1 $0x0  }
0xc5: {  	[sflag:s29] =	ssyncadd.s32 @p1 $0xFFFFD800  }
0xc6: {  	_ =	swait.ge [sflag:s0], $0x50  }
0xc7: {  	[sflag:s0] =	ssyncset.done $0x0  }
0xc8: {  	[sflag:s0] =	ssyncadd.s32 $0xFFFFFFB0  }
0xc9: {  	_ =	swait.ge [sflag:s0], $0x50  }
0xca: {  	[sflag:s0] =	ssyncset.done $0x0  }
0xcb: {  	s26 =	simm.s32 $0x5800;
	s15 =	simm.s32 $0x100;
	[sflag:s0] =	ssyncadd.s32 $0xFFFFFFB0  }
0xcc: {  	[tilespmem:s26], [sflag:$0x8] =	stream.indirect.gather [hbm4b:s1+s20], $0x80, s15, s20, $0xb8;
	[tilespmem:$0x19800] =	vst v63  }
0xcd: {  	s15 =	simm.s32 $0x500;
	s26 =	simm.s32 $0x12000  }
0xce: {  	[tilespmem:s26], [sflag:$0xD] =	stream.indirect.gather [hbm4b:s4+s20], $0x80, s15, s20, $0xb8;
	[tilespmem:$0x19800] =	vst v63  }
0xcf: {  	_ =	swait.ge [sflag:s10], $0x2800  }
0xd0: {  	[sflag:s10] =	ssyncset.done $0x0  }
0xd1: {  	[sflag:s10] =	ssyncadd.s32 $0xFFFFD800  }
0xd2: {  	_ =	swait.ge [sflag:s11], $0x2800  }
0xd3: {  	[sflag:s11] =	ssyncset.done $0x0  }
0xd4: {  	s2 =	simm.s32 $0x0;
	[sflag:s11] =	ssyncadd.s32 $0xFFFFD800  }
0xd5: {  	v7 =	vld [tilespmem:s2+$0xF800]  }
0xd6: {  	v11 =	vld [tilespmem:s2+$0xF810]  }
0xd7: {  	v5 =	vld [tilespmem:s2+$0xF820]  }
0xd8: {  	v4 =	vld [tilespmem:s2+$0xF830]  }
0xd9: {  	v3 =	vld [tilespmem:s2+$0xF840]  }
0xda: {  	v2 =	vld [tilespmem:s2+$0xF850]  }
0xdb: {  	v1 =	vld [tilespmem:s2+$0xF860]  }
0xdc: {  	v0 =	vld [tilespmem:s2+$0xF870]  }
0xdd: {  	v12 =	vld [tilespmem:s2+$0x3000]  }
0xde: {  	v13 =	vld [tilespmem:s2+$0x3010]  }
0xdf: {  	v10 =	vld [tilespmem:s2+$0x3020]  }
0xe0: {  	v9 =	vld [tilespmem:s2+$0x3030]  }
0xe1: {  	v8 =	vld [tilespmem:s2+$0x3040]  }
0xe2: {  	v6 =	vld [tilespmem:s2+$0x3050];
	v12 =	vadd.f32 v7, v12  }
0xe3: {  	s13 =	simm.s32 $0x200;
	v11 =	vadd.f32 v11, v13;
	v7 =	vld [tilespmem:s2+$0x3060]  }
.LBB2_10:
0xe4: {  	s15 =	sshra.s32 s13, $0x2;
	p2 =	sne.s32 s13, $0x9E00;
	[tilespmem:s2+$0x3000] =	vst v12;
	v5 =	vadd.f32 v5, v10;
	v10 =	vld [tilespmem:s2+$0x3070]  }
0xe5: {  	v12 =	vld [tilespmem:s15+$0xF800];
	[tilespmem:s2+$0x3010] =	vst v11;
	v4 =	vadd.f32 v4, v9  }
0xe6: {  	v11 =	vld [tilespmem:s15+$0xF810];
	[tilespmem:s2+$0x3020] =	vst v5;
	v3 =	vadd.f32 v3, v8  }
0xe7: {  	v5 =	vld [tilespmem:s15+$0xF820];
	[tilespmem:s2+$0x3030] =	vst v4;
	v2 =	vadd.f32 v2, v6  }
0xe8: {  	v4 =	vld [tilespmem:s15+$0xF830];
	[tilespmem:s2+$0x3040] =	vst v3;
	v1 =	vadd.f32 v1, v7  }
0xe9: {  	v3 =	vld [tilespmem:s15+$0xF840];
	[tilespmem:s2+$0x3050] =	vst v2;
	v0 =	vadd.f32 v0, v10  }
0xea: {  	v2 =	vld [tilespmem:s15+$0xF850];
	[tilespmem:s2+$0x3060] =	vst v1  }
0xeb: {  	v1 =	vld [tilespmem:s15+$0xF860];
	[tilespmem:s2+$0x3070] =	vst v0;
	s2 =	smov.u32 s15  }
0xec: {  	v0 =	vld [tilespmem:s2+$0xF870]  }
0xed: {  	v6 =	vld [tilespmem:s2+$0x3000]  }
0xee: {  	v7 =	vld [tilespmem:s2+$0x3010]  }
.Ltmp4:
0xef: {  	v10 =	vld [tilespmem:s2+$0x3020];
	(pc) =	sbr.rel @p2 .LBB2_10-.Ltmp4, $4  }
0xf0: {  	v9 =	vld [tilespmem:s2+$0x3030]  }
0xf1: {  	v8 =	vld [tilespmem:s2+$0x3040]  }
0xf2: {  	v12 =	vadd.f32 v12, v6;
	v6 =	vld [tilespmem:s2+$0x3050]  }
0xf3: {  	s13 =	sadd.s32 $0x200, s13;
	v11 =	vadd.f32 v11, v7;
	v7 =	vld [tilespmem:s2+$0x3060]  }
0xf4: {  	[tilespmem:s2+$0x3000] =	vst v12;
	v5 =	vadd.f32 v5, v10;
	v10 =	vld [tilespmem:s2+$0x3070]  }
0xf5: {  	[tilespmem:s2+$0x3010] =	vst v11;
	v4 =	vadd.f32 v4, v9  }
0xf6: {  	[tilespmem:s2+$0x3020] =	vst v5;
	v3 =	vadd.f32 v3, v8  }
0xf7: {  	[tilespmem:s2+$0x3030] =	vst v4;
	v2 =	vadd.f32 v2, v6  }
0xf8: {  	s13 =	rddreg [dreg:$0x4];
	[tilespmem:s2+$0x3040] =	vst v3;
	v1 =	vadd.f32 v1, v7  }
0xf9: {  	s13 =	sadd.s32 s25, s13;
	[tilespmem:s2+$0x3050] =	vst v2;
	v0 =	vadd.f32 v0, v10  }
0xfa: {  	s13 =	sshll.u32 s13, $0x4;
	[tilespmem:s2+$0x3060] =	vst v1  }
0xfb: {  	s26 =	simm.s32 $0x3000;
	s15 =	sadd.s32 s8, s13;
	[tilespmem:s2+$0x3070] =	vst v0;
	s2 =	rddreg [dreg:$0x16]  }
0xfc: {  	[hbm4b:s15+s3] =	stream.linear.scatter [tilespmem:s26], [sflag:$0x11], $0x2800, $0x38;
	[tilespmem:$0x19800] =	vst v63  }
0xfd: {  	s2 =	sadd.s32 @!p0 s25, s2  }
0xfe: {  	s2 =	sshrl.u32 @!p0 s2, $0x3  }
0xff: {  	s15 =	simm.s32 @!p0 $0x0;
	s26 =	simm.s32 @!p0 $0x80;
	s13 =	sadd.s32 @!p0 s5, s2  }
0x100: {  	[tilespmem:s26], [sflag:$0x2] =	stream.linear.gather @!p0 [hbm4b:s13+s15], $0x50, $0x38;
	[tilespmem:$0x19800] =	vst v63  }
0x101: {  	s2 =	sadd.s32 @!p0 s7, s2;
	s13 =	simm.s32 @!p0 $0x480  }
0x102: {  	[tilespmem:s13], [sflag:$0x2] =	stream.linear.gather @!p0 [hbm4b:s2+s15], $0x50, $0x38;
	[tilespmem:$0x19800] =	vst v63  }
0x103: {  	_ =	swait.ge @p1 [sflag:s12], $0x2800  }
0x104: {  	[sflag:s12] =	ssyncset.done @p1 $0x0  }
0x105: {  	[sflag:s12] =	ssyncadd.s32 @p1 $0xFFFFD800  }
0x106: {  	_ =	swait.ge [sflag:s19], $0x50  }
0x107: {  	[sflag:s19] =	ssyncset.done $0x0  }
0x108: {  	[sflag:s19] =	ssyncadd.s32 $0xFFFFFFB0  }
0x109: {  	_ =	swait.ge [sflag:s19], $0x50  }
0x10a: {  	[sflag:s19] =	ssyncset.done $0x0  }
0x10b: {  	s13 =	simm.s32 $0x180;
	[sflag:s19] =	ssyncadd.s32 $0xFFFFFFB0  }
0x10c: {  	[tilespmem:s23], [sflag:$0x9] =	stream.indirect.gather [hbm4b:s1+s20], $0x80, s13, s20, $0xb8;
	[tilespmem:$0x19800] =	vst v63  }
0x10d: {  	s26 =	simm.s32 $0x14800;
	s15 =	simm.s32 $0x580  }
0x10e: {  	[tilespmem:s26], [sflag:$0xE] =	stream.indirect.gather [hbm4b:s4+s20], $0x80, s15, s20, $0xb8;
	[tilespmem:$0x19800] =	vst v63  }
0x10f: {  	_ =	swait.ge [sflag:s16], $0x2800  }
0x110: {  	[sflag:s16] =	ssyncset.done $0x0  }
0x111: {  	[sflag:s16] =	ssyncadd.s32 $0xFFFFD800  }
0x112: {  	_ =	swait.ge [sflag:s17], $0x2800  }
0x113: {  	[sflag:s17] =	ssyncset.done $0x0  }
0x114: {  	s2 =	simm.s32 $0x0;
	[sflag:s17] =	ssyncadd.s32 $0xFFFFD800  }
0x115: {  	v7 =	vld [tilespmem:s2+$0x12000]  }
0x116: {  	v11 =	vld [tilespmem:s2+$0x12010]  }
0x117: {  	v5 =	vld [tilespmem:s2+$0x12020]  }
0x118: {  	v4 =	vld [tilespmem:s2+$0x12030]  }
0x119: {  	v3 =	vld [tilespmem:s2+$0x12040]  }
0x11a: {  	v2 =	vld [tilespmem:s2+$0x12050]  }
0x11b: {  	v1 =	vld [tilespmem:s2+$0x12060]  }
0x11c: {  	v0 =	vld [tilespmem:s2+$0x12070]  }
0x11d: {  	v12 =	vld [tilespmem:s2+$0x5800]  }
0x11e: {  	v13 =	vld [tilespmem:s2+$0x5810]  }
0x11f: {  	v10 =	vld [tilespmem:s2+$0x5820]  }
0x120: {  	v9 =	vld [tilespmem:s2+$0x5830]  }
0x121: {  	v8 =	vld [tilespmem:s2+$0x5840]  }
0x122: {  	v6 =	vld [tilespmem:s2+$0x5850];
	v12 =	vadd.f32 v7, v12  }
0x123: {  	s13 =	simm.s32 $0x200;
	v11 =	vadd.f32 v11, v13;
	v7 =	vld [tilespmem:s2+$0x5860]  }
.LBB2_12:
0x124: {  	s15 =	sshra.s32 s13, $0x2;
	p2 =	sne.s32 s13, $0x9E00;
	[tilespmem:s2+$0x5800] =	vst v12;
	v5 =	vadd.f32 v5, v10;
	v10 =	vld [tilespmem:s2+$0x5870]  }
0x125: {  	v12 =	vld [tilespmem:s15+$0x12000];
	[tilespmem:s2+$0x5810] =	vst v11;
	v4 =	vadd.f32 v4, v9  }
0x126: {  	v11 =	vld [tilespmem:s15+$0x12010];
	[tilespmem:s2+$0x5820] =	vst v5;
	v3 =	vadd.f32 v3, v8  }
0x127: {  	v5 =	vld [tilespmem:s15+$0x12020];
	[tilespmem:s2+$0x5830] =	vst v4;
	v2 =	vadd.f32 v2, v6  }
0x128: {  	v4 =	vld [tilespmem:s15+$0x12030];
	[tilespmem:s2+$0x5840] =	vst v3;
	v1 =	vadd.f32 v1, v7  }
0x129: {  	v3 =	vld [tilespmem:s15+$0x12040];
	[tilespmem:s2+$0x5850] =	vst v2;
	v0 =	vadd.f32 v0, v10  }
0x12a: {  	v2 =	vld [tilespmem:s15+$0x12050];
	[tilespmem:s2+$0x5860] =	vst v1  }
0x12b: {  	v1 =	vld [tilespmem:s15+$0x12060];
	[tilespmem:s2+$0x5870] =	vst v0;
	s2 =	smov.u32 s15  }
0x12c: {  	v0 =	vld [tilespmem:s2+$0x12070]  }
0x12d: {  	v6 =	vld [tilespmem:s2+$0x5800]  }
0x12e: {  	v7 =	vld [tilespmem:s2+$0x5810]  }
.Ltmp5:
0x12f: {  	v10 =	vld [tilespmem:s2+$0x5820];
	(pc) =	sbr.rel @p2 .LBB2_12-.Ltmp5, $4  }
0x130: {  	v9 =	vld [tilespmem:s2+$0x5830]  }
0x131: {  	v8 =	vld [tilespmem:s2+$0x5840]  }
0x132: {  	v12 =	vadd.f32 v12, v6;
	v6 =	vld [tilespmem:s2+$0x5850]  }
0x133: {  	s13 =	sadd.s32 $0x200, s13;
	v11 =	vadd.f32 v11, v7;
	v7 =	vld [tilespmem:s2+$0x5860]  }
0x134: {  	[tilespmem:s2+$0x5800] =	vst v12;
	v5 =	vadd.f32 v5, v10;
	v10 =	vld [tilespmem:s2+$0x5870]  }
0x135: {  	[tilespmem:s2+$0x5810] =	vst v11;
	v4 =	vadd.f32 v4, v9  }
0x136: {  	[tilespmem:s2+$0x5820] =	vst v5;
	v3 =	vadd.f32 v3, v8  }
0x137: {  	[tilespmem:s2+$0x5830] =	vst v4;
	v2 =	vadd.f32 v2, v6  }
0x138: {  	s13 =	rddreg [dreg:$0x8];
	[tilespmem:s2+$0x5840] =	vst v3;
	v1 =	vadd.f32 v1, v7  }
0x139: {  	s13 =	sadd.s32 s25, s13;
	[tilespmem:s2+$0x5850] =	vst v2;
	v0 =	vadd.f32 v0, v10  }
0x13a: {  	s13 =	sshll.u32 s13, $0x4;
	[tilespmem:s2+$0x5860] =	vst v1  }
0x13b: {  	s26 =	simm.s32 $0x5800;
	s15 =	sadd.s32 s8, s13;
	[tilespmem:s2+$0x5870] =	vst v0;
	s2 =	rddreg [dreg:$0x17]  }
0x13c: {  	[hbm4b:s15+s3] =	stream.linear.scatter [tilespmem:s26], [sflag:$0x12], $0x2800, $0x38;
	[tilespmem:$0x19800] =	vst v63  }
0x13d: {  	s2 =	sadd.s32 @!p0 s25, s2  }
0x13e: {  	s2 =	sshrl.u32 @!p0 s2, $0x3  }
0x13f: {  	s15 =	simm.s32 @!p0 $0x0;
	s26 =	simm.s32 @!p0 $0x100;
	s13 =	sadd.s32 @!p0 s5, s2  }
0x140: {  	[tilespmem:s26], [sflag:$0x3] =	stream.linear.gather @!p0 [hbm4b:s13+s15], $0x50, $0x38;
	[tilespmem:$0x19800] =	vst v63  }
0x141: {  	s2 =	sadd.s32 @!p0 s7, s2;
	s13 =	simm.s32 @!p0 $0x500  }
0x142: {  	[tilespmem:s13], [sflag:$0x3] =	stream.linear.gather @!p0 [hbm4b:s2+s15], $0x50, $0x38;
	[tilespmem:$0x19800] =	vst v63  }
0x143: {  	_ =	swait.ge @p1 [sflag:s14], $0x2800  }
0x144: {  	[sflag:s14] =	ssyncset.done @p1 $0x0  }
0x145: {  	[sflag:s14] =	ssyncadd.s32 @p1 $0xFFFFD800  }
0x146: {  	_ =	swait.ge [sflag:s9], $0x50  }
0x147: {  	[sflag:s9] =	ssyncset.done $0x0  }
0x148: {  	[sflag:s9] =	ssyncadd.s32 $0xFFFFFFB0  }
0x149: {  	_ =	swait.ge [sflag:s9], $0x50  }
0x14a: {  	[sflag:s9] =	ssyncset.done $0x0  }
0x14b: {  	s26 =	simm.s32 $0xA800;
	s15 =	simm.s32 $0x200;
	[sflag:s9] =	ssyncadd.s32 $0xFFFFFFB0  }
0x14c: {  	[tilespmem:s26], [sflag:$0xA] =	stream.indirect.gather [hbm4b:s1+s20], $0x80, s15, s20, $0xb8;
	[tilespmem:$0x19800] =	vst v63  }
0x14d: {  	s15 =	simm.s32 $0x600;
	s26 =	simm.s32 $0x17000  }
0x14e: {  	[tilespmem:s26], [sflag:$0xF] =	stream.indirect.gather [hbm4b:s4+s20], $0x80, s15, s20, $0xb8;
	[tilespmem:$0x19800] =	vst v63  }
0x14f: {  	_ =	swait.ge [sflag:s30], $0x2800  }
0x150: {  	[sflag:s30] =	ssyncset.done $0x0  }
0x151: {  	[sflag:s30] =	ssyncadd.s32 $0xFFFFD800  }
0x152: {  	_ =	swait.ge [sflag:s6], $0x2800  }
0x153: {  	[sflag:s6] =	ssyncset.done $0x0  }
0x154: {  	s2 =	simm.s32 $0x0;
	[sflag:s6] =	ssyncadd.s32 $0xFFFFD800  }
0x155: {  	v7 =	vld [tilespmem:s2+$0x14800]  }
0x156: {  	v11 =	vld [tilespmem:s2+$0x14810]  }
0x157: {  	v5 =	vld [tilespmem:s2+$0x14820]  }
0x158: {  	v4 =	vld [tilespmem:s2+$0x14830]  }
0x159: {  	v3 =	vld [tilespmem:s2+$0x14840]  }
0x15a: {  	v2 =	vld [tilespmem:s2+$0x14850]  }
0x15b: {  	v1 =	vld [tilespmem:s2+$0x14860]  }
0x15c: {  	v0 =	vld [tilespmem:s2+$0x14870]  }
0x15d: {  	v12 =	vld [tilespmem:s2+$0x8000]  }
0x15e: {  	v13 =	vld [tilespmem:s2+$0x8010]  }
0x15f: {  	v10 =	vld [tilespmem:s2+$0x8020]  }
0x160: {  	v9 =	vld [tilespmem:s2+$0x8030]  }
0x161: {  	v8 =	vld [tilespmem:s2+$0x8040]  }
0x162: {  	v6 =	vld [tilespmem:s2+$0x8050];
	v12 =	vadd.f32 v7, v12  }
0x163: {  	s13 =	simm.s32 $0x200;
	s26 =	simm.s32 $0x800;
	v11 =	vadd.f32 v11, v13;
	v7 =	vld [tilespmem:s2+$0x8060]  }
.LBB2_14:
0x164: {  	s15 =	sshra.s32 s13, $0x2;
	p1 =	sne.s32 s13, $0x9E00;
	[tilespmem:s2+$0x8000] =	vst v12;
	v5 =	vadd.f32 v5, v10;
	v10 =	vld [tilespmem:s2+$0x8070]  }
0x165: {  	v12 =	vld [tilespmem:s15+$0x14800];
	[tilespmem:s2+$0x8010] =	vst v11;
	v4 =	vadd.f32 v4, v9  }
0x166: {  	v11 =	vld [tilespmem:s15+$0x14810];
	[tilespmem:s2+$0x8020] =	vst v5;
	v3 =	vadd.f32 v3, v8  }
0x167: {  	v5 =	vld [tilespmem:s15+$0x14820];
	[tilespmem:s2+$0x8030] =	vst v4;
	v2 =	vadd.f32 v2, v6  }
0x168: {  	v4 =	vld [tilespmem:s15+$0x14830];
	[tilespmem:s2+$0x8040] =	vst v3;
	v1 =	vadd.f32 v1, v7  }
0x169: {  	v3 =	vld [tilespmem:s15+$0x14840];
	[tilespmem:s2+$0x8050] =	vst v2;
	v0 =	vadd.f32 v0, v10  }
0x16a: {  	v2 =	vld [tilespmem:s15+$0x14850];
	[tilespmem:s2+$0x8060] =	vst v1  }
0x16b: {  	v1 =	vld [tilespmem:s15+$0x14860];
	[tilespmem:s2+$0x8070] =	vst v0;
	s2 =	smov.u32 s15  }
0x16c: {  	v0 =	vld [tilespmem:s2+$0x14870]  }
0x16d: {  	v6 =	vld [tilespmem:s2+$0x8000]  }
0x16e: {  	v7 =	vld [tilespmem:s2+$0x8010]  }
.Ltmp6:
0x16f: {  	v10 =	vld [tilespmem:s2+$0x8020];
	(pc) =	sbr.rel @p1 .LBB2_14-.Ltmp6, $4  }
0x170: {  	v9 =	vld [tilespmem:s2+$0x8030]  }
0x171: {  	v8 =	vld [tilespmem:s2+$0x8040]  }
0x172: {  	v12 =	vadd.f32 v12, v6;
	v6 =	vld [tilespmem:s2+$0x8050]  }
0x173: {  	s13 =	sadd.s32 $0x200, s13;
	v11 =	vadd.f32 v11, v7;
	v7 =	vld [tilespmem:s2+$0x8060]  }
0x174: {  	[tilespmem:s2+$0x8000] =	vst v12;
	v5 =	vadd.f32 v5, v10;
	v63 =	vld [tilespmem:s2+$0x8070]  }
0x175: {  	[tilespmem:s2+$0x8010] =	vst v11;
	v4 =	vadd.f32 v4, v9  }
0x176: {  	[tilespmem:s2+$0x8020] =	vst v5;
	v3 =	vadd.f32 v3, v8  }
0x177: {  	[tilespmem:s2+$0x8030] =	vst v4;
	v2 =	vadd.f32 v2, v6  }
.Ltmp7:
0x178: {  	s13 =	rddreg [dreg:$0xa];
	[tilespmem:s2+$0x8040] =	vst v3;
	v1 =	vadd.f32 v1, v7;
	(pc) =	sbr.rel @p0 .LBB2_17-.Ltmp7, $4  }
0x179: {  	s13 =	sadd.s32 s25, s13;
	[tilespmem:s2+$0x8050] =	vst v2;
	v0 =	vadd.f32 v0, v63  }
0x17a: {  	s13 =	sshll.u32 s13, $0x4;
	[tilespmem:s2+$0x8060] =	vst v1  }
0x17b: {  	s15 =	sadd.s32 s8, s13;
	[tilespmem:s2+$0x8070] =	vst v0  }
0x17c: {  	[hbm4b:s15+s3] =	stream.linear.scatter [tilespmem:s23], [sflag:$0x13], $0x2800, $0x38;
	[tilespmem:$0x19800] =	vst v63  }
0x17d: {  	s2 =	rddreg [dreg:$0x18]  }
0x17e: {  	s2 =	sadd.s32 s25, s2  }
.Ltmp8:
0x17f: {  	s2 =	sshrl.u32 s2, $0x3;
	(pc) =	sbr.rel .LBB2_2-.Ltmp8, $4  }
0x180: {  	s15 =	simm.s32 $0x180;
	s13 =	sadd.s32 s5, s2  }
0x181: {  	[tilespmem:s15], [sflag:$0x4] =	stream.linear.gather [hbm4b:s13+s3], $0x50, $0x38;
	[tilespmem:$0x19800] =	vst v63  }
0x182: {  	s21 =	sadd.s32 $0x1, s21;
	s25 =	simm.s32 $0x580;
	s2 =	sadd.s32 s7, s2  }
0x183: {  	[tilespmem:s25], [sflag:$0x4] =	stream.linear.gather [hbm4b:s2+s3], $0x50, $0x38;
	[tilespmem:$0x19800] =	vst v63  }
.LBB2_17:
0x184: {  	s2 =	simm.s32 $0xA  }
0x185: {  	_ =	swait.ge [sflag:s2], $0x2800  }
0x186: {  	[sflag:s2] =	ssyncset.done $0x0  }
0x187: {  	s25 =	simm.s32 $0xF;
	[sflag:s2] =	ssyncadd.s32 $0xFFFFD800  }
0x188: {  	_ =	swait.ge [sflag:s25], $0x2800  }
0x189: {  	[sflag:s25] =	ssyncset.done $0x0  }
0x18a: {  	s2 =	simm.s32 $0x0;
	[sflag:s25] =	ssyncadd.s32 $0xFFFFD800  }
0x18b: {  	v7 =	vld [tilespmem:s2+$0x17000]  }
0x18c: {  	v11 =	vld [tilespmem:s2+$0x17010]  }
0x18d: {  	v5 =	vld [tilespmem:s2+$0x17020]  }
0x18e: {  	v4 =	vld [tilespmem:s2+$0x17030]  }
0x18f: {  	v3 =	vld [tilespmem:s2+$0x17040]  }
0x190: {  	v2 =	vld [tilespmem:s2+$0x17050]  }
0x191: {  	v1 =	vld [tilespmem:s2+$0x17060]  }
0x192: {  	v0 =	vld [tilespmem:s2+$0x17070]  }
0x193: {  	v12 =	vld [tilespmem:s2+$0xA800]  }
0x194: {  	v13 =	vld [tilespmem:s2+$0xA810]  }
0x195: {  	v10 =	vld [tilespmem:s2+$0xA820]  }
0x196: {  	v9 =	vld [tilespmem:s2+$0xA830]  }
0x197: {  	v8 =	vld [tilespmem:s2+$0xA840]  }
0x198: {  	v6 =	vld [tilespmem:s2+$0xA850];
	v12 =	vadd.f32 v7, v12  }
0x199: {  	s13 =	simm.s32 $0x200;
	v11 =	vadd.f32 v11, v13;
	v7 =	vld [tilespmem:s2+$0xA860]  }
.LBB2_18:
0x19a: {  	s15 =	sshra.s32 s13, $0x2;
	p0 =	sne.s32 s13, $0x9E00;
	[tilespmem:s2+$0xA800] =	vst v12;
	v5 =	vadd.f32 v5, v10;
	v10 =	vld [tilespmem:s2+$0xA870]  }
0x19b: {  	v12 =	vld [tilespmem:s15+$0x17000];
	[tilespmem:s2+$0xA810] =	vst v11;
	v4 =	vadd.f32 v4, v9  }
0x19c: {  	v11 =	vld [tilespmem:s15+$0x17010];
	[tilespmem:s2+$0xA820] =	vst v5;
	v3 =	vadd.f32 v3, v8  }
0x19d: {  	v5 =	vld [tilespmem:s15+$0x17020];
	[tilespmem:s2+$0xA830] =	vst v4;
	v2 =	vadd.f32 v2, v6  }
0x19e: {  	v4 =	vld [tilespmem:s15+$0x17030];
	[tilespmem:s2+$0xA840] =	vst v3;
	v1 =	vadd.f32 v1, v7  }
0x19f: {  	v3 =	vld [tilespmem:s15+$0x17040];
	[tilespmem:s2+$0xA850] =	vst v2;
	v0 =	vadd.f32 v0, v10  }
0x1a0: {  	v2 =	vld [tilespmem:s15+$0x17050];
	[tilespmem:s2+$0xA860] =	vst v1  }
0x1a1: {  	v1 =	vld [tilespmem:s15+$0x17060];
	[tilespmem:s2+$0xA870] =	vst v0;
	s2 =	smov.u32 s15  }
0x1a2: {  	v0 =	vld [tilespmem:s2+$0x17070]  }
0x1a3: {  	v6 =	vld [tilespmem:s2+$0xA800]  }
0x1a4: {  	v7 =	vld [tilespmem:s2+$0xA810]  }
.Ltmp9:
0x1a5: {  	v10 =	vld [tilespmem:s2+$0xA820];
	(pc) =	sbr.rel @p0 .LBB2_18-.Ltmp9, $4  }
0x1a6: {  	v9 =	vld [tilespmem:s2+$0xA830]  }
0x1a7: {  	v8 =	vld [tilespmem:s2+$0xA840]  }
0x1a8: {  	v12 =	vadd.f32 v12, v6;
	v6 =	vld [tilespmem:s2+$0xA850]  }
0x1a9: {  	s13 =	sadd.s32 $0x200, s13;
	v11 =	vadd.f32 v11, v7;
	v7 =	vld [tilespmem:s2+$0xA860]  }
0x1aa: {  	[tilespmem:s2+$0xA800] =	vst v12;
	v5 =	vadd.f32 v5, v10;
	v63 =	vld [tilespmem:s2+$0xA870]  }
0x1ab: {  	[tilespmem:s2+$0xA810] =	vst v11;
	v4 =	vadd.f32 v4, v9  }
0x1ac: {  	[tilespmem:s2+$0xA820] =	vst v5;
	v3 =	vadd.f32 v3, v8  }
0x1ad: {  	[tilespmem:s2+$0xA830] =	vst v4;
	v2 =	vadd.f32 v2, v6  }
0x1ae: {  	[tilespmem:s2+$0xA840] =	vst v3;
	v1 =	vadd.f32 v1, v7  }
0x1af: {  	[tilespmem:s2+$0xA850] =	vst v2;
	v0 =	vadd.f32 v0, v63  }
0x1b0: {  	[tilespmem:s2+$0xA860] =	vst v1  }
0x1b1: {  	s25 =	rddreg [dreg:$0x13];
	s13 =	simm.s32 $0xA800;
	s15 =	simm.s32 $0x10;
	[tilespmem:s2+$0xA870] =	vst v0  }
0x1b2: {  	[hbm4b:s25+s3] =	stream.linear.scatter [tilespmem:s13], [sflag:$0x14], $0x2800, $0x38;
	[tilespmem:$0x19800] =	vst v63  }
0x1b3: {  	_ =	swait.ge [sflag:s15], $0x2800  }
0x1b4: {  	[sflag:s15] =	ssyncset.done $0x0  }
0x1b5: {  	[sflag:s15] =	ssyncadd.s32 $0xFFFFD800  }
0x1b6: {  	_ =	swait.ge [sflag:s28], $0x2800  }
0x1b7: {  	[sflag:s28] =	ssyncset.done $0x0  }
0x1b8: {  	[sflag:s28] =	ssyncadd.s32 $0xFFFFD800  }
0x1b9: {  	_ =	swait.ge [sflag:s29], $0x2800  }
0x1ba: {  	[sflag:s29] =	ssyncset.done $0x0  }
0x1bb: {  	[sflag:s29] =	ssyncadd.s32 $0xFFFFD800  }
0x1bc: {  	_ =	swait.ge [sflag:s12], $0x2800  }
0x1bd: {  	[sflag:s12] =	ssyncset.done $0x0  }
0x1be: {  	[sflag:s12] =	ssyncadd.s32 $0xFFFFD800  }
0x1bf: {  	_ =	swait.ge [sflag:s14], $0x2800  }
0x1c0: {  	s21 =	rddreg [dreg:$0x19]  }
0x1c1: {  	s25 =	rddreg [dreg:$0x14];
	s13 =	sadd.s32 $0x1, s21  }
0x1c2: {  	p0 =	sne.s32 s13, s25  }
.Ltmp10:
0x1c3: {  	_ = 	snop;
	(pc) =	sbr.rel @p0 .LBB2_1-.Ltmp10, $3  }
0x1c4: {  	_ =	sdelay $0x1  }
0x1c5: {  	[sflag:s14] =	ssyncset.done $0x0  }
0x1c6: {  	[sflag:s14] =	ssyncadd.s32 $0xFFFFD800  }
0x1c7: {  	_ =	sfence.sel $0x180000  }
0x1c8: {  	[bflag:$0x0] =	sbarrier.arrive $0xFFFF  }
0x1c9: {  	_ =	strace $0x90000047  }
0x1ca: {  	s0 =	stileid.u32;
	[bflag:$0x2] =	sbarrier.arrive $0xFFFF  }
0x1cb: {  	p0 =	sne.s32 s0, $0x0;
	s0 =	rddreg [dreg:$0x2]  }
0x1cc: {  	s0 =	sadd.s32 @!p0 $0x100000, s0  }
0x1cd: {  	[sflag:s0] =	ssyncadd.tile.s32 @!p0 $0x1;
	_ =	shalt  }
.Lfunc_end2:
_tile_overlayer_lowered:
.L_overlay_start_2:
0x1ce: {  	(tag) =	ssettag $0x2  }
0x1cf: {  	s0 =	rddreg [dreg:$0x0];
	s2 =	stileid.u32  }
0x1d0: {  	s1 =	rddreg [dreg:$0x1];
	p0 =	sne.s32 s2, $0x0  }
0x1d1: {  	s3 =	rddreg [dreg:$0x2];
	[bflag:$0x3] =	sbarrier.arrive $0xFFFF;
	s2 =	simm.s32 @!p0 $0x1C15  }
0x1d2: {  	[timem:s3], [sflag:s2] =	dma.local @!p0 [hbm:s0], s1  }
0x1d3: {  	s0 =	simm.s32 @!p0 $0x15  }
0x1d4: {  	_ =	swait.ge @!p0 [sflag:s0], s1  }
0x1d5: {  	s1 =	ssub.s32 @!p0 $0x0, s1;
	[sflag:s0] =	ssyncset.done @!p0 $0x0  }
0x1d6: {  	[sflag:s0] =	ssyncadd.s32 @!p0 s1  }
0x1d7: {  	[bflag:$0x3] =	sbarrier.arrive $0xFFFF  }
0x1d8: {  	_ =	shalt  }

</sc_bundles>
